<compile_context>
chip_gen: v7x
topology: tpu7x:2x2x1
jax: 0.10.2.dev20260603
libtpu: 0.0.44.dev20260713+nightly
codegen_flags: <defaults>
</compile_context>

<pallas_src>
import functools

import jax
import jax.numpy as jnp
from jax import lax
from jax.experimental import pallas as pl
from jax.experimental.pallas import tpu as pltpu
from jax.experimental.pallas import tpu_sc as plsc

T, H, E, TOPK, FFN = 2048, 1024, 64, 8, 256
ROUTED_SCALING = 2.5
P = T * TOPK
TM = 256
NB = P // TM
NT = NB + E
RT = 512
NRT = P // RT

NSUB = 32
PPS = P // NSUB
PPC = P // 16
GCH = 32
NCH = PPS // GCH


def _router_body(x_ref, gw_ref, sg_ref, su_ref, sd_ref,
                 logits_ref, idx_ref, w_ref, counts_ref, shared_ref):
    x = x_ref[...]
    logits = lax.dot_general(x, gw_ref[...], (((1,), (1,)), ((), ())),
                             preferred_element_type=jnp.float32)
    logits_ref[...] = logits
    m = jnp.max(logits, axis=1, keepdims=True)
    ex = jnp.exp(logits - m)
    scores = ex / jnp.sum(ex, axis=1, keepdims=True)

    lane = lax.broadcasted_iota(jnp.int32, (T, E), 1)
    lane8 = lax.broadcasted_iota(jnp.int32, (T, TOPK), 1)
    masked = scores
    idxm = jnp.zeros((T, TOPK), jnp.int32)
    wm = jnp.zeros((T, TOPK), jnp.float32)
    selcnt = jnp.zeros((T, E), jnp.float32)
    denom = jnp.zeros((T, 1), jnp.float32)
    for k in range(TOPK):
        mx = jnp.max(masked, axis=1, keepdims=True)
        cand = jnp.where(masked == mx, lane, E)
        j = jnp.min(cand, axis=1, keepdims=True)
        sel = lane == j
        idxm = jnp.where(lane8 == k, j, idxm)
        wm = jnp.where(lane8 == k, mx, wm)
        selcnt = selcnt + jnp.where(sel, 1.0, 0.0)
        denom = denom + mx
        masked = jnp.where(sel, -1e30, masked)
    idx_ref[...] = idxm
    w_ref[...] = wm * (ROUTED_SCALING / (denom + 1e-20))
    counts_ref[...] = jnp.sum(selcnt, axis=0, keepdims=True)

    h1 = lax.dot_general(x, sg_ref[...], (((1,), (1,)), ((), ())),
                         preferred_element_type=jnp.float32)
    h3 = lax.dot_general(x, su_ref[...], (((1,), (1,)), ((), ())),
                         preferred_element_type=jnp.float32)
    hw = h1 * lax.logistic(h1) * h3
    shared_ref[...] = lax.dot_general(hw, sd_ref[...],
                                      (((1,), (1,)), ((), ())),
                                      preferred_element_type=jnp.float32)


def _router(x, gw, sg, su, sd):
    return pl.pallas_call(
        _router_body,
        out_shape=(
            jax.ShapeDtypeStruct((T, E), jnp.float32),
            jax.ShapeDtypeStruct((T, TOPK), jnp.int32),
            jax.ShapeDtypeStruct((T, TOPK), jnp.float32),
            jax.ShapeDtypeStruct((1, E), jnp.float32),
            jax.ShapeDtypeStruct((T, H), jnp.float32),
        ),
    )(x, gw, sg, su, sd)


def _rank_body(eid_ref, counts_ref, slot_ref, eos_ref,
               sexp_ref, sblk_ref, sfirst_ref, carry_ref, ltri_ref):
    t = pl.program_id(0)

    @pl.when(t == 0)
    def _():
        carry_ref[...] = jnp.zeros((1, E), jnp.float32)
        ltri = (lax.broadcasted_iota(jnp.int32, (RT, RT), 0)
                > lax.broadcasted_iota(jnp.int32, (RT, RT), 1))
        ltri_ref[...] = jnp.where(ltri, 1.0, 0.0).astype(jnp.bfloat16)

    counts = counts_ref[...]
    le = lax.broadcasted_iota(jnp.int32, (1, E), 1)
    utri = (lax.broadcasted_iota(jnp.int32, (E, E), 0)
            < lax.broadcasted_iota(jnp.int32, (E, E), 1)).astype(jnp.float32)
    offs = lax.dot_general(counts, utri, (((1,), (0,)), ((), ())),
                           preferred_element_type=jnp.float32,
                           precision=lax.Precision.HIGHEST)
    oend = offs + counts

    eid = eid_ref[0]
    lane_e = lax.broadcasted_iota(jnp.int32, (RT, E), 1)
    oh = (eid == lane_e).astype(jnp.float32)
    rankmat = lax.dot_general(ltri_ref[...], oh.astype(jnp.bfloat16),
                              (((1,), (0,)), ((), ())),
                              preferred_element_type=jnp.float32)
    ones_e = jnp.ones((1, E), jnp.float32)
    rank = lax.dot_general(rankmat * oh, ones_e, (((1,), (1,)), ((), ())),
                           preferred_element_type=jnp.float32,
                           precision=lax.Precision.HIGHEST)
    base = lax.dot_general(oh, offs + carry_ref[...],
                           (((1,), (1,)), ((), ())),
                           preferred_element_type=jnp.float32,
                           precision=lax.Precision.HIGHEST)
    slot_ref[...] = (rank + base).astype(jnp.int32).reshape(1, RT, 1)
    carry_ref[...] += lax.dot_general(jnp.ones((1, RT), jnp.float32), oh,
                                      (((1,), (0,)), ((), ())),
                                      preferred_element_type=jnp.float32,
                                      precision=lax.Precision.HIGHEST)

    s_col = (lax.broadcasted_iota(jnp.int32, (RT, 1), 0) + t * RT
             ).astype(jnp.float32)
    cmp = (jnp.broadcast_to(oend, (RT, E))
           <= jnp.broadcast_to(s_col, (RT, E))).astype(jnp.float32)
    eos = lax.dot_general(cmp, ones_e, (((1,), (1,)), ((), ())),
                          preferred_element_type=jnp.float32,
                          precision=lax.Precision.HIGHEST)
    eos_ref[...] = eos.astype(jnp.int32).reshape(1, RT, 1)

    @pl.when(t == NRT - 1)
    def _():
        fb = jnp.floor(offs / TM)
        lb = jnp.floor((oend - 1.0) / TM)
        passes = jnp.where(counts > 0, lb - fb + 1.0, 0.0)
        pstart = lax.dot_general(passes, utri, (((1,), (0,)), ((), ())),
                                 preferred_element_type=jnp.float32,
                                 precision=lax.Precision.HIGHEST)
        ptot = jnp.sum(passes, axis=1, keepdims=True)
        ii = lax.broadcasted_iota(jnp.int32, (NT, E), 0).astype(jnp.float32)
        i_col = lax.broadcasted_iota(jnp.int32, (NT, 1), 0).astype(jnp.float32)
        pstart_b = jnp.broadcast_to(pstart, (NT, E))
        eidx = jnp.sum((pstart_b <= ii).astype(jnp.float32),
                       axis=1, keepdims=True) - 1.0
        lane_ne = lax.broadcasted_iota(jnp.int32, (NT, E), 1).astype(jnp.float32)
        ohe = (lane_ne == jnp.broadcast_to(eidx, (NT, E))).astype(jnp.float32)
        fbg = jnp.sum(ohe * jnp.broadcast_to(fb, (NT, E)), axis=1,
                      keepdims=True)
        psg = jnp.sum(ohe * pstart_b, axis=1, keepdims=True)
        blk = fbg + i_col - psg
        prev = jnp.concatenate([jnp.full((1, 1), -1.0, jnp.float32),
                                blk[:-1]], axis=0)
        first = blk != prev
        validm = i_col < jnp.broadcast_to(ptot, (NT, 1))
        sexp_ref[...] = jnp.where(validm, eidx, float(E)).astype(jnp.int32)
        sblk_ref[...] = jnp.where(validm, blk, float(NB - 1)).astype(jnp.int32)
        sfirst_ref[...] = jnp.where(validm & first, 1, 0).astype(jnp.int32)


def _rank(eid3, counts):
    return pl.pallas_call(
        _rank_body,
        grid=(NRT,),
        in_specs=[
            pl.BlockSpec((1, RT, 1), lambda t: (t, 0, 0)),
            pl.BlockSpec((1, E), lambda t: (0, 0)),
        ],
        out_specs=(
            pl.BlockSpec((1, RT, 1), lambda t: (t, 0, 0)),
            pl.BlockSpec((1, RT, 1), lambda t: (t, 0, 0)),
            pl.BlockSpec((NT, 1), lambda t: (0, 0)),
            pl.BlockSpec((NT, 1), lambda t: (0, 0)),
            pl.BlockSpec((NT, 1), lambda t: (0, 0)),
        ),
        out_shape=(
            jax.ShapeDtypeStruct((NRT, RT, 1), jnp.int32),
            jax.ShapeDtypeStruct((NRT, RT, 1), jnp.int32),
            jax.ShapeDtypeStruct((NT, 1), jnp.int32),
            jax.ShapeDtypeStruct((NT, 1), jnp.int32),
            jax.ShapeDtypeStruct((NT, 1), jnp.int32),
        ),
        scratch_shapes=[pltpu.VMEM((1, E), jnp.float32),
                        pltpu.VMEM((RT, RT), jnp.bfloat16)],
    )(eid3, counts)


def _make_sc_dispatch():
    mesh = plsc.VectorSubcoreMesh(core_axis_name="c", subcore_axis_name="s")

    @functools.partial(
        pl.kernel, mesh=mesh,
        out_type=(
            jax.ShapeDtypeStruct((P, H), jnp.float32),
            jax.ShapeDtypeStruct((P,), jnp.float32),
        ),
        scratch_types=[
            pltpu.VMEM((PPC,), jnp.int32),
            pltpu.VMEM((PPC,), jnp.int32),
            pltpu.VMEM((PPC,), jnp.float32),
            pltpu.VMEM((PPS,), jnp.int32),
            pltpu.VMEM((GCH, H), jnp.float32),
            pltpu.VMEM((GCH, H), jnp.float32),
            pltpu.VMEM_SHARED((P,), jnp.int32),
            pltpu.VMEM_SHARED((P,), jnp.float32),
            pltpu.SemaphoreType.DMA,
            pltpu.SemaphoreType.DMA,
        ])
    def k(slot_hbm, tok_hbm, w_hbm, x_hbm, xs_hbm, ws_hbm,
          slotv, tokv, wv, tidv, rows0, rows1, tok_sp, w_sp, sem0, sem1):
        c = lax.axis_index("c")
        s = lax.axis_index("s")
        pbase = s * PPC
        pltpu.sync_copy(slot_hbm.at[pl.ds(pbase, PPC)], slotv)
        pltpu.sync_copy(tok_hbm.at[pl.ds(pbase, PPC)], tokv)
        pltpu.sync_copy(w_hbm.at[pl.ds(pbase, PPC)], wv)
        pltpu.sync_copy(tokv, tok_sp.at[slotv])
        pltpu.sync_copy(wv, w_sp.at[slotv])
        plsc.subcore_barrier()
        sbase = (c * 16 + s) * PPS
        pltpu.sync_copy(tok_sp.at[pl.ds(sbase, PPS)], tidv)
        pltpu.sync_copy(w_sp.at[pl.ds(sbase, PPS)],
                        ws_hbm.at[pl.ds(sbase, PPS)])
        bufs = (rows0, rows1)
        sems = (sem0, sem1)
        cps = [None, None]
        cps[0] = pltpu.async_copy(x_hbm.at[tidv.at[pl.ds(0, GCH)]],
                                  rows0, sem0)
        for g in range(NCH):
            if g + 1 < NCH:
                cps[(g + 1) % 2] = pltpu.async_copy(
                    x_hbm.at[tidv.at[pl.ds((g + 1) * GCH, GCH)]],
                    bufs[(g + 1) % 2], sems[(g + 1) % 2])
            cps[g % 2].wait()
            pltpu.sync_copy(bufs[g % 2],
                            xs_hbm.at[pl.ds(sbase + g * GCH, GCH)])

    return k


def _make_sc_unsort():
    mesh = plsc.VectorSubcoreMesh(core_axis_name="c", subcore_axis_name="s")

    @functools.partial(
        pl.kernel, mesh=mesh,
        out_type=jax.ShapeDtypeStruct((P, H), jnp.float32),
        scratch_types=[
            pltpu.VMEM((PPS,), jnp.int32),
            pltpu.VMEM((GCH, H), jnp.float32),
            pltpu.VMEM((GCH, H), jnp.float32),
            pltpu.SemaphoreType.DMA,
            pltpu.SemaphoreType.DMA,
        ])
    def k(y_hbm, slot_hbm, yp_hbm, slotv, rows0, rows1, sem0, sem1):
        c = lax.axis_index("c")
        s = lax.axis_index("s")
        pbase = (c * 16 + s) * PPS
        pltpu.sync_copy(slot_hbm.at[pl.ds(pbase, PPS)], slotv)
        bufs = (rows0, rows1)
        sems = (sem0, sem1)
        cps = [None, None]
        cps[0] = pltpu.async_copy(y_hbm.at[slotv.at[pl.ds(0, GCH)]],
                                  rows0, sem0)
        for g in range(NCH):
            if g + 1 < NCH:
                cps[(g + 1) % 2] = pltpu.async_copy(
                    y_hbm.at[slotv.at[pl.ds((g + 1) * GCH, GCH)]],
                    bufs[(g + 1) % 2], sems[(g + 1) % 2])
            cps[g % 2].wait()
            pltpu.sync_copy(bufs[g % 2],
                            yp_hbm.at[pl.ds(pbase + g * GCH, GCH)])

    return k


_make_sc_dispatch = functools.cache(_make_sc_dispatch)
_make_sc_unsort = functools.cache(_make_sc_unsort)


def _sc_dispatch(slot, tok, w, x):
    return _make_sc_dispatch()(slot, tok, w, x)


def _sc_unsort(y, slot):
    return _make_sc_unsort()(y, slot)



def _ffn_body(sb_ref, se_ref, sf_ref, x_ref, eos_ref, ws_ref,
              w1_ref, w2_ref, w3_ref, y_ref):
    i = pl.program_id(0)
    e = se_ref[i]

    @pl.when(e < E)
    def _():
        xb = x_ref[...]
        h1 = lax.dot_general(xb, w1_ref[0], (((1,), (1,)), ((), ())),
                             preferred_element_type=jnp.float32)
        h3 = lax.dot_general(xb, w3_ref[0], (((1,), (1,)), ((), ())),
                             preferred_element_type=jnp.float32)
        scale = jnp.where(eos_ref[0] == e, ws_ref[0], 0.0)
        hw = h1 * lax.logistic(h1) * h3 * scale
        y = lax.dot_general(hw, w2_ref[0], (((1,), (1,)), ((), ())),
                            preferred_element_type=jnp.float32)

        @pl.when(sf_ref[i] == 1)
        def _():
            y_ref[...] = y

        @pl.when(sf_ref[i] != 1)
        def _():
            y_ref[...] += y


def _ffn(sblk, sexp, sfirst, xs, eos3, ws3, W1, W2, W3):
    grid_spec = pltpu.PrefetchScalarGridSpec(
        num_scalar_prefetch=3,
        grid=(NT,),
        in_specs=[
            pl.BlockSpec((TM, H), lambda i, sb, se, sf: (sb[i], 0)),
            pl.BlockSpec((1, TM, 1), lambda i, sb, se, sf: (sb[i], 0, 0)),
            pl.BlockSpec((1, TM, 1), lambda i, sb, se, sf: (sb[i], 0, 0)),
            pl.BlockSpec((1, FFN, H),
                         lambda i, sb, se, sf: (jnp.minimum(se[i], E - 1), 0, 0)),
            pl.BlockSpec((1, H, FFN),
                         lambda i, sb, se, sf: (jnp.minimum(se[i], E - 1), 0, 0)),
            pl.BlockSpec((1, FFN, H),
                         lambda i, sb, se, sf: (jnp.minimum(se[i], E - 1), 0, 0)),
        ],
        out_specs=pl.BlockSpec((TM, H), lambda i, sb, se, sf: (sb[i], 0)),
    )
    return pl.pallas_call(
        _ffn_body,
        grid_spec=grid_spec,
        out_shape=jax.ShapeDtypeStruct((P, H), jnp.float32),
    )(sblk, sexp, sfirst, xs, eos3, ws3, W1, W2, W3)


def _sum_body(yp_ref, sh_ref, out_ref):
    out_ref[...] = sh_ref[...] + jnp.sum(yp_ref[...], axis=1)


def _sumk(yp3, shared):
    TT = 256
    return pl.pallas_call(
        _sum_body,
        grid=(T // TT,),
        in_specs=[
            pl.BlockSpec((TT, TOPK, H), lambda t: (t, 0, 0)),
            pl.BlockSpec((TT, H), lambda t: (t, 0)),
        ],
        out_specs=pl.BlockSpec((TT, H), lambda t: (t, 0)),
        out_shape=jax.ShapeDtypeStruct((T, H), jnp.float32),
    )(yp3, shared)


def kernel(hidden_states, gate_weight, e_score_correction_bias,
           W1, W2, W3, shared_gate, shared_up, shared_down):
    b, s_, h_ = hidden_states.shape
    x = hidden_states.reshape(-1, h_)
    logits, idx, w, counts, shared = _router(x, gate_weight, shared_gate,
                                             shared_up, shared_down)
    slot3, eos3, sexp, sblk, sfirst = _rank(idx.reshape(NRT, RT, 1), counts)
    slot = slot3.reshape(P)
    tok = jnp.repeat(jnp.arange(T, dtype=jnp.int32), TOPK)
    xs, ws = _sc_dispatch(slot, tok, w.reshape(P), x)
    y = _ffn(sblk.reshape(NT), sexp.reshape(NT), sfirst.reshape(NT),
             xs, eos3.reshape(NB, TM, 1), ws.reshape(NB, TM, 1), W1, W2, W3)
    yp = _sc_unsort(y, slot)
    out = _sumk(yp.reshape(T, TOPK, H), shared)
    return out.reshape(b, s_, h_), logits

# --- scband reference (transcript-rebuilt; emitter-appended) ---
"""Pipeline reference for scband-kimi-sparse-moe-block-74371653698289 (READ-ONLY COPY).

The authoritative reference and input builder live on the scoring server;
editing this copy changes nothing except your own understanding.
"""

import jax, jax.numpy as jnp
import numpy as np

B, S, H = 1, 2048, 1024
E, TOP_K, FFN = 64, 8, 256
ROUTED_SCALING = 2.5

def setup_inputs(seed: int = 0) -> dict:
    key = jax.random.key(seed)
    ks = jax.random.split(key, 9)
    hidden_states = jax.random.normal(ks[0], (B, S, H), dtype=jnp.float32)
    gate_weight = jax.random.normal(ks[1], (E, H), dtype=jnp.float32) * 0.02
    e_score_correction_bias = jnp.zeros((E,), dtype=jnp.float32)
    W1 = jax.random.normal(ks[2], (E, FFN, H), dtype=jnp.float32) * 0.02
    W2 = jax.random.normal(ks[3], (E, H, FFN), dtype=jnp.float32) * 0.02
    W3 = jax.random.normal(ks[4], (E, FFN, H), dtype=jnp.float32) * 0.02
    shared_gate = jax.random.normal(ks[5], (FFN, H), dtype=jnp.float32) * 0.02
    shared_up = jax.random.normal(ks[6], (FFN, H), dtype=jnp.float32) * 0.02
    shared_down = jax.random.normal(ks[7], (H, FFN), dtype=jnp.float32) * 0.02
    return {
        'hidden_states': hidden_states,
        'gate_weight': gate_weight,
        'e_score_correction_bias': e_score_correction_bias,
        'W1': W1, 'W2': W2, 'W3': W3,
        'shared_gate': shared_gate, 'shared_up': shared_up, 'shared_down': shared_down,
    }

def reference(hidden_states, gate_weight, e_score_correction_bias, W1, W2, W3, shared_gate, shared_up, shared_down):
    # KimiSparseMoeBlock.forward (training path of KimiMoEGate)
    b, s, h = hidden_states.shape
    x = hidden_states.reshape(-1, h)
    # Gate: router logits in fp32
    router_logits = x.astype(jnp.float32) @ gate_weight.astype(jnp.float32).T
    gating_scores = jax.nn.softmax(router_logits, axis=-1)
    topk_weight, topk_idx = jax.lax.top_k(gating_scores, TOP_K)
    # renormalize (top_k > 1 and moe_renormalize)
    denom = topk_weight.sum(axis=-1, keepdims=True) + 1e-20
    topk_weight = topk_weight / denom
    topk_weight = topk_weight * ROUTED_SCALING
    T = x.shape[0]
    num_experts = gate_weight.shape[0]
    # Combine weights: scatter top-k weights into dense [T, E] matrix
    combine = jnp.zeros((T, num_experts), dtype=jnp.float32).at[jnp.arange(T)[:, None], topk_idx].add(topk_weight)
    # Routed experts (SwiGLU per expert). Math identical to sparse dispatch:
    # tokens with zero combine weight contribute nothing.
    h1 = jax.nn.silu(jnp.einsum('td,efd->tef', x, W1))
    h3 = jnp.einsum('td,efd->tef', x, W3)
    hw = (h1 * h3) * combine[:, :, None]
    routed = jnp.einsum('tef,ehf->th', hw, W2)
    # Shared experts (KimiMLP, intermediate = moe_intermediate_size * num_shared_experts)
    shared = (jax.nn.silu(x @ shared_gate.T) * (x @ shared_up.T)) @ shared_down.T
    out = (routed + shared).reshape(b, s, h)
    return out, router_logits

if __name__ == "__main__":
    import jax
    _d = setup_inputs()
    print(jax.jit(kernel)(*tuple(_d.values())))

</pallas_src>

<mosaic_0001>
#map = affine_map<(d0, d1) -> (0, 0)>
#map1 = affine_map<(d0, d1) -> (0)>
module attributes {stable_mosaic.version = 14 : i64} {
  func.func @k(%arg0: i32, %arg1: i32, %arg2: memref<16384x1024xf32, #tpu.memory_space<hbm>>, %arg3: memref<16384xi32, #tpu.memory_space<hbm>>, %arg4: memref<16384x1024xf32, #tpu.memory_space<hbm>>, %arg5: memref<512xi32, #tpu.memory_space<vmem>>, %arg6: memref<32x1024xf32, #tpu.memory_space<vmem>>, %arg7: memref<32x1024xf32, #tpu.memory_space<vmem>>, %arg8: memref<!tpu.dma_semaphore, #tpu.memory_space<semaphore_mem>>, %arg9: memref<!tpu.dma_semaphore, #tpu.memory_space<semaphore_mem>>) attributes {dimension_semantics = [#tpu.dimension_semantics<core_parallel>, #tpu.dimension_semantics<subcore_parallel>], iteration_bounds = array<i64: 2, 16>, scalar_prefetch = 0 : i64, scratch_operands = 5 : i64, tpu.core_type = #tpu.core_type<sc_vector_subcore>, window_params = [{transform_indices = #map}, {transform_indices = #map1}, {transform_indices = #map}]} {
    %mul3A = arith.constant 16 : i32
    %mul3A_0 = arith.muli %arg0, %mul3A : i32
    %add3A = arith.addi %mul3A_0, %arg1 : i32
    %mul3A_1 = arith.constant 512 : i32
    %mul3A_2 = arith.muli %add3A, %mul3A_1 : i32
    "tpu.region"() ({
      %run_scoped3A = tpu.sem_alloc : memref<!tpu.dma_semaphore, #tpu.memory_space<semaphore_mem>>
      %dma_start3A_193 = tpu.memref_slice %arg3[%mul3A_2] : memref<16384xi32, #tpu.memory_space<hbm>> -> memref<512xi32, #tpu.memory_space<hbm>>
      %dma_start3A_194 = tpu.memref_slice %arg3[%mul3A_2] : memref<16384xi32, #tpu.memory_space<hbm>> -> memref<512xi32, #tpu.memory_space<hbm>>
      tpu.enqueue_dma source(%dma_start3A_194 : memref<512xi32, #tpu.memory_space<hbm>>) target(%arg5 : memref<512xi32, #tpu.memory_space<vmem>>) target_semaphore(%run_scoped3A : memref<!tpu.dma_semaphore, #tpu.memory_space<semaphore_mem>>)
      %dma_wait3A_195 = tpu.memref_slice %arg3[%mul3A_2] : memref<16384xi32, #tpu.memory_space<hbm>> -> memref<512xi32, #tpu.memory_space<hbm>>
      %dma_wait3A_196 = tpu.memref_slice %arg3[%mul3A_2] : memref<16384xi32, #tpu.memory_space<hbm>> -> memref<512xi32, #tpu.memory_space<hbm>>
      tpu.wait_dma2 semaphore(%run_scoped3A : memref<!tpu.dma_semaphore, #tpu.memory_space<semaphore_mem>>) src(%dma_wait3A_196 : memref<512xi32, #tpu.memory_space<hbm>>) dst(%arg5 : memref<512xi32, #tpu.memory_space<vmem>>)
      tpu.yield
    }) : () -> ()
    %dma_start3A = arith.constant 0 : i32
    %dma_start3A_3 = tpu.memref_slice %arg5[%dma_start3A] : memref<512xi32, #tpu.memory_space<vmem>> -> memref<32xi32, #tpu.memory_space<vmem>>
    %dma_start3A_4 = arith.constant 0 : i32
    %dma_start3A_5 = arith.constant 0 : i32
    %dma_start3A_6 = tpu.memref_slice %arg2[%dma_start3A_4, %dma_start3A_5] : memref<16384x1024xf32, #tpu.memory_space<hbm>> -> memref<16384x1024xf32, #tpu.memory_space<hbm>>
    tpu.enqueue_indirect_dma source(%dma_start3A_6 : memref<16384x1024xf32, #tpu.memory_space<hbm>>) target(%arg6 : memref<32x1024xf32, #tpu.memory_space<vmem>>) offsets(%dma_start3A_3 : memref<32xi32, #tpu.memory_space<vmem>>) semaphore(%arg8 : memref<!tpu.dma_semaphore, #tpu.memory_space<semaphore_mem>>)
    %dma_start3A_7 = arith.constant 32 : i32
    %dma_start3A_8 = tpu.memref_slice %arg5[%dma_start3A_7] : memref<512xi32, #tpu.memory_space<vmem>> -> memref<32xi32, #tpu.memory_space<vmem>>
    %dma_start3A_9 = arith.constant 0 : i32
    %dma_start3A_10 = arith.constant 0 : i32
    %dma_start3A_11 = tpu.memref_slice %arg2[%dma_start3A_9, %dma_start3A_10] : memref<16384x1024xf32, #tpu.memory_space<hbm>> -> memref<16384x1024xf32, #tpu.memory_space<hbm>>
    tpu.enqueue_indirect_dma source(%dma_start3A_11 : memref<16384x1024xf32, #tpu.memory_space<hbm>>) target(%arg7 : memref<32x1024xf32, #tpu.memory_space<vmem>>) offsets(%dma_start3A_8 : memref<32xi32, #tpu.memory_space<vmem>>) semaphore(%arg9 : memref<!tpu.dma_semaphore, #tpu.memory_space<semaphore_mem>>)
    %dma_wait3A = arith.constant 0 : i32
    %dma_wait3A_12 = tpu.memref_slice %arg5[%dma_wait3A] : memref<512xi32, #tpu.memory_space<vmem>> -> memref<32xi32, #tpu.memory_space<vmem>>
    %dma_wait3A_13 = arith.constant 0 : i32
    %dma_wait3A_14 = arith.constant 0 : i32
    %dma_wait3A_15 = tpu.memref_slice %arg2[%dma_wait3A_13, %dma_wait3A_14] : memref<16384x1024xf32, #tpu.memory_space<hbm>> -> memref<16384x1024xf32, #tpu.memory_space<hbm>>
    tpu.wait_indirect_dma semaphore(%arg8 : memref<!tpu.dma_semaphore, #tpu.memory_space<semaphore_mem>>) src(%dma_wait3A_15 : memref<16384x1024xf32, #tpu.memory_space<hbm>>) dst(%arg6 : memref<32x1024xf32, #tpu.memory_space<vmem>>)
    %add3A_16 = arith.constant 0 : i32
    %add3A_17 = arith.addi %mul3A_2, %add3A_16 : i32
    "tpu.region"() ({
      %run_scoped3A = tpu.sem_alloc : memref<!tpu.dma_semaphore, #tpu.memory_space<semaphore_mem>>
      %dma_start3A_193 = arith.constant 0 : i32
      %dma_start3A_194 = tpu.memref_slice %arg4[%add3A_17, %dma_start3A_193] : memref<16384x1024xf32, #tpu.memory_space<hbm>> -> memref<32x1024xf32, #tpu.memory_space<hbm>>
      %dma_start3A_195 = arith.constant 0 : i32
      %dma_start3A_196 = tpu.memref_slice %arg4[%add3A_17, %dma_start3A_195] : memref<16384x1024xf32, #tpu.memory_space<hbm>> -> memref<32x1024xf32, #tpu.memory_space<hbm>>
      tpu.enqueue_dma source(%arg6 : memref<32x1024xf32, #tpu.memory_space<vmem>>) target(%dma_start3A_196 : memref<32x1024xf32, #tpu.memory_space<hbm>>) target_semaphore(%run_scoped3A : memref<!tpu.dma_semaphore, #tpu.memory_space<semaphore_mem>>)
      %dma_wait3A_197 = arith.constant 0 : i32
      %dma_wait3A_198 = tpu.memref_slice %arg4[%add3A_17, %dma_wait3A_197] : memref<16384x1024xf32, #tpu.memory_space<hbm>> -> memref<32x1024xf32, #tpu.memory_space<hbm>>
      %dma_wait3A_199 = arith.constant 0 : i32
      %dma_wait3A_200 = tpu.memref_slice %arg4[%add3A_17, %dma_wait3A_199] : memref<16384x1024xf32, #tpu.memory_space<hbm>> -> memref<32x1024xf32, #tpu.memory_space<hbm>>
      tpu.wait_dma2 semaphore(%run_scoped3A : memref<!tpu.dma_semaphore, #tpu.memory_space<semaphore_mem>>) src(%arg6 : memref<32x1024xf32, #tpu.memory_space<vmem>>) dst(%dma_wait3A_200 : memref<32x1024xf32, #tpu.memory_space<hbm>>)
      tpu.yield
    }) : () -> ()
    %dma_start3A_18 = arith.constant 64 : i32
    %dma_start3A_19 = tpu.memref_slice %arg5[%dma_start3A_18] : memref<512xi32, #tpu.memory_space<vmem>> -> memref<32xi32, #tpu.memory_space<vmem>>
    %dma_start3A_20 = arith.constant 0 : i32
    %dma_start3A_21 = arith.constant 0 : i32
    %dma_start3A_22 = tpu.memref_slice %arg2[%dma_start3A_20, %dma_start3A_21] : memref<16384x1024xf32, #tpu.memory_space<hbm>> -> memref<16384x1024xf32, #tpu.memory_space<hbm>>
    tpu.enqueue_indirect_dma source(%dma_start3A_22 : memref<16384x1024xf32, #tpu.memory_space<hbm>>) target(%arg6 : memref<32x1024xf32, #tpu.memory_space<vmem>>) offsets(%dma_start3A_19 : memref<32xi32, #tpu.memory_space<vmem>>) semaphore(%arg8 : memref<!tpu.dma_semaphore, #tpu.memory_space<semaphore_mem>>)
    %dma_wait3A_23 = arith.constant 32 : i32
    %dma_wait3A_24 = tpu.memref_slice %arg5[%dma_wait3A_23] : memref<512xi32, #tpu.memory_space<vmem>> -> memref<32xi32, #tpu.memory_space<vmem>>
    %dma_wait3A_25 = arith.constant 0 : i32
    %dma_wait3A_26 = arith.constant 0 : i32
    %dma_wait3A_27 = tpu.memref_slice %arg2[%dma_wait3A_25, %dma_wait3A_26] : memref<16384x1024xf32, #tpu.memory_space<hbm>> -> memref<16384x1024xf32, #tpu.memory_space<hbm>>
    tpu.wait_indirect_dma semaphore(%arg9 : memref<!tpu.dma_semaphore, #tpu.memory_space<semaphore_mem>>) src(%dma_wait3A_27 : memref<16384x1024xf32, #tpu.memory_space<hbm>>) dst(%arg7 : memref<32x1024xf32, #tpu.memory_space<vmem>>)
    %add3A_28 = arith.constant 32 : i32
    %add3A_29 = arith.addi %mul3A_2, %add3A_28 : i32
    "tpu.region"() ({
      %run_scoped3A = tpu.sem_alloc : memref<!tpu.dma_semaphore, #tpu.memory_space<semaphore_mem>>
      %dma_start3A_193 = arith.constant 0 : i32
      %dma_start3A_194 = tpu.memref_slice %arg4[%add3A_29, %dma_start3A_193] : memref<16384x1024xf32, #tpu.memory_space<hbm>> -> memref<32x1024xf32, #tpu.memory_space<hbm>>
      %dma_start3A_195 = arith.constant 0 : i32
      %dma_start3A_196 = tpu.memref_slice %arg4[%add3A_29, %dma_start3A_195] : memref<16384x1024xf32, #tpu.memory_space<hbm>> -> memref<32x1024xf32, #tpu.memory_space<hbm>>
      tpu.enqueue_dma source(%arg7 : memref<32x1024xf32, #tpu.memory_space<vmem>>) target(%dma_start3A_196 : memref<32x1024xf32, #tpu.memory_space<hbm>>) target_semaphore(%run_scoped3A : memref<!tpu.dma_semaphore, #tpu.memory_space<semaphore_mem>>)
      %dma_wait3A_197 = arith.constant 0 : i32
      %dma_wait3A_198 = tpu.memref_slice %arg4[%add3A_29, %dma_wait3A_197] : memref<16384x1024xf32, #tpu.memory_space<hbm>> -> memref<32x1024xf32, #tpu.memory_space<hbm>>
      %dma_wait3A_199 = arith.constant 0 : i32
      %dma_wait3A_200 = tpu.memref_slice %arg4[%add3A_29, %dma_wait3A_199] : memref<16384x1024xf32, #tpu.memory_space<hbm>> -> memref<32x1024xf32, #tpu.memory_space<hbm>>
      tpu.wait_dma2 semaphore(%run_scoped3A : memref<!tpu.dma_semaphore, #tpu.memory_space<semaphore_mem>>) src(%arg7 : memref<32x1024xf32, #tpu.memory_space<vmem>>) dst(%dma_wait3A_200 : memref<32x1024xf32, #tpu.memory_space<hbm>>)
      tpu.yield
    }) : () -> ()
    %dma_start3A_30 = arith.constant 96 : i32
    %dma_start3A_31 = tpu.memref_slice %arg5[%dma_start3A_30] : memref<512xi32, #tpu.memory_space<vmem>> -> memref<32xi32, #tpu.memory_space<vmem>>
    %dma_start3A_32 = arith.constant 0 : i32
    %dma_start3A_33 = arith.constant 0 : i32
    %dma_start3A_34 = tpu.memref_slice %arg2[%dma_start3A_32, %dma_start3A_33] : memref<16384x1024xf32, #tpu.memory_space<hbm>> -> memref<16384x1024xf32, #tpu.memory_space<hbm>>
    tpu.enqueue_indirect_dma source(%dma_start3A_34 : memref<16384x1024xf32, #tpu.memory_space<hbm>>) target(%arg7 : memref<32x1024xf32, #tpu.memory_space<vmem>>) offsets(%dma_start3A_31 : memref<32xi32, #tpu.memory_space<vmem>>) semaphore(%arg9 : memref<!tpu.dma_semaphore, #tpu.memory_space<semaphore_mem>>)
    %dma_wait3A_35 = arith.constant 64 : i32
    %dma_wait3A_36 = tpu.memref_slice %arg5[%dma_wait3A_35] : memref<512xi32, #tpu.memory_space<vmem>> -> memref<32xi32, #tpu.memory_space<vmem>>
    %dma_wait3A_37 = arith.constant 0 : i32
    %dma_wait3A_38 = arith.constant 0 : i32
    %dma_wait3A_39 = tpu.memref_slice %arg2[%dma_wait3A_37, %dma_wait3A_38] : memref<16384x1024xf32, #tpu.memory_space<hbm>> -> memref<16384x1024xf32, #tpu.memory_space<hbm>>
    tpu.wait_indirect_dma semaphore(%arg8 : memref<!tpu.dma_semaphore, #tpu.memory_space<semaphore_mem>>) src(%dma_wait3A_39 : memref<16384x1024xf32, #tpu.memory_space<hbm>>) dst(%arg6 : memref<32x1024xf32, #tpu.memory_space<vmem>>)
    %add3A_40 = arith.constant 64 : i32
    %add3A_41 = arith.addi %mul3A_2, %add3A_40 : i32
    "tpu.region"() ({
      %run_scoped3A = tpu.sem_alloc : memref<!tpu.dma_semaphore, #tpu.memory_space<semaphore_mem>>
      %dma_start3A_193 = arith.constant 0 : i32
      %dma_start3A_194 = tpu.memref_slice %arg4[%add3A_41, %dma_start3A_193] : memref<16384x1024xf32, #tpu.memory_space<hbm>> -> memref<32x1024xf32, #tpu.memory_space<hbm>>
      %dma_start3A_195 = arith.constant 0 : i32
      %dma_start3A_196 = tpu.memref_slice %arg4[%add3A_41, %dma_start3A_195] : memref<16384x1024xf32, #tpu.memory_space<hbm>> -> memref<32x1024xf32, #tpu.memory_space<hbm>>
      tpu.enqueue_dma source(%arg6 : memref<32x1024xf32, #tpu.memory_space<vmem>>) target(%dma_start3A_196 : memref<32x1024xf32, #tpu.memory_space<hbm>>) target_semaphore(%run_scoped3A : memref<!tpu.dma_semaphore, #tpu.memory_space<semaphore_mem>>)
      %dma_wait3A_197 = arith.constant 0 : i32
      %dma_wait3A_198 = tpu.memref_slice %arg4[%add3A_41, %dma_wait3A_197] : memref<16384x1024xf32, #tpu.memory_space<hbm>> -> memref<32x1024xf32, #tpu.memory_space<hbm>>
      %dma_wait3A_199 = arith.constant 0 : i32
      %dma_wait3A_200 = tpu.memref_slice %arg4[%add3A_41, %dma_wait3A_199] : memref<16384x1024xf32, #tpu.memory_space<hbm>> -> memref<32x1024xf32, #tpu.memory_space<hbm>>
      tpu.wait_dma2 semaphore(%run_scoped3A : memref<!tpu.dma_semaphore, #tpu.memory_space<semaphore_mem>>) src(%arg6 : memref<32x1024xf32, #tpu.memory_space<vmem>>) dst(%dma_wait3A_200 : memref<32x1024xf32, #tpu.memory_space<hbm>>)
      tpu.yield
    }) : () -> ()
    %dma_start3A_42 = arith.constant 128 : i32
    %dma_start3A_43 = tpu.memref_slice %arg5[%dma_start3A_42] : memref<512xi32, #tpu.memory_space<vmem>> -> memref<32xi32, #tpu.memory_space<vmem>>
    %dma_start3A_44 = arith.constant 0 : i32
    %dma_start3A_45 = arith.constant 0 : i32
    %dma_start3A_46 = tpu.memref_slice %arg2[%dma_start3A_44, %dma_start3A_45] : memref<16384x1024xf32, #tpu.memory_space<hbm>> -> memref<16384x1024xf32, #tpu.memory_space<hbm>>
    tpu.enqueue_indirect_dma source(%dma_start3A_46 : memref<16384x1024xf32, #tpu.memory_space<hbm>>) target(%arg6 : memref<32x1024xf32, #tpu.memory_space<vmem>>) offsets(%dma_start3A_43 : memref<32xi32, #tpu.memory_space<vmem>>) semaphore(%arg8 : memref<!tpu.dma_semaphore, #tpu.memory_space<semaphore_mem>>)
    %dma_wait3A_47 = arith.constant 96 : i32
    %dma_wait3A_48 = tpu.memref_slice %arg5[%dma_wait3A_47] : memref<512xi32, #tpu.memory_space<vmem>> -> memref<32xi32, #tpu.memory_space<vmem>>
    %dma_wait3A_49 = arith.constant 0 : i32
    %dma_wait3A_50 = arith.constant 0 : i32
    %dma_wait3A_51 = tpu.memref_slice %arg2[%dma_wait3A_49, %dma_wait3A_50] : memref<16384x1024xf32, #tpu.memory_space<hbm>> -> memref<16384x1024xf32, #tpu.memory_space<hbm>>
    tpu.wait_indirect_dma semaphore(%arg9 : memref<!tpu.dma_semaphore, #tpu.memory_space<semaphore_mem>>) src(%dma_wait3A_51 : memref<16384x1024xf32, #tpu.memory_space<hbm>>) dst(%arg7 : memref<32x1024xf32, #tpu.memory_space<vmem>>)
    %add3A_52 = arith.constant 96 : i32
    %add3A_53 = arith.addi %mul3A_2, %add3A_52 : i32
    "tpu.region"() ({
      %run_scoped3A = tpu.sem_alloc : memref<!tpu.dma_semaphore, #tpu.memory_space<semaphore_mem>>
      %dma_start3A_193 = arith.constant 0 : i32
      %dma_start3A_194 = tpu.memref_slice %arg4[%add3A_53, %dma_start3A_193] : memref<16384x1024xf32, #tpu.memory_space<hbm>> -> memref<32x1024xf32, #tpu.memory_space<hbm>>
      %dma_start3A_195 = arith.constant 0 : i32
      %dma_start3A_196 = tpu.memref_slice %arg4[%add3A_53, %dma_start3A_195] : memref<16384x1024xf32, #tpu.memory_space<hbm>> -> memref<32x1024xf32, #tpu.memory_space<hbm>>
      tpu.enqueue_dma source(%arg7 : memref<32x1024xf32, #tpu.memory_space<vmem>>) target(%dma_start3A_196 : memref<32x1024xf32, #tpu.memory_space<hbm>>) target_semaphore(%run_scoped3A : memref<!tpu.dma_semaphore, #tpu.memory_space<semaphore_mem>>)
      %dma_wait3A_197 = arith.constant 0 : i32
      %dma_wait3A_198 = tpu.memref_slice %arg4[%add3A_53, %dma_wait3A_197] : memref<16384x1024xf32, #tpu.memory_space<hbm>> -> memref<32x1024xf32, #tpu.memory_space<hbm>>
      %dma_wait3A_199 = arith.constant 0 : i32
      %dma_wait3A_200 = tpu.memref_slice %arg4[%add3A_53, %dma_wait3A_199] : memref<16384x1024xf32, #tpu.memory_space<hbm>> -> memref<32x1024xf32, #tpu.memory_space<hbm>>
      tpu.wait_dma2 semaphore(%run_scoped3A : memref<!tpu.dma_semaphore, #tpu.memory_space<semaphore_mem>>) src(%arg7 : memref<32x1024xf32, #tpu.memory_space<vmem>>) dst(%dma_wait3A_200 : memref<32x1024xf32, #tpu.memory_space<hbm>>)
      tpu.yield
    }) : () -> ()
    %dma_start3A_54 = arith.constant 160 : i32
    %dma_start3A_55 = tpu.memref_slice %arg5[%dma_start3A_54] : memref<512xi32, #tpu.memory_space<vmem>> -> memref<32xi32, #tpu.memory_space<vmem>>
    %dma_start3A_56 = arith.constant 0 : i32
    %dma_start3A_57 = arith.constant 0 : i32
    %dma_start3A_58 = tpu.memref_slice %arg2[%dma_start3A_56, %dma_start3A_57] : memref<16384x1024xf32, #tpu.memory_space<hbm>> -> memref<16384x1024xf32, #tpu.memory_space<hbm>>
    tpu.enqueue_indirect_dma source(%dma_start3A_58 : memref<16384x1024xf32, #tpu.memory_space<hbm>>) target(%arg7 : memref<32x1024xf32, #tpu.memory_space<vmem>>) offsets(%dma_start3A_55 : memref<32xi32, #tpu.memory_space<vmem>>) semaphore(%arg9 : memref<!tpu.dma_semaphore, #tpu.memory_space<semaphore_mem>>)
    %dma_wait3A_59 = arith.constant 128 : i32
    %dma_wait3A_60 = tpu.memref_slice %arg5[%dma_wait3A_59] : memref<512xi32, #tpu.memory_space<vmem>> -> memref<32xi32, #tpu.memory_space<vmem>>
    %dma_wait3A_61 = arith.constant 0 : i32
    %dma_wait3A_62 = arith.constant 0 : i32
    %dma_wait3A_63 = tpu.memref_slice %arg2[%dma_wait3A_61, %dma_wait3A_62] : memref<16384x1024xf32, #tpu.memory_space<hbm>> -> memref<16384x1024xf32, #tpu.memory_space<hbm>>
    tpu.wait_indirect_dma semaphore(%arg8 : memref<!tpu.dma_semaphore, #tpu.memory_space<semaphore_mem>>) src(%dma_wait3A_63 : memref<16384x1024xf32, #tpu.memory_space<hbm>>) dst(%arg6 : memref<32x1024xf32, #tpu.memory_space<vmem>>)
    %add3A_64 = arith.constant 128 : i32
    %add3A_65 = arith.addi %mul3A_2, %add3A_64 : i32
    "tpu.region"() ({
      %run_scoped3A = tpu.sem_alloc : memref<!tpu.dma_semaphore, #tpu.memory_space<semaphore_mem>>
      %dma_start3A_193 = arith.constant 0 : i32
      %dma_start3A_194 = tpu.memref_slice %arg4[%add3A_65, %dma_start3A_193] : memref<16384x1024xf32, #tpu.memory_space<hbm>> -> memref<32x1024xf32, #tpu.memory_space<hbm>>
      %dma_start3A_195 = arith.constant 0 : i32
      %dma_start3A_196 = tpu.memref_slice %arg4[%add3A_65, %dma_start3A_195] : memref<16384x1024xf32, #tpu.memory_space<hbm>> -> memref<32x1024xf32, #tpu.memory_space<hbm>>
      tpu.enqueue_dma source(%arg6 : memref<32x1024xf32, #tpu.memory_space<vmem>>) target(%dma_start3A_196 : memref<32x1024xf32, #tpu.memory_space<hbm>>) target_semaphore(%run_scoped3A : memref<!tpu.dma_semaphore, #tpu.memory_space<semaphore_mem>>)
      %dma_wait3A_197 = arith.constant 0 : i32
      %dma_wait3A_198 = tpu.memref_slice %arg4[%add3A_65, %dma_wait3A_197] : memref<16384x1024xf32, #tpu.memory_space<hbm>> -> memref<32x1024xf32, #tpu.memory_space<hbm>>
      %dma_wait3A_199 = arith.constant 0 : i32
      %dma_wait3A_200 = tpu.memref_slice %arg4[%add3A_65, %dma_wait3A_199] : memref<16384x1024xf32, #tpu.memory_space<hbm>> -> memref<32x1024xf32, #tpu.memory_space<hbm>>
      tpu.wait_dma2 semaphore(%run_scoped3A : memref<!tpu.dma_semaphore, #tpu.memory_space<semaphore_mem>>) src(%arg6 : memref<32x1024xf32, #tpu.memory_space<vmem>>) dst(%dma_wait3A_200 : memref<32x1024xf32, #tpu.memory_space<hbm>>)
      tpu.yield
    }) : () -> ()
    %dma_start3A_66 = arith.constant 192 : i32
    %dma_start3A_67 = tpu.memref_slice %arg5[%dma_start3A_66] : memref<512xi32, #tpu.memory_space<vmem>> -> memref<32xi32, #tpu.memory_space<vmem>>
    %dma_start3A_68 = arith.constant 0 : i32
    %dma_start3A_69 = arith.constant 0 : i32
    %dma_start3A_70 = tpu.memref_slice %arg2[%dma_start3A_68, %dma_start3A_69] : memref<16384x1024xf32, #tpu.memory_space<hbm>> -> memref<16384x1024xf32, #tpu.memory_space<hbm>>
    tpu.enqueue_indirect_dma source(%dma_start3A_70 : memref<16384x1024xf32, #tpu.memory_space<hbm>>) target(%arg6 : memref<32x1024xf32, #tpu.memory_space<vmem>>) offsets(%dma_start3A_67 : memref<32xi32, #tpu.memory_space<vmem>>) semaphore(%arg8 : memref<!tpu.dma_semaphore, #tpu.memory_space<semaphore_mem>>)
    %dma_wait3A_71 = arith.constant 160 : i32
    %dma_wait3A_72 = tpu.memref_slice %arg5[%dma_wait3A_71] : memref<512xi32, #tpu.memory_space<vmem>> -> memref<32xi32, #tpu.memory_space<vmem>>
    %dma_wait3A_73 = arith.constant 0 : i32
    %dma_wait3A_74 = arith.constant 0 : i32
    %dma_wait3A_75 = tpu.memref_slice %arg2[%dma_wait3A_73, %dma_wait3A_74] : memref<16384x1024xf32, #tpu.memory_space<hbm>> -> memref<16384x1024xf32, #tpu.memory_space<hbm>>
    tpu.wait_indirect_dma semaphore(%arg9 : memref<!tpu.dma_semaphore, #tpu.memory_space<semaphore_mem>>) src(%dma_wait3A_75 : memref<16384x1024xf32, #tpu.memory_space<hbm>>) dst(%arg7 : memref<32x1024xf32, #tpu.memory_space<vmem>>)
    %add3A_76 = arith.constant 160 : i32
    %add3A_77 = arith.addi %mul3A_2, %add3A_76 : i32
    "tpu.region"() ({
      %run_scoped3A = tpu.sem_alloc : memref<!tpu.dma_semaphore, #tpu.memory_space<semaphore_mem>>
      %dma_start3A_193 = arith.constant 0 : i32
      %dma_start3A_194 = tpu.memref_slice %arg4[%add3A_77, %dma_start3A_193] : memref<16384x1024xf32, #tpu.memory_space<hbm>> -> memref<32x1024xf32, #tpu.memory_space<hbm>>
      %dma_start3A_195 = arith.constant 0 : i32
      %dma_start3A_196 = tpu.memref_slice %arg4[%add3A_77, %dma_start3A_195] : memref<16384x1024xf32, #tpu.memory_space<hbm>> -> memref<32x1024xf32, #tpu.memory_space<hbm>>
      tpu.enqueue_dma source(%arg7 : memref<32x1024xf32, #tpu.memory_space<vmem>>) target(%dma_start3A_196 : memref<32x1024xf32, #tpu.memory_space<hbm>>) target_semaphore(%run_scoped3A : memref<!tpu.dma_semaphore, #tpu.memory_space<semaphore_mem>>)
      %dma_wait3A_197 = arith.constant 0 : i32
      %dma_wait3A_198 = tpu.memref_slice %arg4[%add3A_77, %dma_wait3A_197] : memref<16384x1024xf32, #tpu.memory_space<hbm>> -> memref<32x1024xf32, #tpu.memory_space<hbm>>
      %dma_wait3A_199 = arith.constant 0 : i32
      %dma_wait3A_200 = tpu.memref_slice %arg4[%add3A_77, %dma_wait3A_199] : memref<16384x1024xf32, #tpu.memory_space<hbm>> -> memref<32x1024xf32, #tpu.memory_space<hbm>>
      tpu.wait_dma2 semaphore(%run_scoped3A : memref<!tpu.dma_semaphore, #tpu.memory_space<semaphore_mem>>) src(%arg7 : memref<32x1024xf32, #tpu.memory_space<vmem>>) dst(%dma_wait3A_200 : memref<32x1024xf32, #tpu.memory_space<hbm>>)
      tpu.yield
    }) : () -> ()
    %dma_start3A_78 = arith.constant 224 : i32
    %dma_start3A_79 = tpu.memref_slice %arg5[%dma_start3A_78] : memref<512xi32, #tpu.memory_space<vmem>> -> memref<32xi32, #tpu.memory_space<vmem>>
    %dma_start3A_80 = arith.constant 0 : i32
    %dma_start3A_81 = arith.constant 0 : i32
    %dma_start3A_82 = tpu.memref_slice %arg2[%dma_start3A_80, %dma_start3A_81] : memref<16384x1024xf32, #tpu.memory_space<hbm>> -> memref<16384x1024xf32, #tpu.memory_space<hbm>>
    tpu.enqueue_indirect_dma source(%dma_start3A_82 : memref<16384x1024xf32, #tpu.memory_space<hbm>>) target(%arg7 : memref<32x1024xf32, #tpu.memory_space<vmem>>) offsets(%dma_start3A_79 : memref<32xi32, #tpu.memory_space<vmem>>) semaphore(%arg9 : memref<!tpu.dma_semaphore, #tpu.memory_space<semaphore_mem>>)
    %dma_wait3A_83 = arith.constant 192 : i32
    %dma_wait3A_84 = tpu.memref_slice %arg5[%dma_wait3A_83] : memref<512xi32, #tpu.memory_space<vmem>> -> memref<32xi32, #tpu.memory_space<vmem>>
    %dma_wait3A_85 = arith.constant 0 : i32
    %dma_wait3A_86 = arith.constant 0 : i32
    %dma_wait3A_87 = tpu.memref_slice %arg2[%dma_wait3A_85, %dma_wait3A_86] : memref<16384x1024xf32, #tpu.memory_space<hbm>> -> memref<16384x1024xf32, #tpu.memory_space<hbm>>
    tpu.wait_indirect_dma semaphore(%arg8 : memref<!tpu.dma_semaphore, #tpu.memory_space<semaphore_mem>>) src(%dma_wait3A_87 : memref<16384x1024xf32, #tpu.memory_space<hbm>>) dst(%arg6 : memref<32x1024xf32, #tpu.memory_space<vmem>>)
    %add3A_88 = arith.constant 192 : i32
    %add3A_89 = arith.addi %mul3A_2, %add3A_88 : i32
    "tpu.region"() ({
      %run_scoped3A = tpu.sem_alloc : memref<!tpu.dma_semaphore, #tpu.memory_space<semaphore_mem>>
      %dma_start3A_193 = arith.constant 0 : i32
      %dma_start3A_194 = tpu.memref_slice %arg4[%add3A_89, %dma_start3A_193] : memref<16384x1024xf32, #tpu.memory_space<hbm>> -> memref<32x1024xf32, #tpu.memory_space<hbm>>
      %dma_start3A_195 = arith.constant 0 : i32
      %dma_start3A_196 = tpu.memref_slice %arg4[%add3A_89, %dma_start3A_195] : memref<16384x1024xf32, #tpu.memory_space<hbm>> -> memref<32x1024xf32, #tpu.memory_space<hbm>>
      tpu.enqueue_dma source(%arg6 : memref<32x1024xf32, #tpu.memory_space<vmem>>) target(%dma_start3A_196 : memref<32x1024xf32, #tpu.memory_space<hbm>>) target_semaphore(%run_scoped3A : memref<!tpu.dma_semaphore, #tpu.memory_space<semaphore_mem>>)
      %dma_wait3A_197 = arith.constant 0 : i32
      %dma_wait3A_198 = tpu.memref_slice %arg4[%add3A_89, %dma_wait3A_197] : memref<16384x1024xf32, #tpu.memory_space<hbm>> -> memref<32x1024xf32, #tpu.memory_space<hbm>>
      %dma_wait3A_199 = arith.constant 0 : i32
      %dma_wait3A_200 = tpu.memref_slice %arg4[%add3A_89, %dma_wait3A_199] : memref<16384x1024xf32, #tpu.memory_space<hbm>> -> memref<32x1024xf32, #tpu.memory_space<hbm>>
      tpu.wait_dma2 semaphore(%run_scoped3A : memref<!tpu.dma_semaphore, #tpu.memory_space<semaphore_mem>>) src(%arg6 : memref<32x1024xf32, #tpu.memory_space<vmem>>) dst(%dma_wait3A_200 : memref<32x1024xf32, #tpu.memory_space<hbm>>)
      tpu.yield
    }) : () -> ()
    %dma_start3A_90 = arith.constant 256 : i32
    %dma_start3A_91 = tpu.memref_slice %arg5[%dma_start3A_90] : memref<512xi32, #tpu.memory_space<vmem>> -> memref<32xi32, #tpu.memory_space<vmem>>
    %dma_start3A_92 = arith.constant 0 : i32
    %dma_start3A_93 = arith.constant 0 : i32
    %dma_start3A_94 = tpu.memref_slice %arg2[%dma_start3A_92, %dma_start3A_93] : memref<16384x1024xf32, #tpu.memory_space<hbm>> -> memref<16384x1024xf32, #tpu.memory_space<hbm>>
    tpu.enqueue_indirect_dma source(%dma_start3A_94 : memref<16384x1024xf32, #tpu.memory_space<hbm>>) target(%arg6 : memref<32x1024xf32, #tpu.memory_space<vmem>>) offsets(%dma_start3A_91 : memref<32xi32, #tpu.memory_space<vmem>>) semaphore(%arg8 : memref<!tpu.dma_semaphore, #tpu.memory_space<semaphore_mem>>)
    %dma_wait3A_95 = arith.constant 224 : i32
    %dma_wait3A_96 = tpu.memref_slice %arg5[%dma_wait3A_95] : memref<512xi32, #tpu.memory_space<vmem>> -> memref<32xi32, #tpu.memory_space<vmem>>
    %dma_wait3A_97 = arith.constant 0 : i32
    %dma_wait3A_98 = arith.constant 0 : i32
    %dma_wait3A_99 = tpu.memref_slice %arg2[%dma_wait3A_97, %dma_wait3A_98] : memref<16384x1024xf32, #tpu.memory_space<hbm>> -> memref<16384x1024xf32, #tpu.memory_space<hbm>>
    tpu.wait_indirect_dma semaphore(%arg9 : memref<!tpu.dma_semaphore, #tpu.memory_space<semaphore_mem>>) src(%dma_wait3A_99 : memref<16384x1024xf32, #tpu.memory_space<hbm>>) dst(%arg7 : memref<32x1024xf32, #tpu.memory_space<vmem>>)
    %add3A_100 = arith.constant 224 : i32
    %add3A_101 = arith.addi %mul3A_2, %add3A_100 : i32
    "tpu.region"() ({
      %run_scoped3A = tpu.sem_alloc : memref<!tpu.dma_semaphore, #tpu.memory_space<semaphore_mem>>
      %dma_start3A_193 = arith.constant 0 : i32
      %dma_start3A_194 = tpu.memref_slice %arg4[%add3A_101, %dma_start3A_193] : memref<16384x1024xf32, #tpu.memory_space<hbm>> -> memref<32x1024xf32, #tpu.memory_space<hbm>>
      %dma_start3A_195 = arith.constant 0 : i32
      %dma_start3A_196 = tpu.memref_slice %arg4[%add3A_101, %dma_start3A_195] : memref<16384x1024xf32, #tpu.memory_space<hbm>> -> memref<32x1024xf32, #tpu.memory_space<hbm>>
      tpu.enqueue_dma source(%arg7 : memref<32x1024xf32, #tpu.memory_space<vmem>>) target(%dma_start3A_196 : memref<32x1024xf32, #tpu.memory_space<hbm>>) target_semaphore(%run_scoped3A : memref<!tpu.dma_semaphore, #tpu.memory_space<semaphore_mem>>)
      %dma_wait3A_197 = arith.constant 0 : i32
      %dma_wait3A_198 = tpu.memref_slice %arg4[%add3A_101, %dma_wait3A_197] : memref<16384x1024xf32, #tpu.memory_space<hbm>> -> memref<32x1024xf32, #tpu.memory_space<hbm>>
      %dma_wait3A_199 = arith.constant 0 : i32
      %dma_wait3A_200 = tpu.memref_slice %arg4[%add3A_101, %dma_wait3A_199] : memref<16384x1024xf32, #tpu.memory_space<hbm>> -> memref<32x1024xf32, #tpu.memory_space<hbm>>
      tpu.wait_dma2 semaphore(%run_scoped3A : memref<!tpu.dma_semaphore, #tpu.memory_space<semaphore_mem>>) src(%arg7 : memref<32x1024xf32, #tpu.memory_space<vmem>>) dst(%dma_wait3A_200 : memref<32x1024xf32, #tpu.memory_space<hbm>>)
      tpu.yield
    }) : () -> ()
    %dma_start3A_102 = arith.constant 288 : i32
    %dma_start3A_103 = tpu.memref_slice %arg5[%dma_start3A_102] : memref<512xi32, #tpu.memory_space<vmem>> -> memref<32xi32, #tpu.memory_space<vmem>>
    %dma_start3A_104 = arith.constant 0 : i32
    %dma_start3A_105 = arith.constant 0 : i32
    %dma_start3A_106 = tpu.memref_slice %arg2[%dma_start3A_104, %dma_start3A_105] : memref<16384x1024xf32, #tpu.memory_space<hbm>> -> memref<16384x1024xf32, #tpu.memory_space<hbm>>
    tpu.enqueue_indirect_dma source(%dma_start3A_106 : memref<16384x1024xf32, #tpu.memory_space<hbm>>) target(%arg7 : memref<32x1024xf32, #tpu.memory_space<vmem>>) offsets(%dma_start3A_103 : memref<32xi32, #tpu.memory_space<vmem>>) semaphore(%arg9 : memref<!tpu.dma_semaphore, #tpu.memory_space<semaphore_mem>>)
    %dma_wait3A_107 = arith.constant 256 : i32
    %dma_wait3A_108 = tpu.memref_slice %arg5[%dma_wait3A_107] : memref<512xi32, #tpu.memory_space<vmem>> -> memref<32xi32, #tpu.memory_space<vmem>>
    %dma_wait3A_109 = arith.constant 0 : i32
    %dma_wait3A_110 = arith.constant 0 : i32
    %dma_wait3A_111 = tpu.memref_slice %arg2[%dma_wait3A_109, %dma_wait3A_110] : memref<16384x1024xf32, #tpu.memory_space<hbm>> -> memref<16384x1024xf32, #tpu.memory_space<hbm>>
    tpu.wait_indirect_dma semaphore(%arg8 : memref<!tpu.dma_semaphore, #tpu.memory_space<semaphore_mem>>) src(%dma_wait3A_111 : memref<16384x1024xf32, #tpu.memory_space<hbm>>) dst(%arg6 : memref<32x1024xf32, #tpu.memory_space<vmem>>)
    %add3A_112 = arith.constant 256 : i32
    %add3A_113 = arith.addi %mul3A_2, %add3A_112 : i32
    "tpu.region"() ({
      %run_scoped3A = tpu.sem_alloc : memref<!tpu.dma_semaphore, #tpu.memory_space<semaphore_mem>>
      %dma_start3A_193 = arith.constant 0 : i32
      %dma_start3A_194 = tpu.memref_slice %arg4[%add3A_113, %dma_start3A_193] : memref<16384x1024xf32, #tpu.memory_space<hbm>> -> memref<32x1024xf32, #tpu.memory_space<hbm>>
      %dma_start3A_195 = arith.constant 0 : i32
      %dma_start3A_196 = tpu.memref_slice %arg4[%add3A_113, %dma_start3A_195] : memref<16384x1024xf32, #tpu.memory_space<hbm>> -> memref<32x1024xf32, #tpu.memory_space<hbm>>
      tpu.enqueue_dma source(%arg6 : memref<32x1024xf32, #tpu.memory_space<vmem>>) target(%dma_start3A_196 : memref<32x1024xf32, #tpu.memory_space<hbm>>) target_semaphore(%run_scoped3A : memref<!tpu.dma_semaphore, #tpu.memory_space<semaphore_mem>>)
      %dma_wait3A_197 = arith.constant 0 : i32
      %dma_wait3A_198 = tpu.memref_slice %arg4[%add3A_113, %dma_wait3A_197] : memref<16384x1024xf32, #tpu.memory_space<hbm>> -> memref<32x1024xf32, #tpu.memory_space<hbm>>
      %dma_wait3A_199 = arith.constant 0 : i32
      %dma_wait3A_200 = tpu.memref_slice %arg4[%add3A_113, %dma_wait3A_199] : memref<16384x1024xf32, #tpu.memory_space<hbm>> -> memref<32x1024xf32, #tpu.memory_space<hbm>>
      tpu.wait_dma2 semaphore(%run_scoped3A : memref<!tpu.dma_semaphore, #tpu.memory_space<semaphore_mem>>) src(%arg6 : memref<32x1024xf32, #tpu.memory_space<vmem>>) dst(%dma_wait3A_200 : memref<32x1024xf32, #tpu.memory_space<hbm>>)
      tpu.yield
    }) : () -> ()
    %dma_start3A_114 = arith.constant 320 : i32
    %dma_start3A_115 = tpu.memref_slice %arg5[%dma_start3A_114] : memref<512xi32, #tpu.memory_space<vmem>> -> memref<32xi32, #tpu.memory_space<vmem>>
    %dma_start3A_116 = arith.constant 0 : i32
    %dma_start3A_117 = arith.constant 0 : i32
    %dma_start3A_118 = tpu.memref_slice %arg2[%dma_start3A_116, %dma_start3A_117] : memref<16384x1024xf32, #tpu.memory_space<hbm>> -> memref<16384x1024xf32, #tpu.memory_space<hbm>>
    tpu.enqueue_indirect_dma source(%dma_start3A_118 : memref<16384x1024xf32, #tpu.memory_space<hbm>>) target(%arg6 : memref<32x1024xf32, #tpu.memory_space<vmem>>) offsets(%dma_start3A_115 : memref<32xi32, #tpu.memory_space<vmem>>) semaphore(%arg8 : memref<!tpu.dma_semaphore, #tpu.memory_space<semaphore_mem>>)
    %dma_wait3A_119 = arith.constant 288 : i32
    %dma_wait3A_120 = tpu.memref_slice %arg5[%dma_wait3A_119] : memref<512xi32, #tpu.memory_space<vmem>> -> memref<32xi32, #tpu.memory_space<vmem>>
    %dma_wait3A_121 = arith.constant 0 : i32
    %dma_wait3A_122 = arith.constant 0 : i32
    %dma_wait3A_123 = tpu.memref_slice %arg2[%dma_wait3A_121, %dma_wait3A_122] : memref<16384x1024xf32, #tpu.memory_space<hbm>> -> memref<16384x1024xf32, #tpu.memory_space<hbm>>
    tpu.wait_indirect_dma semaphore(%arg9 : memref<!tpu.dma_semaphore, #tpu.memory_space<semaphore_mem>>) src(%dma_wait3A_123 : memref<16384x1024xf32, #tpu.memory_space<hbm>>) dst(%arg7 : memref<32x1024xf32, #tpu.memory_space<vmem>>)
    %add3A_124 = arith.constant 288 : i32
    %add3A_125 = arith.addi %mul3A_2, %add3A_124 : i32
    "tpu.region"() ({
      %run_scoped3A = tpu.sem_alloc : memref<!tpu.dma_semaphore, #tpu.memory_space<semaphore_mem>>
      %dma_start3A_193 = arith.constant 0 : i32
      %dma_start3A_194 = tpu.memref_slice %arg4[%add3A_125, %dma_start3A_193] : memref<16384x1024xf32, #tpu.memory_space<hbm>> -> memref<32x1024xf32, #tpu.memory_space<hbm>>
      %dma_start3A_195 = arith.constant 0 : i32
      %dma_start3A_196 = tpu.memref_slice %arg4[%add3A_125, %dma_start3A_195] : memref<16384x1024xf32, #tpu.memory_space<hbm>> -> memref<32x1024xf32, #tpu.memory_space<hbm>>
      tpu.enqueue_dma source(%arg7 : memref<32x1024xf32, #tpu.memory_space<vmem>>) target(%dma_start3A_196 : memref<32x1024xf32, #tpu.memory_space<hbm>>) target_semaphore(%run_scoped3A : memref<!tpu.dma_semaphore, #tpu.memory_space<semaphore_mem>>)
      %dma_wait3A_197 = arith.constant 0 : i32
      %dma_wait3A_198 = tpu.memref_slice %arg4[%add3A_125, %dma_wait3A_197] : memref<16384x1024xf32, #tpu.memory_space<hbm>> -> memref<32x1024xf32, #tpu.memory_space<hbm>>
      %dma_wait3A_199 = arith.constant 0 : i32
      %dma_wait3A_200 = tpu.memref_slice %arg4[%add3A_125, %dma_wait3A_199] : memref<16384x1024xf32, #tpu.memory_space<hbm>> -> memref<32x1024xf32, #tpu.memory_space<hbm>>
      tpu.wait_dma2 semaphore(%run_scoped3A : memref<!tpu.dma_semaphore, #tpu.memory_space<semaphore_mem>>) src(%arg7 : memref<32x1024xf32, #tpu.memory_space<vmem>>) dst(%dma_wait3A_200 : memref<32x1024xf32, #tpu.memory_space<hbm>>)
      tpu.yield
    }) : () -> ()
    %dma_start3A_126 = arith.constant 352 : i32
    %dma_start3A_127 = tpu.memref_slice %arg5[%dma_start3A_126] : memref<512xi32, #tpu.memory_space<vmem>> -> memref<32xi32, #tpu.memory_space<vmem>>
    %dma_start3A_128 = arith.constant 0 : i32
    %dma_start3A_129 = arith.constant 0 : i32
    %dma_start3A_130 = tpu.memref_slice %arg2[%dma_start3A_128, %dma_start3A_129] : memref<16384x1024xf32, #tpu.memory_space<hbm>> -> memref<16384x1024xf32, #tpu.memory_space<hbm>>
    tpu.enqueue_indirect_dma source(%dma_start3A_130 : memref<16384x1024xf32, #tpu.memory_space<hbm>>) target(%arg7 : memref<32x1024xf32, #tpu.memory_space<vmem>>) offsets(%dma_start3A_127 : memref<32xi32, #tpu.memory_space<vmem>>) semaphore(%arg9 : memref<!tpu.dma_semaphore, #tpu.memory_space<semaphore_mem>>)
    %dma_wait3A_131 = arith.constant 320 : i32
    %dma_wait3A_132 = tpu.memref_slice %arg5[%dma_wait3A_131] : memref<512xi32, #tpu.memory_space<vmem>> -> memref<32xi32, #tpu.memory_space<vmem>>
    %dma_wait3A_133 = arith.constant 0 : i32
    %dma_wait3A_134 = arith.constant 0 : i32
    %dma_wait3A_135 = tpu.memref_slice %arg2[%dma_wait3A_133, %dma_wait3A_134] : memref<16384x1024xf32, #tpu.memory_space<hbm>> -> memref<16384x1024xf32, #tpu.memory_space<hbm>>
    tpu.wait_indirect_dma semaphore(%arg8 : memref<!tpu.dma_semaphore, #tpu.memory_space<semaphore_mem>>) src(%dma_wait3A_135 : memref<16384x1024xf32, #tpu.memory_space<hbm>>) dst(%arg6 : memref<32x1024xf32, #tpu.memory_space<vmem>>)
    %add3A_136 = arith.constant 320 : i32
    %add3A_137 = arith.addi %mul3A_2, %add3A_136 : i32
    "tpu.region"() ({
      %run_scoped3A = tpu.sem_alloc : memref<!tpu.dma_semaphore, #tpu.memory_space<semaphore_mem>>
      %dma_start3A_193 = arith.constant 0 : i32
      %dma_start3A_194 = tpu.memref_slice %arg4[%add3A_137, %dma_start3A_193] : memref<16384x1024xf32, #tpu.memory_space<hbm>> -> memref<32x1024xf32, #tpu.memory_space<hbm>>
      %dma_start3A_195 = arith.constant 0 : i32
      %dma_start3A_196 = tpu.memref_slice %arg4[%add3A_137, %dma_start3A_195] : memref<16384x1024xf32, #tpu.memory_space<hbm>> -> memref<32x1024xf32, #tpu.memory_space<hbm>>
      tpu.enqueue_dma source(%arg6 : memref<32x1024xf32, #tpu.memory_space<vmem>>) target(%dma_start3A_196 : memref<32x1024xf32, #tpu.memory_space<hbm>>) target_semaphore(%run_scoped3A : memref<!tpu.dma_semaphore, #tpu.memory_space<semaphore_mem>>)
      %dma_wait3A_197 = arith.constant 0 : i32
      %dma_wait3A_198 = tpu.memref_slice %arg4[%add3A_137, %dma_wait3A_197] : memref<16384x1024xf32, #tpu.memory_space<hbm>> -> memref<32x1024xf32, #tpu.memory_space<hbm>>
      %dma_wait3A_199 = arith.constant 0 : i32
      %dma_wait3A_200 = tpu.memref_slice %arg4[%add3A_137, %dma_wait3A_199] : memref<16384x1024xf32, #tpu.memory_space<hbm>> -> memref<32x1024xf32, #tpu.memory_space<hbm>>
      tpu.wait_dma2 semaphore(%run_scoped3A : memref<!tpu.dma_semaphore, #tpu.memory_space<semaphore_mem>>) src(%arg6 : memref<32x1024xf32, #tpu.memory_space<vmem>>) dst(%dma_wait3A_200 : memref<32x1024xf32, #tpu.memory_space<hbm>>)
      tpu.yield
    }) : () -> ()
    %dma_start3A_138 = arith.constant 384 : i32
    %dma_start3A_139 = tpu.memref_slice %arg5[%dma_start3A_138] : memref<512xi32, #tpu.memory_space<vmem>> -> memref<32xi32, #tpu.memory_space<vmem>>
    %dma_start3A_140 = arith.constant 0 : i32
    %dma_start3A_141 = arith.constant 0 : i32
    %dma_start3A_142 = tpu.memref_slice %arg2[%dma_start3A_140, %dma_start3A_141] : memref<16384x1024xf32, #tpu.memory_space<hbm>> -> memref<16384x1024xf32, #tpu.memory_space<hbm>>
    tpu.enqueue_indirect_dma source(%dma_start3A_142 : memref<16384x1024xf32, #tpu.memory_space<hbm>>) target(%arg6 : memref<32x1024xf32, #tpu.memory_space<vmem>>) offsets(%dma_start3A_139 : memref<32xi32, #tpu.memory_space<vmem>>) semaphore(%arg8 : memref<!tpu.dma_semaphore, #tpu.memory_space<semaphore_mem>>)
    %dma_wait3A_143 = arith.constant 352 : i32
    %dma_wait3A_144 = tpu.memref_slice %arg5[%dma_wait3A_143] : memref<512xi32, #tpu.memory_space<vmem>> -> memref<32xi32, #tpu.memory_space<vmem>>
    %dma_wait3A_145 = arith.constant 0 : i32
    %dma_wait3A_146 = arith.constant 0 : i32
    %dma_wait3A_147 = tpu.memref_slice %arg2[%dma_wait3A_145, %dma_wait3A_146] : memref<16384x1024xf32, #tpu.memory_space<hbm>> -> memref<16384x1024xf32, #tpu.memory_space<hbm>>
    tpu.wait_indirect_dma semaphore(%arg9 : memref<!tpu.dma_semaphore, #tpu.memory_space<semaphore_mem>>) src(%dma_wait3A_147 : memref<16384x1024xf32, #tpu.memory_space<hbm>>) dst(%arg7 : memref<32x1024xf32, #tpu.memory_space<vmem>>)
    %add3A_148 = arith.constant 352 : i32
    %add3A_149 = arith.addi %mul3A_2, %add3A_148 : i32
    "tpu.region"() ({
      %run_scoped3A = tpu.sem_alloc : memref<!tpu.dma_semaphore, #tpu.memory_space<semaphore_mem>>
      %dma_start3A_193 = arith.constant 0 : i32
      %dma_start3A_194 = tpu.memref_slice %arg4[%add3A_149, %dma_start3A_193] : memref<16384x1024xf32, #tpu.memory_space<hbm>> -> memref<32x1024xf32, #tpu.memory_space<hbm>>
      %dma_start3A_195 = arith.constant 0 : i32
      %dma_start3A_196 = tpu.memref_slice %arg4[%add3A_149, %dma_start3A_195] : memref<16384x1024xf32, #tpu.memory_space<hbm>> -> memref<32x1024xf32, #tpu.memory_space<hbm>>
      tpu.enqueue_dma source(%arg7 : memref<32x1024xf32, #tpu.memory_space<vmem>>) target(%dma_start3A_196 : memref<32x1024xf32, #tpu.memory_space<hbm>>) target_semaphore(%run_scoped3A : memref<!tpu.dma_semaphore, #tpu.memory_space<semaphore_mem>>)
      %dma_wait3A_197 = arith.constant 0 : i32
      %dma_wait3A_198 = tpu.memref_slice %arg4[%add3A_149, %dma_wait3A_197] : memref<16384x1024xf32, #tpu.memory_space<hbm>> -> memref<32x1024xf32, #tpu.memory_space<hbm>>
      %dma_wait3A_199 = arith.constant 0 : i32
      %dma_wait3A_200 = tpu.memref_slice %arg4[%add3A_149, %dma_wait3A_199] : memref<16384x1024xf32, #tpu.memory_space<hbm>> -> memref<32x1024xf32, #tpu.memory_space<hbm>>
      tpu.wait_dma2 semaphore(%run_scoped3A : memref<!tpu.dma_semaphore, #tpu.memory_space<semaphore_mem>>) src(%arg7 : memref<32x1024xf32, #tpu.memory_space<vmem>>) dst(%dma_wait3A_200 : memref<32x1024xf32, #tpu.memory_space<hbm>>)
      tpu.yield
    }) : () -> ()
    %dma_start3A_150 = arith.constant 416 : i32
    %dma_start3A_151 = tpu.memref_slice %arg5[%dma_start3A_150] : memref<512xi32, #tpu.memory_space<vmem>> -> memref<32xi32, #tpu.memory_space<vmem>>
    %dma_start3A_152 = arith.constant 0 : i32
    %dma_start3A_153 = arith.constant 0 : i32
    %dma_start3A_154 = tpu.memref_slice %arg2[%dma_start3A_152, %dma_start3A_153] : memref<16384x1024xf32, #tpu.memory_space<hbm>> -> memref<16384x1024xf32, #tpu.memory_space<hbm>>
    tpu.enqueue_indirect_dma source(%dma_start3A_154 : memref<16384x1024xf32, #tpu.memory_space<hbm>>) target(%arg7 : memref<32x1024xf32, #tpu.memory_space<vmem>>) offsets(%dma_start3A_151 : memref<32xi32, #tpu.memory_space<vmem>>) semaphore(%arg9 : memref<!tpu.dma_semaphore, #tpu.memory_space<semaphore_mem>>)
    %dma_wait3A_155 = arith.constant 384 : i32
    %dma_wait3A_156 = tpu.memref_slice %arg5[%dma_wait3A_155] : memref<512xi32, #tpu.memory_space<vmem>> -> memref<32xi32, #tpu.memory_space<vmem>>
    %dma_wait3A_157 = arith.constant 0 : i32
    %dma_wait3A_158 = arith.constant 0 : i32
    %dma_wait3A_159 = tpu.memref_slice %arg2[%dma_wait3A_157, %dma_wait3A_158] : memref<16384x1024xf32, #tpu.memory_space<hbm>> -> memref<16384x1024xf32, #tpu.memory_space<hbm>>
    tpu.wait_indirect_dma semaphore(%arg8 : memref<!tpu.dma_semaphore, #tpu.memory_space<semaphore_mem>>) src(%dma_wait3A_159 : memref<16384x1024xf32, #tpu.memory_space<hbm>>) dst(%arg6 : memref<32x1024xf32, #tpu.memory_space<vmem>>)
    %add3A_160 = arith.constant 384 : i32
    %add3A_161 = arith.addi %mul3A_2, %add3A_160 : i32
    "tpu.region"() ({
      %run_scoped3A = tpu.sem_alloc : memref<!tpu.dma_semaphore, #tpu.memory_space<semaphore_mem>>
      %dma_start3A_193 = arith.constant 0 : i32
      %dma_start3A_194 = tpu.memref_slice %arg4[%add3A_161, %dma_start3A_193] : memref<16384x1024xf32, #tpu.memory_space<hbm>> -> memref<32x1024xf32, #tpu.memory_space<hbm>>
      %dma_start3A_195 = arith.constant 0 : i32
      %dma_start3A_196 = tpu.memref_slice %arg4[%add3A_161, %dma_start3A_195] : memref<16384x1024xf32, #tpu.memory_space<hbm>> -> memref<32x1024xf32, #tpu.memory_space<hbm>>
      tpu.enqueue_dma source(%arg6 : memref<32x1024xf32, #tpu.memory_space<vmem>>) target(%dma_start3A_196 : memref<32x1024xf32, #tpu.memory_space<hbm>>) target_semaphore(%run_scoped3A : memref<!tpu.dma_semaphore, #tpu.memory_space<semaphore_mem>>)
      %dma_wait3A_197 = arith.constant 0 : i32
      %dma_wait3A_198 = tpu.memref_slice %arg4[%add3A_161, %dma_wait3A_197] : memref<16384x1024xf32, #tpu.memory_space<hbm>> -> memref<32x1024xf32, #tpu.memory_space<hbm>>
      %dma_wait3A_199 = arith.constant 0 : i32
      %dma_wait3A_200 = tpu.memref_slice %arg4[%add3A_161, %dma_wait3A_199] : memref<16384x1024xf32, #tpu.memory_space<hbm>> -> memref<32x1024xf32, #tpu.memory_space<hbm>>
      tpu.wait_dma2 semaphore(%run_scoped3A : memref<!tpu.dma_semaphore, #tpu.memory_space<semaphore_mem>>) src(%arg6 : memref<32x1024xf32, #tpu.memory_space<vmem>>) dst(%dma_wait3A_200 : memref<32x1024xf32, #tpu.memory_space<hbm>>)
      tpu.yield
    }) : () -> ()
    %dma_start3A_162 = arith.constant 448 : i32
    %dma_start3A_163 = tpu.memref_slice %arg5[%dma_start3A_162] : memref<512xi32, #tpu.memory_space<vmem>> -> memref<32xi32, #tpu.memory_space<vmem>>
    %dma_start3A_164 = arith.constant 0 : i32
    %dma_start3A_165 = arith.constant 0 : i32
    %dma_start3A_166 = tpu.memref_slice %arg2[%dma_start3A_164, %dma_start3A_165] : memref<16384x1024xf32, #tpu.memory_space<hbm>> -> memref<16384x1024xf32, #tpu.memory_space<hbm>>
    tpu.enqueue_indirect_dma source(%dma_start3A_166 : memref<16384x1024xf32, #tpu.memory_space<hbm>>) target(%arg6 : memref<32x1024xf32, #tpu.memory_space<vmem>>) offsets(%dma_start3A_163 : memref<32xi32, #tpu.memory_space<vmem>>) semaphore(%arg8 : memref<!tpu.dma_semaphore, #tpu.memory_space<semaphore_mem>>)
    %dma_wait3A_167 = arith.constant 416 : i32
    %dma_wait3A_168 = tpu.memref_slice %arg5[%dma_wait3A_167] : memref<512xi32, #tpu.memory_space<vmem>> -> memref<32xi32, #tpu.memory_space<vmem>>
    %dma_wait3A_169 = arith.constant 0 : i32
    %dma_wait3A_170 = arith.constant 0 : i32
    %dma_wait3A_171 = tpu.memref_slice %arg2[%dma_wait3A_169, %dma_wait3A_170] : memref<16384x1024xf32, #tpu.memory_space<hbm>> -> memref<16384x1024xf32, #tpu.memory_space<hbm>>
    tpu.wait_indirect_dma semaphore(%arg9 : memref<!tpu.dma_semaphore, #tpu.memory_space<semaphore_mem>>) src(%dma_wait3A_171 : memref<16384x1024xf32, #tpu.memory_space<hbm>>) dst(%arg7 : memref<32x1024xf32, #tpu.memory_space<vmem>>)
    %add3A_172 = arith.constant 416 : i32
    %add3A_173 = arith.addi %mul3A_2, %add3A_172 : i32
    "tpu.region"() ({
      %run_scoped3A = tpu.sem_alloc : memref<!tpu.dma_semaphore, #tpu.memory_space<semaphore_mem>>
      %dma_start3A_193 = arith.constant 0 : i32
      %dma_start3A_194 = tpu.memref_slice %arg4[%add3A_173, %dma_start3A_193] : memref<16384x1024xf32, #tpu.memory_space<hbm>> -> memref<32x1024xf32, #tpu.memory_space<hbm>>
      %dma_start3A_195 = arith.constant 0 : i32
      %dma_start3A_196 = tpu.memref_slice %arg4[%add3A_173, %dma_start3A_195] : memref<16384x1024xf32, #tpu.memory_space<hbm>> -> memref<32x1024xf32, #tpu.memory_space<hbm>>
      tpu.enqueue_dma source(%arg7 : memref<32x1024xf32, #tpu.memory_space<vmem>>) target(%dma_start3A_196 : memref<32x1024xf32, #tpu.memory_space<hbm>>) target_semaphore(%run_scoped3A : memref<!tpu.dma_semaphore, #tpu.memory_space<semaphore_mem>>)
      %dma_wait3A_197 = arith.constant 0 : i32
      %dma_wait3A_198 = tpu.memref_slice %arg4[%add3A_173, %dma_wait3A_197] : memref<16384x1024xf32, #tpu.memory_space<hbm>> -> memref<32x1024xf32, #tpu.memory_space<hbm>>
      %dma_wait3A_199 = arith.constant 0 : i32
      %dma_wait3A_200 = tpu.memref_slice %arg4[%add3A_173, %dma_wait3A_199] : memref<16384x1024xf32, #tpu.memory_space<hbm>> -> memref<32x1024xf32, #tpu.memory_space<hbm>>
      tpu.wait_dma2 semaphore(%run_scoped3A : memref<!tpu.dma_semaphore, #tpu.memory_space<semaphore_mem>>) src(%arg7 : memref<32x1024xf32, #tpu.memory_space<vmem>>) dst(%dma_wait3A_200 : memref<32x1024xf32, #tpu.memory_space<hbm>>)
      tpu.yield
    }) : () -> ()
    %dma_start3A_174 = arith.constant 480 : i32
    %dma_start3A_175 = tpu.memref_slice %arg5[%dma_start3A_174] : memref<512xi32, #tpu.memory_space<vmem>> -> memref<32xi32, #tpu.memory_space<vmem>>
    %dma_start3A_176 = arith.constant 0 : i32
    %dma_start3A_177 = arith.constant 0 : i32
    %dma_start3A_178 = tpu.memref_slice %arg2[%dma_start3A_176, %dma_start3A_177] : memref<16384x1024xf32, #tpu.memory_space<hbm>> -> memref<16384x1024xf32, #tpu.memory_space<hbm>>
    tpu.enqueue_indirect_dma source(%dma_start3A_178 : memref<16384x1024xf32, #tpu.memory_space<hbm>>) target(%arg7 : memref<32x1024xf32, #tpu.memory_space<vmem>>) offsets(%dma_start3A_175 : memref<32xi32, #tpu.memory_space<vmem>>) semaphore(%arg9 : memref<!tpu.dma_semaphore, #tpu.memory_space<semaphore_mem>>)
    %dma_wait3A_179 = arith.constant 448 : i32
    %dma_wait3A_180 = tpu.memref_slice %arg5[%dma_wait3A_179] : memref<512xi32, #tpu.memory_space<vmem>> -> memref<32xi32, #tpu.memory_space<vmem>>
    %dma_wait3A_181 = arith.constant 0 : i32
    %dma_wait3A_182 = arith.constant 0 : i32
    %dma_wait3A_183 = tpu.memref_slice %arg2[%dma_wait3A_181, %dma_wait3A_182] : memref<16384x1024xf32, #tpu.memory_space<hbm>> -> memref<16384x1024xf32, #tpu.memory_space<hbm>>
    tpu.wait_indirect_dma semaphore(%arg8 : memref<!tpu.dma_semaphore, #tpu.memory_space<semaphore_mem>>) src(%dma_wait3A_183 : memref<16384x1024xf32, #tpu.memory_space<hbm>>) dst(%arg6 : memref<32x1024xf32, #tpu.memory_space<vmem>>)
    %add3A_184 = arith.constant 448 : i32
    %add3A_185 = arith.addi %mul3A_2, %add3A_184 : i32
    "tpu.region"() ({
      %run_scoped3A = tpu.sem_alloc : memref<!tpu.dma_semaphore, #tpu.memory_space<semaphore_mem>>
      %dma_start3A_193 = arith.constant 0 : i32
      %dma_start3A_194 = tpu.memref_slice %arg4[%add3A_185, %dma_start3A_193] : memref<16384x1024xf32, #tpu.memory_space<hbm>> -> memref<32x1024xf32, #tpu.memory_space<hbm>>
      %dma_start3A_195 = arith.constant 0 : i32
      %dma_start3A_196 = tpu.memref_slice %arg4[%add3A_185, %dma_start3A_195] : memref<16384x1024xf32, #tpu.memory_space<hbm>> -> memref<32x1024xf32, #tpu.memory_space<hbm>>
      tpu.enqueue_dma source(%arg6 : memref<32x1024xf32, #tpu.memory_space<vmem>>) target(%dma_start3A_196 : memref<32x1024xf32, #tpu.memory_space<hbm>>) target_semaphore(%run_scoped3A : memref<!tpu.dma_semaphore, #tpu.memory_space<semaphore_mem>>)
      %dma_wait3A_197 = arith.constant 0 : i32
      %dma_wait3A_198 = tpu.memref_slice %arg4[%add3A_185, %dma_wait3A_197] : memref<16384x1024xf32, #tpu.memory_space<hbm>> -> memref<32x1024xf32, #tpu.memory_space<hbm>>
      %dma_wait3A_199 = arith.constant 0 : i32
      %dma_wait3A_200 = tpu.memref_slice %arg4[%add3A_185, %dma_wait3A_199] : memref<16384x1024xf32, #tpu.memory_space<hbm>> -> memref<32x1024xf32, #tpu.memory_space<hbm>>
      tpu.wait_dma2 semaphore(%run_scoped3A : memref<!tpu.dma_semaphore, #tpu.memory_space<semaphore_mem>>) src(%arg6 : memref<32x1024xf32, #tpu.memory_space<vmem>>) dst(%dma_wait3A_200 : memref<32x1024xf32, #tpu.memory_space<hbm>>)
      tpu.yield
    }) : () -> ()
    %dma_wait3A_186 = arith.constant 480 : i32
    %dma_wait3A_187 = tpu.memref_slice %arg5[%dma_wait3A_186] : memref<512xi32, #tpu.memory_space<vmem>> -> memref<32xi32, #tpu.memory_space<vmem>>
    %dma_wait3A_188 = arith.constant 0 : i32
    %dma_wait3A_189 = arith.constant 0 : i32
    %dma_wait3A_190 = tpu.memref_slice %arg2[%dma_wait3A_188, %dma_wait3A_189] : memref<16384x1024xf32, #tpu.memory_space<hbm>> -> memref<16384x1024xf32, #tpu.memory_space<hbm>>
    tpu.wait_indirect_dma semaphore(%arg9 : memref<!tpu.dma_semaphore, #tpu.memory_space<semaphore_mem>>) src(%dma_wait3A_190 : memref<16384x1024xf32, #tpu.memory_space<hbm>>) dst(%arg7 : memref<32x1024xf32, #tpu.memory_space<vmem>>)
    %add3A_191 = arith.constant 480 : i32
    %add3A_192 = arith.addi %mul3A_2, %add3A_191 : i32
    "tpu.region"() ({
      %run_scoped3A = tpu.sem_alloc : memref<!tpu.dma_semaphore, #tpu.memory_space<semaphore_mem>>
      %dma_start3A_193 = arith.constant 0 : i32
      %dma_start3A_194 = tpu.memref_slice %arg4[%add3A_192, %dma_start3A_193] : memref<16384x1024xf32, #tpu.memory_space<hbm>> -> memref<32x1024xf32, #tpu.memory_space<hbm>>
      %dma_start3A_195 = arith.constant 0 : i32
      %dma_start3A_196 = tpu.memref_slice %arg4[%add3A_192, %dma_start3A_195] : memref<16384x1024xf32, #tpu.memory_space<hbm>> -> memref<32x1024xf32, #tpu.memory_space<hbm>>
      tpu.enqueue_dma source(%arg7 : memref<32x1024xf32, #tpu.memory_space<vmem>>) target(%dma_start3A_196 : memref<32x1024xf32, #tpu.memory_space<hbm>>) target_semaphore(%run_scoped3A : memref<!tpu.dma_semaphore, #tpu.memory_space<semaphore_mem>>)
      %dma_wait3A_197 = arith.constant 0 : i32
      %dma_wait3A_198 = tpu.memref_slice %arg4[%add3A_192, %dma_wait3A_197] : memref<16384x1024xf32, #tpu.memory_space<hbm>> -> memref<32x1024xf32, #tpu.memory_space<hbm>>
      %dma_wait3A_199 = arith.constant 0 : i32
      %dma_wait3A_200 = tpu.memref_slice %arg4[%add3A_192, %dma_wait3A_199] : memref<16384x1024xf32, #tpu.memory_space<hbm>> -> memref<32x1024xf32, #tpu.memory_space<hbm>>
      tpu.wait_dma2 semaphore(%run_scoped3A : memref<!tpu.dma_semaphore, #tpu.memory_space<semaphore_mem>>) src(%arg7 : memref<32x1024xf32, #tpu.memory_space<vmem>>) dst(%dma_wait3A_200 : memref<32x1024xf32, #tpu.memory_space<hbm>>)
      tpu.yield
    }) : () -> ()
    return
  }
}

#map = affine_map<(d0, d1) -> (0)>
#map1 = affine_map<(d0, d1) -> (0, 0)>
module attributes {stable_mosaic.version = 14 : i64} {
  func.func @k(%arg0: i32, %arg1: i32, %arg2: memref<16384xi32, #tpu.memory_space<hbm>>, %arg3: memref<16384xi32, #tpu.memory_space<hbm>>, %arg4: memref<16384xf32, #tpu.memory_space<hbm>>, %arg5: memref<2048x1024xf32, #tpu.memory_space<hbm>>, %arg6: memref<16384x1024xf32, #tpu.memory_space<hbm>>, %arg7: memref<16384xf32, #tpu.memory_space<hbm>>, %arg8: memref<1024xi32, #tpu.memory_space<vmem>>, %arg9: memref<1024xi32, #tpu.memory_space<vmem>>, %arg10: memref<1024xf32, #tpu.memory_space<vmem>>, %arg11: memref<512xi32, #tpu.memory_space<vmem>>, %arg12: memref<32x1024xf32, #tpu.memory_space<vmem>>, %arg13: memref<32x1024xf32, #tpu.memory_space<vmem>>, %arg14: memref<16384xi32, #tpu.memory_space<vmem_shared>>, %arg15: memref<16384xf32, #tpu.memory_space<vmem_shared>>, %arg16: memref<!tpu.dma_semaphore, #tpu.memory_space<semaphore_mem>>, %arg17: memref<!tpu.dma_semaphore, #tpu.memory_space<semaphore_mem>>) attributes {dimension_semantics = [#tpu.dimension_semantics<core_parallel>, #tpu.dimension_semantics<subcore_parallel>], iteration_bounds = array<i64: 2, 16>, scalar_prefetch = 0 : i64, scratch_operands = 10 : i64, tpu.core_type = #tpu.core_type<sc_vector_subcore>, window_params = [{transform_indices = #map}, {transform_indices = #map}, {transform_indices = #map}, {transform_indices = #map1}, {transform_indices = #map1}, {transform_indices = #map}]} {
    %mul3A = arith.constant 1024 : i32
    %mul3A_0 = arith.muli %arg1, %mul3A : i32
    "tpu.region"() ({
      %run_scoped3A = tpu.sem_alloc : memref<!tpu.dma_semaphore, #tpu.memory_space<semaphore_mem>>
      %dma_start3A_195 = tpu.memref_slice %arg2[%mul3A_0] : memref<16384xi32, #tpu.memory_space<hbm>> -> memref<1024xi32, #tpu.memory_space<hbm>>
      %dma_start3A_196 = tpu.memref_slice %arg2[%mul3A_0] : memref<16384xi32, #tpu.memory_space<hbm>> -> memref<1024xi32, #tpu.memory_space<hbm>>
      tpu.enqueue_dma source(%dma_start3A_196 : memref<1024xi32, #tpu.memory_space<hbm>>) target(%arg8 : memref<1024xi32, #tpu.memory_space<vmem>>) target_semaphore(%run_scoped3A : memref<!tpu.dma_semaphore, #tpu.memory_space<semaphore_mem>>)
      %dma_wait3A_197 = tpu.memref_slice %arg2[%mul3A_0] : memref<16384xi32, #tpu.memory_space<hbm>> -> memref<1024xi32, #tpu.memory_space<hbm>>
      %dma_wait3A_198 = tpu.memref_slice %arg2[%mul3A_0] : memref<16384xi32, #tpu.memory_space<hbm>> -> memref<1024xi32, #tpu.memory_space<hbm>>
      tpu.wait_dma2 semaphore(%run_scoped3A : memref<!tpu.dma_semaphore, #tpu.memory_space<semaphore_mem>>) src(%dma_wait3A_198 : memref<1024xi32, #tpu.memory_space<hbm>>) dst(%arg8 : memref<1024xi32, #tpu.memory_space<vmem>>)
      tpu.yield
    }) : () -> ()
    "tpu.region"() ({
      %run_scoped3A = tpu.sem_alloc : memref<!tpu.dma_semaphore, #tpu.memory_space<semaphore_mem>>
      %dma_start3A_195 = tpu.memref_slice %arg3[%mul3A_0] : memref<16384xi32, #tpu.memory_space<hbm>> -> memref<1024xi32, #tpu.memory_space<hbm>>
      %dma_start3A_196 = tpu.memref_slice %arg3[%mul3A_0] : memref<16384xi32, #tpu.memory_space<hbm>> -> memref<1024xi32, #tpu.memory_space<hbm>>
      tpu.enqueue_dma source(%dma_start3A_196 : memref<1024xi32, #tpu.memory_space<hbm>>) target(%arg9 : memref<1024xi32, #tpu.memory_space<vmem>>) target_semaphore(%run_scoped3A : memref<!tpu.dma_semaphore, #tpu.memory_space<semaphore_mem>>)
      %dma_wait3A_197 = tpu.memref_slice %arg3[%mul3A_0] : memref<16384xi32, #tpu.memory_space<hbm>> -> memref<1024xi32, #tpu.memory_space<hbm>>
      %dma_wait3A_198 = tpu.memref_slice %arg3[%mul3A_0] : memref<16384xi32, #tpu.memory_space<hbm>> -> memref<1024xi32, #tpu.memory_space<hbm>>
      tpu.wait_dma2 semaphore(%run_scoped3A : memref<!tpu.dma_semaphore, #tpu.memory_space<semaphore_mem>>) src(%dma_wait3A_198 : memref<1024xi32, #tpu.memory_space<hbm>>) dst(%arg9 : memref<1024xi32, #tpu.memory_space<vmem>>)
      tpu.yield
    }) : () -> ()
    "tpu.region"() ({
      %run_scoped3A = tpu.sem_alloc : memref<!tpu.dma_semaphore, #tpu.memory_space<semaphore_mem>>
      %dma_start3A_195 = tpu.memref_slice %arg4[%mul3A_0] : memref<16384xf32, #tpu.memory_space<hbm>> -> memref<1024xf32, #tpu.memory_space<hbm>>
      %dma_start3A_196 = tpu.memref_slice %arg4[%mul3A_0] : memref<16384xf32, #tpu.memory_space<hbm>> -> memref<1024xf32, #tpu.memory_space<hbm>>
      tpu.enqueue_dma source(%dma_start3A_196 : memref<1024xf32, #tpu.memory_space<hbm>>) target(%arg10 : memref<1024xf32, #tpu.memory_space<vmem>>) target_semaphore(%run_scoped3A : memref<!tpu.dma_semaphore, #tpu.memory_space<semaphore_mem>>)
      %dma_wait3A_197 = tpu.memref_slice %arg4[%mul3A_0] : memref<16384xf32, #tpu.memory_space<hbm>> -> memref<1024xf32, #tpu.memory_space<hbm>>
      %dma_wait3A_198 = tpu.memref_slice %arg4[%mul3A_0] : memref<16384xf32, #tpu.memory_space<hbm>> -> memref<1024xf32, #tpu.memory_space<hbm>>
      tpu.wait_dma2 semaphore(%run_scoped3A : memref<!tpu.dma_semaphore, #tpu.memory_space<semaphore_mem>>) src(%dma_wait3A_198 : memref<1024xf32, #tpu.memory_space<hbm>>) dst(%arg10 : memref<1024xf32, #tpu.memory_space<vmem>>)
      tpu.yield
    }) : () -> ()
    "tpu.region"() ({
      %run_scoped3A = tpu.sem_alloc : memref<!tpu.dma_semaphore, #tpu.memory_space<semaphore_mem>>
      %dma_start3A_195 = arith.constant 0 : i32
      %dma_start3A_196 = tpu.memref_slice %arg14[%dma_start3A_195] : memref<16384xi32, #tpu.memory_space<vmem_shared>> -> memref<16384xi32, #tpu.memory_space<vmem_shared>>
      tpu.enqueue_indirect_dma source(%arg9 : memref<1024xi32, #tpu.memory_space<vmem>>) target(%dma_start3A_196 : memref<16384xi32, #tpu.memory_space<vmem_shared>>) offsets(%arg8 : memref<1024xi32, #tpu.memory_space<vmem>>) semaphore(%run_scoped3A : memref<!tpu.dma_semaphore, #tpu.memory_space<semaphore_mem>>)
      %dma_wait3A_197 = arith.constant 0 : i32
      %dma_wait3A_198 = tpu.memref_slice %arg14[%dma_wait3A_197] : memref<16384xi32, #tpu.memory_space<vmem_shared>> -> memref<16384xi32, #tpu.memory_space<vmem_shared>>
      tpu.wait_indirect_dma semaphore(%run_scoped3A : memref<!tpu.dma_semaphore, #tpu.memory_space<semaphore_mem>>) src(%arg9 : memref<1024xi32, #tpu.memory_space<vmem>>) dst(%dma_wait3A_198 : memref<16384xi32, #tpu.memory_space<vmem_shared>>)
      tpu.yield
    }) : () -> ()
    "tpu.region"() ({
      %run_scoped3A = tpu.sem_alloc : memref<!tpu.dma_semaphore, #tpu.memory_space<semaphore_mem>>
      %dma_start3A_195 = arith.constant 0 : i32
      %dma_start3A_196 = tpu.memref_slice %arg15[%dma_start3A_195] : memref<16384xf32, #tpu.memory_space<vmem_shared>> -> memref<16384xf32, #tpu.memory_space<vmem_shared>>
      tpu.enqueue_indirect_dma source(%arg10 : memref<1024xf32, #tpu.memory_space<vmem>>) target(%dma_start3A_196 : memref<16384xf32, #tpu.memory_space<vmem_shared>>) offsets(%arg8 : memref<1024xi32, #tpu.memory_space<vmem>>) semaphore(%run_scoped3A : memref<!tpu.dma_semaphore, #tpu.memory_space<semaphore_mem>>)
      %dma_wait3A_197 = arith.constant 0 : i32
      %dma_wait3A_198 = tpu.memref_slice %arg15[%dma_wait3A_197] : memref<16384xf32, #tpu.memory_space<vmem_shared>> -> memref<16384xf32, #tpu.memory_space<vmem_shared>>
      tpu.wait_indirect_dma semaphore(%run_scoped3A : memref<!tpu.dma_semaphore, #tpu.memory_space<semaphore_mem>>) src(%arg10 : memref<1024xf32, #tpu.memory_space<vmem>>) dst(%dma_wait3A_198 : memref<16384xf32, #tpu.memory_space<vmem_shared>>)
      tpu.yield
    }) : () -> ()
    %barrier3A = arith.constant 0 : index
    tpu.barrier barrier_id(%barrier3A)
    %mul3A_1 = arith.constant 16 : i32
    %mul3A_2 = arith.muli %arg0, %mul3A_1 : i32
    %add3A = arith.addi %mul3A_2, %arg1 : i32
    %mul3A_3 = arith.constant 512 : i32
    %mul3A_4 = arith.muli %add3A, %mul3A_3 : i32
    "tpu.region"() ({
      %run_scoped3A = tpu.sem_alloc : memref<!tpu.dma_semaphore, #tpu.memory_space<semaphore_mem>>
      %dma_start3A_195 = tpu.memref_slice %arg14[%mul3A_4] : memref<16384xi32, #tpu.memory_space<vmem_shared>> -> memref<512xi32, #tpu.memory_space<vmem_shared>>
      %dma_start3A_196 = tpu.memref_slice %arg14[%mul3A_4] : memref<16384xi32, #tpu.memory_space<vmem_shared>> -> memref<512xi32, #tpu.memory_space<vmem_shared>>
      tpu.enqueue_dma source(%dma_start3A_196 : memref<512xi32, #tpu.memory_space<vmem_shared>>) target(%arg11 : memref<512xi32, #tpu.memory_space<vmem>>) target_semaphore(%run_scoped3A : memref<!tpu.dma_semaphore, #tpu.memory_space<semaphore_mem>>)
      %dma_wait3A_197 = tpu.memref_slice %arg14[%mul3A_4] : memref<16384xi32, #tpu.memory_space<vmem_shared>> -> memref<512xi32, #tpu.memory_space<vmem_shared>>
      %dma_wait3A_198 = tpu.memref_slice %arg14[%mul3A_4] : memref<16384xi32, #tpu.memory_space<vmem_shared>> -> memref<512xi32, #tpu.memory_space<vmem_shared>>
      tpu.wait_dma2 semaphore(%run_scoped3A : memref<!tpu.dma_semaphore, #tpu.memory_space<semaphore_mem>>) src(%dma_wait3A_198 : memref<512xi32, #tpu.memory_space<vmem_shared>>) dst(%arg11 : memref<512xi32, #tpu.memory_space<vmem>>)
      tpu.yield
    }) : () -> ()
    "tpu.region"() ({
      %run_scoped3A = tpu.sem_alloc : memref<!tpu.dma_semaphore, #tpu.memory_space<semaphore_mem>>
      %dma_start3A_195 = tpu.memref_slice %arg7[%mul3A_4] : memref<16384xf32, #tpu.memory_space<hbm>> -> memref<512xf32, #tpu.memory_space<hbm>>
      %dma_start3A_196 = tpu.memref_slice %arg15[%mul3A_4] : memref<16384xf32, #tpu.memory_space<vmem_shared>> -> memref<512xf32, #tpu.memory_space<vmem_shared>>
      tpu.enqueue_dma source(%dma_start3A_196 : memref<512xf32, #tpu.memory_space<vmem_shared>>) target(%dma_start3A_195 : memref<512xf32, #tpu.memory_space<hbm>>) target_semaphore(%run_scoped3A : memref<!tpu.dma_semaphore, #tpu.memory_space<semaphore_mem>>)
      %dma_wait3A_197 = tpu.memref_slice %arg7[%mul3A_4] : memref<16384xf32, #tpu.memory_space<hbm>> -> memref<512xf32, #tpu.memory_space<hbm>>
      %dma_wait3A_198 = tpu.memref_slice %arg15[%mul3A_4] : memref<16384xf32, #tpu.memory_space<vmem_shared>> -> memref<512xf32, #tpu.memory_space<vmem_shared>>
      tpu.wait_dma2 semaphore(%run_scoped3A : memref<!tpu.dma_semaphore, #tpu.memory_space<semaphore_mem>>) src(%dma_wait3A_198 : memref<512xf32, #tpu.memory_space<vmem_shared>>) dst(%dma_wait3A_197 : memref<512xf32, #tpu.memory_space<hbm>>)
      tpu.yield
    }) : () -> ()
    %dma_start3A = arith.constant 0 : i32
    %dma_start3A_5 = tpu.memref_slice %arg11[%dma_start3A] : memref<512xi32, #tpu.memory_space<vmem>> -> memref<32xi32, #tpu.memory_space<vmem>>
    %dma_start3A_6 = arith.constant 0 : i32
    %dma_start3A_7 = arith.constant 0 : i32
    %dma_start3A_8 = tpu.memref_slice %arg5[%dma_start3A_6, %dma_start3A_7] : memref<2048x1024xf32, #tpu.memory_space<hbm>> -> memref<2048x1024xf32, #tpu.memory_space<hbm>>
    tpu.enqueue_indirect_dma source(%dma_start3A_8 : memref<2048x1024xf32, #tpu.memory_space<hbm>>) target(%arg12 : memref<32x1024xf32, #tpu.memory_space<vmem>>) offsets(%dma_start3A_5 : memref<32xi32, #tpu.memory_space<vmem>>) semaphore(%arg16 : memref<!tpu.dma_semaphore, #tpu.memory_space<semaphore_mem>>)
    %dma_start3A_9 = arith.constant 32 : i32
    %dma_start3A_10 = tpu.memref_slice %arg11[%dma_start3A_9] : memref<512xi32, #tpu.memory_space<vmem>> -> memref<32xi32, #tpu.memory_space<vmem>>
    %dma_start3A_11 = arith.constant 0 : i32
    %dma_start3A_12 = arith.constant 0 : i32
    %dma_start3A_13 = tpu.memref_slice %arg5[%dma_start3A_11, %dma_start3A_12] : memref<2048x1024xf32, #tpu.memory_space<hbm>> -> memref<2048x1024xf32, #tpu.memory_space<hbm>>
    tpu.enqueue_indirect_dma source(%dma_start3A_13 : memref<2048x1024xf32, #tpu.memory_space<hbm>>) target(%arg13 : memref<32x1024xf32, #tpu.memory_space<vmem>>) offsets(%dma_start3A_10 : memref<32xi32, #tpu.memory_space<vmem>>) semaphore(%arg17 : memref<!tpu.dma_semaphore, #tpu.memory_space<semaphore_mem>>)
    %dma_wait3A = arith.constant 0 : i32
    %dma_wait3A_14 = tpu.memref_slice %arg11[%dma_wait3A] : memref<512xi32, #tpu.memory_space<vmem>> -> memref<32xi32, #tpu.memory_space<vmem>>
    %dma_wait3A_15 = arith.constant 0 : i32
    %dma_wait3A_16 = arith.constant 0 : i32
    %dma_wait3A_17 = tpu.memref_slice %arg5[%dma_wait3A_15, %dma_wait3A_16] : memref<2048x1024xf32, #tpu.memory_space<hbm>> -> memref<2048x1024xf32, #tpu.memory_space<hbm>>
    tpu.wait_indirect_dma semaphore(%arg16 : memref<!tpu.dma_semaphore, #tpu.memory_space<semaphore_mem>>) src(%dma_wait3A_17 : memref<2048x1024xf32, #tpu.memory_space<hbm>>) dst(%arg12 : memref<32x1024xf32, #tpu.memory_space<vmem>>)
    %add3A_18 = arith.constant 0 : i32
    %add3A_19 = arith.addi %mul3A_4, %add3A_18 : i32
    "tpu.region"() ({
      %run_scoped3A = tpu.sem_alloc : memref<!tpu.dma_semaphore, #tpu.memory_space<semaphore_mem>>
      %dma_start3A_195 = arith.constant 0 : i32
      %dma_start3A_196 = tpu.memref_slice %arg6[%add3A_19, %dma_start3A_195] : memref<16384x1024xf32, #tpu.memory_space<hbm>> -> memref<32x1024xf32, #tpu.memory_space<hbm>>
      %dma_start3A_197 = arith.constant 0 : i32
      %dma_start3A_198 = tpu.memref_slice %arg6[%add3A_19, %dma_start3A_197] : memref<16384x1024xf32, #tpu.memory_space<hbm>> -> memref<32x1024xf32, #tpu.memory_space<hbm>>
      tpu.enqueue_dma source(%arg12 : memref<32x1024xf32, #tpu.memory_space<vmem>>) target(%dma_start3A_198 : memref<32x1024xf32, #tpu.memory_space<hbm>>) target_semaphore(%run_scoped3A : memref<!tpu.dma_semaphore, #tpu.memory_space<semaphore_mem>>)
      %dma_wait3A_199 = arith.constant 0 : i32
      %dma_wait3A_200 = tpu.memref_slice %arg6[%add3A_19, %dma_wait3A_199] : memref<16384x1024xf32, #tpu.memory_space<hbm>> -> memref<32x1024xf32, #tpu.memory_space<hbm>>
      %dma_wait3A_201 = arith.constant 0 : i32
      %dma_wait3A_202 = tpu.memref_slice %arg6[%add3A_19, %dma_wait3A_201] : memref<16384x1024xf32, #tpu.memory_space<hbm>> -> memref<32x1024xf32, #tpu.memory_space<hbm>>
      tpu.wait_dma2 semaphore(%run_scoped3A : memref<!tpu.dma_semaphore, #tpu.memory_space<semaphore_mem>>) src(%arg12 : memref<32x1024xf32, #tpu.memory_space<vmem>>) dst(%dma_wait3A_202 : memref<32x1024xf32, #tpu.memory_space<hbm>>)
      tpu.yield
    }) : () -> ()
    %dma_start3A_20 = arith.constant 64 : i32
    %dma_start3A_21 = tpu.memref_slice %arg11[%dma_start3A_20] : memref<512xi32, #tpu.memory_space<vmem>> -> memref<32xi32, #tpu.memory_space<vmem>>
    %dma_start3A_22 = arith.constant 0 : i32
    %dma_start3A_23 = arith.constant 0 : i32
    %dma_start3A_24 = tpu.memref_slice %arg5[%dma_start3A_22, %dma_start3A_23] : memref<2048x1024xf32, #tpu.memory_space<hbm>> -> memref<2048x1024xf32, #tpu.memory_space<hbm>>
    tpu.enqueue_indirect_dma source(%dma_start3A_24 : memref<2048x1024xf32, #tpu.memory_space<hbm>>) target(%arg12 : memref<32x1024xf32, #tpu.memory_space<vmem>>) offsets(%dma_start3A_21 : memref<32xi32, #tpu.memory_space<vmem>>) semaphore(%arg16 : memref<!tpu.dma_semaphore, #tpu.memory_space<semaphore_mem>>)
    %dma_wait3A_25 = arith.constant 32 : i32
    %dma_wait3A_26 = tpu.memref_slice %arg11[%dma_wait3A_25] : memref<512xi32, #tpu.memory_space<vmem>> -> memref<32xi32, #tpu.memory_space<vmem>>
    %dma_wait3A_27 = arith.constant 0 : i32
    %dma_wait3A_28 = arith.constant 0 : i32
    %dma_wait3A_29 = tpu.memref_slice %arg5[%dma_wait3A_27, %dma_wait3A_28] : memref<2048x1024xf32, #tpu.memory_space<hbm>> -> memref<2048x1024xf32, #tpu.memory_space<hbm>>
    tpu.wait_indirect_dma semaphore(%arg17 : memref<!tpu.dma_semaphore, #tpu.memory_space<semaphore_mem>>) src(%dma_wait3A_29 : memref<2048x1024xf32, #tpu.memory_space<hbm>>) dst(%arg13 : memref<32x1024xf32, #tpu.memory_space<vmem>>)
    %add3A_30 = arith.constant 32 : i32
    %add3A_31 = arith.addi %mul3A_4, %add3A_30 : i32
    "tpu.region"() ({
      %run_scoped3A = tpu.sem_alloc : memref<!tpu.dma_semaphore, #tpu.memory_space<semaphore_mem>>
      %dma_start3A_195 = arith.constant 0 : i32
      %dma_start3A_196 = tpu.memref_slice %arg6[%add3A_31, %dma_start3A_195] : memref<16384x1024xf32, #tpu.memory_space<hbm>> -> memref<32x1024xf32, #tpu.memory_space<hbm>>
      %dma_start3A_197 = arith.constant 0 : i32
      %dma_start3A_198 = tpu.memref_slice %arg6[%add3A_31, %dma_start3A_197] : memref<16384x1024xf32, #tpu.memory_space<hbm>> -> memref<32x1024xf32, #tpu.memory_space<hbm>>
      tpu.enqueue_dma source(%arg13 : memref<32x1024xf32, #tpu.memory_space<vmem>>) target(%dma_start3A_198 : memref<32x1024xf32, #tpu.memory_space<hbm>>) target_semaphore(%run_scoped3A : memref<!tpu.dma_semaphore, #tpu.memory_space<semaphore_mem>>)
      %dma_wait3A_199 = arith.constant 0 : i32
      %dma_wait3A_200 = tpu.memref_slice %arg6[%add3A_31, %dma_wait3A_199] : memref<16384x1024xf32, #tpu.memory_space<hbm>> -> memref<32x1024xf32, #tpu.memory_space<hbm>>
      %dma_wait3A_201 = arith.constant 0 : i32
      %dma_wait3A_202 = tpu.memref_slice %arg6[%add3A_31, %dma_wait3A_201] : memref<16384x1024xf32, #tpu.memory_space<hbm>> -> memref<32x1024xf32, #tpu.memory_space<hbm>>
      tpu.wait_dma2 semaphore(%run_scoped3A : memref<!tpu.dma_semaphore, #tpu.memory_space<semaphore_mem>>) src(%arg13 : memref<32x1024xf32, #tpu.memory_space<vmem>>) dst(%dma_wait3A_202 : memref<32x1024xf32, #tpu.memory_space<hbm>>)
      tpu.yield
    }) : () -> ()
    %dma_start3A_32 = arith.constant 96 : i32
    %dma_start3A_33 = tpu.memref_slice %arg11[%dma_start3A_32] : memref<512xi32, #tpu.memory_space<vmem>> -> memref<32xi32, #tpu.memory_space<vmem>>
    %dma_start3A_34 = arith.constant 0 : i32
    %dma_start3A_35 = arith.constant 0 : i32
    %dma_start3A_36 = tpu.memref_slice %arg5[%dma_start3A_34, %dma_start3A_35] : memref<2048x1024xf32, #tpu.memory_space<hbm>> -> memref<2048x1024xf32, #tpu.memory_space<hbm>>
    tpu.enqueue_indirect_dma source(%dma_start3A_36 : memref<2048x1024xf32, #tpu.memory_space<hbm>>) target(%arg13 : memref<32x1024xf32, #tpu.memory_space<vmem>>) offsets(%dma_start3A_33 : memref<32xi32, #tpu.memory_space<vmem>>) semaphore(%arg17 : memref<!tpu.dma_semaphore, #tpu.memory_space<semaphore_mem>>)
    %dma_wait3A_37 = arith.constant 64 : i32
    %dma_wait3A_38 = tpu.memref_slice %arg11[%dma_wait3A_37] : memref<512xi32, #tpu.memory_space<vmem>> -> memref<32xi32, #tpu.memory_space<vmem>>
    %dma_wait3A_39 = arith.constant 0 : i32
    %dma_wait3A_40 = arith.constant 0 : i32
    %dma_wait3A_41 = tpu.memref_slice %arg5[%dma_wait3A_39, %dma_wait3A_40] : memref<2048x1024xf32, #tpu.memory_space<hbm>> -> memref<2048x1024xf32, #tpu.memory_space<hbm>>
    tpu.wait_indirect_dma semaphore(%arg16 : memref<!tpu.dma_semaphore, #tpu.memory_space<semaphore_mem>>) src(%dma_wait3A_41 : memref<2048x1024xf32, #tpu.memory_space<hbm>>) dst(%arg12 : memref<32x1024xf32, #tpu.memory_space<vmem>>)
    %add3A_42 = arith.constant 64 : i32
    %add3A_43 = arith.addi %mul3A_4, %add3A_42 : i32
    "tpu.region"() ({
      %run_scoped3A = tpu.sem_alloc : memref<!tpu.dma_semaphore, #tpu.memory_space<semaphore_mem>>
      %dma_start3A_195 = arith.constant 0 : i32
      %dma_start3A_196 = tpu.memref_slice %arg6[%add3A_43, %dma_start3A_195] : memref<16384x1024xf32, #tpu.memory_space<hbm>> -> memref<32x1024xf32, #tpu.memory_space<hbm>>
      %dma_start3A_197 = arith.constant 0 : i32
      %dma_start3A_198 = tpu.memref_slice %arg6[%add3A_43, %dma_start3A_197] : memref<16384x1024xf32, #tpu.memory_space<hbm>> -> memref<32x1024xf32, #tpu.memory_space<hbm>>
      tpu.enqueue_dma source(%arg12 : memref<32x1024xf32, #tpu.memory_space<vmem>>) target(%dma_start3A_198 : memref<32x1024xf32, #tpu.memory_space<hbm>>) target_semaphore(%run_scoped3A : memref<!tpu.dma_semaphore, #tpu.memory_space<semaphore_mem>>)
      %dma_wait3A_199 = arith.constant 0 : i32
      %dma_wait3A_200 = tpu.memref_slice %arg6[%add3A_43, %dma_wait3A_199] : memref<16384x1024xf32, #tpu.memory_space<hbm>> -> memref<32x1024xf32, #tpu.memory_space<hbm>>
      %dma_wait3A_201 = arith.constant 0 : i32
      %dma_wait3A_202 = tpu.memref_slice %arg6[%add3A_43, %dma_wait3A_201] : memref<16384x1024xf32, #tpu.memory_space<hbm>> -> memref<32x1024xf32, #tpu.memory_space<hbm>>
      tpu.wait_dma2 semaphore(%run_scoped3A : memref<!tpu.dma_semaphore, #tpu.memory_space<semaphore_mem>>) src(%arg12 : memref<32x1024xf32, #tpu.memory_space<vmem>>) dst(%dma_wait3A_202 : memref<32x1024xf32, #tpu.memory_space<hbm>>)
      tpu.yield
    }) : () -> ()
    %dma_start3A_44 = arith.constant 128 : i32
    %dma_start3A_45 = tpu.memref_slice %arg11[%dma_start3A_44] : memref<512xi32, #tpu.memory_space<vmem>> -> memref<32xi32, #tpu.memory_space<vmem>>
    %dma_start3A_46 = arith.constant 0 : i32
    %dma_start3A_47 = arith.constant 0 : i32
    %dma_start3A_48 = tpu.memref_slice %arg5[%dma_start3A_46, %dma_start3A_47] : memref<2048x1024xf32, #tpu.memory_space<hbm>> -> memref<2048x1024xf32, #tpu.memory_space<hbm>>
    tpu.enqueue_indirect_dma source(%dma_start3A_48 : memref<2048x1024xf32, #tpu.memory_space<hbm>>) target(%arg12 : memref<32x1024xf32, #tpu.memory_space<vmem>>) offsets(%dma_start3A_45 : memref<32xi32, #tpu.memory_space<vmem>>) semaphore(%arg16 : memref<!tpu.dma_semaphore, #tpu.memory_space<semaphore_mem>>)
    %dma_wait3A_49 = arith.constant 96 : i32
    %dma_wait3A_50 = tpu.memref_slice %arg11[%dma_wait3A_49] : memref<512xi32, #tpu.memory_space<vmem>> -> memref<32xi32, #tpu.memory_space<vmem>>
    %dma_wait3A_51 = arith.constant 0 : i32
    %dma_wait3A_52 = arith.constant 0 : i32
    %dma_wait3A_53 = tpu.memref_slice %arg5[%dma_wait3A_51, %dma_wait3A_52] : memref<2048x1024xf32, #tpu.memory_space<hbm>> -> memref<2048x1024xf32, #tpu.memory_space<hbm>>
    tpu.wait_indirect_dma semaphore(%arg17 : memref<!tpu.dma_semaphore, #tpu.memory_space<semaphore_mem>>) src(%dma_wait3A_53 : memref<2048x1024xf32, #tpu.memory_space<hbm>>) dst(%arg13 : memref<32x1024xf32, #tpu.memory_space<vmem>>)
    %add3A_54 = arith.constant 96 : i32
    %add3A_55 = arith.addi %mul3A_4, %add3A_54 : i32
    "tpu.region"() ({
      %run_scoped3A = tpu.sem_alloc : memref<!tpu.dma_semaphore, #tpu.memory_space<semaphore_mem>>
      %dma_start3A_195 = arith.constant 0 : i32
      %dma_start3A_196 = tpu.memref_slice %arg6[%add3A_55, %dma_start3A_195] : memref<16384x1024xf32, #tpu.memory_space<hbm>> -> memref<32x1024xf32, #tpu.memory_space<hbm>>
      %dma_start3A_197 = arith.constant 0 : i32
      %dma_start3A_198 = tpu.memref_slice %arg6[%add3A_55, %dma_start3A_197] : memref<16384x1024xf32, #tpu.memory_space<hbm>> -> memref<32x1024xf32, #tpu.memory_space<hbm>>
      tpu.enqueue_dma source(%arg13 : memref<32x1024xf32, #tpu.memory_space<vmem>>) target(%dma_start3A_198 : memref<32x1024xf32, #tpu.memory_space<hbm>>) target_semaphore(%run_scoped3A : memref<!tpu.dma_semaphore, #tpu.memory_space<semaphore_mem>>)
      %dma_wait3A_199 = arith.constant 0 : i32
      %dma_wait3A_200 = tpu.memref_slice %arg6[%add3A_55, %dma_wait3A_199] : memref<16384x1024xf32, #tpu.memory_space<hbm>> -> memref<32x1024xf32, #tpu.memory_space<hbm>>
      %dma_wait3A_201 = arith.constant 0 : i32
      %dma_wait3A_202 = tpu.memref_slice %arg6[%add3A_55, %dma_wait3A_201] : memref<16384x1024xf32, #tpu.memory_space<hbm>> -> memref<32x1024xf32, #tpu.memory_space<hbm>>
      tpu.wait_dma2 semaphore(%run_scoped3A : memref<!tpu.dma_semaphore, #tpu.memory_space<semaphore_mem>>) src(%arg13 : memref<32x1024xf32, #tpu.memory_space<vmem>>) dst(%dma_wait3A_202 : memref<32x1024xf32, #tpu.memory_space<hbm>>)
      tpu.yield
    }) : () -> ()
    %dma_start3A_56 = arith.constant 160 : i32
    %dma_start3A_57 = tpu.memref_slice %arg11[%dma_start3A_56] : memref<512xi32, #tpu.memory_space<vmem>> -> memref<32xi32, #tpu.memory_space<vmem>>
    %dma_start3A_58 = arith.constant 0 : i32
    %dma_start3A_59 = arith.constant 0 : i32
    %dma_start3A_60 = tpu.memref_slice %arg5[%dma_start3A_58, %dma_start3A_59] : memref<2048x1024xf32, #tpu.memory_space<hbm>> -> memref<2048x1024xf32, #tpu.memory_space<hbm>>
    tpu.enqueue_indirect_dma source(%dma_start3A_60 : memref<2048x1024xf32, #tpu.memory_space<hbm>>) target(%arg13 : memref<32x1024xf32, #tpu.memory_space<vmem>>) offsets(%dma_start3A_57 : memref<32xi32, #tpu.memory_space<vmem>>) semaphore(%arg17 : memref<!tpu.dma_semaphore, #tpu.memory_space<semaphore_mem>>)
    %dma_wait3A_61 = arith.constant 128 : i32
    %dma_wait3A_62 = tpu.memref_slice %arg11[%dma_wait3A_61] : memref<512xi32, #tpu.memory_space<vmem>> -> memref<32xi32, #tpu.memory_space<vmem>>
    %dma_wait3A_63 = arith.constant 0 : i32
    %dma_wait3A_64 = arith.constant 0 : i32
    %dma_wait3A_65 = tpu.memref_slice %arg5[%dma_wait3A_63, %dma_wait3A_64] : memref<2048x1024xf32, #tpu.memory_space<hbm>> -> memref<2048x1024xf32, #tpu.memory_space<hbm>>
    tpu.wait_indirect_dma semaphore(%arg16 : memref<!tpu.dma_semaphore, #tpu.memory_space<semaphore_mem>>) src(%dma_wait3A_65 : memref<2048x1024xf32, #tpu.memory_space<hbm>>) dst(%arg12 : memref<32x1024xf32, #tpu.memory_space<vmem>>)
    %add3A_66 = arith.constant 128 : i32
    %add3A_67 = arith.addi %mul3A_4, %add3A_66 : i32
    "tpu.region"() ({
      %run_scoped3A = tpu.sem_alloc : memref<!tpu.dma_semaphore, #tpu.memory_space<semaphore_mem>>
      %dma_start3A_195 = arith.constant 0 : i32
      %dma_start3A_196 = tpu.memref_slice %arg6[%add3A_67, %dma_start3A_195] : memref<16384x1024xf32, #tpu.memory_space<hbm>> -> memref<32x1024xf32, #tpu.memory_space<hbm>>
      %dma_start3A_197 = arith.constant 0 : i32
      %dma_start3A_198 = tpu.memref_slice %arg6[%add3A_67, %dma_start3A_197] : memref<16384x1024xf32, #tpu.memory_space<hbm>> -> memref<32x1024xf32, #tpu.memory_space<hbm>>
      tpu.enqueue_dma source(%arg12 : memref<32x1024xf32, #tpu.memory_space<vmem>>) target(%dma_start3A_198 : memref<32x1024xf32, #tpu.memory_space<hbm>>) target_semaphore(%run_scoped3A : memref<!tpu.dma_semaphore, #tpu.memory_space<semaphore_mem>>)
      %dma_wait3A_199 = arith.constant 0 : i32
      %dma_wait3A_200 = tpu.memref_slice %arg6[%add3A_67, %dma_wait3A_199] : memref<16384x1024xf32, #tpu.memory_space<hbm>> -> memref<32x1024xf32, #tpu.memory_space<hbm>>
      %dma_wait3A_201 = arith.constant 0 : i32
      %dma_wait3A_202 = tpu.memref_slice %arg6[%add3A_67, %dma_wait3A_201] : memref<16384x1024xf32, #tpu.memory_space<hbm>> -> memref<32x1024xf32, #tpu.memory_space<hbm>>
      tpu.wait_dma2 semaphore(%run_scoped3A : memref<!tpu.dma_semaphore, #tpu.memory_space<semaphore_mem>>) src(%arg12 : memref<32x1024xf32, #tpu.memory_space<vmem>>) dst(%dma_wait3A_202 : memref<32x1024xf32, #tpu.memory_space<hbm>>)
      tpu.yield
    }) : () -> ()
    %dma_start3A_68 = arith.constant 192 : i32
    %dma_start3A_69 = tpu.memref_slice %arg11[%dma_start3A_68] : memref<512xi32, #tpu.memory_space<vmem>> -> memref<32xi32, #tpu.memory_space<vmem>>
    %dma_start3A_70 = arith.constant 0 : i32
    %dma_start3A_71 = arith.constant 0 : i32
    %dma_start3A_72 = tpu.memref_slice %arg5[%dma_start3A_70, %dma_start3A_71] : memref<2048x1024xf32, #tpu.memory_space<hbm>> -> memref<2048x1024xf32, #tpu.memory_space<hbm>>
    tpu.enqueue_indirect_dma source(%dma_start3A_72 : memref<2048x1024xf32, #tpu.memory_space<hbm>>) target(%arg12 : memref<32x1024xf32, #tpu.memory_space<vmem>>) offsets(%dma_start3A_69 : memref<32xi32, #tpu.memory_space<vmem>>) semaphore(%arg16 : memref<!tpu.dma_semaphore, #tpu.memory_space<semaphore_mem>>)
    %dma_wait3A_73 = arith.constant 160 : i32
    %dma_wait3A_74 = tpu.memref_slice %arg11[%dma_wait3A_73] : memref<512xi32, #tpu.memory_space<vmem>> -> memref<32xi32, #tpu.memory_space<vmem>>
    %dma_wait3A_75 = arith.constant 0 : i32
    %dma_wait3A_76 = arith.constant 0 : i32
    %dma_wait3A_77 = tpu.memref_slice %arg5[%dma_wait3A_75, %dma_wait3A_76] : memref<2048x1024xf32, #tpu.memory_space<hbm>> -> memref<2048x1024xf32, #tpu.memory_space<hbm>>
    tpu.wait_indirect_dma semaphore(%arg17 : memref<!tpu.dma_semaphore, #tpu.memory_space<semaphore_mem>>) src(%dma_wait3A_77 : memref<2048x1024xf32, #tpu.memory_space<hbm>>) dst(%arg13 : memref<32x1024xf32, #tpu.memory_space<vmem>>)
    %add3A_78 = arith.constant 160 : i32
    %add3A_79 = arith.addi %mul3A_4, %add3A_78 : i32
    "tpu.region"() ({
      %run_scoped3A = tpu.sem_alloc : memref<!tpu.dma_semaphore, #tpu.memory_space<semaphore_mem>>
      %dma_start3A_195 = arith.constant 0 : i32
      %dma_start3A_196 = tpu.memref_slice %arg6[%add3A_79, %dma_start3A_195] : memref<16384x1024xf32, #tpu.memory_space<hbm>> -> memref<32x1024xf32, #tpu.memory_space<hbm>>
      %dma_start3A_197 = arith.constant 0 : i32
      %dma_start3A_198 = tpu.memref_slice %arg6[%add3A_79, %dma_start3A_197] : memref<16384x1024xf32, #tpu.memory_space<hbm>> -> memref<32x1024xf32, #tpu.memory_space<hbm>>
      tpu.enqueue_dma source(%arg13 : memref<32x1024xf32, #tpu.memory_space<vmem>>) target(%dma_start3A_198 : memref<32x1024xf32, #tpu.memory_space<hbm>>) target_semaphore(%run_scoped3A : memref<!tpu.dma_semaphore, #tpu.memory_space<semaphore_mem>>)
      %dma_wait3A_199 = arith.constant 0 : i32
      %dma_wait3A_200 = tpu.memref_slice %arg6[%add3A_79, %dma_wait3A_199] : memref<16384x1024xf32, #tpu.memory_space<hbm>> -> memref<32x1024xf32, #tpu.memory_space<hbm>>
      %dma_wait3A_201 = arith.constant 0 : i32
      %dma_wait3A_202 = tpu.memref_slice %arg6[%add3A_79, %dma_wait3A_201] : memref<16384x1024xf32, #tpu.memory_space<hbm>> -> memref<32x1024xf32, #tpu.memory_space<hbm>>
      tpu.wait_dma2 semaphore(%run_scoped3A : memref<!tpu.dma_semaphore, #tpu.memory_space<semaphore_mem>>) src(%arg13 : memref<32x1024xf32, #tpu.memory_space<vmem>>) dst(%dma_wait3A_202 : memref<32x1024xf32, #tpu.memory_space<hbm>>)
      tpu.yield
    }) : () -> ()
    %dma_start3A_80 = arith.constant 224 : i32
    %dma_start3A_81 = tpu.memref_slice %arg11[%dma_start3A_80] : memref<512xi32, #tpu.memory_space<vmem>> -> memref<32xi32, #tpu.memory_space<vmem>>
    %dma_start3A_82 = arith.constant 0 : i32
    %dma_start3A_83 = arith.constant 0 : i32
    %dma_start3A_84 = tpu.memref_slice %arg5[%dma_start3A_82, %dma_start3A_83] : memref<2048x1024xf32, #tpu.memory_space<hbm>> -> memref<2048x1024xf32, #tpu.memory_space<hbm>>
    tpu.enqueue_indirect_dma source(%dma_start3A_84 : memref<2048x1024xf32, #tpu.memory_space<hbm>>) target(%arg13 : memref<32x1024xf32, #tpu.memory_space<vmem>>) offsets(%dma_start3A_81 : memref<32xi32, #tpu.memory_space<vmem>>) semaphore(%arg17 : memref<!tpu.dma_semaphore, #tpu.memory_space<semaphore_mem>>)
    %dma_wait3A_85 = arith.constant 192 : i32
    %dma_wait3A_86 = tpu.memref_slice %arg11[%dma_wait3A_85] : memref<512xi32, #tpu.memory_space<vmem>> -> memref<32xi32, #tpu.memory_space<vmem>>
    %dma_wait3A_87 = arith.constant 0 : i32
    %dma_wait3A_88 = arith.constant 0 : i32
    %dma_wait3A_89 = tpu.memref_slice %arg5[%dma_wait3A_87, %dma_wait3A_88] : memref<2048x1024xf32, #tpu.memory_space<hbm>> -> memref<2048x1024xf32, #tpu.memory_space<hbm>>
    tpu.wait_indirect_dma semaphore(%arg16 : memref<!tpu.dma_semaphore, #tpu.memory_space<semaphore_mem>>) src(%dma_wait3A_89 : memref<2048x1024xf32, #tpu.memory_space<hbm>>) dst(%arg12 : memref<32x1024xf32, #tpu.memory_space<vmem>>)
    %add3A_90 = arith.constant 192 : i32
    %add3A_91 = arith.addi %mul3A_4, %add3A_90 : i32
    "tpu.region"() ({
      %run_scoped3A = tpu.sem_alloc : memref<!tpu.dma_semaphore, #tpu.memory_space<semaphore_mem>>
      %dma_start3A_195 = arith.constant 0 : i32
      %dma_start3A_196 = tpu.memref_slice %arg6[%add3A_91, %dma_start3A_195] : memref<16384x1024xf32, #tpu.memory_space<hbm>> -> memref<32x1024xf32, #tpu.memory_space<hbm>>
      %dma_start3A_197 = arith.constant 0 : i32
      %dma_start3A_198 = tpu.memref_slice %arg6[%add3A_91, %dma_start3A_197] : memref<16384x1024xf32, #tpu.memory_space<hbm>> -> memref<32x1024xf32, #tpu.memory_space<hbm>>
      tpu.enqueue_dma source(%arg12 : memref<32x1024xf32, #tpu.memory_space<vmem>>) target(%dma_start3A_198 : memref<32x1024xf32, #tpu.memory_space<hbm>>) target_semaphore(%run_scoped3A : memref<!tpu.dma_semaphore, #tpu.memory_space<semaphore_mem>>)
      %dma_wait3A_199 = arith.constant 0 : i32
      %dma_wait3A_200 = tpu.memref_slice %arg6[%add3A_91, %dma_wait3A_199] : memref<16384x1024xf32, #tpu.memory_space<hbm>> -> memref<32x1024xf32, #tpu.memory_space<hbm>>
      %dma_wait3A_201 = arith.constant 0 : i32
      %dma_wait3A_202 = tpu.memref_slice %arg6[%add3A_91, %dma_wait3A_201] : memref<16384x1024xf32, #tpu.memory_space<hbm>> -> memref<32x1024xf32, #tpu.memory_space<hbm>>
      tpu.wait_dma2 semaphore(%run_scoped3A : memref<!tpu.dma_semaphore, #tpu.memory_space<semaphore_mem>>) src(%arg12 : memref<32x1024xf32, #tpu.memory_space<vmem>>) dst(%dma_wait3A_202 : memref<32x1024xf32, #tpu.memory_space<hbm>>)
      tpu.yield
    }) : () -> ()
    %dma_start3A_92 = arith.constant 256 : i32
    %dma_start3A_93 = tpu.memref_slice %arg11[%dma_start3A_92] : memref<512xi32, #tpu.memory_space<vmem>> -> memref<32xi32, #tpu.memory_space<vmem>>
    %dma_start3A_94 = arith.constant 0 : i32
    %dma_start3A_95 = arith.constant 0 : i32
    %dma_start3A_96 = tpu.memref_slice %arg5[%dma_start3A_94, %dma_start3A_95] : memref<2048x1024xf32, #tpu.memory_space<hbm>> -> memref<2048x1024xf32, #tpu.memory_space<hbm>>
    tpu.enqueue_indirect_dma source(%dma_start3A_96 : memref<2048x1024xf32, #tpu.memory_space<hbm>>) target(%arg12 : memref<32x1024xf32, #tpu.memory_space<vmem>>) offsets(%dma_start3A_93 : memref<32xi32, #tpu.memory_space<vmem>>) semaphore(%arg16 : memref<!tpu.dma_semaphore, #tpu.memory_space<semaphore_mem>>)
    %dma_wait3A_97 = arith.constant 224 : i32
    %dma_wait3A_98 = tpu.memref_slice %arg11[%dma_wait3A_97] : memref<512xi32, #tpu.memory_space<vmem>> -> memref<32xi32, #tpu.memory_space<vmem>>
    %dma_wait3A_99 = arith.constant 0 : i32
    %dma_wait3A_100 = arith.constant 0 : i32
    %dma_wait3A_101 = tpu.memref_slice %arg5[%dma_wait3A_99, %dma_wait3A_100] : memref<2048x1024xf32, #tpu.memory_space<hbm>> -> memref<2048x1024xf32, #tpu.memory_space<hbm>>
    tpu.wait_indirect_dma semaphore(%arg17 : memref<!tpu.dma_semaphore, #tpu.memory_space<semaphore_mem>>) src(%dma_wait3A_101 : memref<2048x1024xf32, #tpu.memory_space<hbm>>) dst(%arg13 : memref<32x1024xf32, #tpu.memory_space<vmem>>)
    %add3A_102 = arith.constant 224 : i32
    %add3A_103 = arith.addi %mul3A_4, %add3A_102 : i32
    "tpu.region"() ({
      %run_scoped3A = tpu.sem_alloc : memref<!tpu.dma_semaphore, #tpu.memory_space<semaphore_mem>>
      %dma_start3A_195 = arith.constant 0 : i32
      %dma_start3A_196 = tpu.memref_slice %arg6[%add3A_103, %dma_start3A_195] : memref<16384x1024xf32, #tpu.memory_space<hbm>> -> memref<32x1024xf32, #tpu.memory_space<hbm>>
      %dma_start3A_197 = arith.constant 0 : i32
      %dma_start3A_198 = tpu.memref_slice %arg6[%add3A_103, %dma_start3A_197] : memref<16384x1024xf32, #tpu.memory_space<hbm>> -> memref<32x1024xf32, #tpu.memory_space<hbm>>
      tpu.enqueue_dma source(%arg13 : memref<32x1024xf32, #tpu.memory_space<vmem>>) target(%dma_start3A_198 : memref<32x1024xf32, #tpu.memory_space<hbm>>) target_semaphore(%run_scoped3A : memref<!tpu.dma_semaphore, #tpu.memory_space<semaphore_mem>>)
      %dma_wait3A_199 = arith.constant 0 : i32
      %dma_wait3A_200 = tpu.memref_slice %arg6[%add3A_103, %dma_wait3A_199] : memref<16384x1024xf32, #tpu.memory_space<hbm>> -> memref<32x1024xf32, #tpu.memory_space<hbm>>
      %dma_wait3A_201 = arith.constant 0 : i32
      %dma_wait3A_202 = tpu.memref_slice %arg6[%add3A_103, %dma_wait3A_201] : memref<16384x1024xf32, #tpu.memory_space<hbm>> -> memref<32x1024xf32, #tpu.memory_space<hbm>>
      tpu.wait_dma2 semaphore(%run_scoped3A : memref<!tpu.dma_semaphore, #tpu.memory_space<semaphore_mem>>) src(%arg13 : memref<32x1024xf32, #tpu.memory_space<vmem>>) dst(%dma_wait3A_202 : memref<32x1024xf32, #tpu.memory_space<hbm>>)
      tpu.yield
    }) : () -> ()
    %dma_start3A_104 = arith.constant 288 : i32
    %dma_start3A_105 = tpu.memref_slice %arg11[%dma_start3A_104] : memref<512xi32, #tpu.memory_space<vmem>> -> memref<32xi32, #tpu.memory_space<vmem>>
    %dma_start3A_106 = arith.constant 0 : i32
    %dma_start3A_107 = arith.constant 0 : i32
    %dma_start3A_108 = tpu.memref_slice %arg5[%dma_start3A_106, %dma_start3A_107] : memref<2048x1024xf32, #tpu.memory_space<hbm>> -> memref<2048x1024xf32, #tpu.memory_space<hbm>>
    tpu.enqueue_indirect_dma source(%dma_start3A_108 : memref<2048x1024xf32, #tpu.memory_space<hbm>>) target(%arg13 : memref<32x1024xf32, #tpu.memory_space<vmem>>) offsets(%dma_start3A_105 : memref<32xi32, #tpu.memory_space<vmem>>) semaphore(%arg17 : memref<!tpu.dma_semaphore, #tpu.memory_space<semaphore_mem>>)
    %dma_wait3A_109 = arith.constant 256 : i32
    %dma_wait3A_110 = tpu.memref_slice %arg11[%dma_wait3A_109] : memref<512xi32, #tpu.memory_space<vmem>> -> memref<32xi32, #tpu.memory_space<vmem>>
    %dma_wait3A_111 = arith.constant 0 : i32
    %dma_wait3A_112 = arith.constant 0 : i32
    %dma_wait3A_113 = tpu.memref_slice %arg5[%dma_wait3A_111, %dma_wait3A_112] : memref<2048x1024xf32, #tpu.memory_space<hbm>> -> memref<2048x1024xf32, #tpu.memory_space<hbm>>
    tpu.wait_indirect_dma semaphore(%arg16 : memref<!tpu.dma_semaphore, #tpu.memory_space<semaphore_mem>>) src(%dma_wait3A_113 : memref<2048x1024xf32, #tpu.memory_space<hbm>>) dst(%arg12 : memref<32x1024xf32, #tpu.memory_space<vmem>>)
    %add3A_114 = arith.constant 256 : i32
    %add3A_115 = arith.addi %mul3A_4, %add3A_114 : i32
    "tpu.region"() ({
      %run_scoped3A = tpu.sem_alloc : memref<!tpu.dma_semaphore, #tpu.memory_space<semaphore_mem>>
      %dma_start3A_195 = arith.constant 0 : i32
      %dma_start3A_196 = tpu.memref_slice %arg6[%add3A_115, %dma_start3A_195] : memref<16384x1024xf32, #tpu.memory_space<hbm>> -> memref<32x1024xf32, #tpu.memory_space<hbm>>
      %dma_start3A_197 = arith.constant 0 : i32
      %dma_start3A_198 = tpu.memref_slice %arg6[%add3A_115, %dma_start3A_197] : memref<16384x1024xf32, #tpu.memory_space<hbm>> -> memref<32x1024xf32, #tpu.memory_space<hbm>>
      tpu.enqueue_dma source(%arg12 : memref<32x1024xf32, #tpu.memory_space<vmem>>) target(%dma_start3A_198 : memref<32x1024xf32, #tpu.memory_space<hbm>>) target_semaphore(%run_scoped3A : memref<!tpu.dma_semaphore, #tpu.memory_space<semaphore_mem>>)
      %dma_wait3A_199 = arith.constant 0 : i32
      %dma_wait3A_200 = tpu.memref_slice %arg6[%add3A_115, %dma_wait3A_199] : memref<16384x1024xf32, #tpu.memory_space<hbm>> -> memref<32x1024xf32, #tpu.memory_space<hbm>>
      %dma_wait3A_201 = arith.constant 0 : i32
      %dma_wait3A_202 = tpu.memref_slice %arg6[%add3A_115, %dma_wait3A_201] : memref<16384x1024xf32, #tpu.memory_space<hbm>> -> memref<32x1024xf32, #tpu.memory_space<hbm>>
      tpu.wait_dma2 semaphore(%run_scoped3A : memref<!tpu.dma_semaphore, #tpu.memory_space<semaphore_mem>>) src(%arg12 : memref<32x1024xf32, #tpu.memory_space<vmem>>) dst(%dma_wait3A_202 : memref<32x1024xf32, #tpu.memory_space<hbm>>)
      tpu.yield
    }) : () -> ()
    %dma_start3A_116 = arith.constant 320 : i32
    %dma_start3A_117 = tpu.memref_slice %arg11[%dma_start3A_116] : memref<512xi32, #tpu.memory_space<vmem>> -> memref<32xi32, #tpu.memory_space<vmem>>
    %dma_start3A_118 = arith.constant 0 : i32
    %dma_start3A_119 = arith.constant 0 : i32
    %dma_start3A_120 = tpu.memref_slice %arg5[%dma_start3A_118, %dma_start3A_119] : memref<2048x1024xf32, #tpu.memory_space<hbm>> -> memref<2048x1024xf32, #tpu.memory_space<hbm>>
    tpu.enqueue_indirect_dma source(%dma_start3A_120 : memref<2048x1024xf32, #tpu.memory_space<hbm>>) target(%arg12 : memref<32x1024xf32, #tpu.memory_space<vmem>>) offsets(%dma_start3A_117 : memref<32xi32, #tpu.memory_space<vmem>>) semaphore(%arg16 : memref<!tpu.dma_semaphore, #tpu.memory_space<semaphore_mem>>)
    %dma_wait3A_121 = arith.constant 288 : i32
    %dma_wait3A_122 = tpu.memref_slice %arg11[%dma_wait3A_121] : memref<512xi32, #tpu.memory_space<vmem>> -> memref<32xi32, #tpu.memory_space<vmem>>
    %dma_wait3A_123 = arith.constant 0 : i32
    %dma_wait3A_124 = arith.constant 0 : i32
    %dma_wait3A_125 = tpu.memref_slice %arg5[%dma_wait3A_123, %dma_wait3A_124] : memref<2048x1024xf32, #tpu.memory_space<hbm>> -> memref<2048x1024xf32, #tpu.memory_space<hbm>>
    tpu.wait_indirect_dma semaphore(%arg17 : memref<!tpu.dma_semaphore, #tpu.memory_space<semaphore_mem>>) src(%dma_wait3A_125 : memref<2048x1024xf32, #tpu.memory_space<hbm>>) dst(%arg13 : memref<32x1024xf32, #tpu.memory_space<vmem>>)
    %add3A_126 = arith.constant 288 : i32
    %add3A_127 = arith.addi %mul3A_4, %add3A_126 : i32
    "tpu.region"() ({
      %run_scoped3A = tpu.sem_alloc : memref<!tpu.dma_semaphore, #tpu.memory_space<semaphore_mem>>
      %dma_start3A_195 = arith.constant 0 : i32
      %dma_start3A_196 = tpu.memref_slice %arg6[%add3A_127, %dma_start3A_195] : memref<16384x1024xf32, #tpu.memory_space<hbm>> -> memref<32x1024xf32, #tpu.memory_space<hbm>>
      %dma_start3A_197 = arith.constant 0 : i32
      %dma_start3A_198 = tpu.memref_slice %arg6[%add3A_127, %dma_start3A_197] : memref<16384x1024xf32, #tpu.memory_space<hbm>> -> memref<32x1024xf32, #tpu.memory_space<hbm>>
      tpu.enqueue_dma source(%arg13 : memref<32x1024xf32, #tpu.memory_space<vmem>>) target(%dma_start3A_198 : memref<32x1024xf32, #tpu.memory_space<hbm>>) target_semaphore(%run_scoped3A : memref<!tpu.dma_semaphore, #tpu.memory_space<semaphore_mem>>)
      %dma_wait3A_199 = arith.constant 0 : i32
      %dma_wait3A_200 = tpu.memref_slice %arg6[%add3A_127, %dma_wait3A_199] : memref<16384x1024xf32, #tpu.memory_space<hbm>> -> memref<32x1024xf32, #tpu.memory_space<hbm>>
      %dma_wait3A_201 = arith.constant 0 : i32
      %dma_wait3A_202 = tpu.memref_slice %arg6[%add3A_127, %dma_wait3A_201] : memref<16384x1024xf32, #tpu.memory_space<hbm>> -> memref<32x1024xf32, #tpu.memory_space<hbm>>
      tpu.wait_dma2 semaphore(%run_scoped3A : memref<!tpu.dma_semaphore, #tpu.memory_space<semaphore_mem>>) src(%arg13 : memref<32x1024xf32, #tpu.memory_space<vmem>>) dst(%dma_wait3A_202 : memref<32x1024xf32, #tpu.memory_space<hbm>>)
      tpu.yield
    }) : () -> ()
    %dma_start3A_128 = arith.constant 352 : i32
    %dma_start3A_129 = tpu.memref_slice %arg11[%dma_start3A_128] : memref<512xi32, #tpu.memory_space<vmem>> -> memref<32xi32, #tpu.memory_space<vmem>>
    %dma_start3A_130 = arith.constant 0 : i32
    %dma_start3A_131 = arith.constant 0 : i32
    %dma_start3A_132 = tpu.memref_slice %arg5[%dma_start3A_130, %dma_start3A_131] : memref<2048x1024xf32, #tpu.memory_space<hbm>> -> memref<2048x1024xf32, #tpu.memory_space<hbm>>
    tpu.enqueue_indirect_dma source(%dma_start3A_132 : memref<2048x1024xf32, #tpu.memory_space<hbm>>) target(%arg13 : memref<32x1024xf32, #tpu.memory_space<vmem>>) offsets(%dma_start3A_129 : memref<32xi32, #tpu.memory_space<vmem>>) semaphore(%arg17 : memref<!tpu.dma_semaphore, #tpu.memory_space<semaphore_mem>>)
    %dma_wait3A_133 = arith.constant 320 : i32
    %dma_wait3A_134 = tpu.memref_slice %arg11[%dma_wait3A_133] : memref<512xi32, #tpu.memory_space<vmem>> -> memref<32xi32, #tpu.memory_space<vmem>>
    %dma_wait3A_135 = arith.constant 0 : i32
    %dma_wait3A_136 = arith.constant 0 : i32
    %dma_wait3A_137 = tpu.memref_slice %arg5[%dma_wait3A_135, %dma_wait3A_136] : memref<2048x1024xf32, #tpu.memory_space<hbm>> -> memref<2048x1024xf32, #tpu.memory_space<hbm>>
    tpu.wait_indirect_dma semaphore(%arg16 : memref<!tpu.dma_semaphore, #tpu.memory_space<semaphore_mem>>) src(%dma_wait3A_137 : memref<2048x1024xf32, #tpu.memory_space<hbm>>) dst(%arg12 : memref<32x1024xf32, #tpu.memory_space<vmem>>)
    %add3A_138 = arith.constant 320 : i32
    %add3A_139 = arith.addi %mul3A_4, %add3A_138 : i32
    "tpu.region"() ({
      %run_scoped3A = tpu.sem_alloc : memref<!tpu.dma_semaphore, #tpu.memory_space<semaphore_mem>>
      %dma_start3A_195 = arith.constant 0 : i32
      %dma_start3A_196 = tpu.memref_slice %arg6[%add3A_139, %dma_start3A_195] : memref<16384x1024xf32, #tpu.memory_space<hbm>> -> memref<32x1024xf32, #tpu.memory_space<hbm>>
      %dma_start3A_197 = arith.constant 0 : i32
      %dma_start3A_198 = tpu.memref_slice %arg6[%add3A_139, %dma_start3A_197] : memref<16384x1024xf32, #tpu.memory_space<hbm>> -> memref<32x1024xf32, #tpu.memory_space<hbm>>
      tpu.enqueue_dma source(%arg12 : memref<32x1024xf32, #tpu.memory_space<vmem>>) target(%dma_start3A_198 : memref<32x1024xf32, #tpu.memory_space<hbm>>) target_semaphore(%run_scoped3A : memref<!tpu.dma_semaphore, #tpu.memory_space<semaphore_mem>>)
      %dma_wait3A_199 = arith.constant 0 : i32
      %dma_wait3A_200 = tpu.memref_slice %arg6[%add3A_139, %dma_wait3A_199] : memref<16384x1024xf32, #tpu.memory_space<hbm>> -> memref<32x1024xf32, #tpu.memory_space<hbm>>
      %dma_wait3A_201 = arith.constant 0 : i32
      %dma_wait3A_202 = tpu.memref_slice %arg6[%add3A_139, %dma_wait3A_201] : memref<16384x1024xf32, #tpu.memory_space<hbm>> -> memref<32x1024xf32, #tpu.memory_space<hbm>>
      tpu.wait_dma2 semaphore(%run_scoped3A : memref<!tpu.dma_semaphore, #tpu.memory_space<semaphore_mem>>) src(%arg12 : memref<32x1024xf32, #tpu.memory_space<vmem>>) dst(%dma_wait3A_202 : memref<32x1024xf32, #tpu.memory_space<hbm>>)
      tpu.yield
    }) : () -> ()
    %dma_start3A_140 = arith.constant 384 : i32
    %dma_start3A_141 = tpu.memref_slice %arg11[%dma_start3A_140] : memref<512xi32, #tpu.memory_space<vmem>> -> memref<32xi32, #tpu.memory_space<vmem>>
    %dma_start3A_142 = arith.constant 0 : i32
    %dma_start3A_143 = arith.constant 0 : i32
    %dma_start3A_144 = tpu.memref_slice %arg5[%dma_start3A_142, %dma_start3A_143] : memref<2048x1024xf32, #tpu.memory_space<hbm>> -> memref<2048x1024xf32, #tpu.memory_space<hbm>>
    tpu.enqueue_indirect_dma source(%dma_start3A_144 : memref<2048x1024xf32, #tpu.memory_space<hbm>>) target(%arg12 : memref<32x1024xf32, #tpu.memory_space<vmem>>) offsets(%dma_start3A_141 : memref<32xi32, #tpu.memory_space<vmem>>) semaphore(%arg16 : memref<!tpu.dma_semaphore, #tpu.memory_space<semaphore_mem>>)
    %dma_wait3A_145 = arith.constant 352 : i32
    %dma_wait3A_146 = tpu.memref_slice %arg11[%dma_wait3A_145] : memref<512xi32, #tpu.memory_space<vmem>> -> memref<32xi32, #tpu.memory_space<vmem>>
    %dma_wait3A_147 = arith.constant 0 : i32
    %dma_wait3A_148 = arith.constant 0 : i32
    %dma_wait3A_149 = tpu.memref_slice %arg5[%dma_wait3A_147, %dma_wait3A_148] : memref<2048x1024xf32, #tpu.memory_space<hbm>> -> memref<2048x1024xf32, #tpu.memory_space<hbm>>
    tpu.wait_indirect_dma semaphore(%arg17 : memref<!tpu.dma_semaphore, #tpu.memory_space<semaphore_mem>>) src(%dma_wait3A_149 : memref<2048x1024xf32, #tpu.memory_space<hbm>>) dst(%arg13 : memref<32x1024xf32, #tpu.memory_space<vmem>>)
    %add3A_150 = arith.constant 352 : i32
    %add3A_151 = arith.addi %mul3A_4, %add3A_150 : i32
    "tpu.region"() ({
      %run_scoped3A = tpu.sem_alloc : memref<!tpu.dma_semaphore, #tpu.memory_space<semaphore_mem>>
      %dma_start3A_195 = arith.constant 0 : i32
      %dma_start3A_196 = tpu.memref_slice %arg6[%add3A_151, %dma_start3A_195] : memref<16384x1024xf32, #tpu.memory_space<hbm>> -> memref<32x1024xf32, #tpu.memory_space<hbm>>
      %dma_start3A_197 = arith.constant 0 : i32
      %dma_start3A_198 = tpu.memref_slice %arg6[%add3A_151, %dma_start3A_197] : memref<16384x1024xf32, #tpu.memory_space<hbm>> -> memref<32x1024xf32, #tpu.memory_space<hbm>>
      tpu.enqueue_dma source(%arg13 : memref<32x1024xf32, #tpu.memory_space<vmem>>) target(%dma_start3A_198 : memref<32x1024xf32, #tpu.memory_space<hbm>>) target_semaphore(%run_scoped3A : memref<!tpu.dma_semaphore, #tpu.memory_space<semaphore_mem>>)
      %dma_wait3A_199 = arith.constant 0 : i32
      %dma_wait3A_200 = tpu.memref_slice %arg6[%add3A_151, %dma_wait3A_199] : memref<16384x1024xf32, #tpu.memory_space<hbm>> -> memref<32x1024xf32, #tpu.memory_space<hbm>>
      %dma_wait3A_201 = arith.constant 0 : i32
      %dma_wait3A_202 = tpu.memref_slice %arg6[%add3A_151, %dma_wait3A_201] : memref<16384x1024xf32, #tpu.memory_space<hbm>> -> memref<32x1024xf32, #tpu.memory_space<hbm>>
      tpu.wait_dma2 semaphore(%run_scoped3A : memref<!tpu.dma_semaphore, #tpu.memory_space<semaphore_mem>>) src(%arg13 : memref<32x1024xf32, #tpu.memory_space<vmem>>) dst(%dma_wait3A_202 : memref<32x1024xf32, #tpu.memory_space<hbm>>)
      tpu.yield
    }) : () -> ()
    %dma_start3A_152 = arith.constant 416 : i32
    %dma_start3A_153 = tpu.memref_slice %arg11[%dma_start3A_152] : memref<512xi32, #tpu.memory_space<vmem>> -> memref<32xi32, #tpu.memory_space<vmem>>
    %dma_start3A_154 = arith.constant 0 : i32
    %dma_start3A_155 = arith.constant 0 : i32
    %dma_start3A_156 = tpu.memref_slice %arg5[%dma_start3A_154, %dma_start3A_155] : memref<2048x1024xf32, #tpu.memory_space<hbm>> -> memref<2048x1024xf32, #tpu.memory_space<hbm>>
    tpu.enqueue_indirect_dma source(%dma_start3A_156 : memref<2048x1024xf32, #tpu.memory_space<hbm>>) target(%arg13 : memref<32x1024xf32, #tpu.memory_space<vmem>>) offsets(%dma_start3A_153 : memref<32xi32, #tpu.memory_space<vmem>>) semaphore(%arg17 : memref<!tpu.dma_semaphore, #tpu.memory_space<semaphore_mem>>)
    %dma_wait3A_157 = arith.constant 384 : i32
    %dma_wait3A_158 = tpu.memref_slice %arg11[%dma_wait3A_157] : memref<512xi32, #tpu.memory_space<vmem>> -> memref<32xi32, #tpu.memory_space<vmem>>
    %dma_wait3A_159 = arith.constant 0 : i32
    %dma_wait3A_160 = arith.constant 0 : i32
    %dma_wait3A_161 = tpu.memref_slice %arg5[%dma_wait3A_159, %dma_wait3A_160] : memref<2048x1024xf32, #tpu.memory_space<hbm>> -> memref<2048x1024xf32, #tpu.memory_space<hbm>>
    tpu.wait_indirect_dma semaphore(%arg16 : memref<!tpu.dma_semaphore, #tpu.memory_space<semaphore_mem>>) src(%dma_wait3A_161 : memref<2048x1024xf32, #tpu.memory_space<hbm>>) dst(%arg12 : memref<32x1024xf32, #tpu.memory_space<vmem>>)
    %add3A_162 = arith.constant 384 : i32
    %add3A_163 = arith.addi %mul3A_4, %add3A_162 : i32
    "tpu.region"() ({
      %run_scoped3A = tpu.sem_alloc : memref<!tpu.dma_semaphore, #tpu.memory_space<semaphore_mem>>
      %dma_start3A_195 = arith.constant 0 : i32
      %dma_start3A_196 = tpu.memref_slice %arg6[%add3A_163, %dma_start3A_195] : memref<16384x1024xf32, #tpu.memory_space<hbm>> -> memref<32x1024xf32, #tpu.memory_space<hbm>>
      %dma_start3A_197 = arith.constant 0 : i32
      %dma_start3A_198 = tpu.memref_slice %arg6[%add3A_163, %dma_start3A_197] : memref<16384x1024xf32, #tpu.memory_space<hbm>> -> memref<32x1024xf32, #tpu.memory_space<hbm>>
      tpu.enqueue_dma source(%arg12 : memref<32x1024xf32, #tpu.memory_space<vmem>>) target(%dma_start3A_198 : memref<32x1024xf32, #tpu.memory_space<hbm>>) target_semaphore(%run_scoped3A : memref<!tpu.dma_semaphore, #tpu.memory_space<semaphore_mem>>)
      %dma_wait3A_199 = arith.constant 0 : i32
      %dma_wait3A_200 = tpu.memref_slice %arg6[%add3A_163, %dma_wait3A_199] : memref<16384x1024xf32, #tpu.memory_space<hbm>> -> memref<32x1024xf32, #tpu.memory_space<hbm>>
      %dma_wait3A_201 = arith.constant 0 : i32
      %dma_wait3A_202 = tpu.memref_slice %arg6[%add3A_163, %dma_wait3A_201] : memref<16384x1024xf32, #tpu.memory_space<hbm>> -> memref<32x1024xf32, #tpu.memory_space<hbm>>
      tpu.wait_dma2 semaphore(%run_scoped3A : memref<!tpu.dma_semaphore, #tpu.memory_space<semaphore_mem>>) src(%arg12 : memref<32x1024xf32, #tpu.memory_space<vmem>>) dst(%dma_wait3A_202 : memref<32x1024xf32, #tpu.memory_space<hbm>>)
      tpu.yield
    }) : () -> ()
    %dma_start3A_164 = arith.constant 448 : i32
    %dma_start3A_165 = tpu.memref_slice %arg11[%dma_start3A_164] : memref<512xi32, #tpu.memory_space<vmem>> -> memref<32xi32, #tpu.memory_space<vmem>>
    %dma_start3A_166 = arith.constant 0 : i32
    %dma_start3A_167 = arith.constant 0 : i32
    %dma_start3A_168 = tpu.memref_slice %arg5[%dma_start3A_166, %dma_start3A_167] : memref<2048x1024xf32, #tpu.memory_space<hbm>> -> memref<2048x1024xf32, #tpu.memory_space<hbm>>
    tpu.enqueue_indirect_dma source(%dma_start3A_168 : memref<2048x1024xf32, #tpu.memory_space<hbm>>) target(%arg12 : memref<32x1024xf32, #tpu.memory_space<vmem>>) offsets(%dma_start3A_165 : memref<32xi32, #tpu.memory_space<vmem>>) semaphore(%arg16 : memref<!tpu.dma_semaphore, #tpu.memory_space<semaphore_mem>>)
    %dma_wait3A_169 = arith.constant 416 : i32
    %dma_wait3A_170 = tpu.memref_slice %arg11[%dma_wait3A_169] : memref<512xi32, #tpu.memory_space<vmem>> -> memref<32xi32, #tpu.memory_space<vmem>>
    %dma_wait3A_171 = arith.constant 0 : i32
    %dma_wait3A_172 = arith.constant 0 : i32
    %dma_wait3A_173 = tpu.memref_slice %arg5[%dma_wait3A_171, %dma_wait3A_172] : memref<2048x1024xf32, #tpu.memory_space<hbm>> -> memref<2048x1024xf32, #tpu.memory_space<hbm>>
    tpu.wait_indirect_dma semaphore(%arg17 : memref<!tpu.dma_semaphore, #tpu.memory_space<semaphore_mem>>) src(%dma_wait3A_173 : memref<2048x1024xf32, #tpu.memory_space<hbm>>) dst(%arg13 : memref<32x1024xf32, #tpu.memory_space<vmem>>)
    %add3A_174 = arith.constant 416 : i32
    %add3A_175 = arith.addi %mul3A_4, %add3A_174 : i32
    "tpu.region"() ({
      %run_scoped3A = tpu.sem_alloc : memref<!tpu.dma_semaphore, #tpu.memory_space<semaphore_mem>>
      %dma_start3A_195 = arith.constant 0 : i32
      %dma_start3A_196 = tpu.memref_slice %arg6[%add3A_175, %dma_start3A_195] : memref<16384x1024xf32, #tpu.memory_space<hbm>> -> memref<32x1024xf32, #tpu.memory_space<hbm>>
      %dma_start3A_197 = arith.constant 0 : i32
      %dma_start3A_198 = tpu.memref_slice %arg6[%add3A_175, %dma_start3A_197] : memref<16384x1024xf32, #tpu.memory_space<hbm>> -> memref<32x1024xf32, #tpu.memory_space<hbm>>
      tpu.enqueue_dma source(%arg13 : memref<32x1024xf32, #tpu.memory_space<vmem>>) target(%dma_start3A_198 : memref<32x1024xf32, #tpu.memory_space<hbm>>) target_semaphore(%run_scoped3A : memref<!tpu.dma_semaphore, #tpu.memory_space<semaphore_mem>>)
      %dma_wait3A_199 = arith.constant 0 : i32
      %dma_wait3A_200 = tpu.memref_slice %arg6[%add3A_175, %dma_wait3A_199] : memref<16384x1024xf32, #tpu.memory_space<hbm>> -> memref<32x1024xf32, #tpu.memory_space<hbm>>
      %dma_wait3A_201 = arith.constant 0 : i32
      %dma_wait3A_202 = tpu.memref_slice %arg6[%add3A_175, %dma_wait3A_201] : memref<16384x1024xf32, #tpu.memory_space<hbm>> -> memref<32x1024xf32, #tpu.memory_space<hbm>>
      tpu.wait_dma2 semaphore(%run_scoped3A : memref<!tpu.dma_semaphore, #tpu.memory_space<semaphore_mem>>) src(%arg13 : memref<32x1024xf32, #tpu.memory_space<vmem>>) dst(%dma_wait3A_202 : memref<32x1024xf32, #tpu.memory_space<hbm>>)
      tpu.yield
    }) : () -> ()
    %dma_start3A_176 = arith.constant 480 : i32
    %dma_start3A_177 = tpu.memref_slice %arg11[%dma_start3A_176] : memref<512xi32, #tpu.memory_space<vmem>> -> memref<32xi32, #tpu.memory_space<vmem>>
    %dma_start3A_178 = arith.constant 0 : i32
    %dma_start3A_179 = arith.constant 0 : i32
    %dma_start3A_180 = tpu.memref_slice %arg5[%dma_start3A_178, %dma_start3A_179] : memref<2048x1024xf32, #tpu.memory_space<hbm>> -> memref<2048x1024xf32, #tpu.memory_space<hbm>>
    tpu.enqueue_indirect_dma source(%dma_start3A_180 : memref<2048x1024xf32, #tpu.memory_space<hbm>>) target(%arg13 : memref<32x1024xf32, #tpu.memory_space<vmem>>) offsets(%dma_start3A_177 : memref<32xi32, #tpu.memory_space<vmem>>) semaphore(%arg17 : memref<!tpu.dma_semaphore, #tpu.memory_space<semaphore_mem>>)
    %dma_wait3A_181 = arith.constant 448 : i32
    %dma_wait3A_182 = tpu.memref_slice %arg11[%dma_wait3A_181] : memref<512xi32, #tpu.memory_space<vmem>> -> memref<32xi32, #tpu.memory_space<vmem>>
    %dma_wait3A_183 = arith.constant 0 : i32
    %dma_wait3A_184 = arith.constant 0 : i32
    %dma_wait3A_185 = tpu.memref_slice %arg5[%dma_wait3A_183, %dma_wait3A_184] : memref<2048x1024xf32, #tpu.memory_space<hbm>> -> memref<2048x1024xf32, #tpu.memory_space<hbm>>
    tpu.wait_indirect_dma semaphore(%arg16 : memref<!tpu.dma_semaphore, #tpu.memory_space<semaphore_mem>>) src(%dma_wait3A_185 : memref<2048x1024xf32, #tpu.memory_space<hbm>>) dst(%arg12 : memref<32x1024xf32, #tpu.memory_space<vmem>>)
    %add3A_186 = arith.constant 448 : i32
    %add3A_187 = arith.addi %mul3A_4, %add3A_186 : i32
    "tpu.region"() ({
      %run_scoped3A = tpu.sem_alloc : memref<!tpu.dma_semaphore, #tpu.memory_space<semaphore_mem>>
      %dma_start3A_195 = arith.constant 0 : i32
      %dma_start3A_196 = tpu.memref_slice %arg6[%add3A_187, %dma_start3A_195] : memref<16384x1024xf32, #tpu.memory_space<hbm>> -> memref<32x1024xf32, #tpu.memory_space<hbm>>
      %dma_start3A_197 = arith.constant 0 : i32
      %dma_start3A_198 = tpu.memref_slice %arg6[%add3A_187, %dma_start3A_197] : memref<16384x1024xf32, #tpu.memory_space<hbm>> -> memref<32x1024xf32, #tpu.memory_space<hbm>>
      tpu.enqueue_dma source(%arg12 : memref<32x1024xf32, #tpu.memory_space<vmem>>) target(%dma_start3A_198 : memref<32x1024xf32, #tpu.memory_space<hbm>>) target_semaphore(%run_scoped3A : memref<!tpu.dma_semaphore, #tpu.memory_space<semaphore_mem>>)
      %dma_wait3A_199 = arith.constant 0 : i32
      %dma_wait3A_200 = tpu.memref_slice %arg6[%add3A_187, %dma_wait3A_199] : memref<16384x1024xf32, #tpu.memory_space<hbm>> -> memref<32x1024xf32, #tpu.memory_space<hbm>>
      %dma_wait3A_201 = arith.constant 0 : i32
      %dma_wait3A_202 = tpu.memref_slice %arg6[%add3A_187, %dma_wait3A_201] : memref<16384x1024xf32, #tpu.memory_space<hbm>> -> memref<32x1024xf32, #tpu.memory_space<hbm>>
      tpu.wait_dma2 semaphore(%run_scoped3A : memref<!tpu.dma_semaphore, #tpu.memory_space<semaphore_mem>>) src(%arg12 : memref<32x1024xf32, #tpu.memory_space<vmem>>) dst(%dma_wait3A_202 : memref<32x1024xf32, #tpu.memory_space<hbm>>)
      tpu.yield
    }) : () -> ()
    %dma_wait3A_188 = arith.constant 480 : i32
    %dma_wait3A_189 = tpu.memref_slice %arg11[%dma_wait3A_188] : memref<512xi32, #tpu.memory_space<vmem>> -> memref<32xi32, #tpu.memory_space<vmem>>
    %dma_wait3A_190 = arith.constant 0 : i32
    %dma_wait3A_191 = arith.constant 0 : i32
    %dma_wait3A_192 = tpu.memref_slice %arg5[%dma_wait3A_190, %dma_wait3A_191] : memref<2048x1024xf32, #tpu.memory_space<hbm>> -> memref<2048x1024xf32, #tpu.memory_space<hbm>>
    tpu.wait_indirect_dma semaphore(%arg17 : memref<!tpu.dma_semaphore, #tpu.memory_space<semaphore_mem>>) src(%dma_wait3A_192 : memref<2048x1024xf32, #tpu.memory_space<hbm>>) dst(%arg13 : memref<32x1024xf32, #tpu.memory_space<vmem>>)
    %add3A_193 = arith.constant 480 : i32
    %add3A_194 = arith.addi %mul3A_4, %add3A_193 : i32
    "tpu.region"() ({
      %run_scoped3A = tpu.sem_alloc : memref<!tpu.dma_semaphore, #tpu.memory_space<semaphore_mem>>
      %dma_start3A_195 = arith.constant 0 : i32
      %dma_start3A_196 = tpu.memref_slice %arg6[%add3A_194, %dma_start3A_195] : memref<16384x1024xf32, #tpu.memory_space<hbm>> -> memref<32x1024xf32, #tpu.memory_space<hbm>>
      %dma_start3A_197 = arith.constant 0 : i32
      %dma_start3A_198 = tpu.memref_slice %arg6[%add3A_194, %dma_start3A_197] : memref<16384x1024xf32, #tpu.memory_space<hbm>> -> memref<32x1024xf32, #tpu.memory_space<hbm>>
      tpu.enqueue_dma source(%arg13 : memref<32x1024xf32, #tpu.memory_space<vmem>>) target(%dma_start3A_198 : memref<32x1024xf32, #tpu.memory_space<hbm>>) target_semaphore(%run_scoped3A : memref<!tpu.dma_semaphore, #tpu.memory_space<semaphore_mem>>)
      %dma_wait3A_199 = arith.constant 0 : i32
      %dma_wait3A_200 = tpu.memref_slice %arg6[%add3A_194, %dma_wait3A_199] : memref<16384x1024xf32, #tpu.memory_space<hbm>> -> memref<32x1024xf32, #tpu.memory_space<hbm>>
      %dma_wait3A_201 = arith.constant 0 : i32
      %dma_wait3A_202 = tpu.memref_slice %arg6[%add3A_194, %dma_wait3A_201] : memref<16384x1024xf32, #tpu.memory_space<hbm>> -> memref<32x1024xf32, #tpu.memory_space<hbm>>
      tpu.wait_dma2 semaphore(%run_scoped3A : memref<!tpu.dma_semaphore, #tpu.memory_space<semaphore_mem>>) src(%arg13 : memref<32x1024xf32, #tpu.memory_space<vmem>>) dst(%dma_wait3A_202 : memref<32x1024xf32, #tpu.memory_space<hbm>>)
      tpu.yield
    }) : () -> ()
    return
  }
}

module attributes {stable_mosaic.version = 14 : i64} {
  func.func @_router_body(%arg0: memref<2048x1024xf32, #tpu.memory_space<vmem>>, %arg1: memref<64x1024xf32, #tpu.memory_space<vmem>>, %arg2: memref<256x1024xf32, #tpu.memory_space<vmem>>, %arg3: memref<256x1024xf32, #tpu.memory_space<vmem>>, %arg4: memref<1024x256xf32, #tpu.memory_space<vmem>>, %arg5: memref<2048x64xf32, #tpu.memory_space<vmem>>, %arg6: memref<2048x8xi32, #tpu.memory_space<vmem>>, %arg7: memref<2048x8xf32, #tpu.memory_space<vmem>>, %arg8: memref<1x64xf32, #tpu.memory_space<vmem>>, %arg9: memref<2048x1024xf32, #tpu.memory_space<vmem>>) attributes {dimension_semantics = [], scalar_prefetch = 0 : i64, scratch_operands = 0 : i64, tpu.core_type = #tpu.core_type<tc>} {
    %get3A = arith.constant 0 : index
    %get3A_0 = arith.constant 0 : index
    %get3A_1 = vector.load %arg0[%get3A, %get3A_0] : memref<2048x1024xf32, #tpu.memory_space<vmem>>, vector<2048x1024xf32>
    %get3A_2 = arith.constant 0 : index
    %get3A_3 = arith.constant 0 : index
    %get3A_4 = vector.load %arg1[%get3A_2, %get3A_3] : memref<64x1024xf32, #tpu.memory_space<vmem>>, vector<64x1024xf32>
    %dot_general3A = arith.constant dense<0.000000e+00> : vector<2048x64xf32>
    %dot_general3A_5 = tpu.matmul %get3A_1, %get3A_4, %dot_general3A {dimension_numbers = #tpu.dot_dimension_numbers<[1], [1], [0], [0], [0, 0, 1, 0], [], []>, transpose_lhs_hint = false} : vector<2048x1024xf32>, vector<64x1024xf32>, vector<2048x64xf32> -> vector<2048x64xf32>
    %swap3A = arith.constant 0 : index
    %swap3A_6 = arith.constant 0 : index
    %swap3A_7 = vector.load %arg5[%swap3A, %swap3A_6] : memref<2048x64xf32, #tpu.memory_space<vmem>>, vector<2048x64xf32>
    tpu.vector_store %arg5[%swap3A, %swap3A_6], %dot_general3A_5 {strides = array<i32>} : memref<2048x64xf32, #tpu.memory_space<vmem>>, vector<2048x64xf32>,
    %reduce_max3A = arith.constant dense<0xFF800000> : vector<2048xf32>
    %reduce_max3A_8 = vector.multi_reduction <maximumf>, %dot_general3A_5, %reduce_max3A [1] : vector<2048x64xf32> to vector<2048xf32>
    %broadcast_in_dim3A = vector.shape_cast %reduce_max3A_8 : vector<2048xf32> to vector<2048x1xf32>
    %sub3A = vector.broadcast %broadcast_in_dim3A : vector<2048x1xf32> to vector<2048x64xf32>
    %sub3A_9 = arith.subf %dot_general3A_5, %sub3A : vector<2048x64xf32>
    %exp3A = math.exp %sub3A_9 : vector<2048x64xf32>
    %reduce_sum3A = arith.constant dense<0.000000e+00> : vector<2048xf32>
    %reduce_sum3A_10 = vector.multi_reduction <add>, %exp3A, %reduce_sum3A [1] : vector<2048x64xf32> to vector<2048xf32>
    %broadcast_in_dim3A_11 = vector.shape_cast %reduce_sum3A_10 : vector<2048xf32> to vector<2048x1xf32>
    %div3A = vector.broadcast %broadcast_in_dim3A_11 : vector<2048x1xf32> to vector<2048x64xf32>
    %div3A_12 = arith.divf %exp3A, %div3A : vector<2048x64xf32>
    %iota3A = tpu.iota {dimensions = array<i32: 1>} : vector<2048x64xi32>
    %iota3A_13 = tpu.iota {dimensions = array<i32: 1>} : vector<2048x8xi32>
    %broadcast_in_dim3A_14 = arith.constant 0 : i32
    %broadcast_in_dim3A_15 = vector.broadcast %broadcast_in_dim3A_14 : i32 to vector<2048x8xi32>
    %broadcast_in_dim3A_16 = arith.constant 0.000000e+00 : f32
    %broadcast_in_dim3A_17 = vector.broadcast %broadcast_in_dim3A_16 : f32 to vector<2048x8xf32>
    %broadcast_in_dim3A_18 = arith.constant 0.000000e+00 : f32
    %broadcast_in_dim3A_19 = vector.broadcast %broadcast_in_dim3A_18 : f32 to vector<2048x64xf32>
    %broadcast_in_dim3A_20 = arith.constant 0.000000e+00 : f32
    %broadcast_in_dim3A_21 = vector.broadcast %broadcast_in_dim3A_20 : f32 to vector<2048x1xf32>
    %reduce_max3A_22 = arith.constant dense<0xFF800000> : vector<2048xf32>
    %reduce_max3A_23 = vector.multi_reduction <maximumf>, %div3A_12, %reduce_max3A_22 [1] : vector<2048x64xf32> to vector<2048xf32>
    %broadcast_in_dim3A_24 = vector.shape_cast %reduce_max3A_23 : vector<2048xf32> to vector<2048x1xf32>
    %eq3A = vector.broadcast %broadcast_in_dim3A_24 : vector<2048x1xf32> to vector<2048x64xf32>
    %eq3A_25 = arith.cmpf oeq, %div3A_12, %eq3A : vector<2048x64xf32>
    %jit3A = arith.constant 64 : i32
    %broadcast_in_dim3A_26 = vector.broadcast %jit3A : i32 to vector<2048x64xi32>
    %select_n3A = arith.select %eq3A_25, %iota3A, %broadcast_in_dim3A_26 : vector<2048x64xi1>, vector<2048x64xi32>
    %reduce_min3A = arith.constant dense<2147483647> : vector<2048xi32>
    %reduce_min3A_27 = vector.multi_reduction <minsi>, %select_n3A, %reduce_min3A [1] : vector<2048x64xi32> to vector<2048xi32>
    %broadcast_in_dim3A_28 = vector.shape_cast %reduce_min3A_27 : vector<2048xi32> to vector<2048x1xi32>
    %eq3A_29 = vector.broadcast %broadcast_in_dim3A_28 : vector<2048x1xi32> to vector<2048x64xi32>
    %eq3A_30 = arith.cmpi eq, %iota3A, %eq3A_29 : vector<2048x64xi32>
    %eq3A_31 = arith.constant 0 : i32
    %eq3A_32 = vector.broadcast %eq3A_31 : i32 to vector<2048x8xi32>
    %eq3A_33 = arith.cmpi eq, %iota3A_13, %eq3A_32 : vector<2048x8xi32>
    %broadcast_in_dim3A_34 = vector.shape_cast %broadcast_in_dim3A_28 : vector<2048x1xi32> to vector<2048x1xi32>
    %broadcast_in_dim3A_35 = vector.broadcast %broadcast_in_dim3A_34 : vector<2048x1xi32> to vector<2048x8xi32>
    %select_n3A_36 = arith.select %eq3A_33, %broadcast_in_dim3A_35, %broadcast_in_dim3A_15 : vector<2048x8xi1>, vector<2048x8xi32>
    %eq3A_37 = arith.constant 0 : i32
    %eq3A_38 = vector.broadcast %eq3A_37 : i32 to vector<2048x8xi32>
    %eq3A_39 = arith.cmpi eq, %iota3A_13, %eq3A_38 : vector<2048x8xi32>
    %broadcast_in_dim3A_40 = vector.shape_cast %broadcast_in_dim3A_24 : vector<2048x1xf32> to vector<2048x1xf32>
    %broadcast_in_dim3A_41 = vector.broadcast %broadcast_in_dim3A_40 : vector<2048x1xf32> to vector<2048x8xf32>
    %select_n3A_42 = arith.select %eq3A_39, %broadcast_in_dim3A_41, %broadcast_in_dim3A_17 : vector<2048x8xi1>, vector<2048x8xf32>
    %jit3A_43 = arith.constant 1.000000e+00 : f32
    %jit3A_44 = arith.constant 0.000000e+00 : f32
    %broadcast_in_dim3A_45 = vector.broadcast %jit3A_43 : f32 to vector<2048x64xf32>
    %broadcast_in_dim3A_46 = vector.broadcast %jit3A_44 : f32 to vector<2048x64xf32>
    %select_n3A_47 = arith.select %eq3A_30, %broadcast_in_dim3A_45, %broadcast_in_dim3A_46 : vector<2048x64xi1>, vector<2048x64xf32>
    %add3A = arith.addf %broadcast_in_dim3A_19, %select_n3A_47 : vector<2048x64xf32>
    %add3A_48 = arith.addf %broadcast_in_dim3A_21, %broadcast_in_dim3A_24 : vector<2048x1xf32>
    %jit3A_49 = arith.constant -1.000000e+30 : f32
    %broadcast_in_dim3A_50 = vector.broadcast %jit3A_49 : f32 to vector<2048x64xf32>
    %select_n3A_51 = arith.select %eq3A_30, %broadcast_in_dim3A_50, %div3A_12 : vector<2048x64xi1>, vector<2048x64xf32>
    %reduce_max3A_52 = arith.constant dense<0xFF800000> : vector<2048xf32>
    %reduce_max3A_53 = vector.multi_reduction <maximumf>, %select_n3A_51, %reduce_max3A_52 [1] : vector<2048x64xf32> to vector<2048xf32>
    %broadcast_in_dim3A_54 = vector.shape_cast %reduce_max3A_53 : vector<2048xf32> to vector<2048x1xf32>
    %eq3A_55 = vector.broadcast %broadcast_in_dim3A_54 : vector<2048x1xf32> to vector<2048x64xf32>
    %eq3A_56 = arith.cmpf oeq, %select_n3A_51, %eq3A_55 : vector<2048x64xf32>
    %jit3A_57 = arith.constant 64 : i32
    %broadcast_in_dim3A_58 = vector.broadcast %jit3A_57 : i32 to vector<2048x64xi32>
    %select_n3A_59 = arith.select %eq3A_56, %iota3A, %broadcast_in_dim3A_58 : vector<2048x64xi1>, vector<2048x64xi32>
    %reduce_min3A_60 = arith.constant dense<2147483647> : vector<2048xi32>
    %reduce_min3A_61 = vector.multi_reduction <minsi>, %select_n3A_59, %reduce_min3A_60 [1] : vector<2048x64xi32> to vector<2048xi32>
    %broadcast_in_dim3A_62 = vector.shape_cast %reduce_min3A_61 : vector<2048xi32> to vector<2048x1xi32>
    %eq3A_63 = vector.broadcast %broadcast_in_dim3A_62 : vector<2048x1xi32> to vector<2048x64xi32>
    %eq3A_64 = arith.cmpi eq, %iota3A, %eq3A_63 : vector<2048x64xi32>
    %eq3A_65 = arith.constant 1 : i32
    %eq3A_66 = vector.broadcast %eq3A_65 : i32 to vector<2048x8xi32>
    %eq3A_67 = arith.cmpi eq, %iota3A_13, %eq3A_66 : vector<2048x8xi32>
    %broadcast_in_dim3A_68 = vector.shape_cast %broadcast_in_dim3A_62 : vector<2048x1xi32> to vector<2048x1xi32>
    %broadcast_in_dim3A_69 = vector.broadcast %broadcast_in_dim3A_68 : vector<2048x1xi32> to vector<2048x8xi32>
    %select_n3A_70 = arith.select %eq3A_67, %broadcast_in_dim3A_69, %select_n3A_36 : vector<2048x8xi1>, vector<2048x8xi32>
    %eq3A_71 = arith.constant 1 : i32
    %eq3A_72 = vector.broadcast %eq3A_71 : i32 to vector<2048x8xi32>
    %eq3A_73 = arith.cmpi eq, %iota3A_13, %eq3A_72 : vector<2048x8xi32>
    %broadcast_in_dim3A_74 = vector.shape_cast %broadcast_in_dim3A_54 : vector<2048x1xf32> to vector<2048x1xf32>
    %broadcast_in_dim3A_75 = vector.broadcast %broadcast_in_dim3A_74 : vector<2048x1xf32> to vector<2048x8xf32>
    %select_n3A_76 = arith.select %eq3A_73, %broadcast_in_dim3A_75, %select_n3A_42 : vector<2048x8xi1>, vector<2048x8xf32>
    %jit3A_77 = arith.constant 1.000000e+00 : f32
    %jit3A_78 = arith.constant 0.000000e+00 : f32
    %broadcast_in_dim3A_79 = vector.broadcast %jit3A_77 : f32 to vector<2048x64xf32>
    %broadcast_in_dim3A_80 = vector.broadcast %jit3A_78 : f32 to vector<2048x64xf32>
    %select_n3A_81 = arith.select %eq3A_64, %broadcast_in_dim3A_79, %broadcast_in_dim3A_80 : vector<2048x64xi1>, vector<2048x64xf32>
    %add3A_82 = arith.addf %add3A, %select_n3A_81 : vector<2048x64xf32>
    %add3A_83 = arith.addf %add3A_48, %broadcast_in_dim3A_54 : vector<2048x1xf32>
    %jit3A_84 = arith.constant -1.000000e+30 : f32
    %broadcast_in_dim3A_85 = vector.broadcast %jit3A_84 : f32 to vector<2048x64xf32>
    %select_n3A_86 = arith.select %eq3A_64, %broadcast_in_dim3A_85, %select_n3A_51 : vector<2048x64xi1>, vector<2048x64xf32>
    %reduce_max3A_87 = arith.constant dense<0xFF800000> : vector<2048xf32>
    %reduce_max3A_88 = vector.multi_reduction <maximumf>, %select_n3A_86, %reduce_max3A_87 [1] : vector<2048x64xf32> to vector<2048xf32>
    %broadcast_in_dim3A_89 = vector.shape_cast %reduce_max3A_88 : vector<2048xf32> to vector<2048x1xf32>
    %eq3A_90 = vector.broadcast %broadcast_in_dim3A_89 : vector<2048x1xf32> to vector<2048x64xf32>
    %eq3A_91 = arith.cmpf oeq, %select_n3A_86, %eq3A_90 : vector<2048x64xf32>
    %jit3A_92 = arith.constant 64 : i32
    %broadcast_in_dim3A_93 = vector.broadcast %jit3A_92 : i32 to vector<2048x64xi32>
    %select_n3A_94 = arith.select %eq3A_91, %iota3A, %broadcast_in_dim3A_93 : vector<2048x64xi1>, vector<2048x64xi32>
    %reduce_min3A_95 = arith.constant dense<2147483647> : vector<2048xi32>
    %reduce_min3A_96 = vector.multi_reduction <minsi>, %select_n3A_94, %reduce_min3A_95 [1] : vector<2048x64xi32> to vector<2048xi32>
    %broadcast_in_dim3A_97 = vector.shape_cast %reduce_min3A_96 : vector<2048xi32> to vector<2048x1xi32>
    %eq3A_98 = vector.broadcast %broadcast_in_dim3A_97 : vector<2048x1xi32> to vector<2048x64xi32>
    %eq3A_99 = arith.cmpi eq, %iota3A, %eq3A_98 : vector<2048x64xi32>
    %eq3A_100 = arith.constant 2 : i32
    %eq3A_101 = vector.broadcast %eq3A_100 : i32 to vector<2048x8xi32>
    %eq3A_102 = arith.cmpi eq, %iota3A_13, %eq3A_101 : vector<2048x8xi32>
    %broadcast_in_dim3A_103 = vector.shape_cast %broadcast_in_dim3A_97 : vector<2048x1xi32> to vector<2048x1xi32>
    %broadcast_in_dim3A_104 = vector.broadcast %broadcast_in_dim3A_103 : vector<2048x1xi32> to vector<2048x8xi32>
    %select_n3A_105 = arith.select %eq3A_102, %broadcast_in_dim3A_104, %select_n3A_70 : vector<2048x8xi1>, vector<2048x8xi32>
    %eq3A_106 = arith.constant 2 : i32
    %eq3A_107 = vector.broadcast %eq3A_106 : i32 to vector<2048x8xi32>
    %eq3A_108 = arith.cmpi eq, %iota3A_13, %eq3A_107 : vector<2048x8xi32>
    %broadcast_in_dim3A_109 = vector.shape_cast %broadcast_in_dim3A_89 : vector<2048x1xf32> to vector<2048x1xf32>
    %broadcast_in_dim3A_110 = vector.broadcast %broadcast_in_dim3A_109 : vector<2048x1xf32> to vector<2048x8xf32>
    %select_n3A_111 = arith.select %eq3A_108, %broadcast_in_dim3A_110, %select_n3A_76 : vector<2048x8xi1>, vector<2048x8xf32>
    %jit3A_112 = arith.constant 1.000000e+00 : f32
    %jit3A_113 = arith.constant 0.000000e+00 : f32
    %broadcast_in_dim3A_114 = vector.broadcast %jit3A_112 : f32 to vector<2048x64xf32>
    %broadcast_in_dim3A_115 = vector.broadcast %jit3A_113 : f32 to vector<2048x64xf32>
    %select_n3A_116 = arith.select %eq3A_99, %broadcast_in_dim3A_114, %broadcast_in_dim3A_115 : vector<2048x64xi1>, vector<2048x64xf32>
    %add3A_117 = arith.addf %add3A_82, %select_n3A_116 : vector<2048x64xf32>
    %add3A_118 = arith.addf %add3A_83, %broadcast_in_dim3A_89 : vector<2048x1xf32>
    %jit3A_119 = arith.constant -1.000000e+30 : f32
    %broadcast_in_dim3A_120 = vector.broadcast %jit3A_119 : f32 to vector<2048x64xf32>
    %select_n3A_121 = arith.select %eq3A_99, %broadcast_in_dim3A_120, %select_n3A_86 : vector<2048x64xi1>, vector<2048x64xf32>
    %reduce_max3A_122 = arith.constant dense<0xFF800000> : vector<2048xf32>
    %reduce_max3A_123 = vector.multi_reduction <maximumf>, %select_n3A_121, %reduce_max3A_122 [1] : vector<2048x64xf32> to vector<2048xf32>
    %broadcast_in_dim3A_124 = vector.shape_cast %reduce_max3A_123 : vector<2048xf32> to vector<2048x1xf32>
    %eq3A_125 = vector.broadcast %broadcast_in_dim3A_124 : vector<2048x1xf32> to vector<2048x64xf32>
    %eq3A_126 = arith.cmpf oeq, %select_n3A_121, %eq3A_125 : vector<2048x64xf32>
    %jit3A_127 = arith.constant 64 : i32
    %broadcast_in_dim3A_128 = vector.broadcast %jit3A_127 : i32 to vector<2048x64xi32>
    %select_n3A_129 = arith.select %eq3A_126, %iota3A, %broadcast_in_dim3A_128 : vector<2048x64xi1>, vector<2048x64xi32>
    %reduce_min3A_130 = arith.constant dense<2147483647> : vector<2048xi32>
    %reduce_min3A_131 = vector.multi_reduction <minsi>, %select_n3A_129, %reduce_min3A_130 [1] : vector<2048x64xi32> to vector<2048xi32>
    %broadcast_in_dim3A_132 = vector.shape_cast %reduce_min3A_131 : vector<2048xi32> to vector<2048x1xi32>
    %eq3A_133 = vector.broadcast %broadcast_in_dim3A_132 : vector<2048x1xi32> to vector<2048x64xi32>
    %eq3A_134 = arith.cmpi eq, %iota3A, %eq3A_133 : vector<2048x64xi32>
    %eq3A_135 = arith.constant 3 : i32
    %eq3A_136 = vector.broadcast %eq3A_135 : i32 to vector<2048x8xi32>
    %eq3A_137 = arith.cmpi eq, %iota3A_13, %eq3A_136 : vector<2048x8xi32>
    %broadcast_in_dim3A_138 = vector.shape_cast %broadcast_in_dim3A_132 : vector<2048x1xi32> to vector<2048x1xi32>
    %broadcast_in_dim3A_139 = vector.broadcast %broadcast_in_dim3A_138 : vector<2048x1xi32> to vector<2048x8xi32>
    %select_n3A_140 = arith.select %eq3A_137, %broadcast_in_dim3A_139, %select_n3A_105 : vector<2048x8xi1>, vector<2048x8xi32>
    %eq3A_141 = arith.constant 3 : i32
    %eq3A_142 = vector.broadcast %eq3A_141 : i32 to vector<2048x8xi32>
    %eq3A_143 = arith.cmpi eq, %iota3A_13, %eq3A_142 : vector<2048x8xi32>
    %broadcast_in_dim3A_144 = vector.shape_cast %broadcast_in_dim3A_124 : vector<2048x1xf32> to vector<2048x1xf32>
    %broadcast_in_dim3A_145 = vector.broadcast %broadcast_in_dim3A_144 : vector<2048x1xf32> to vector<2048x8xf32>
    %select_n3A_146 = arith.select %eq3A_143, %broadcast_in_dim3A_145, %select_n3A_111 : vector<2048x8xi1>, vector<2048x8xf32>
    %jit3A_147 = arith.constant 1.000000e+00 : f32
    %jit3A_148 = arith.constant 0.000000e+00 : f32
    %broadcast_in_dim3A_149 = vector.broadcast %jit3A_147 : f32 to vector<2048x64xf32>
    %broadcast_in_dim3A_150 = vector.broadcast %jit3A_148 : f32 to vector<2048x64xf32>
    %select_n3A_151 = arith.select %eq3A_134, %broadcast_in_dim3A_149, %broadcast_in_dim3A_150 : vector<2048x64xi1>, vector<2048x64xf32>
    %add3A_152 = arith.addf %add3A_117, %select_n3A_151 : vector<2048x64xf32>
    %add3A_153 = arith.addf %add3A_118, %broadcast_in_dim3A_124 : vector<2048x1xf32>
    %jit3A_154 = arith.constant -1.000000e+30 : f32
    %broadcast_in_dim3A_155 = vector.broadcast %jit3A_154 : f32 to vector<2048x64xf32>
    %select_n3A_156 = arith.select %eq3A_134, %broadcast_in_dim3A_155, %select_n3A_121 : vector<2048x64xi1>, vector<2048x64xf32>
    %reduce_max3A_157 = arith.constant dense<0xFF800000> : vector<2048xf32>
    %reduce_max3A_158 = vector.multi_reduction <maximumf>, %select_n3A_156, %reduce_max3A_157 [1] : vector<2048x64xf32> to vector<2048xf32>
    %broadcast_in_dim3A_159 = vector.shape_cast %reduce_max3A_158 : vector<2048xf32> to vector<2048x1xf32>
    %eq3A_160 = vector.broadcast %broadcast_in_dim3A_159 : vector<2048x1xf32> to vector<2048x64xf32>
    %eq3A_161 = arith.cmpf oeq, %select_n3A_156, %eq3A_160 : vector<2048x64xf32>
    %jit3A_162 = arith.constant 64 : i32
    %broadcast_in_dim3A_163 = vector.broadcast %jit3A_162 : i32 to vector<2048x64xi32>
    %select_n3A_164 = arith.select %eq3A_161, %iota3A, %broadcast_in_dim3A_163 : vector<2048x64xi1>, vector<2048x64xi32>
    %reduce_min3A_165 = arith.constant dense<2147483647> : vector<2048xi32>
    %reduce_min3A_166 = vector.multi_reduction <minsi>, %select_n3A_164, %reduce_min3A_165 [1] : vector<2048x64xi32> to vector<2048xi32>
    %broadcast_in_dim3A_167 = vector.shape_cast %reduce_min3A_166 : vector<2048xi32> to vector<2048x1xi32>
    %eq3A_168 = vector.broadcast %broadcast_in_dim3A_167 : vector<2048x1xi32> to vector<2048x64xi32>
    %eq3A_169 = arith.cmpi eq, %iota3A, %eq3A_168 : vector<2048x64xi32>
    %eq3A_170 = arith.constant 4 : i32
    %eq3A_171 = vector.broadcast %eq3A_170 : i32 to vector<2048x8xi32>
    %eq3A_172 = arith.cmpi eq, %iota3A_13, %eq3A_171 : vector<2048x8xi32>
    %broadcast_in_dim3A_173 = vector.shape_cast %broadcast_in_dim3A_167 : vector<2048x1xi32> to vector<2048x1xi32>
    %broadcast_in_dim3A_174 = vector.broadcast %broadcast_in_dim3A_173 : vector<2048x1xi32> to vector<2048x8xi32>
    %select_n3A_175 = arith.select %eq3A_172, %broadcast_in_dim3A_174, %select_n3A_140 : vector<2048x8xi1>, vector<2048x8xi32>
    %eq3A_176 = arith.constant 4 : i32
    %eq3A_177 = vector.broadcast %eq3A_176 : i32 to vector<2048x8xi32>
    %eq3A_178 = arith.cmpi eq, %iota3A_13, %eq3A_177 : vector<2048x8xi32>
    %broadcast_in_dim3A_179 = vector.shape_cast %broadcast_in_dim3A_159 : vector<2048x1xf32> to vector<2048x1xf32>
    %broadcast_in_dim3A_180 = vector.broadcast %broadcast_in_dim3A_179 : vector<2048x1xf32> to vector<2048x8xf32>
    %select_n3A_181 = arith.select %eq3A_178, %broadcast_in_dim3A_180, %select_n3A_146 : vector<2048x8xi1>, vector<2048x8xf32>
    %jit3A_182 = arith.constant 1.000000e+00 : f32
    %jit3A_183 = arith.constant 0.000000e+00 : f32
    %broadcast_in_dim3A_184 = vector.broadcast %jit3A_182 : f32 to vector<2048x64xf32>
    %broadcast_in_dim3A_185 = vector.broadcast %jit3A_183 : f32 to vector<2048x64xf32>
    %select_n3A_186 = arith.select %eq3A_169, %broadcast_in_dim3A_184, %broadcast_in_dim3A_185 : vector<2048x64xi1>, vector<2048x64xf32>
    %add3A_187 = arith.addf %add3A_152, %select_n3A_186 : vector<2048x64xf32>
    %add3A_188 = arith.addf %add3A_153, %broadcast_in_dim3A_159 : vector<2048x1xf32>
    %jit3A_189 = arith.constant -1.000000e+30 : f32
    %broadcast_in_dim3A_190 = vector.broadcast %jit3A_189 : f32 to vector<2048x64xf32>
    %select_n3A_191 = arith.select %eq3A_169, %broadcast_in_dim3A_190, %select_n3A_156 : vector<2048x64xi1>, vector<2048x64xf32>
    %reduce_max3A_192 = arith.constant dense<0xFF800000> : vector<2048xf32>
    %reduce_max3A_193 = vector.multi_reduction <maximumf>, %select_n3A_191, %reduce_max3A_192 [1] : vector<2048x64xf32> to vector<2048xf32>
    %broadcast_in_dim3A_194 = vector.shape_cast %reduce_max3A_193 : vector<2048xf32> to vector<2048x1xf32>
    %eq3A_195 = vector.broadcast %broadcast_in_dim3A_194 : vector<2048x1xf32> to vector<2048x64xf32>
    %eq3A_196 = arith.cmpf oeq, %select_n3A_191, %eq3A_195 : vector<2048x64xf32>
    %jit3A_197 = arith.constant 64 : i32
    %broadcast_in_dim3A_198 = vector.broadcast %jit3A_197 : i32 to vector<2048x64xi32>
    %select_n3A_199 = arith.select %eq3A_196, %iota3A, %broadcast_in_dim3A_198 : vector<2048x64xi1>, vector<2048x64xi32>
    %reduce_min3A_200 = arith.constant dense<2147483647> : vector<2048xi32>
    %reduce_min3A_201 = vector.multi_reduction <minsi>, %select_n3A_199, %reduce_min3A_200 [1] : vector<2048x64xi32> to vector<2048xi32>
    %broadcast_in_dim3A_202 = vector.shape_cast %reduce_min3A_201 : vector<2048xi32> to vector<2048x1xi32>
    %eq3A_203 = vector.broadcast %broadcast_in_dim3A_202 : vector<2048x1xi32> to vector<2048x64xi32>
    %eq3A_204 = arith.cmpi eq, %iota3A, %eq3A_203 : vector<2048x64xi32>
    %eq3A_205 = arith.constant 5 : i32
    %eq3A_206 = vector.broadcast %eq3A_205 : i32 to vector<2048x8xi32>
    %eq3A_207 = arith.cmpi eq, %iota3A_13, %eq3A_206 : vector<2048x8xi32>
    %broadcast_in_dim3A_208 = vector.shape_cast %broadcast_in_dim3A_202 : vector<2048x1xi32> to vector<2048x1xi32>
    %broadcast_in_dim3A_209 = vector.broadcast %broadcast_in_dim3A_208 : vector<2048x1xi32> to vector<2048x8xi32>
    %select_n3A_210 = arith.select %eq3A_207, %broadcast_in_dim3A_209, %select_n3A_175 : vector<2048x8xi1>, vector<2048x8xi32>
    %eq3A_211 = arith.constant 5 : i32
    %eq3A_212 = vector.broadcast %eq3A_211 : i32 to vector<2048x8xi32>
    %eq3A_213 = arith.cmpi eq, %iota3A_13, %eq3A_212 : vector<2048x8xi32>
    %broadcast_in_dim3A_214 = vector.shape_cast %broadcast_in_dim3A_194 : vector<2048x1xf32> to vector<2048x1xf32>
    %broadcast_in_dim3A_215 = vector.broadcast %broadcast_in_dim3A_214 : vector<2048x1xf32> to vector<2048x8xf32>
    %select_n3A_216 = arith.select %eq3A_213, %broadcast_in_dim3A_215, %select_n3A_181 : vector<2048x8xi1>, vector<2048x8xf32>
    %jit3A_217 = arith.constant 1.000000e+00 : f32
    %jit3A_218 = arith.constant 0.000000e+00 : f32
    %broadcast_in_dim3A_219 = vector.broadcast %jit3A_217 : f32 to vector<2048x64xf32>
    %broadcast_in_dim3A_220 = vector.broadcast %jit3A_218 : f32 to vector<2048x64xf32>
    %select_n3A_221 = arith.select %eq3A_204, %broadcast_in_dim3A_219, %broadcast_in_dim3A_220 : vector<2048x64xi1>, vector<2048x64xf32>
    %add3A_222 = arith.addf %add3A_187, %select_n3A_221 : vector<2048x64xf32>
    %add3A_223 = arith.addf %add3A_188, %broadcast_in_dim3A_194 : vector<2048x1xf32>
    %jit3A_224 = arith.constant -1.000000e+30 : f32
    %broadcast_in_dim3A_225 = vector.broadcast %jit3A_224 : f32 to vector<2048x64xf32>
    %select_n3A_226 = arith.select %eq3A_204, %broadcast_in_dim3A_225, %select_n3A_191 : vector<2048x64xi1>, vector<2048x64xf32>
    %reduce_max3A_227 = arith.constant dense<0xFF800000> : vector<2048xf32>
    %reduce_max3A_228 = vector.multi_reduction <maximumf>, %select_n3A_226, %reduce_max3A_227 [1] : vector<2048x64xf32> to vector<2048xf32>
    %broadcast_in_dim3A_229 = vector.shape_cast %reduce_max3A_228 : vector<2048xf32> to vector<2048x1xf32>
    %eq3A_230 = vector.broadcast %broadcast_in_dim3A_229 : vector<2048x1xf32> to vector<2048x64xf32>
    %eq3A_231 = arith.cmpf oeq, %select_n3A_226, %eq3A_230 : vector<2048x64xf32>
    %jit3A_232 = arith.constant 64 : i32
    %broadcast_in_dim3A_233 = vector.broadcast %jit3A_232 : i32 to vector<2048x64xi32>
    %select_n3A_234 = arith.select %eq3A_231, %iota3A, %broadcast_in_dim3A_233 : vector<2048x64xi1>, vector<2048x64xi32>
    %reduce_min3A_235 = arith.constant dense<2147483647> : vector<2048xi32>
    %reduce_min3A_236 = vector.multi_reduction <minsi>, %select_n3A_234, %reduce_min3A_235 [1] : vector<2048x64xi32> to vector<2048xi32>
    %broadcast_in_dim3A_237 = vector.shape_cast %reduce_min3A_236 : vector<2048xi32> to vector<2048x1xi32>
    %eq3A_238 = vector.broadcast %broadcast_in_dim3A_237 : vector<2048x1xi32> to vector<2048x64xi32>
    %eq3A_239 = arith.cmpi eq, %iota3A, %eq3A_238 : vector<2048x64xi32>
    %eq3A_240 = arith.constant 6 : i32
    %eq3A_241 = vector.broadcast %eq3A_240 : i32 to vector<2048x8xi32>
    %eq3A_242 = arith.cmpi eq, %iota3A_13, %eq3A_241 : vector<2048x8xi32>
    %broadcast_in_dim3A_243 = vector.shape_cast %broadcast_in_dim3A_237 : vector<2048x1xi32> to vector<2048x1xi32>
    %broadcast_in_dim3A_244 = vector.broadcast %broadcast_in_dim3A_243 : vector<2048x1xi32> to vector<2048x8xi32>
    %select_n3A_245 = arith.select %eq3A_242, %broadcast_in_dim3A_244, %select_n3A_210 : vector<2048x8xi1>, vector<2048x8xi32>
    %eq3A_246 = arith.constant 6 : i32
    %eq3A_247 = vector.broadcast %eq3A_246 : i32 to vector<2048x8xi32>
    %eq3A_248 = arith.cmpi eq, %iota3A_13, %eq3A_247 : vector<2048x8xi32>
    %broadcast_in_dim3A_249 = vector.shape_cast %broadcast_in_dim3A_229 : vector<2048x1xf32> to vector<2048x1xf32>
    %broadcast_in_dim3A_250 = vector.broadcast %broadcast_in_dim3A_249 : vector<2048x1xf32> to vector<2048x8xf32>
    %select_n3A_251 = arith.select %eq3A_248, %broadcast_in_dim3A_250, %select_n3A_216 : vector<2048x8xi1>, vector<2048x8xf32>
    %jit3A_252 = arith.constant 1.000000e+00 : f32
    %jit3A_253 = arith.constant 0.000000e+00 : f32
    %broadcast_in_dim3A_254 = vector.broadcast %jit3A_252 : f32 to vector<2048x64xf32>
    %broadcast_in_dim3A_255 = vector.broadcast %jit3A_253 : f32 to vector<2048x64xf32>
    %select_n3A_256 = arith.select %eq3A_239, %broadcast_in_dim3A_254, %broadcast_in_dim3A_255 : vector<2048x64xi1>, vector<2048x64xf32>
    %add3A_257 = arith.addf %add3A_222, %select_n3A_256 : vector<2048x64xf32>
    %add3A_258 = arith.addf %add3A_223, %broadcast_in_dim3A_229 : vector<2048x1xf32>
    %jit3A_259 = arith.constant -1.000000e+30 : f32
    %broadcast_in_dim3A_260 = vector.broadcast %jit3A_259 : f32 to vector<2048x64xf32>
    %select_n3A_261 = arith.select %eq3A_239, %broadcast_in_dim3A_260, %select_n3A_226 : vector<2048x64xi1>, vector<2048x64xf32>
    %reduce_max3A_262 = arith.constant dense<0xFF800000> : vector<2048xf32>
    %reduce_max3A_263 = vector.multi_reduction <maximumf>, %select_n3A_261, %reduce_max3A_262 [1] : vector<2048x64xf32> to vector<2048xf32>
    %broadcast_in_dim3A_264 = vector.shape_cast %reduce_max3A_263 : vector<2048xf32> to vector<2048x1xf32>
    %eq3A_265 = vector.broadcast %broadcast_in_dim3A_264 : vector<2048x1xf32> to vector<2048x64xf32>
    %eq3A_266 = arith.cmpf oeq, %select_n3A_261, %eq3A_265 : vector<2048x64xf32>
    %jit3A_267 = arith.constant 64 : i32
    %broadcast_in_dim3A_268 = vector.broadcast %jit3A_267 : i32 to vector<2048x64xi32>
    %select_n3A_269 = arith.select %eq3A_266, %iota3A, %broadcast_in_dim3A_268 : vector<2048x64xi1>, vector<2048x64xi32>
    %reduce_min3A_270 = arith.constant dense<2147483647> : vector<2048xi32>
    %reduce_min3A_271 = vector.multi_reduction <minsi>, %select_n3A_269, %reduce_min3A_270 [1] : vector<2048x64xi32> to vector<2048xi32>
    %broadcast_in_dim3A_272 = vector.shape_cast %reduce_min3A_271 : vector<2048xi32> to vector<2048x1xi32>
    %eq3A_273 = vector.broadcast %broadcast_in_dim3A_272 : vector<2048x1xi32> to vector<2048x64xi32>
    %eq3A_274 = arith.cmpi eq, %iota3A, %eq3A_273 : vector<2048x64xi32>
    %eq3A_275 = arith.constant 7 : i32
    %eq3A_276 = vector.broadcast %eq3A_275 : i32 to vector<2048x8xi32>
    %eq3A_277 = arith.cmpi eq, %iota3A_13, %eq3A_276 : vector<2048x8xi32>
    %broadcast_in_dim3A_278 = vector.shape_cast %broadcast_in_dim3A_272 : vector<2048x1xi32> to vector<2048x1xi32>
    %broadcast_in_dim3A_279 = vector.broadcast %broadcast_in_dim3A_278 : vector<2048x1xi32> to vector<2048x8xi32>
    %select_n3A_280 = arith.select %eq3A_277, %broadcast_in_dim3A_279, %select_n3A_245 : vector<2048x8xi1>, vector<2048x8xi32>
    %eq3A_281 = arith.constant 7 : i32
    %eq3A_282 = vector.broadcast %eq3A_281 : i32 to vector<2048x8xi32>
    %eq3A_283 = arith.cmpi eq, %iota3A_13, %eq3A_282 : vector<2048x8xi32>
    %broadcast_in_dim3A_284 = vector.shape_cast %broadcast_in_dim3A_264 : vector<2048x1xf32> to vector<2048x1xf32>
    %broadcast_in_dim3A_285 = vector.broadcast %broadcast_in_dim3A_284 : vector<2048x1xf32> to vector<2048x8xf32>
    %select_n3A_286 = arith.select %eq3A_283, %broadcast_in_dim3A_285, %select_n3A_251 : vector<2048x8xi1>, vector<2048x8xf32>
    %jit3A_287 = arith.constant 1.000000e+00 : f32
    %jit3A_288 = arith.constant 0.000000e+00 : f32
    %broadcast_in_dim3A_289 = vector.broadcast %jit3A_287 : f32 to vector<2048x64xf32>
    %broadcast_in_dim3A_290 = vector.broadcast %jit3A_288 : f32 to vector<2048x64xf32>
    %select_n3A_291 = arith.select %eq3A_274, %broadcast_in_dim3A_289, %broadcast_in_dim3A_290 : vector<2048x64xi1>, vector<2048x64xf32>
    %add3A_292 = arith.addf %add3A_257, %select_n3A_291 : vector<2048x64xf32>
    %add3A_293 = arith.addf %add3A_258, %broadcast_in_dim3A_264 : vector<2048x1xf32>
    %swap3A_294 = arith.constant 0 : index
    %swap3A_295 = arith.constant 0 : index
    %swap3A_296 = vector.load %arg6[%swap3A_294, %swap3A_295] : memref<2048x8xi32, #tpu.memory_space<vmem>>, vector<2048x8xi32>
    tpu.vector_store %arg6[%swap3A_294, %swap3A_295], %select_n3A_280 {strides = array<i32>} : memref<2048x8xi32, #tpu.memory_space<vmem>>, vector<2048x8xi32>,
    %add3A_297 = arith.constant 9.99999968E-21 : f32
    %add3A_298 = vector.broadcast %add3A_297 : f32 to vector<2048x1xf32>
    %add3A_299 = arith.addf %add3A_293, %add3A_298 : vector<2048x1xf32>
    %div3A_300 = arith.constant 2.500000e+00 : f32
    %div3A_301 = vector.broadcast %div3A_300 : f32 to vector<2048x1xf32>
    %div3A_302 = arith.divf %div3A_301, %add3A_299 : vector<2048x1xf32>
    %mul3A = vector.broadcast %div3A_302 : vector<2048x1xf32> to vector<2048x8xf32>
    %mul3A_303 = arith.mulf %select_n3A_286, %mul3A : vector<2048x8xf32>
    %swap3A_304 = arith.constant 0 : index
    %swap3A_305 = arith.constant 0 : index
    %swap3A_306 = vector.load %arg7[%swap3A_304, %swap3A_305] : memref<2048x8xf32, #tpu.memory_space<vmem>>, vector<2048x8xf32>
    tpu.vector_store %arg7[%swap3A_304, %swap3A_305], %mul3A_303 {strides = array<i32>} : memref<2048x8xf32, #tpu.memory_space<vmem>>, vector<2048x8xf32>,
    %reduce_sum3A_307 = arith.constant dense<0.000000e+00> : vector<64xf32>
    %reduce_sum3A_308 = vector.multi_reduction <add>, %add3A_292, %reduce_sum3A_307 [0] : vector<2048x64xf32> to vector<64xf32>
    %broadcast_in_dim3A_309 = vector.shape_cast %reduce_sum3A_308 : vector<64xf32> to vector<1x64xf32>
    %swap3A_310 = arith.constant 0 : index
    %swap3A_311 = arith.constant 0 : index
    %swap3A_312 = vector.load %arg8[%swap3A_310, %swap3A_311] : memref<1x64xf32, #tpu.memory_space<vmem>>, vector<1x64xf32>
    tpu.vector_store %arg8[%swap3A_310, %swap3A_311], %broadcast_in_dim3A_309 {strides = array<i32>} : memref<1x64xf32, #tpu.memory_space<vmem>>, vector<1x64xf32>,
    %get3A_313 = arith.constant 0 : index
    %get3A_314 = arith.constant 0 : index
    %get3A_315 = vector.load %arg2[%get3A_313, %get3A_314] : memref<256x1024xf32, #tpu.memory_space<vmem>>, vector<256x1024xf32>
    %dot_general3A_316 = arith.constant dense<0.000000e+00> : vector<2048x256xf32>
    %dot_general3A_317 = tpu.matmul %get3A_1, %get3A_315, %dot_general3A_316 {dimension_numbers = #tpu.dot_dimension_numbers<[1], [1], [0], [0], [0, 0, 1, 0], [], []>, transpose_lhs_hint = false} : vector<2048x1024xf32>, vector<256x1024xf32>, vector<2048x256xf32> -> vector<2048x256xf32>
    %get3A_318 = arith.constant 0 : index
    %get3A_319 = arith.constant 0 : index
    %get3A_320 = vector.load %arg3[%get3A_318, %get3A_319] : memref<256x1024xf32, #tpu.memory_space<vmem>>, vector<256x1024xf32>
    %dot_general3A_321 = arith.constant dense<0.000000e+00> : vector<2048x256xf32>
    %dot_general3A_322 = tpu.matmul %get3A_1, %get3A_320, %dot_general3A_321 {dimension_numbers = #tpu.dot_dimension_numbers<[1], [1], [0], [0], [0, 0, 1, 0], [], []>, transpose_lhs_hint = false} : vector<2048x1024xf32>, vector<256x1024xf32>, vector<2048x256xf32> -> vector<2048x256xf32>
    %logistic3A = arith.negf %dot_general3A_317 : vector<2048x256xf32>
    %logistic3A_323 = math.exp %logistic3A : vector<2048x256xf32>
    %logistic3A_324 = arith.constant 1.000000e+00 : f32
    %logistic3A_325 = vector.broadcast %logistic3A_324 : f32 to vector<2048x256xf32>
    %logistic3A_326 = arith.addf %logistic3A_325, %logistic3A_323 : vector<2048x256xf32>
    %logistic3A_327 = arith.divf %logistic3A_325, %logistic3A_326 : vector<2048x256xf32>
    %mul3A_328 = arith.mulf %dot_general3A_317, %logistic3A_327 : vector<2048x256xf32>
    %mul3A_329 = arith.mulf %mul3A_328, %dot_general3A_322 : vector<2048x256xf32>
    %get3A_330 = arith.constant 0 : index
    %get3A_331 = arith.constant 0 : index
    %get3A_332 = vector.load %arg4[%get3A_330, %get3A_331] : memref<1024x256xf32, #tpu.memory_space<vmem>>, vector<1024x256xf32>
    %dot_general3A_333 = arith.constant dense<0.000000e+00> : vector<2048x1024xf32>
    %dot_general3A_334 = tpu.matmul %mul3A_329, %get3A_332, %dot_general3A_333 {dimension_numbers = #tpu.dot_dimension_numbers<[1], [1], [0], [0], [0, 0, 1, 0], [], []>, transpose_lhs_hint = false} : vector<2048x256xf32>, vector<1024x256xf32>, vector<2048x1024xf32> -> vector<2048x1024xf32>
    %swap3A_335 = arith.constant 0 : index
    %swap3A_336 = arith.constant 0 : index
    %swap3A_337 = vector.load %arg9[%swap3A_335, %swap3A_336] : memref<2048x1024xf32, #tpu.memory_space<vmem>>, vector<2048x1024xf32>
    tpu.vector_store %arg9[%swap3A_335, %swap3A_336], %dot_general3A_334 {strides = array<i32>} : memref<2048x1024xf32, #tpu.memory_space<vmem>>, vector<2048x1024xf32>,
    return
  }
}

module attributes {stable_mosaic.version = 14 : i64} {
  func.func @_rank_body(%arg0: i32, %arg1: memref<1x512x1xi32, #tpu.memory_space<vmem>>, %arg2: memref<1x64xf32, #tpu.memory_space<vmem>>, %arg3: memref<1x512x1xi32, #tpu.memory_space<vmem>>, %arg4: memref<1x512x1xi32, #tpu.memory_space<vmem>>, %arg5: memref<128x1xi32, #tpu.memory_space<vmem>>, %arg6: memref<128x1xi32, #tpu.memory_space<vmem>>, %arg7: memref<128x1xi32, #tpu.memory_space<vmem>>, %arg8: memref<1x64xf32, #tpu.memory_space<vmem>>, %arg9: memref<512x512xbf16, #tpu.memory_space<vmem>>) attributes {dimension_semantics = [#tpu.dimension_semantics<arbitrary>], iteration_bounds = array<i64: 32>, scalar_prefetch = 0 : i64, scratch_operands = 2 : i64, tpu.core_type = #tpu.core_type<tc>, window_params = [{transform_indices = @transform_0, window_bounds = array<i64: 1, 512, 1>}, {pipeline_mode = #tpu.pipeline_mode<synchronous>, transform_indices = @transform_1, window_bounds = array<i64: 1, 64>}, {transform_indices = @transform_2, window_bounds = array<i64: 1, 512, 1>}, {transform_indices = @transform_3, window_bounds = array<i64: 1, 512, 1>}, {pipeline_mode = #tpu.pipeline_mode<synchronous>, transform_indices = @transform_4, window_bounds = array<i64: 128, 1>}, {pipeline_mode = #tpu.pipeline_mode<synchronous>, transform_indices = @transform_5, window_bounds = array<i64: 128, 1>}, {pipeline_mode = #tpu.pipeline_mode<synchronous>, transform_indices = @transform_6, window_bounds = array<i64: 128, 1>}]} {
    %eq3A = arith.constant 0 : i32
    %eq3A_0 = arith.cmpi eq, %arg0, %eq3A : i32
    %convert_element_type3A = arith.extui %eq3A_0 : i1 to i32
    %cond3A = arith.constant 0 : i32
    %cond3A_1 = arith.cmpi ne, %convert_element_type3A, %cond3A : i32
    scf.if %cond3A_1 {
      %broadcast_in_dim3A_74 = arith.constant 0.000000e+00 : f32
      %broadcast_in_dim3A_75 = vector.broadcast %broadcast_in_dim3A_74 : f32 to vector<1x64xf32>
      %swap3A_76 = arith.constant 0 : index
      %swap3A_77 = arith.constant 0 : index
      %swap3A_78 = vector.load %arg8[%swap3A_76, %swap3A_77] : memref<1x64xf32, #tpu.memory_space<vmem>>, vector<1x64xf32>
      tpu.vector_store %arg8[%swap3A_76, %swap3A_77], %broadcast_in_dim3A_75 {strides = array<i32>} : memref<1x64xf32, #tpu.memory_space<vmem>>, vector<1x64xf32>,
      %iota3A_79 = tpu.iota {dimensions = array<i32: 0>} : vector<512x512xi32>
      %iota3A_80 = tpu.iota {dimensions = array<i32: 1>} : vector<512x512xi32>
      %gt3A = arith.cmpi sgt, %iota3A_79, %iota3A_80 : vector<512x512xi32>
      %jit3A = arith.constant 1.000000e+00 : f32
      %jit3A_81 = arith.constant 0.000000e+00 : f32
      %broadcast_in_dim3A_82 = vector.broadcast %jit3A : f32 to vector<512x512xf32>
      %broadcast_in_dim3A_83 = vector.broadcast %jit3A_81 : f32 to vector<512x512xf32>
      %select_n3A = arith.select %gt3A, %broadcast_in_dim3A_82, %broadcast_in_dim3A_83 : vector<512x512xi1>, vector<512x512xf32>
      %convert_element_type3A_84 = arith.truncf %select_n3A : vector<512x512xf32> to vector<512x512xbf16>
      %swap3A_85 = arith.constant 0 : index
      %swap3A_86 = arith.constant 0 : index
      %swap3A_87 = vector.load %arg9[%swap3A_85, %swap3A_86] : memref<512x512xbf16, #tpu.memory_space<vmem>>, vector<512x512xbf16>
      tpu.vector_store %arg9[%swap3A_85, %swap3A_86], %convert_element_type3A_84 {strides = array<i32>} : memref<512x512xbf16, #tpu.memory_space<vmem>>, vector<512x512xbf16>,
    } else {
    }
    %get3A = arith.constant 0 : index
    %get3A_2 = arith.constant 0 : index
    %get3A_3 = vector.load %arg2[%get3A, %get3A_2] : memref<1x64xf32, #tpu.memory_space<vmem>>, vector<1x64xf32>
    %iota3A = tpu.iota {dimensions = array<i32: 0>} : vector<64x64xi32>
    %iota3A_4 = tpu.iota {dimensions = array<i32: 1>} : vector<64x64xi32>
    %lt3A = arith.cmpi slt, %iota3A, %iota3A_4 : vector<64x64xi32>
    %convert_element_type3A_5 = arith.extui %lt3A : vector<64x64xi1> to vector<64x64xi32>
    %convert_element_type3A_6 = arith.sitofp %convert_element_type3A_5 : vector<64x64xi32> to vector<64x64xf32>
    %dot_general3A = arith.constant dense<0.000000e+00> : vector<1x64xf32>
    %dot_general3A_7 = tpu.matmul %get3A_3, %convert_element_type3A_6, %dot_general3A {dimension_numbers = #tpu.dot_dimension_numbers<[1], [0], [0], [1], [0, 0, 1, 1], [], []>, precision = #tpu.contract_precision<fp32>, transpose_lhs_hint = false} : vector<1x64xf32>, vector<64x64xf32>, vector<1x64xf32> -> vector<1x64xf32>
    %add3A = arith.addf %dot_general3A_7, %get3A_3 : vector<1x64xf32>
    %get3A_8 = arith.constant 0 : index
    %get3A_9 = arith.constant 0 : index
    %get3A_10 = arith.constant 0 : index
    %get3A_11 = vector.load %arg1[%get3A_8, %get3A_9, %get3A_10] : memref<1x512x1xi32, #tpu.memory_space<vmem>>, vector<1x512x1xi32>
    %get3A_12 = vector.shape_cast %get3A_11 : vector<1x512x1xi32> to vector<512x1xi32>
    %iota3A_13 = tpu.iota {dimensions = array<i32: 1>} : vector<512x64xi32>
    %eq3A_14 = vector.broadcast %get3A_12 : vector<512x1xi32> to vector<512x64xi32>
    %eq3A_15 = arith.cmpi eq, %eq3A_14, %iota3A_13 : vector<512x64xi32>
    %convert_element_type3A_16 = arith.extui %eq3A_15 : vector<512x64xi1> to vector<512x64xi32>
    %convert_element_type3A_17 = arith.sitofp %convert_element_type3A_16 : vector<512x64xi32> to vector<512x64xf32>
    %get3A_18 = arith.constant 0 : index
    %get3A_19 = arith.constant 0 : index
    %get3A_20 = vector.load %arg9[%get3A_18, %get3A_19] : memref<512x512xbf16, #tpu.memory_space<vmem>>, vector<512x512xbf16>
    %convert_element_type3A_21 = arith.truncf %convert_element_type3A_17 : vector<512x64xf32> to vector<512x64xbf16>
    %dot_general3A_22 = arith.constant dense<0.000000e+00> : vector<512x64xf32>
    %dot_general3A_23 = tpu.matmul %get3A_20, %convert_element_type3A_21, %dot_general3A_22 {dimension_numbers = #tpu.dot_dimension_numbers<[1], [0], [0], [1], [0, 0, 1, 1], [], []>, transpose_lhs_hint = false} : vector<512x512xbf16>, vector<512x64xbf16>, vector<512x64xf32> -> vector<512x64xf32>
    %broadcast_in_dim3A = arith.constant 1.000000e+00 : f32
    %broadcast_in_dim3A_24 = vector.broadcast %broadcast_in_dim3A : f32 to vector<1x64xf32>
    %mul3A = arith.mulf %dot_general3A_23, %convert_element_type3A_17 : vector<512x64xf32>
    %dot_general3A_25 = arith.constant dense<0.000000e+00> : vector<512x1xf32>
    %dot_general3A_26 = tpu.matmul %mul3A, %broadcast_in_dim3A_24, %dot_general3A_25 {dimension_numbers = #tpu.dot_dimension_numbers<[1], [1], [0], [0], [0, 0, 1, 0], [], []>, precision = #tpu.contract_precision<fp32>, transpose_lhs_hint = false} : vector<512x64xf32>, vector<1x64xf32>, vector<512x1xf32> -> vector<512x1xf32>
    %get3A_27 = arith.constant 0 : index
    %get3A_28 = arith.constant 0 : index
    %get3A_29 = vector.load %arg8[%get3A_27, %get3A_28] : memref<1x64xf32, #tpu.memory_space<vmem>>, vector<1x64xf32>
    %add3A_30 = arith.addf %dot_general3A_7, %get3A_29 : vector<1x64xf32>
    %dot_general3A_31 = arith.constant dense<0.000000e+00> : vector<512x1xf32>
    %dot_general3A_32 = tpu.matmul %convert_element_type3A_17, %add3A_30, %dot_general3A_31 {dimension_numbers = #tpu.dot_dimension_numbers<[1], [1], [0], [0], [0, 0, 1, 0], [], []>, precision = #tpu.contract_precision<fp32>, transpose_lhs_hint = false} : vector<512x64xf32>, vector<1x64xf32>, vector<512x1xf32> -> vector<512x1xf32>
    %add3A_33 = arith.addf %dot_general3A_26, %dot_general3A_32 : vector<512x1xf32>
    %convert_element_type3A_34 = arith.fptosi %add3A_33 : vector<512x1xf32> to vector<512x1xi32>
    %reshape3A = vector.shape_cast %convert_element_type3A_34 : vector<512x1xi32> to vector<1x512x1xi32>
    %swap3A = arith.constant 0 : index
    %swap3A_35 = arith.constant 0 : index
    %swap3A_36 = arith.constant 0 : index
    %swap3A_37 = vector.load %arg3[%swap3A, %swap3A_35, %swap3A_36] : memref<1x512x1xi32, #tpu.memory_space<vmem>>, vector<1x512x1xi32>
    tpu.vector_store %arg3[%swap3A, %swap3A_35, %swap3A_36], %reshape3A {strides = array<i32>} : memref<1x512x1xi32, #tpu.memory_space<vmem>>, vector<1x512x1xi32>,
    %get3A_38 = arith.constant 0 : index
    %get3A_39 = arith.constant 0 : index
    %get3A_40 = vector.load %arg8[%get3A_38, %get3A_39] : memref<1x64xf32, #tpu.memory_space<vmem>>, vector<1x64xf32>
    %broadcast_in_dim3A_41 = arith.constant 1.000000e+00 : f32
    %broadcast_in_dim3A_42 = vector.broadcast %broadcast_in_dim3A_41 : f32 to vector<1x512xf32>
    %dot_general3A_43 = arith.constant dense<0.000000e+00> : vector<1x64xf32>
    %dot_general3A_44 = tpu.matmul %broadcast_in_dim3A_42, %convert_element_type3A_17, %dot_general3A_43 {dimension_numbers = #tpu.dot_dimension_numbers<[1], [0], [0], [1], [0, 0, 1, 1], [], []>, precision = #tpu.contract_precision<fp32>, transpose_lhs_hint = false} : vector<1x512xf32>, vector<512x64xf32>, vector<1x64xf32> -> vector<1x64xf32>
    %add3A_45 = arith.addf %get3A_40, %dot_general3A_44 : vector<1x64xf32>
    %swap3A_46 = arith.constant 0 : index
    %swap3A_47 = arith.constant 0 : index
    %swap3A_48 = vector.load %arg8[%swap3A_46, %swap3A_47] : memref<1x64xf32, #tpu.memory_space<vmem>>, vector<1x64xf32>
    tpu.vector_store %arg8[%swap3A_46, %swap3A_47], %add3A_45 {strides = array<i32>} : memref<1x64xf32, #tpu.memory_space<vmem>>, vector<1x64xf32>,
    %iota3A_49 = tpu.iota {dimensions = array<i32: 0>} : vector<512x1xi32>
    %mul3A_50 = arith.constant 512 : i32
    %mul3A_51 = arith.muli %arg0, %mul3A_50 : i32
    %add3A_52 = vector.broadcast %mul3A_51 : i32 to vector<512x1xi32>
    %add3A_53 = arith.addi %iota3A_49, %add3A_52 : vector<512x1xi32>
    %convert_element_type3A_54 = arith.sitofp %add3A_53 : vector<512x1xi32> to vector<512x1xf32>
    %broadcast_in_dim3A_55 = vector.shape_cast %add3A : vector<1x64xf32> to vector<1x64xf32>
    %broadcast_in_dim3A_56 = vector.broadcast %broadcast_in_dim3A_55 : vector<1x64xf32> to vector<512x64xf32>
    %broadcast_in_dim3A_57 = vector.shape_cast %convert_element_type3A_54 : vector<512x1xf32> to vector<512x1xf32>
    %broadcast_in_dim3A_58 = vector.broadcast %broadcast_in_dim3A_57 : vector<512x1xf32> to vector<512x64xf32>
    %le3A = arith.cmpf ole, %broadcast_in_dim3A_56, %broadcast_in_dim3A_58 : vector<512x64xf32>
    %convert_element_type3A_59 = arith.extui %le3A : vector<512x64xi1> to vector<512x64xi32>
    %convert_element_type3A_60 = arith.sitofp %convert_element_type3A_59 : vector<512x64xi32> to vector<512x64xf32>
    %dot_general3A_61 = arith.constant dense<0.000000e+00> : vector<512x1xf32>
    %dot_general3A_62 = tpu.matmul %convert_element_type3A_60, %broadcast_in_dim3A_24, %dot_general3A_61 {dimension_numbers = #tpu.dot_dimension_numbers<[1], [1], [0], [0], [0, 0, 1, 0], [], []>, precision = #tpu.contract_precision<fp32>, transpose_lhs_hint = false} : vector<512x64xf32>, vector<1x64xf32>, vector<512x1xf32> -> vector<512x1xf32>
    %convert_element_type3A_63 = arith.fptosi %dot_general3A_62 : vector<512x1xf32> to vector<512x1xi32>
    %reshape3A_64 = vector.shape_cast %convert_element_type3A_63 : vector<512x1xi32> to vector<1x512x1xi32>
    %swap3A_65 = arith.constant 0 : index
    %swap3A_66 = arith.constant 0 : index
    %swap3A_67 = arith.constant 0 : index
    %swap3A_68 = vector.load %arg4[%swap3A_65, %swap3A_66, %swap3A_67] : memref<1x512x1xi32, #tpu.memory_space<vmem>>, vector<1x512x1xi32>
    tpu.vector_store %arg4[%swap3A_65, %swap3A_66, %swap3A_67], %reshape3A_64 {strides = array<i32>} : memref<1x512x1xi32, #tpu.memory_space<vmem>>, vector<1x512x1xi32>,
    %eq3A_69 = arith.constant 31 : i32
    %eq3A_70 = arith.cmpi eq, %arg0, %eq3A_69 : i32
    %convert_element_type3A_71 = arith.extui %eq3A_70 : i1 to i32
    %cond3A_72 = arith.constant 0 : i32
    %cond3A_73 = arith.cmpi ne, %convert_element_type3A_71, %cond3A_72 : i32
    scf.if %cond3A_73 {
      %div3A = arith.constant 2.560000e+02 : f32
      %div3A_74 = vector.broadcast %div3A : f32 to vector<1x64xf32>
      %div3A_75 = arith.divf %dot_general3A_7, %div3A_74 : vector<1x64xf32>
      %floor3A = math.floor %div3A_75 : vector<1x64xf32>
      %sub3A = arith.constant 1.000000e+00 : f32
      %sub3A_76 = vector.broadcast %sub3A : f32 to vector<1x64xf32>
      %sub3A_77 = arith.subf %add3A, %sub3A_76 : vector<1x64xf32>
      %div3A_78 = arith.constant 2.560000e+02 : f32
      %div3A_79 = vector.broadcast %div3A_78 : f32 to vector<1x64xf32>
      %div3A_80 = arith.divf %sub3A_77, %div3A_79 : vector<1x64xf32>
      %floor3A_81 = math.floor %div3A_80 : vector<1x64xf32>
      %gt3A = arith.constant 0.000000e+00 : f32
      %gt3A_82 = vector.broadcast %gt3A : f32 to vector<1x64xf32>
      %gt3A_83 = arith.cmpf ogt, %get3A_3, %gt3A_82 : vector<1x64xf32>
      %sub3A_84 = arith.subf %floor3A_81, %floor3A : vector<1x64xf32>
      %add3A_85 = arith.constant 1.000000e+00 : f32
      %add3A_86 = vector.broadcast %add3A_85 : f32 to vector<1x64xf32>
      %add3A_87 = arith.addf %sub3A_84, %add3A_86 : vector<1x64xf32>
      %jit3A = arith.constant 0.000000e+00 : f32
      %broadcast_in_dim3A_88 = vector.broadcast %jit3A : f32 to vector<1x64xf32>
      %select_n3A = arith.select %gt3A_83, %add3A_87, %broadcast_in_dim3A_88 : vector<1x64xi1>, vector<1x64xf32>
      %dot_general3A_89 = arith.constant dense<0.000000e+00> : vector<1x64xf32>
      %dot_general3A_90 = tpu.matmul %select_n3A, %convert_element_type3A_6, %dot_general3A_89 {dimension_numbers = #tpu.dot_dimension_numbers<[1], [0], [0], [1], [0, 0, 1, 1], [], []>, precision = #tpu.contract_precision<fp32>, transpose_lhs_hint = false} : vector<1x64xf32>, vector<64x64xf32>, vector<1x64xf32> -> vector<1x64xf32>
      %reduce_sum3A = arith.constant dense<0.000000e+00> : vector<1xf32>
      %reduce_sum3A_91 = vector.multi_reduction <add>, %select_n3A, %reduce_sum3A [1] : vector<1x64xf32> to vector<1xf32>
      %broadcast_in_dim3A_92 = vector.shape_cast %reduce_sum3A_91 : vector<1xf32> to vector<1x1xf32>
      %iota3A_93 = tpu.iota {dimensions = array<i32: 0>} : vector<128x64xi32>
      %convert_element_type3A_94 = arith.sitofp %iota3A_93 : vector<128x64xi32> to vector<128x64xf32>
      %iota3A_95 = tpu.iota {dimensions = array<i32: 0>} : vector<128x1xi32>
      %convert_element_type3A_96 = arith.sitofp %iota3A_95 : vector<128x1xi32> to vector<128x1xf32>
      %broadcast_in_dim3A_97 = vector.shape_cast %dot_general3A_90 : vector<1x64xf32> to vector<1x64xf32>
      %broadcast_in_dim3A_98 = vector.broadcast %broadcast_in_dim3A_97 : vector<1x64xf32> to vector<128x64xf32>
      %le3A_99 = arith.cmpf ole, %broadcast_in_dim3A_98, %convert_element_type3A_94 : vector<128x64xf32>
      %convert_element_type3A_100 = arith.extui %le3A_99 : vector<128x64xi1> to vector<128x64xi32>
      %convert_element_type3A_101 = arith.sitofp %convert_element_type3A_100 : vector<128x64xi32> to vector<128x64xf32>
      %reduce_sum3A_102 = arith.constant dense<0.000000e+00> : vector<128xf32>
      %reduce_sum3A_103 = vector.multi_reduction <add>, %convert_element_type3A_101, %reduce_sum3A_102 [1] : vector<128x64xf32> to vector<128xf32>
      %broadcast_in_dim3A_104 = vector.shape_cast %reduce_sum3A_103 : vector<128xf32> to vector<128x1xf32>
      %sub3A_105 = arith.constant 1.000000e+00 : f32
      %sub3A_106 = vector.broadcast %sub3A_105 : f32 to vector<128x1xf32>
      %sub3A_107 = arith.subf %broadcast_in_dim3A_104, %sub3A_106 : vector<128x1xf32>
      %iota3A_108 = tpu.iota {dimensions = array<i32: 1>} : vector<128x64xi32>
      %convert_element_type3A_109 = arith.sitofp %iota3A_108 : vector<128x64xi32> to vector<128x64xf32>
      %broadcast_in_dim3A_110 = vector.shape_cast %sub3A_107 : vector<128x1xf32> to vector<128x1xf32>
      %broadcast_in_dim3A_111 = vector.broadcast %broadcast_in_dim3A_110 : vector<128x1xf32> to vector<128x64xf32>
      %eq3A_112 = arith.cmpf oeq, %convert_element_type3A_109, %broadcast_in_dim3A_111 : vector<128x64xf32>
      %convert_element_type3A_113 = arith.extui %eq3A_112 : vector<128x64xi1> to vector<128x64xi32>
      %convert_element_type3A_114 = arith.sitofp %convert_element_type3A_113 : vector<128x64xi32> to vector<128x64xf32>
      %broadcast_in_dim3A_115 = vector.shape_cast %floor3A : vector<1x64xf32> to vector<1x64xf32>
      %broadcast_in_dim3A_116 = vector.broadcast %broadcast_in_dim3A_115 : vector<1x64xf32> to vector<128x64xf32>
      %mul3A_117 = arith.mulf %convert_element_type3A_114, %broadcast_in_dim3A_116 : vector<128x64xf32>
      %reduce_sum3A_118 = arith.constant dense<0.000000e+00> : vector<128xf32>
      %reduce_sum3A_119 = vector.multi_reduction <add>, %mul3A_117, %reduce_sum3A_118 [1] : vector<128x64xf32> to vector<128xf32>
      %broadcast_in_dim3A_120 = vector.shape_cast %reduce_sum3A_119 : vector<128xf32> to vector<128x1xf32>
      %mul3A_121 = arith.mulf %convert_element_type3A_114, %broadcast_in_dim3A_98 : vector<128x64xf32>
      %reduce_sum3A_122 = arith.constant dense<0.000000e+00> : vector<128xf32>
      %reduce_sum3A_123 = vector.multi_reduction <add>, %mul3A_121, %reduce_sum3A_122 [1] : vector<128x64xf32> to vector<128xf32>
      %broadcast_in_dim3A_124 = vector.shape_cast %reduce_sum3A_123 : vector<128xf32> to vector<128x1xf32>
      %add3A_125 = arith.addf %broadcast_in_dim3A_120, %convert_element_type3A_96 : vector<128x1xf32>
      %sub3A_126 = arith.subf %add3A_125, %broadcast_in_dim3A_124 : vector<128x1xf32>
      %broadcast_in_dim3A_127 = arith.constant -1.000000e+00 : f32
      %broadcast_in_dim3A_128 = vector.broadcast %broadcast_in_dim3A_127 : f32 to vector<1x1xf32>
      %slice3A = vector.extract_strided_slice %sub3A_126 {offsets = [0, 0], sizes = [127, 1], strides = [1, 1]} : vector<128x1xf32> to vector<127x1xf32>
      %concatenate3A = tpu.concatenate %broadcast_in_dim3A_128, %slice3A in 0 : vector<1x1xf32>, vector<127x1xf32> -> vector<128x1xf32>
      %ne3A = arith.cmpf one, %sub3A_126, %concatenate3A : vector<128x1xf32>
      %broadcast_in_dim3A_129 = vector.shape_cast %broadcast_in_dim3A_92 : vector<1x1xf32> to vector<1x1xf32>
      %broadcast_in_dim3A_130 = vector.broadcast %broadcast_in_dim3A_129 : vector<1x1xf32> to vector<128x1xf32>
      %lt3A_131 = arith.cmpf olt, %convert_element_type3A_96, %broadcast_in_dim3A_130 : vector<128x1xf32>
      %jit3A_132 = arith.constant 6.400000e+01 : f32
      %broadcast_in_dim3A_133 = vector.broadcast %jit3A_132 : f32 to vector<128x1xf32>
      %select_n3A_134 = arith.select %lt3A_131, %sub3A_107, %broadcast_in_dim3A_133 : vector<128x1xi1>, vector<128x1xf32>
      %convert_element_type3A_135 = arith.fptosi %select_n3A_134 : vector<128x1xf32> to vector<128x1xi32>
      %swap3A_136 = arith.constant 0 : index
      %swap3A_137 = arith.constant 0 : index
      %swap3A_138 = vector.load %arg5[%swap3A_136, %swap3A_137] : memref<128x1xi32, #tpu.memory_space<vmem>>, vector<128x1xi32>
      tpu.vector_store %arg5[%swap3A_136, %swap3A_137], %convert_element_type3A_135 {strides = array<i32>} : memref<128x1xi32, #tpu.memory_space<vmem>>, vector<128x1xi32>,
      %jit3A_139 = arith.constant 6.300000e+01 : f32
      %broadcast_in_dim3A_140 = vector.broadcast %jit3A_139 : f32 to vector<128x1xf32>
      %select_n3A_141 = arith.select %lt3A_131, %sub3A_126, %broadcast_in_dim3A_140 : vector<128x1xi1>, vector<128x1xf32>
      %convert_element_type3A_142 = arith.fptosi %select_n3A_141 : vector<128x1xf32> to vector<128x1xi32>
      %swap3A_143 = arith.constant 0 : index
      %swap3A_144 = arith.constant 0 : index
      %swap3A_145 = vector.load %arg6[%swap3A_143, %swap3A_144] : memref<128x1xi32, #tpu.memory_space<vmem>>, vector<128x1xi32>
      tpu.vector_store %arg6[%swap3A_143, %swap3A_144], %convert_element_type3A_142 {strides = array<i32>} : memref<128x1xi32, #tpu.memory_space<vmem>>, vector<128x1xi32>,
      %and3A = arith.andi %lt3A_131, %ne3A : vector<128x1xi1>
      %jit3A_146 = arith.constant 1 : i32
      %jit3A_147 = arith.constant 0 : i32
      %broadcast_in_dim3A_148 = vector.broadcast %jit3A_146 : i32 to vector<128x1xi32>
      %broadcast_in_dim3A_149 = vector.broadcast %jit3A_147 : i32 to vector<128x1xi32>
      %select_n3A_150 = arith.select %and3A, %broadcast_in_dim3A_148, %broadcast_in_dim3A_149 : vector<128x1xi1>, vector<128x1xi32>
      %swap3A_151 = arith.constant 0 : index
      %swap3A_152 = arith.constant 0 : index
      %swap3A_153 = vector.load %arg7[%swap3A_151, %swap3A_152] : memref<128x1xi32, #tpu.memory_space<vmem>>, vector<128x1xi32>
      tpu.vector_store %arg7[%swap3A_151, %swap3A_152], %select_n3A_150 {strides = array<i32>} : memref<128x1xi32, #tpu.memory_space<vmem>>, vector<128x1xi32>,
    } else {
    }
    return
  }
  func.func @transform_0(%arg0: i32) -> (i32, i32, i32) {
    %c0_i32 = arith.constant 0 : i32
    %c0_i32_0 = arith.constant 0 : i32
    %c0_i32_1 = arith.constant 0 : i32
    return %arg0, %c0_i32, %c0_i32_0 : i32, i32, i32
  }
  func.func @transform_1(%arg0: i32) -> (i32, i32) {
    %c0_i32 = arith.constant 0 : i32
    %c0_i32_0 = arith.constant 0 : i32
    %c0_i32_1 = arith.constant 0 : i32
    return %c0_i32, %c0_i32_0 : i32, i32
  }
  func.func @transform_2(%arg0: i32) -> (i32, i32, i32) {
    %c0_i32 = arith.constant 0 : i32
    %c0_i32_0 = arith.constant 0 : i32
    %c0_i32_1 = arith.constant 0 : i32
    return %arg0, %c0_i32, %c0_i32_0 : i32, i32, i32
  }
  func.func @transform_3(%arg0: i32) -> (i32, i32, i32) {
    %c0_i32 = arith.constant 0 : i32
    %c0_i32_0 = arith.constant 0 : i32
    %c0_i32_1 = arith.constant 0 : i32
    return %arg0, %c0_i32, %c0_i32_0 : i32, i32, i32
  }
  func.func @transform_4(%arg0: i32) -> (i32, i32) {
    %c0_i32 = arith.constant 0 : i32
    %c0_i32_0 = arith.constant 0 : i32
    %c0_i32_1 = arith.constant 0 : i32
    return %c0_i32, %c0_i32_0 : i32, i32
  }
  func.func @transform_5(%arg0: i32) -> (i32, i32) {
    %c0_i32 = arith.constant 0 : i32
    %c0_i32_0 = arith.constant 0 : i32
    %c0_i32_1 = arith.constant 0 : i32
    return %c0_i32, %c0_i32_0 : i32, i32
  }
  func.func @transform_6(%arg0: i32) -> (i32, i32) {
    %c0_i32 = arith.constant 0 : i32
    %c0_i32_0 = arith.constant 0 : i32
    %c0_i32_1 = arith.constant 0 : i32
    return %c0_i32, %c0_i32_0 : i32, i32
  }
}

module attributes {stable_mosaic.version = 14 : i64} {
  func.func @_ffn_body(%arg0: i32, %arg1: memref<128xi32, #tpu.memory_space<smem>>, %arg2: memref<128xi32, #tpu.memory_space<smem>>, %arg3: memref<128xi32, #tpu.memory_space<smem>>, %arg4: memref<256x1024xf32, #tpu.memory_space<vmem>>, %arg5: memref<1x256x1xi32, #tpu.memory_space<vmem>>, %arg6: memref<1x256x1xf32, #tpu.memory_space<vmem>>, %arg7: memref<1x256x1024xf32, #tpu.memory_space<vmem>>, %arg8: memref<1x1024x256xf32, #tpu.memory_space<vmem>>, %arg9: memref<1x256x1024xf32, #tpu.memory_space<vmem>>, %arg10: memref<256x1024xf32, #tpu.memory_space<vmem>>) attributes {dimension_semantics = [#tpu.dimension_semantics<arbitrary>], iteration_bounds = array<i64: 128>, scalar_prefetch = 3 : i64, scratch_operands = 0 : i64, tpu.core_type = #tpu.core_type<tc>, window_params = [{transform_indices = @transform_0, window_bounds = array<i64: 256, 1024>}, {transform_indices = @transform_1, window_bounds = array<i64: 1, 256, 1>}, {transform_indices = @transform_2, window_bounds = array<i64: 1, 256, 1>}, {transform_indices = @transform_3, window_bounds = array<i64: 1, 256, 1024>}, {transform_indices = @transform_4, window_bounds = array<i64: 1, 1024, 256>}, {transform_indices = @transform_5, window_bounds = array<i64: 1, 256, 1024>}, {transform_indices = @transform_6, window_bounds = array<i64: 256, 1024>}]} {
    %get3A = arith.index_cast %arg0 : i32 to index
    %get3A_0 = memref.load %arg2[%get3A] : memref<128xi32, #tpu.memory_space<smem>>
    %lt3A = arith.constant 64 : i32
    %lt3A_1 = arith.cmpi slt, %get3A_0, %lt3A : i32
    %convert_element_type3A = arith.extui %lt3A_1 : i1 to i32
    %cond3A = arith.constant 0 : i32
    %cond3A_2 = arith.cmpi ne, %convert_element_type3A, %cond3A : i32
    scf.if %cond3A_2 {
      %get3A_3 = arith.constant 0 : index
      %get3A_4 = arith.constant 0 : index
      %get3A_5 = vector.load %arg4[%get3A_3, %get3A_4] : memref<256x1024xf32, #tpu.memory_space<vmem>>, vector<256x1024xf32>
      %get3A_6 = arith.constant 0 : index
      %get3A_7 = arith.constant 0 : index
      %get3A_8 = arith.constant 0 : index
      %get3A_9 = vector.load %arg7[%get3A_6, %get3A_7, %get3A_8] : memref<1x256x1024xf32, #tpu.memory_space<vmem>>, vector<1x256x1024xf32>
      %get3A_10 = vector.shape_cast %get3A_9 : vector<1x256x1024xf32> to vector<256x1024xf32>
      %dot_general3A = arith.constant dense<0.000000e+00> : vector<256x256xf32>
      %dot_general3A_11 = tpu.matmul %get3A_5, %get3A_10, %dot_general3A {dimension_numbers = #tpu.dot_dimension_numbers<[1], [1], [0], [0], [0, 0, 1, 0], [], []>, transpose_lhs_hint = false} : vector<256x1024xf32>, vector<256x1024xf32>, vector<256x256xf32> -> vector<256x256xf32>
      %get3A_12 = arith.constant 0 : index
      %get3A_13 = arith.constant 0 : index
      %get3A_14 = arith.constant 0 : index
      %get3A_15 = vector.load %arg9[%get3A_12, %get3A_13, %get3A_14] : memref<1x256x1024xf32, #tpu.memory_space<vmem>>, vector<1x256x1024xf32>
      %get3A_16 = vector.shape_cast %get3A_15 : vector<1x256x1024xf32> to vector<256x1024xf32>
      %dot_general3A_17 = arith.constant dense<0.000000e+00> : vector<256x256xf32>
      %dot_general3A_18 = tpu.matmul %get3A_5, %get3A_16, %dot_general3A_17 {dimension_numbers = #tpu.dot_dimension_numbers<[1], [1], [0], [0], [0, 0, 1, 0], [], []>, transpose_lhs_hint = false} : vector<256x1024xf32>, vector<256x1024xf32>, vector<256x256xf32> -> vector<256x256xf32>
      %get3A_19 = arith.constant 0 : index
      %get3A_20 = arith.constant 0 : index
      %get3A_21 = arith.constant 0 : index
      %get3A_22 = vector.load %arg5[%get3A_19, %get3A_20, %get3A_21] : memref<1x256x1xi32, #tpu.memory_space<vmem>>, vector<1x256x1xi32>
      %get3A_23 = vector.shape_cast %get3A_22 : vector<1x256x1xi32> to vector<256x1xi32>
      %eq3A = vector.broadcast %get3A_0 : i32 to vector<256x1xi32>
      %eq3A_24 = arith.cmpi eq, %get3A_23, %eq3A : vector<256x1xi32>
      %get3A_25 = arith.constant 0 : index
      %get3A_26 = arith.constant 0 : index
      %get3A_27 = arith.constant 0 : index
      %get3A_28 = vector.load %arg6[%get3A_25, %get3A_26, %get3A_27] : memref<1x256x1xf32, #tpu.memory_space<vmem>>, vector<1x256x1xf32>
      %get3A_29 = vector.shape_cast %get3A_28 : vector<1x256x1xf32> to vector<256x1xf32>
      %jit3A = arith.constant 0.000000e+00 : f32
      %broadcast_in_dim3A = vector.broadcast %jit3A : f32 to vector<256x1xf32>
      %select_n3A = arith.select %eq3A_24, %get3A_29, %broadcast_in_dim3A : vector<256x1xi1>, vector<256x1xf32>
      %logistic3A = arith.negf %dot_general3A_11 : vector<256x256xf32>
      %logistic3A_30 = math.exp %logistic3A : vector<256x256xf32>
      %logistic3A_31 = arith.constant 1.000000e+00 : f32
      %logistic3A_32 = vector.broadcast %logistic3A_31 : f32 to vector<256x256xf32>
      %logistic3A_33 = arith.addf %logistic3A_32, %logistic3A_30 : vector<256x256xf32>
      %logistic3A_34 = arith.divf %logistic3A_32, %logistic3A_33 : vector<256x256xf32>
      %mul3A = arith.mulf %dot_general3A_11, %logistic3A_34 : vector<256x256xf32>
      %mul3A_35 = arith.mulf %mul3A, %dot_general3A_18 : vector<256x256xf32>
      %mul3A_36 = vector.broadcast %select_n3A : vector<256x1xf32> to vector<256x256xf32>
      %mul3A_37 = arith.mulf %mul3A_35, %mul3A_36 : vector<256x256xf32>
      %get3A_38 = arith.constant 0 : index
      %get3A_39 = arith.constant 0 : index
      %get3A_40 = arith.constant 0 : index
      %get3A_41 = vector.load %arg8[%get3A_38, %get3A_39, %get3A_40] : memref<1x1024x256xf32, #tpu.memory_space<vmem>>, vector<1x1024x256xf32>
      %get3A_42 = vector.shape_cast %get3A_41 : vector<1x1024x256xf32> to vector<1024x256xf32>
      %dot_general3A_43 = arith.constant dense<0.000000e+00> : vector<256x1024xf32>
      %dot_general3A_44 = tpu.matmul %mul3A_37, %get3A_42, %dot_general3A_43 {dimension_numbers = #tpu.dot_dimension_numbers<[1], [1], [0], [0], [0, 0, 1, 0], [], []>, transpose_lhs_hint = false} : vector<256x256xf32>, vector<1024x256xf32>, vector<256x1024xf32> -> vector<256x1024xf32>
      %get3A_45 = arith.index_cast %arg0 : i32 to index
      %get3A_46 = memref.load %arg3[%get3A_45] : memref<128xi32, #tpu.memory_space<smem>>
      %eq3A_47 = arith.constant 1 : i32
      %eq3A_48 = arith.cmpi eq, %get3A_46, %eq3A_47 : i32
      %convert_element_type3A_49 = arith.extui %eq3A_48 : i1 to i32
      %cond3A_50 = arith.constant 0 : i32
      %cond3A_51 = arith.cmpi ne, %convert_element_type3A_49, %cond3A_50 : i32
      scf.if %cond3A_51 {
        %swap3A = arith.constant 0 : index
        %swap3A_58 = arith.constant 0 : index
        %swap3A_59 = vector.load %arg10[%swap3A, %swap3A_58] : memref<256x1024xf32, #tpu.memory_space<vmem>>, vector<256x1024xf32>
        tpu.vector_store %arg10[%swap3A, %swap3A_58], %dot_general3A_44 {strides = array<i32>} : memref<256x1024xf32, #tpu.memory_space<vmem>>, vector<256x1024xf32>,
      } else {
      }
      %get3A_52 = arith.index_cast %arg0 : i32 to index
      %get3A_53 = memref.load %arg3[%get3A_52] : memref<128xi32, #tpu.memory_space<smem>>
      %ne3A = arith.constant 1 : i32
      %ne3A_54 = arith.cmpi ne, %get3A_53, %ne3A : i32
      %convert_element_type3A_55 = arith.extui %ne3A_54 : i1 to i32
      %cond3A_56 = arith.constant 0 : i32
      %cond3A_57 = arith.cmpi ne, %convert_element_type3A_55, %cond3A_56 : i32
      scf.if %cond3A_57 {
        %get3A_58 = arith.constant 0 : index
        %get3A_59 = arith.constant 0 : index
        %get3A_60 = vector.load %arg10[%get3A_58, %get3A_59] : memref<256x1024xf32, #tpu.memory_space<vmem>>, vector<256x1024xf32>
        %add3A = arith.addf %get3A_60, %dot_general3A_44 : vector<256x1024xf32>
        %swap3A = arith.constant 0 : index
        %swap3A_61 = arith.constant 0 : index
        %swap3A_62 = vector.load %arg10[%swap3A, %swap3A_61] : memref<256x1024xf32, #tpu.memory_space<vmem>>, vector<256x1024xf32>
        tpu.vector_store %arg10[%swap3A, %swap3A_61], %add3A {strides = array<i32>} : memref<256x1024xf32, #tpu.memory_space<vmem>>, vector<256x1024xf32>,
      } else {
      }
    } else {
    }
    return
  }
  func.func @transform_0(%arg0: i32, %arg1: memref<128xi32, #tpu.memory_space<smem>>, %arg2: memref<128xi32, #tpu.memory_space<smem>>, %arg3: memref<128xi32, #tpu.memory_space<smem>>) -> (i32, i32) {
    %get3A = arith.index_cast %arg0 : i32 to index
    %get3A_0 = memref.load %arg1[%get3A] : memref<128xi32, #tpu.memory_space<smem>>
    %c0_i32 = arith.constant 0 : i32
    %c0_i32_1 = arith.constant 0 : i32
    return %get3A_0, %c0_i32 : i32, i32
  }
  func.func @transform_1(%arg0: i32, %arg1: memref<128xi32, #tpu.memory_space<smem>>, %arg2: memref<128xi32, #tpu.memory_space<smem>>, %arg3: memref<128xi32, #tpu.memory_space<smem>>) -> (i32, i32, i32) {
    %get3A = arith.index_cast %arg0 : i32 to index
    %get3A_0 = memref.load %arg1[%get3A] : memref<128xi32, #tpu.memory_space<smem>>
    %c0_i32 = arith.constant 0 : i32
    %c0_i32_1 = arith.constant 0 : i32
    %c0_i32_2 = arith.constant 0 : i32
    return %get3A_0, %c0_i32, %c0_i32_1 : i32, i32, i32
  }
  func.func @transform_2(%arg0: i32, %arg1: memref<128xi32, #tpu.memory_space<smem>>, %arg2: memref<128xi32, #tpu.memory_space<smem>>, %arg3: memref<128xi32, #tpu.memory_space<smem>>) -> (i32, i32, i32) {
    %get3A = arith.index_cast %arg0 : i32 to index
    %get3A_0 = memref.load %arg1[%get3A] : memref<128xi32, #tpu.memory_space<smem>>
    %c0_i32 = arith.constant 0 : i32
    %c0_i32_1 = arith.constant 0 : i32
    %c0_i32_2 = arith.constant 0 : i32
    return %get3A_0, %c0_i32, %c0_i32_1 : i32, i32, i32
  }
  func.func @transform_3(%arg0: i32, %arg1: memref<128xi32, #tpu.memory_space<smem>>, %arg2: memref<128xi32, #tpu.memory_space<smem>>, %arg3: memref<128xi32, #tpu.memory_space<smem>>) -> (i32, i32, i32) {
    %get3A = arith.index_cast %arg0 : i32 to index
    %get3A_0 = memref.load %arg2[%get3A] : memref<128xi32, #tpu.memory_space<smem>>
    %min3A = arith.constant 63 : i32
    %min3A_1 = arith.minsi %get3A_0, %min3A : i32
    %c0_i32 = arith.constant 0 : i32
    %c0_i32_2 = arith.constant 0 : i32
    %c0_i32_3 = arith.constant 0 : i32
    return %min3A_1, %c0_i32, %c0_i32_2 : i32, i32, i32
  }
  func.func @transform_4(%arg0: i32, %arg1: memref<128xi32, #tpu.memory_space<smem>>, %arg2: memref<128xi32, #tpu.memory_space<smem>>, %arg3: memref<128xi32, #tpu.memory_space<smem>>) -> (i32, i32, i32) {
    %get3A = arith.index_cast %arg0 : i32 to index
    %get3A_0 = memref.load %arg2[%get3A] : memref<128xi32, #tpu.memory_space<smem>>
    %min3A = arith.constant 63 : i32
    %min3A_1 = arith.minsi %get3A_0, %min3A : i32
    %c0_i32 = arith.constant 0 : i32
    %c0_i32_2 = arith.constant 0 : i32
    %c0_i32_3 = arith.constant 0 : i32
    return %min3A_1, %c0_i32, %c0_i32_2 : i32, i32, i32
  }
  func.func @transform_5(%arg0: i32, %arg1: memref<128xi32, #tpu.memory_space<smem>>, %arg2: memref<128xi32, #tpu.memory_space<smem>>, %arg3: memref<128xi32, #tpu.memory_space<smem>>) -> (i32, i32, i32) {
    %get3A = arith.index_cast %arg0 : i32 to index
    %get3A_0 = memref.load %arg2[%get3A] : memref<128xi32, #tpu.memory_space<smem>>
    %min3A = arith.constant 63 : i32
    %min3A_1 = arith.minsi %get3A_0, %min3A : i32
    %c0_i32 = arith.constant 0 : i32
    %c0_i32_2 = arith.constant 0 : i32
    %c0_i32_3 = arith.constant 0 : i32
    return %min3A_1, %c0_i32, %c0_i32_2 : i32, i32, i32
  }
  func.func @transform_6(%arg0: i32, %arg1: memref<128xi32, #tpu.memory_space<smem>>, %arg2: memref<128xi32, #tpu.memory_space<smem>>, %arg3: memref<128xi32, #tpu.memory_space<smem>>) -> (i32, i32) {
    %get3A = arith.index_cast %arg0 : i32 to index
    %get3A_0 = memref.load %arg1[%get3A] : memref<128xi32, #tpu.memory_space<smem>>
    %c0_i32 = arith.constant 0 : i32
    %c0_i32_1 = arith.constant 0 : i32
    return %get3A_0, %c0_i32 : i32, i32
  }
}

module attributes {stable_mosaic.version = 14 : i64} {
  func.func @_sum_body(%arg0: i32, %arg1: memref<256x8x1024xf32, #tpu.memory_space<vmem>>, %arg2: memref<256x1024xf32, #tpu.memory_space<vmem>>, %arg3: memref<256x1024xf32, #tpu.memory_space<vmem>>) attributes {dimension_semantics = [#tpu.dimension_semantics<arbitrary>], iteration_bounds = array<i64: 8>, scalar_prefetch = 0 : i64, scratch_operands = 0 : i64, tpu.core_type = #tpu.core_type<tc>, window_params = [{transform_indices = @transform_0, window_bounds = array<i64: 256, 8, 1024>}, {transform_indices = @transform_1, window_bounds = array<i64: 256, 1024>}, {transform_indices = @transform_2, window_bounds = array<i64: 256, 1024>}]} {
    %get3A = arith.constant 0 : index
    %get3A_0 = arith.constant 0 : index
    %get3A_1 = vector.load %arg2[%get3A, %get3A_0] : memref<256x1024xf32, #tpu.memory_space<vmem>>, vector<256x1024xf32>
    %get3A_2 = arith.constant 0 : index
    %get3A_3 = arith.constant 0 : index
    %get3A_4 = arith.constant 0 : index
    %get3A_5 = vector.load %arg1[%get3A_2, %get3A_3, %get3A_4] : memref<256x8x1024xf32, #tpu.memory_space<vmem>>, vector<256x8x1024xf32>
    %reduce_sum3A = arith.constant dense<0.000000e+00> : vector<256x1024xf32>
    %reduce_sum3A_6 = vector.multi_reduction <add>, %get3A_5, %reduce_sum3A [1] : vector<256x8x1024xf32> to vector<256x1024xf32>
    %add3A = arith.addf %get3A_1, %reduce_sum3A_6 : vector<256x1024xf32>
    %swap3A = arith.constant 0 : index
    %swap3A_7 = arith.constant 0 : index
    %swap3A_8 = vector.load %arg3[%swap3A, %swap3A_7] : memref<256x1024xf32, #tpu.memory_space<vmem>>, vector<256x1024xf32>
    tpu.vector_store %arg3[%swap3A, %swap3A_7], %add3A {strides = array<i32>} : memref<256x1024xf32, #tpu.memory_space<vmem>>, vector<256x1024xf32>,
    return
  }
  func.func @transform_0(%arg0: i32) -> (i32, i32, i32) {
    %c0_i32 = arith.constant 0 : i32
    %c0_i32_0 = arith.constant 0 : i32
    %c0_i32_1 = arith.constant 0 : i32
    return %arg0, %c0_i32, %c0_i32_0 : i32, i32, i32
  }
  func.func @transform_1(%arg0: i32) -> (i32, i32) {
    %c0_i32 = arith.constant 0 : i32
    %c0_i32_0 = arith.constant 0 : i32
    return %arg0, %c0_i32 : i32, i32
  }
  func.func @transform_2(%arg0: i32) -> (i32, i32) {
    %c0_i32 = arith.constant 0 : i32
    %c0_i32_0 = arith.constant 0 : i32
    return %arg0, %c0_i32 : i32, i32
  }
}

</mosaic_0001>

<sc_bundles>
// kernel: kernel.11.cloned.1.call-start
scs
__scs_entry_jumppad:
0x0: {  	(pc) =	sbr.rel $0x88, $3  }
0x1: {  	(tag) =	ssettag $0x0;
	lr =	simm.s32 $0x1  }
0x2: {  	[smem:$0x3F99] =	sst lr;
	_ =	strace $0xD0000000  }
0x3: {  	_ = 	snop  }
0x4: {  	_ = 	snop  }
0x5: {  	_ = 	snop  }
0x6: {  	_ = 	snop  }
0x7: {  	_ = 	snop  }
__scs_overlays_trampoline_lowered:
0x8: {  	[smem:$0x3FA8] =	sst s0  }
0x9: {  	[smem:$0x3FA9] =	sst s1  }
0xa: {  	[smem:$0x3FAA] =	sst s2  }
0xb: {  	[smem:$0x3FAB] =	sst s3  }
0xc: {  	[smem:$0x3FAC] =	sst s4  }
0xd: {  	[smem:$0x3FAD] =	sst s5  }
0xe: {  	[smem:$0x3FAE] =	sst s6  }
0xf: {  	[smem:$0x3FAF] =	sst s7  }
0x10: {  	[smem:$0x3FB0] =	sst s8  }
0x11: {  	[smem:$0x3FB1] =	sst s9;
	s0 =	simm.s32 @!p0 $0x0  }
0x12: {  	s1 =	sld [smem:$0x3F97];
	s0 =	simm.s32 @p0 $0x1  }
0x13: {  	[smem:$0x3FB2] =	sst s0;
	s0 =	simm.s32 @!p1 $0x0  }
0x14: {  	s2 =	sld [smem:$0x3F96];
	s0 =	simm.s32 @p1 $0x1  }
0x15: {  	[smem:$0x3FB3] =	sst s0;
	s0 =	simm.s32 @!p2 $0x0  }
0x16: {  	s3 =	sld [smem:$0x3FDB];
	s0 =	simm.s32 @p2 $0x1  }
0x17: {  	s4 =	simm.s32 $0x1BF5;
	[smem:$0x3FB5] =	sst s0  }
0x18: {  	s0 =	sld [smem:$0x3F98];
	_ =	swait.ge [sflag:s4], $0x0  }
0x19: {  	s7 =	sld [smem:$0x3F99]  }
0x1a: {  	s8 =	sadd.s32 $0xFFFFE003, lr  }
0x1b: {  	s9 =	sadd.s32 $0xFFFFFEF7, lr;
	s5 =	simm.s32 $0xFFFFFFFF;
	p2 =	slt.u32 s8, $0xFFFFF086  }
0x1c: {  	p1 =	slt.u32 s9, $0xF7A;
	s5 =	simm.s32 @!p2 $0x0  }
0x1d: {  	s5 =	simm.s32 @p1 $0x1;
	p0 =	seq.s32 s7, s2  }
0x1e: {  	s7 =	smul.u32 @!p0 $0xF7A, s2;
	p2 =	seq.s32 @!p0 s5, $0x0  }
0x1f: {  	s9 =	smul.u32 $0xF7A, s1;
	s8 =	simm.s32 @!p0 $0x1BF5;
	p2 =	por !p2, p0  }
0x20: {  	[sflag:s8] =	ssyncset.s32 @!p0 $0xFFFFF086;
	s6 =	sadd.s32 @!p0 s3, s7;
	s7 =	simm.s32 @!p0 $0x108  }
0x21: {  	s3 =	sadd.s32 s3, s9;
	s6 =	sadd.s32 @!p0 $0x88, s6;
	s7 =	simm.s32 @p2 $0x1082  }
0x22: {  	[simem:s7], [sflag:s8] =	dma.local @!p0 [hbm:s6], $0xF7A  }
0x23: {  	s9 =	sor.u32 $0xD0000000, s2;
	s6 =	simm.s32 $0x108;
	_ =	swait.ge @!p0 [sflag:s8], $0x0  }
0x24: {  	s3 =	sadd.s32 $0x88, s3;
	s6 =	simm.s32 @!p1 $0x1082;
	[sflag:s4] =	ssyncset.s32 $0xFFFFF086  }
0x25: {  	[simem:s6], [sflag:s4] =	dma.local [hbm:s3], $0xF7A  }
0x26: {  	[smem:$0x3F99] =	sst s1;
	(tag) =	ssettag s2;
	_ =	strace s9  }
0x27: {  	s1 =	sld [smem:$0x3FA9]  }
0x28: {  	s2 =	sld [smem:$0x3FAA]  }
0x29: {  	s4 =	sld [smem:$0x3FAC]  }
0x2a: {  	p0 =	seq.s32 s5, $0x0;
	s5 =	sld [smem:$0x3FAD]  }
0x2b: {  	s6 =	sld [smem:$0x3FAE]  }
0x2c: {  	s7 =	sld [smem:$0x3FAF]  }
0x2d: {  	s3 =	simm.s32 $0x108;
	s8 =	sld [smem:$0x3FB0]  }
0x2e: {  	s3 =	simm.s32 @!p0 $0x1082;
	s9 =	sld [smem:$0x3FB1]  }
0x2f: {  	lr =	sadd.s32 s0, s3;
	s0 =	sld [smem:$0x3FA8]  }
0x30: {  	s3 =	sld [smem:$0x3FAB]  }
0x31: {  	[smem:$0x3FB4] =	sst s10  }
0x32: {  	s10 =	sld [smem:$0x3FB2];
	_ =	sdelay $0x3  }
0x33: {  	p0 =	seq.s32 s10, $0x1;
	s10 =	sld [smem:$0x3FB4];
	_ =	sdelay $0x3  }
0x34: {  	[smem:$0x3FB4] =	sst s10  }
0x35: {  	s10 =	sld [smem:$0x3FB3];
	_ =	sdelay $0x3  }
0x36: {  	p1 =	seq.s32 s10, $0x1;
	s10 =	sld [smem:$0x3FB4];
	_ =	sdelay $0x3  }
0x37: {  	[smem:$0x3FB4] =	sst s10  }
0x38: {  	s10 =	sld [smem:$0x3FB5]  }
0x39: {  	_ = 	snop;
	(pc) =	sbr.ind lr, $3  }
0x3a: {  	_ = 	snop  }
0x3b: {  	_ = 	snop  }
0x3c: {  	p2 =	seq.s32 s10, $0x1;
	s10 =	sld [smem:$0x3FB4]  }
0x3d: {  	_ =	shalt  }
0x3e: {  	_ =	shalt  }
0x3f: {  	_ =	shalt  }
0x40: {  	_ =	shalt  }
0x41: {  	_ =	shalt  }
0x42: {  	_ =	shalt  }
0x43: {  	_ =	shalt  }
0x44: {  	_ =	shalt  }
0x45: {  	_ =	shalt  }
0x46: {  	_ =	shalt  }
0x47: {  	_ =	shalt  }
0x48: {  	_ =	shalt  }
0x49: {  	_ =	shalt  }
0x4a: {  	_ =	shalt  }
0x4b: {  	_ =	shalt  }
0x4c: {  	_ =	shalt  }
0x4d: {  	_ =	shalt  }
0x4e: {  	_ =	shalt  }
0x4f: {  	_ =	shalt  }
0x50: {  	_ =	shalt  }
0x51: {  	_ =	shalt  }
0x52: {  	_ =	shalt  }
0x53: {  	_ =	shalt  }
0x54: {  	_ =	shalt  }
0x55: {  	_ =	shalt  }
0x56: {  	_ =	shalt  }
0x57: {  	_ =	shalt  }
0x58: {  	_ =	shalt  }
0x59: {  	_ =	shalt  }
0x5a: {  	_ =	shalt  }
0x5b: {  	_ =	shalt  }
0x5c: {  	_ =	shalt  }
0x5d: {  	_ =	shalt  }
0x5e: {  	_ =	shalt  }
0x5f: {  	_ =	shalt  }
0x60: {  	_ =	shalt  }
0x61: {  	_ =	shalt  }
0x62: {  	_ =	shalt  }
0x63: {  	_ =	shalt  }
0x64: {  	_ =	shalt  }
0x65: {  	_ =	shalt  }
0x66: {  	_ =	shalt  }
0x67: {  	_ =	shalt  }
0x68: {  	_ =	shalt  }
0x69: {  	_ =	shalt  }
0x6a: {  	_ =	shalt  }
0x6b: {  	_ =	shalt  }
0x6c: {  	_ =	shalt  }
0x6d: {  	_ =	shalt  }
0x6e: {  	_ =	shalt  }
0x6f: {  	_ =	shalt  }
0x70: {  	_ =	shalt  }
0x71: {  	_ =	shalt  }
0x72: {  	_ =	shalt  }
0x73: {  	_ =	shalt  }
0x74: {  	_ =	shalt  }
0x75: {  	_ =	shalt  }
0x76: {  	_ =	shalt  }
0x77: {  	_ =	shalt  }
0x78: {  	_ =	shalt  }
0x79: {  	_ =	shalt  }
0x7a: {  	_ =	shalt  }
0x7b: {  	_ =	shalt  }
0x7c: {  	_ =	shalt  }
0x7d: {  	_ =	shalt  }
0x7e: {  	_ =	shalt  }
0x7f: {  	_ =	shalt  }
0x80: {  	_ =	shalt  }
0x81: {  	_ =	shalt  }
0x82: {  	_ =	shalt  }
0x83: {  	_ =	shalt  }
0x84: {  	_ =	shalt  }
0x85: {  	_ =	shalt  }
0x86: {  	_ =	shalt  }
0x87: {  	_ =	shalt  }
.Lfunc_end0:
.L_simem_size_0:
called_computation.1_lowered:
.L_overlay_start_0:
0x88: {  	s2 =	sld [smem:$0x3FD9]  }
0x89: {  	s3 =	sld [smem:$0x3FFE];
	_ =	sdelay $0x1  }
0x8a: {  	s1 =	srdreg.scid  }
0x8b: {  	s0 =	sand.u32 $0x1, s1  }
0x8c: {  	s14 =	sshll.u32 s0, $0xA;
	s2 =	sadd.s32 s3, s2  }
0x8d: {  	s2 =	sadd.s32 s2, s14  }
0x8e: {  	[smem:$0x3FC0] =	sst s2  }
0x8f: {  	_ = 	snop  }
0x90: {  	s2 =	sld [smem:$0x3FD0];
	_ =	sdelay $0x2  }
0x91: {  	s15 =	simm.s32 $0xA;
	s4 =	simm.s32 $0x10  }
0x92: {  	[smem:s4], [sflag:s15] =	dma.local [hbm:s2], $0x1  }
0x93: {  	_ =	swait.eq [sflag:s15], $0x1  }
0x94: {  	[sflag:s15] =	ssyncset.done $0x0  }
0x95: {  	[sflag:s15] =	ssyncadd.s32 $0xFFFFFFFF  }
0x96: {  	s16 =	sld [smem:$0x10];
	(tm) =	ssettm $0x1  }
0x97: {  	s17 =	sld [smem:$0x3FFB];
	_ =	sdelay $0x3  }
0x98: {  	_ =	strace s17  }
0x99: {  	s3 =	sld [smem:$0x3FFC];
	_ =	sdelay $0x3  }
0x9a: {  	_ =	strace s3  }
0x9b: {  	s3 =	sld [smem:$0x3FFD];
	_ =	sdelay $0x3  }
0x9c: {  	_ =	strace s3  }
0x9d: {  	_ =	strace $0x8FFFFFFF  }
0x9e: {  	s18 =	sld [smem:$0x3FDB];
	_ =	sdelay $0x1  }
0x9f: {  	s19 =	simm.s32 $_scs_section_size  }
0xa0: {  	s5 =	simm.s32 $_size__tile_overlayer_lowered;
	s6 =	simm.s32 $_tile_overlayer_lowered  }
0xa1: {  	s22 =	simm.s32 $0x1BFF;
	s21 =	sshll.u32 s6, $0x1;
	s3 =	sadd.s32 s19, s18  }
0xa2: {  	s7 =	simm.s32 $0x0;
	s20 =	sshll.u32 s5, $0x1;
	s5 =	sadd.s32 s21, s3  }
0xa3: {  	[timem:s7], [sflag:s22] =	dma.local [hbm:s5], s20  }
0xa4: {  	_ =	swait.ge [sflag:s22], s20  }
0xa5: {  	s4 =	ssub.s32 $0x0, s20;
	[sflag:s22] =	ssyncset.done $0x0  }
0xa6: {  	[sflag:s22] =	ssyncadd.s32 s4;
	_ =	sdelay $0x1  }
0xa7: {  	s23 =	simm.s32 $0x1B8B  }
0xa8: {  	_ =	swait.ge [sflag:s23], $0x1  }
0xa9: {  	[sflag:s23] =	ssyncset.done $0x0  }
0xaa: {  	s25 =	simm.s32 $0x1B8E;
	s24 =	sld [smem:$0x3FFE];
	[sflag:s23] =	ssyncadd.s32 $0xFFFFFFFF  }
0xab: {  	s26 =	simm.s32 $execute0_lowered;
	[smem:$0x3FD2] =	sst s25  }
0xac: {  	s5 =	sshll.u32 s26, $0x1;
	_ =	strace $0x80000049;
	[dreg:$0x1] =	wrdreg $0xFFFFFFFF  }
0xad: {  	s28 =	simm.s32 $_size_execute0_lowered;
	s3 =	sadd.s32 s3, s5;
	[dreg:$0x0] =	wrdreg $0x0  }
0xae: {  	s5 =	sshll.u32 s28, $0x1;
	[dreg:$0x2] =	wrdreg s3  }
0xaf: {  	[dreg:$0x3] =	wrdreg s5  }
0xb0: {  	[dreg:$0x4] =	wrdreg $0xC0  }
0xb1: {  	_ =	task [dreg:s7], $0x5FFFF  }
0xb2: {  	[dreg:$0x1] =	wrdreg $0xFFFFFFFF  }
0xb3: {  	[dreg:$0x0] =	wrdreg $0x60  }
0xb4: {  	[dreg:$0x2] =	wrdreg s24  }
0xb5: {  	[dreg:$0x3] =	wrdreg s16  }
0xb6: {  	[dreg:$0x4] =	wrdreg $0x9  }
0xb7: {  	_ =	task.clear_ibuf [dreg:s7], $0x5FFFF;
	_ =	strace $0x90000049  }
0xb8: {  	s29 =	simm.s32 $0x9;
	_ =	strace $0x8000004B  }
0xb9: {  	_ =	swait.ge [sflag:s29], $0x1  }
0xba: {  	[sflag:s29] =	ssyncadd.s32 $0xFFFFFFFF  }
0xbb: {  	_ =	strace $0x9000004B  }
0xbc: {  	_ =	sfence  }
0xbd: {  	s30 =	sld [smem:$0x0];
	_ =	sdelay $0x2  }
0xbe: {  	s31 =	sshll.u32 s1, $0xD;
	s1 =	sshrl.u32 s1, $0x2  }
0xbf: {  	s3 =	sand.u32 $0x4000, s31;
	s1 =	sadd.s32 s1, s30  }
0xc0: {  	s0 =	sor.u32 s3, s0;
	s1 =	sshll.u32 s1, $0x11  }
0xc1: {  	s0 =	sor.u32 s1, s0  }
0xc2: {  	s0 =	sadd.s32 $0x8F2B, s0  }
0xc3: {  	[sflag:s0] =	ssyncadd.remote.s32 $0x1  }
0xc4: {  	_ =	sfence.sel $0xFFFF  }
0xc5: {  	[dreg:$0x0] =	wrdreg $0xFFFFFFFF;
	(pc) =	sbr.abs _section_cstart, $3  }
0xc6: {  	[dreg:$0x1] =	wrdreg $0xFFFFFFFF  }
0xc7: {  	_ =	task.clear_ibuf [dreg:s7], $0x2FFFF;
	_ =	strace $0x9FFFFFFF  }
0xc8: {  	(tm) =	ssettm $0x7FFFFFFF  }
0xc9: {  	_ =	shalt  }
tec
execute0_lowered:
.L_overlay_start_1:
0x0: {  	(tag) =	ssettag $0x1  }
0x1: {  	s0 =	srdreg.scid  }
0x2: {  	s2 =	stileid.u32;
	s0 =	sand.u32 $0x1, s0  }
0x3: {  	s1 =	rddreg [dreg:$0x0];
	s5 =	sshll.u32 s2, $0x9;
	s4 =	sshll.u32 s0, $0xD  }
0x4: {  	s3 =	rddreg [dreg:$0x1];
	s4 =	sor.u32 s5, s4  }
0x5: {  	s2 =	simm.s32 $0x0;
	s5 =	sshll.u32 s4, $0x7;
	s4 =	sshrl.u32 s4, $0x3  }
0x6: {  	[smem:$0x7FF] =	sst s2;
	s5 =	sadd.s32 s5, s1;
	s3 =	sadd.s32 s3, s4  }
0x7: {  	_ =	strace $0x8000004A;
	[dreg:$0x3] =	wrdreg s3;
	s16 =	sadd.s32 $0x48A00, s5  }
0x8: {  	s17 =	sadd.s32 $0x49A00, s5;
	[dreg:$0x4] =	wrdreg s16  }
0x9: {  	s18 =	sadd.s32 $0x4AA00, s5;
	[dreg:$0x5] =	wrdreg s17  }
0xa: {  	s19 =	sadd.s32 $0x4BA00, s5;
	[dreg:$0x6] =	wrdreg s18  }
0xb: {  	s20 =	sadd.s32 $0x4CA00, s5;
	[dreg:$0x7] =	wrdreg s19  }
0xc: {  	s21 =	sadd.s32 $0x4DA00, s5;
	[dreg:$0x8] =	wrdreg s20  }
0xd: {  	s22 =	sadd.s32 $0x4EA00, s5;
	[dreg:$0x9] =	wrdreg s21  }
0xe: {  	s23 =	sadd.s32 $0x4FA00, s5;
	[dreg:$0xa] =	wrdreg s22  }
0xf: {  	s8 =	simm.s32 $0x3;
	s24 =	sadd.s32 $0x50A00, s5;
	[dreg:$0xb] =	wrdreg s23  }
0x10: {  	s9 =	simm.s32 $0x200;
	s25 =	sadd.s32 $0x51A00, s5;
	[dreg:$0xc] =	wrdreg s24  }
0x11: {  	s0 =	ssub.s32 $0x2, s0;
	s26 =	sadd.s32 $0x52A00, s5;
	[dreg:$0xd] =	wrdreg s25  }
0x12: {  	s6 =	sshrl.u32 s0, $0x1;
	s28 =	sadd.s32 $0x53A00, s5;
	[dreg:$0xe] =	wrdreg s26  }
0x13: {  	s0 =	ssub.s32 s0, s6;
	s29 =	sadd.s32 $0x54A00, s5;
	[dreg:$0xf] =	wrdreg s28  }
0x14: {  	s6 =	sadd.s32 $0x249D00, s1;
	s30 =	sadd.s32 $0x55A00, s5;
	[dreg:$0x10] =	wrdreg s29  }
0x15: {  	s4 =	sadd.s32 $0x249B00, s1;
	s31 =	sadd.s32 $0x56A00, s5;
	[dreg:$0x11] =	wrdreg s30  }
0x16: {  	v2 =	vlaneseq.u32;
	s3 =	sadd.s32 $0x249A00, s1;
	s7 =	sadd.s32 $0x57A00, s5;
	[dreg:$0x12] =	wrdreg s31  }
0x17: {  	vm0 =	vmmov $0xffff;
	v1 =	vshrl.u32 v2, $0x3;
	s5 =	sadd.s32 $0x249C00, s1;
	[dreg:$0x13] =	wrdreg s7;
	s26 =	smax.u32 s0, $0x1  }
0x18: {  	v0 =	vand.u32 $0x7, v2;
	v2 =	vor.u32 $0x8, v2;
	v1 =	vmul.u32 $0x8, v1;
	s25 =	simm.s32 $0x8200;
	s18 =	simm.s32 $0x1;
	s19 =	simm.s32 $0x2  }
.LBB2_1:
0x19: {  	s20 =	rddreg [dreg:$0x3]  }
0x1a: {  	[tilespmem:s2], [sflag:$0x3] =	stream.linear.gather [hbm4b:s20+s2], $0x200, $0x38;
	[tilespmem:$0x10200] =	vst v63  }
0x1b: {  	_ =	swait.ge [sflag:s8], $0x200  }
0x1c: {  	[sflag:s8] =	ssyncset.done $0x0  }
0x1d: {  	[sflag:s8] =	ssyncadd.s32 $0xFFFFFE00  }
0x1e: {  	v3 =	vld [tilespmem:$0x0];
	_ =	sdelay $0x4  }
0x1f: {  	v4 =	vshll.u32 v3, $0x3  }
0x20: {  	v3 =	vand.u32 $0x7, v3;
	v4 =	vand.u32 $0xFFFFFFC0, v4  }
0x21: {  	v3 =	vor.u32 v3, v4  }
0x22: {  	v4 =	vperm.xlane v3, v0;
	_ =	sdelay $0x1  }
0x23: {  	v4 =	vadd.s32 v1, v4;
	_ =	sdelay $0x4  }
0x24: {  	[tilespmem:s9], [sflag:$0x1] =	stream.indirect_vreg.gather [hbm4b:s3+s2], $0x80, v4, vm0, $0xb8;
	[tilespmem:$0x10200] =	vst v63  }
0x25: {  	s0 =	simm.s32 $0xA00;
	v3 =	vperm.xlane v3, v2  }
0x26: {  	[tilespmem:s0], [sflag:$0x1] =	stream.indirect_vreg.gather [hbm4b:s4+s2], $0x80, v4, vm0, $0xb8;
	[tilespmem:$0x10200] =	vst v63  }
0x27: {  	s11 =	simm.s32 $0x1200;
	v3 =	vadd.s32 v1, v3  }
0x28: {  	[tilespmem:s11], [sflag:$0x1] =	stream.indirect_vreg.gather [hbm4b:s5+s2], $0x80, v4, vm0, $0xb8;
	[tilespmem:$0x10200] =	vst v63  }
0x29: {  	s12 =	simm.s32 $0x1A00  }
0x2a: {  	[tilespmem:s12], [sflag:$0x1] =	stream.indirect_vreg.gather [hbm4b:s6+s2], $0x80, v4, vm0, $0xb8;
	[tilespmem:$0x10200] =	vst v63  }
0x2b: {  	s13 =	simm.s32 $0x2200  }
0x2c: {  	[tilespmem:s13], [sflag:$0x1] =	stream.indirect_vreg.gather [hbm4b:s3+s2], $0x80, v3, vm0, $0xb8;
	[tilespmem:$0x10200] =	vst v63  }
0x2d: {  	s14 =	simm.s32 $0x2A00  }
0x2e: {  	[tilespmem:s14], [sflag:$0x1] =	stream.indirect_vreg.gather [hbm4b:s4+s2], $0x80, v3, vm0, $0xb8;
	[tilespmem:$0x10200] =	vst v63  }
0x2f: {  	s15 =	simm.s32 $0x3200  }
0x30: {  	[tilespmem:s15], [sflag:$0x1] =	stream.indirect_vreg.gather [hbm4b:s5+s2], $0x80, v3, vm0, $0xb8;
	[tilespmem:$0x10200] =	vst v63  }
0x31: {  	s16 =	simm.s32 $0x3A00  }
0x32: {  	[tilespmem:s16], [sflag:$0x1] =	stream.indirect_vreg.gather [hbm4b:s6+s2], $0x80, v3, vm0, $0xb8;
	[tilespmem:$0x10200] =	vst v63  }
0x33: {  	v3 =	vld [tilespmem:$0x10];
	_ =	sdelay $0x4  }
0x34: {  	v33 =	vshll.u32 v3, $0x3  }
0x35: {  	v3 =	vand.u32 $0x7, v3;
	v4 =	vand.u32 $0xFFFFFFC0, v33  }
0x36: {  	v3 =	vor.u32 v3, v4  }
0x37: {  	v4 =	vperm.xlane v3, v0;
	_ =	sdelay $0x1  }
0x38: {  	v4 =	vadd.s32 v1, v4;
	_ =	sdelay $0x3  }
0x39: {  	s17 =	simm.s32 $0x4200  }
0x3a: {  	[tilespmem:s17], [sflag:$0x1] =	stream.indirect_vreg.gather [hbm4b:s3+s2], $0x80, v4, vm0, $0xb8;
	[tilespmem:$0x10200] =	vst v63  }
0x3b: {  	s20 =	simm.s32 $0x4A00;
	v3 =	vperm.xlane v3, v2  }
0x3c: {  	[tilespmem:s20], [sflag:$0x1] =	stream.indirect_vreg.gather [hbm4b:s4+s2], $0x80, v4, vm0, $0xb8;
	[tilespmem:$0x10200] =	vst v63  }
0x3d: {  	s22 =	simm.s32 $0x5200;
	v3 =	vadd.s32 v1, v3  }
0x3e: {  	[tilespmem:s22], [sflag:$0x1] =	stream.indirect_vreg.gather [hbm4b:s5+s2], $0x80, v4, vm0, $0xb8;
	[tilespmem:$0x10200] =	vst v63  }
0x3f: {  	s23 =	simm.s32 $0x5A00  }
0x40: {  	[tilespmem:s23], [sflag:$0x1] =	stream.indirect_vreg.gather [hbm4b:s6+s2], $0x80, v4, vm0, $0xb8;
	[tilespmem:$0x10200] =	vst v63  }
0x41: {  	s24 =	simm.s32 $0x6200  }
0x42: {  	[tilespmem:s24], [sflag:$0x1] =	stream.indirect_vreg.gather [hbm4b:s3+s2], $0x80, v3, vm0, $0xb8;
	[tilespmem:$0x10200] =	vst v63  }
0x43: {  	s28 =	simm.s32 $0x6A00  }
0x44: {  	[tilespmem:s28], [sflag:$0x1] =	stream.indirect_vreg.gather [hbm4b:s4+s2], $0x80, v3, vm0, $0xb8;
	[tilespmem:$0x10200] =	vst v63  }
0x45: {  	s29 =	simm.s32 $0x7200  }
0x46: {  	[tilespmem:s29], [sflag:$0x1] =	stream.indirect_vreg.gather [hbm4b:s5+s2], $0x80, v3, vm0, $0xb8;
	[tilespmem:$0x10200] =	vst v63  }
0x47: {  	s30 =	simm.s32 $0x7A00  }
0x48: {  	[tilespmem:s30], [sflag:$0x1] =	stream.indirect_vreg.gather [hbm4b:s6+s2], $0x80, v3, vm0, $0xb8;
	[tilespmem:$0x10200] =	vst v63  }
0x49: {  	v3 =	vld [tilespmem:$0x20];
	_ =	sdelay $0x4  }
0x4a: {  	v34 =	vshll.u32 v3, $0x3  }
0x4b: {  	v3 =	vand.u32 $0x7, v3;
	v4 =	vand.u32 $0xFFFFFFC0, v34  }
0x4c: {  	v3 =	vor.u32 v3, v4  }
0x4d: {  	v4 =	vperm.xlane v3, v0;
	_ =	sdelay $0x1  }
0x4e: {  	v4 =	vadd.s32 v1, v4;
	_ =	sdelay $0x4  }
0x4f: {  	[tilespmem:s25], [sflag:$0x2] =	stream.indirect_vreg.gather [hbm4b:s3+s2], $0x80, v4, vm0, $0xb8;
	[tilespmem:$0x10200] =	vst v63  }
0x50: {  	s31 =	simm.s32 $0x8A00;
	v3 =	vperm.xlane v3, v2  }
0x51: {  	[tilespmem:s31], [sflag:$0x2] =	stream.indirect_vreg.gather [hbm4b:s4+s2], $0x80, v4, vm0, $0xb8;
	[tilespmem:$0x10200] =	vst v63  }
0x52: {  	s13 =	simm.s32 $0x9200;
	v3 =	vadd.s32 v1, v3  }
0x53: {  	[tilespmem:s13], [sflag:$0x2] =	stream.indirect_vreg.gather [hbm4b:s5+s2], $0x80, v4, vm0, $0xb8;
	[tilespmem:$0x10200] =	vst v63  }
0x54: {  	s15 =	simm.s32 $0x9A00  }
0x55: {  	[tilespmem:s15], [sflag:$0x2] =	stream.indirect_vreg.gather [hbm4b:s6+s2], $0x80, v4, vm0, $0xb8;
	[tilespmem:$0x10200] =	vst v63  }
0x56: {  	s16 =	simm.s32 $0xA200  }
0x57: {  	[tilespmem:s16], [sflag:$0x2] =	stream.indirect_vreg.gather [hbm4b:s3+s2], $0x80, v3, vm0, $0xb8;
	[tilespmem:$0x10200] =	vst v63  }
0x58: {  	s17 =	simm.s32 $0xAA00  }
0x59: {  	[tilespmem:s17], [sflag:$0x2] =	stream.indirect_vreg.gather [hbm4b:s4+s2], $0x80, v3, vm0, $0xb8;
	[tilespmem:$0x10200] =	vst v63  }
0x5a: {  	s22 =	simm.s32 $0xB200  }
0x5b: {  	[tilespmem:s22], [sflag:$0x2] =	stream.indirect_vreg.gather [hbm4b:s5+s2], $0x80, v3, vm0, $0xb8;
	[tilespmem:$0x10200] =	vst v63  }
0x5c: {  	s23 =	simm.s32 $0xBA00  }
0x5d: {  	[tilespmem:s23], [sflag:$0x2] =	stream.indirect_vreg.gather [hbm4b:s6+s2], $0x80, v3, vm0, $0xb8;
	[tilespmem:$0x10200] =	vst v63  }
0x5e: {  	v3 =	vld [tilespmem:$0x30];
	_ =	sdelay $0x4  }
0x5f: {  	v35 =	vshll.u32 v3, $0x3  }
0x60: {  	v3 =	vand.u32 $0x7, v3;
	v4 =	vand.u32 $0xFFFFFFC0, v35  }
0x61: {  	v3 =	vor.u32 v3, v4  }
0x62: {  	v4 =	vperm.xlane v3, v0;
	_ =	sdelay $0x1  }
0x63: {  	v4 =	vadd.s32 v1, v4;
	_ =	sdelay $0x3  }
0x64: {  	s24 =	simm.s32 $0xC200  }
0x65: {  	[tilespmem:s24], [sflag:$0x2] =	stream.indirect_vreg.gather [hbm4b:s3+s2], $0x80, v4, vm0, $0xb8;
	[tilespmem:$0x10200] =	vst v63  }
0x66: {  	s28 =	simm.s32 $0xCA00;
	v3 =	vperm.xlane v3, v2  }
0x67: {  	[tilespmem:s28], [sflag:$0x2] =	stream.indirect_vreg.gather [hbm4b:s4+s2], $0x80, v4, vm0, $0xb8;
	[tilespmem:$0x10200] =	vst v63  }
0x68: {  	s0 =	simm.s32 $0xD200;
	v3 =	vadd.s32 v1, v3  }
0x69: {  	[tilespmem:s0], [sflag:$0x2] =	stream.indirect_vreg.gather [hbm4b:s5+s2], $0x80, v4, vm0, $0xb8;
	[tilespmem:$0x10200] =	vst v63  }
0x6a: {  	s13 =	simm.s32 $0xDA00  }
0x6b: {  	[tilespmem:s13], [sflag:$0x2] =	stream.indirect_vreg.gather [hbm4b:s6+s2], $0x80, v4, vm0, $0xb8;
	[tilespmem:$0x10200] =	vst v63  }
0x6c: {  	s22 =	simm.s32 $0xE200  }
0x6d: {  	[tilespmem:s22], [sflag:$0x2] =	stream.indirect_vreg.gather [hbm4b:s3+s2], $0x80, v3, vm0, $0xb8;
	[tilespmem:$0x10200] =	vst v63  }
0x6e: {  	s23 =	simm.s32 $0xEA00  }
0x6f: {  	[tilespmem:s23], [sflag:$0x2] =	stream.indirect_vreg.gather [hbm4b:s4+s2], $0x80, v3, vm0, $0xb8;
	[tilespmem:$0x10200] =	vst v63  }
0x70: {  	s24 =	simm.s32 $0xF200  }
0x71: {  	[tilespmem:s24], [sflag:$0x2] =	stream.indirect_vreg.gather [hbm4b:s5+s2], $0x80, v3, vm0, $0xb8;
	[tilespmem:$0x10200] =	vst v63  }
0x72: {  	s28 =	simm.s32 $0xFA00  }
0x73: {  	[tilespmem:s28], [sflag:$0x2] =	stream.indirect_vreg.gather [hbm4b:s6+s2], $0x80, v3, vm0, $0xb8;
	[tilespmem:$0x10200] =	vst v63  }
0x74: {  	_ =	swait.ge [sflag:s18], $0x8000  }
0x75: {  	[sflag:s18] =	ssyncset.done $0x0  }
0x76: {  	s0 =	rddreg [dreg:$0x4];
	[sflag:s18] =	ssyncadd.s32 $0xFFFF8000  }
0x77: {  	[hbm4b:s0+s2] =	stream.linear.scatter [tilespmem:s9], [sflag:$0x3], $0x8000, $0x38;
	[tilespmem:$0x10200] =	vst v63  }
0x78: {  	_ =	swait.ge [sflag:s8], $0x8000  }
0x79: {  	[sflag:s8] =	ssyncset.done $0x0  }
0x7a: {  	[sflag:s8] =	ssyncadd.s32 $0xFFFF8000  }
0x7b: {  	v3 =	vld [tilespmem:$0x40];
	_ =	sdelay $0x4  }
0x7c: {  	v36 =	vshll.u32 v3, $0x3  }
0x7d: {  	v3 =	vand.u32 $0x7, v3;
	v4 =	vand.u32 $0xFFFFFFC0, v36  }
0x7e: {  	v3 =	vor.u32 v3, v4  }
0x7f: {  	v4 =	vperm.xlane v3, v0;
	_ =	sdelay $0x1  }
0x80: {  	v4 =	vadd.s32 v1, v4;
	_ =	sdelay $0x4  }
0x81: {  	[tilespmem:s9], [sflag:$0x1] =	stream.indirect_vreg.gather [hbm4b:s3+s2], $0x80, v4, vm0, $0xb8;
	[tilespmem:$0x10200] =	vst v63  }
0x82: {  	s21 =	simm.s32 $0xA00;
	v3 =	vperm.xlane v3, v2  }
0x83: {  	[tilespmem:s21], [sflag:$0x1] =	stream.indirect_vreg.gather [hbm4b:s4+s2], $0x80, v4, vm0, $0xb8;
	[tilespmem:$0x10200] =	vst v63  }
0x84: {  	s1 =	simm.s32 $0x1200;
	v3 =	vadd.s32 v1, v3  }
0x85: {  	[tilespmem:s1], [sflag:$0x1] =	stream.indirect_vreg.gather [hbm4b:s5+s2], $0x80, v4, vm0, $0xb8;
	[tilespmem:$0x10200] =	vst v63  }
0x86: {  	s7 =	simm.s32 $0x1A00  }
0x87: {  	[tilespmem:s7], [sflag:$0x1] =	stream.indirect_vreg.gather [hbm4b:s6+s2], $0x80, v4, vm0, $0xb8;
	[tilespmem:$0x10200] =	vst v63  }
0x88: {  	s10 =	simm.s32 $0x2200  }
0x89: {  	[tilespmem:s10], [sflag:$0x1] =	stream.indirect_vreg.gather [hbm4b:s3+s2], $0x80, v3, vm0, $0xb8;
	[tilespmem:$0x10200] =	vst v63  }
0x8a: {  	s28 =	simm.s32 $0x2A00  }
0x8b: {  	[tilespmem:s28], [sflag:$0x1] =	stream.indirect_vreg.gather [hbm4b:s4+s2], $0x80, v3, vm0, $0xb8;
	[tilespmem:$0x10200] =	vst v63  }
0x8c: {  	s21 =	simm.s32 $0x3200  }
0x8d: {  	[tilespmem:s21], [sflag:$0x1] =	stream.indirect_vreg.gather [hbm4b:s5+s2], $0x80, v3, vm0, $0xb8;
	[tilespmem:$0x10200] =	vst v63  }
0x8e: {  	s22 =	simm.s32 $0x3A00  }
0x8f: {  	[tilespmem:s22], [sflag:$0x1] =	stream.indirect_vreg.gather [hbm4b:s6+s2], $0x80, v3, vm0, $0xb8;
	[tilespmem:$0x10200] =	vst v63  }
0x90: {  	v3 =	vld [tilespmem:$0x50];
	_ =	sdelay $0x4  }
0x91: {  	v37 =	vshll.u32 v3, $0x3  }
0x92: {  	v3 =	vand.u32 $0x7, v3;
	v4 =	vand.u32 $0xFFFFFFC0, v37  }
0x93: {  	v3 =	vor.u32 v3, v4  }
0x94: {  	v4 =	vperm.xlane v3, v0;
	_ =	sdelay $0x1  }
0x95: {  	v4 =	vadd.s32 v1, v4;
	_ =	sdelay $0x3  }
0x96: {  	s23 =	simm.s32 $0x4200  }
0x97: {  	[tilespmem:s23], [sflag:$0x1] =	stream.indirect_vreg.gather [hbm4b:s3+s2], $0x80, v4, vm0, $0xb8;
	[tilespmem:$0x10200] =	vst v63  }
0x98: {  	s24 =	simm.s32 $0x4A00;
	v3 =	vperm.xlane v3, v2  }
0x99: {  	[tilespmem:s24], [sflag:$0x1] =	stream.indirect_vreg.gather [hbm4b:s4+s2], $0x80, v4, vm0, $0xb8;
	[tilespmem:$0x10200] =	vst v63  }
0x9a: {  	s11 =	simm.s32 $0x5200;
	v3 =	vadd.s32 v1, v3  }
0x9b: {  	[tilespmem:s11], [sflag:$0x1] =	stream.indirect_vreg.gather [hbm4b:s5+s2], $0x80, v4, vm0, $0xb8;
	[tilespmem:$0x10200] =	vst v63  }
0x9c: {  	s12 =	simm.s32 $0x5A00  }
0x9d: {  	[tilespmem:s12], [sflag:$0x1] =	stream.indirect_vreg.gather [hbm4b:s6+s2], $0x80, v4, vm0, $0xb8;
	[tilespmem:$0x10200] =	vst v63  }
0x9e: {  	s10 =	simm.s32 $0x6200  }
0x9f: {  	[tilespmem:s10], [sflag:$0x1] =	stream.indirect_vreg.gather [hbm4b:s3+s2], $0x80, v3, vm0, $0xb8;
	[tilespmem:$0x10200] =	vst v63  }
0xa0: {  	s7 =	simm.s32 $0x6A00  }
0xa1: {  	[tilespmem:s7], [sflag:$0x1] =	stream.indirect_vreg.gather [hbm4b:s4+s2], $0x80, v3, vm0, $0xb8;
	[tilespmem:$0x10200] =	vst v63  }
0xa2: {  	s11 =	simm.s32 $0x7200  }
0xa3: {  	[tilespmem:s11], [sflag:$0x1] =	stream.indirect_vreg.gather [hbm4b:s5+s2], $0x80, v3, vm0, $0xb8;
	[tilespmem:$0x10200] =	vst v63  }
0xa4: {  	s12 =	simm.s32 $0x7A00  }
0xa5: {  	[tilespmem:s12], [sflag:$0x1] =	stream.indirect_vreg.gather [hbm4b:s6+s2], $0x80, v3, vm0, $0xb8;
	[tilespmem:$0x10200] =	vst v63  }
0xa6: {  	_ =	swait.ge [sflag:s19], $0x8000  }
0xa7: {  	[sflag:s19] =	ssyncset.done $0x0  }
0xa8: {  	s1 =	rddreg [dreg:$0x5];
	[sflag:s19] =	ssyncadd.s32 $0xFFFF8000  }
0xa9: {  	[hbm4b:s1+s2] =	stream.linear.scatter [tilespmem:s25], [sflag:$0x3], $0x8000, $0x38;
	[tilespmem:$0x10200] =	vst v63  }
0xaa: {  	_ =	swait.ge [sflag:s8], $0x8000  }
0xab: {  	[sflag:s8] =	ssyncset.done $0x0  }
0xac: {  	[sflag:s8] =	ssyncadd.s32 $0xFFFF8000  }
0xad: {  	v3 =	vld [tilespmem:$0x60];
	_ =	sdelay $0x4  }
0xae: {  	v38 =	vshll.u32 v3, $0x3  }
0xaf: {  	v3 =	vand.u32 $0x7, v3;
	v4 =	vand.u32 $0xFFFFFFC0, v38  }
0xb0: {  	v3 =	vor.u32 v3, v4  }
0xb1: {  	v4 =	vperm.xlane v3, v0;
	_ =	sdelay $0x1  }
0xb2: {  	v4 =	vadd.s32 v1, v4;
	_ =	sdelay $0x4  }
0xb3: {  	[tilespmem:s25], [sflag:$0x2] =	stream.indirect_vreg.gather [hbm4b:s3+s2], $0x80, v4, vm0, $0xb8;
	[tilespmem:$0x10200] =	vst v63  }
0xb4: {  	s14 =	simm.s32 $0x8A00;
	v3 =	vperm.xlane v3, v2  }
0xb5: {  	[tilespmem:s14], [sflag:$0x2] =	stream.indirect_vreg.gather [hbm4b:s4+s2], $0x80, v4, vm0, $0xb8;
	[tilespmem:$0x10200] =	vst v63  }
0xb6: {  	s0 =	simm.s32 $0x9200;
	v3 =	vadd.s32 v1, v3  }
0xb7: {  	[tilespmem:s0], [sflag:$0x2] =	stream.indirect_vreg.gather [hbm4b:s5+s2], $0x80, v4, vm0, $0xb8;
	[tilespmem:$0x10200] =	vst v63  }
0xb8: {  	s1 =	simm.s32 $0x9A00  }
0xb9: {  	[tilespmem:s1], [sflag:$0x2] =	stream.indirect_vreg.gather [hbm4b:s6+s2], $0x80, v4, vm0, $0xb8;
	[tilespmem:$0x10200] =	vst v63  }
0xba: {  	s31 =	simm.s32 $0xA200  }
0xbb: {  	[tilespmem:s31], [sflag:$0x2] =	stream.indirect_vreg.gather [hbm4b:s3+s2], $0x80, v3, vm0, $0xb8;
	[tilespmem:$0x10200] =	vst v63  }
0xbc: {  	s29 =	simm.s32 $0xAA00  }
0xbd: {  	[tilespmem:s29], [sflag:$0x2] =	stream.indirect_vreg.gather [hbm4b:s4+s2], $0x80, v3, vm0, $0xb8;
	[tilespmem:$0x10200] =	vst v63  }
0xbe: {  	s30 =	simm.s32 $0xB200  }
0xbf: {  	[tilespmem:s30], [sflag:$0x2] =	stream.indirect_vreg.gather [hbm4b:s5+s2], $0x80, v3, vm0, $0xb8;
	[tilespmem:$0x10200] =	vst v63  }
0xc0: {  	s15 =	simm.s32 $0xBA00  }
0xc1: {  	[tilespmem:s15], [sflag:$0x2] =	stream.indirect_vreg.gather [hbm4b:s6+s2], $0x80, v3, vm0, $0xb8;
	[tilespmem:$0x10200] =	vst v63  }
0xc2: {  	v3 =	vld [tilespmem:$0x70];
	_ =	sdelay $0x4  }
0xc3: {  	v39 =	vshll.u32 v3, $0x3  }
0xc4: {  	v3 =	vand.u32 $0x7, v3;
	v4 =	vand.u32 $0xFFFFFFC0, v39  }
0xc5: {  	v3 =	vor.u32 v3, v4  }
0xc6: {  	v4 =	vperm.xlane v3, v0;
	_ =	sdelay $0x1  }
0xc7: {  	v4 =	vadd.s32 v1, v4;
	_ =	sdelay $0x3  }
0xc8: {  	s16 =	simm.s32 $0xC200  }
0xc9: {  	[tilespmem:s16], [sflag:$0x2] =	stream.indirect_vreg.gather [hbm4b:s3+s2], $0x80, v4, vm0, $0xb8;
	[tilespmem:$0x10200] =	vst v63  }
0xca: {  	s17 =	simm.s32 $0xCA00;
	v3 =	vperm.xlane v3, v2  }
0xcb: {  	[tilespmem:s17], [sflag:$0x2] =	stream.indirect_vreg.gather [hbm4b:s4+s2], $0x80, v4, vm0, $0xb8;
	[tilespmem:$0x10200] =	vst v63  }
0xcc: {  	v3 =	vadd.s32 v1, v3;
	s17 =	simm.s32 $0xD200  }
0xcd: {  	[tilespmem:s17], [sflag:$0x2] =	stream.indirect_vreg.gather [hbm4b:s5+s2], $0x80, v4, vm0, $0xb8;
	[tilespmem:$0x10200] =	vst v63  }
0xce: {  	s20 =	simm.s32 $0xDA00  }
0xcf: {  	[tilespmem:s20], [sflag:$0x2] =	stream.indirect_vreg.gather [hbm4b:s6+s2], $0x80, v4, vm0, $0xb8;
	[tilespmem:$0x10200] =	vst v63  }
0xd0: {  	s30 =	simm.s32 $0xE200  }
0xd1: {  	[tilespmem:s30], [sflag:$0x2] =	stream.indirect_vreg.gather [hbm4b:s3+s2], $0x80, v3, vm0, $0xb8;
	[tilespmem:$0x10200] =	vst v63  }
0xd2: {  	s31 =	simm.s32 $0xEA00  }
0xd3: {  	[tilespmem:s31], [sflag:$0x2] =	stream.indirect_vreg.gather [hbm4b:s4+s2], $0x80, v3, vm0, $0xb8;
	[tilespmem:$0x10200] =	vst v63  }
0xd4: {  	s30 =	simm.s32 $0xF200  }
0xd5: {  	[tilespmem:s30], [sflag:$0x2] =	stream.indirect_vreg.gather [hbm4b:s5+s2], $0x80, v3, vm0, $0xb8;
	[tilespmem:$0x10200] =	vst v63  }
0xd6: {  	s13 =	simm.s32 $0xFA00  }
0xd7: {  	[tilespmem:s13], [sflag:$0x2] =	stream.indirect_vreg.gather [hbm4b:s6+s2], $0x80, v3, vm0, $0xb8;
	[tilespmem:$0x10200] =	vst v63  }
0xd8: {  	_ =	swait.ge [sflag:s18], $0x8000  }
0xd9: {  	[sflag:s18] =	ssyncset.done $0x0  }
0xda: {  	s20 =	rddreg [dreg:$0x6];
	[sflag:s18] =	ssyncadd.s32 $0xFFFF8000  }
0xdb: {  	[hbm4b:s20+s2] =	stream.linear.scatter [tilespmem:s9], [sflag:$0x3], $0x8000, $0x38;
	[tilespmem:$0x10200] =	vst v63  }
0xdc: {  	_ =	swait.ge [sflag:s8], $0x8000  }
0xdd: {  	[sflag:s8] =	ssyncset.done $0x0  }
0xde: {  	[sflag:s8] =	ssyncadd.s32 $0xFFFF8000  }
0xdf: {  	v3 =	vld [tilespmem:$0x80];
	_ =	sdelay $0x4  }
0xe0: {  	v40 =	vshll.u32 v3, $0x3  }
0xe1: {  	v3 =	vand.u32 $0x7, v3;
	v4 =	vand.u32 $0xFFFFFFC0, v40  }
0xe2: {  	v3 =	vor.u32 v3, v4  }
0xe3: {  	v4 =	vperm.xlane v3, v0;
	_ =	sdelay $0x1  }
0xe4: {  	v4 =	vadd.s32 v1, v4;
	_ =	sdelay $0x4  }
0xe5: {  	[tilespmem:s9], [sflag:$0x1] =	stream.indirect_vreg.gather [hbm4b:s3+s2], $0x80, v4, vm0, $0xb8;
	[tilespmem:$0x10200] =	vst v63  }
0xe6: {  	s20 =	simm.s32 $0xA00;
	v3 =	vperm.xlane v3, v2  }
0xe7: {  	[tilespmem:s20], [sflag:$0x1] =	stream.indirect_vreg.gather [hbm4b:s4+s2], $0x80, v4, vm0, $0xb8;
	[tilespmem:$0x10200] =	vst v63  }
0xe8: {  	v3 =	vadd.s32 v1, v3;
	s20 =	simm.s32 $0x1200  }
0xe9: {  	[tilespmem:s20], [sflag:$0x1] =	stream.indirect_vreg.gather [hbm4b:s5+s2], $0x80, v4, vm0, $0xb8;
	[tilespmem:$0x10200] =	vst v63  }
0xea: {  	s20 =	simm.s32 $0x1A00  }
0xeb: {  	[tilespmem:s20], [sflag:$0x1] =	stream.indirect_vreg.gather [hbm4b:s6+s2], $0x80, v4, vm0, $0xb8;
	[tilespmem:$0x10200] =	vst v63  }
0xec: {  	s20 =	simm.s32 $0x2200  }
0xed: {  	[tilespmem:s20], [sflag:$0x1] =	stream.indirect_vreg.gather [hbm4b:s3+s2], $0x80, v3, vm0, $0xb8;
	[tilespmem:$0x10200] =	vst v63  }
0xee: {  	_ = 	snop  }
0xef: {  	[tilespmem:s28], [sflag:$0x1] =	stream.indirect_vreg.gather [hbm4b:s4+s2], $0x80, v3, vm0, $0xb8;
	[tilespmem:$0x10200] =	vst v63  }
0xf0: {  	_ = 	snop  }
0xf1: {  	[tilespmem:s21], [sflag:$0x1] =	stream.indirect_vreg.gather [hbm4b:s5+s2], $0x80, v3, vm0, $0xb8;
	[tilespmem:$0x10200] =	vst v63  }
0xf2: {  	_ = 	snop  }
0xf3: {  	[tilespmem:s22], [sflag:$0x1] =	stream.indirect_vreg.gather [hbm4b:s6+s2], $0x80, v3, vm0, $0xb8;
	[tilespmem:$0x10200] =	vst v63  }
0xf4: {  	v3 =	vld [tilespmem:$0x90];
	_ =	sdelay $0x4  }
0xf5: {  	v41 =	vshll.u32 v3, $0x3  }
0xf6: {  	v3 =	vand.u32 $0x7, v3;
	v4 =	vand.u32 $0xFFFFFFC0, v41  }
0xf7: {  	v3 =	vor.u32 v3, v4  }
0xf8: {  	v4 =	vperm.xlane v3, v0;
	_ =	sdelay $0x1  }
0xf9: {  	v4 =	vadd.s32 v1, v4;
	_ =	sdelay $0x4  }
0xfa: {  	[tilespmem:s23], [sflag:$0x1] =	stream.indirect_vreg.gather [hbm4b:s3+s2], $0x80, v4, vm0, $0xb8;
	[tilespmem:$0x10200] =	vst v63  }
0xfb: {  	v3 =	vperm.xlane v3, v2  }
0xfc: {  	[tilespmem:s24], [sflag:$0x1] =	stream.indirect_vreg.gather [hbm4b:s4+s2], $0x80, v4, vm0, $0xb8;
	[tilespmem:$0x10200] =	vst v63  }
0xfd: {  	s20 =	simm.s32 $0x5200;
	v3 =	vadd.s32 v1, v3  }
0xfe: {  	[tilespmem:s20], [sflag:$0x1] =	stream.indirect_vreg.gather [hbm4b:s5+s2], $0x80, v4, vm0, $0xb8;
	[tilespmem:$0x10200] =	vst v63  }
0xff: {  	s20 =	simm.s32 $0x5A00  }
0x100: {  	[tilespmem:s20], [sflag:$0x1] =	stream.indirect_vreg.gather [hbm4b:s6+s2], $0x80, v4, vm0, $0xb8;
	[tilespmem:$0x10200] =	vst v63  }
0x101: {  	_ = 	snop  }
0x102: {  	[tilespmem:s10], [sflag:$0x1] =	stream.indirect_vreg.gather [hbm4b:s3+s2], $0x80, v3, vm0, $0xb8;
	[tilespmem:$0x10200] =	vst v63  }
0x103: {  	_ = 	snop  }
0x104: {  	[tilespmem:s7], [sflag:$0x1] =	stream.indirect_vreg.gather [hbm4b:s4+s2], $0x80, v3, vm0, $0xb8;
	[tilespmem:$0x10200] =	vst v63  }
0x105: {  	_ = 	snop  }
0x106: {  	[tilespmem:s11], [sflag:$0x1] =	stream.indirect_vreg.gather [hbm4b:s5+s2], $0x80, v3, vm0, $0xb8;
	[tilespmem:$0x10200] =	vst v63  }
0x107: {  	_ = 	snop  }
0x108: {  	[tilespmem:s12], [sflag:$0x1] =	stream.indirect_vreg.gather [hbm4b:s6+s2], $0x80, v3, vm0, $0xb8;
	[tilespmem:$0x10200] =	vst v63  }
0x109: {  	_ =	swait.ge [sflag:s19], $0x8000  }
0x10a: {  	[sflag:s19] =	ssyncset.done $0x0  }
0x10b: {  	s20 =	rddreg [dreg:$0x7];
	[sflag:s19] =	ssyncadd.s32 $0xFFFF8000  }
0x10c: {  	[hbm4b:s20+s2] =	stream.linear.scatter [tilespmem:s25], [sflag:$0x3], $0x8000, $0x38;
	[tilespmem:$0x10200] =	vst v63  }
0x10d: {  	_ =	swait.ge [sflag:s8], $0x8000  }
0x10e: {  	[sflag:s8] =	ssyncset.done $0x0  }
0x10f: {  	[sflag:s8] =	ssyncadd.s32 $0xFFFF8000  }
0x110: {  	v3 =	vld [tilespmem:$0xA0];
	_ =	sdelay $0x4  }
0x111: {  	v42 =	vshll.u32 v3, $0x3  }
0x112: {  	v3 =	vand.u32 $0x7, v3;
	v4 =	vand.u32 $0xFFFFFFC0, v42  }
0x113: {  	v3 =	vor.u32 v3, v4  }
0x114: {  	v4 =	vperm.xlane v3, v0;
	_ =	sdelay $0x1  }
0x115: {  	v4 =	vadd.s32 v1, v4;
	_ =	sdelay $0x4  }
0x116: {  	[tilespmem:s25], [sflag:$0x2] =	stream.indirect_vreg.gather [hbm4b:s3+s2], $0x80, v4, vm0, $0xb8;
	[tilespmem:$0x10200] =	vst v63  }
0x117: {  	s20 =	simm.s32 $0x8A00;
	v3 =	vperm.xlane v3, v2  }
0x118: {  	[tilespmem:s20], [sflag:$0x2] =	stream.indirect_vreg.gather [hbm4b:s4+s2], $0x80, v4, vm0, $0xb8;
	[tilespmem:$0x10200] =	vst v63  }
0x119: {  	v3 =	vadd.s32 v1, v3  }
0x11a: {  	[tilespmem:s0], [sflag:$0x2] =	stream.indirect_vreg.gather [hbm4b:s5+s2], $0x80, v4, vm0, $0xb8;
	[tilespmem:$0x10200] =	vst v63  }
0x11b: {  	_ = 	snop  }
0x11c: {  	[tilespmem:s1], [sflag:$0x2] =	stream.indirect_vreg.gather [hbm4b:s6+s2], $0x80, v4, vm0, $0xb8;
	[tilespmem:$0x10200] =	vst v63  }
0x11d: {  	s20 =	simm.s32 $0xA200  }
0x11e: {  	[tilespmem:s20], [sflag:$0x2] =	stream.indirect_vreg.gather [hbm4b:s3+s2], $0x80, v3, vm0, $0xb8;
	[tilespmem:$0x10200] =	vst v63  }
0x11f: {  	s14 =	simm.s32 $0xAA00  }
0x120: {  	[tilespmem:s14], [sflag:$0x2] =	stream.indirect_vreg.gather [hbm4b:s4+s2], $0x80, v3, vm0, $0xb8;
	[tilespmem:$0x10200] =	vst v63  }
0x121: {  	s29 =	simm.s32 $0xB200  }
0x122: {  	[tilespmem:s29], [sflag:$0x2] =	stream.indirect_vreg.gather [hbm4b:s5+s2], $0x80, v3, vm0, $0xb8;
	[tilespmem:$0x10200] =	vst v63  }
0x123: {  	s20 =	simm.s32 $0xBA00  }
0x124: {  	[tilespmem:s20], [sflag:$0x2] =	stream.indirect_vreg.gather [hbm4b:s6+s2], $0x80, v3, vm0, $0xb8;
	[tilespmem:$0x10200] =	vst v63  }
0x125: {  	v3 =	vld [tilespmem:$0xB0];
	_ =	sdelay $0x4  }
0x126: {  	v43 =	vshll.u32 v3, $0x3  }
0x127: {  	v3 =	vand.u32 $0x7, v3;
	v4 =	vand.u32 $0xFFFFFFC0, v43  }
0x128: {  	v3 =	vor.u32 v3, v4  }
0x129: {  	v4 =	vperm.xlane v3, v0;
	_ =	sdelay $0x1  }
0x12a: {  	v4 =	vadd.s32 v1, v4;
	_ =	sdelay $0x3  }
0x12b: {  	s20 =	simm.s32 $0xC200  }
0x12c: {  	[tilespmem:s20], [sflag:$0x2] =	stream.indirect_vreg.gather [hbm4b:s3+s2], $0x80, v4, vm0, $0xb8;
	[tilespmem:$0x10200] =	vst v63  }
0x12d: {  	v3 =	vperm.xlane v3, v2;
	s20 =	simm.s32 $0xCA00  }
0x12e: {  	[tilespmem:s20], [sflag:$0x2] =	stream.indirect_vreg.gather [hbm4b:s4+s2], $0x80, v4, vm0, $0xb8;
	[tilespmem:$0x10200] =	vst v63  }
0x12f: {  	s15 =	simm.s32 $0xD200;
	v3 =	vadd.s32 v1, v3  }
0x130: {  	[tilespmem:s15], [sflag:$0x2] =	stream.indirect_vreg.gather [hbm4b:s5+s2], $0x80, v4, vm0, $0xb8;
	[tilespmem:$0x10200] =	vst v63  }
0x131: {  	s17 =	simm.s32 $0xDA00  }
0x132: {  	[tilespmem:s17], [sflag:$0x2] =	stream.indirect_vreg.gather [hbm4b:s6+s2], $0x80, v4, vm0, $0xb8;
	[tilespmem:$0x10200] =	vst v63  }
0x133: {  	s16 =	simm.s32 $0xE200  }
0x134: {  	[tilespmem:s16], [sflag:$0x2] =	stream.indirect_vreg.gather [hbm4b:s3+s2], $0x80, v3, vm0, $0xb8;
	[tilespmem:$0x10200] =	vst v63  }
0x135: {  	s31 =	simm.s32 $0xEA00  }
0x136: {  	[tilespmem:s31], [sflag:$0x2] =	stream.indirect_vreg.gather [hbm4b:s4+s2], $0x80, v3, vm0, $0xb8;
	[tilespmem:$0x10200] =	vst v63  }
0x137: {  	s30 =	simm.s32 $0xF200  }
0x138: {  	[tilespmem:s30], [sflag:$0x2] =	stream.indirect_vreg.gather [hbm4b:s5+s2], $0x80, v3, vm0, $0xb8;
	[tilespmem:$0x10200] =	vst v63  }
0x139: {  	s13 =	simm.s32 $0xFA00  }
0x13a: {  	[tilespmem:s13], [sflag:$0x2] =	stream.indirect_vreg.gather [hbm4b:s6+s2], $0x80, v3, vm0, $0xb8;
	[tilespmem:$0x10200] =	vst v63  }
0x13b: {  	_ =	swait.ge [sflag:s18], $0x8000  }
0x13c: {  	[sflag:s18] =	ssyncset.done $0x0  }
0x13d: {  	s20 =	rddreg [dreg:$0x8];
	[sflag:s18] =	ssyncadd.s32 $0xFFFF8000  }
0x13e: {  	[hbm4b:s20+s2] =	stream.linear.scatter [tilespmem:s9], [sflag:$0x3], $0x8000, $0x38;
	[tilespmem:$0x10200] =	vst v63  }
0x13f: {  	_ =	swait.ge [sflag:s8], $0x8000  }
0x140: {  	[sflag:s8] =	ssyncset.done $0x0  }
0x141: {  	[sflag:s8] =	ssyncadd.s32 $0xFFFF8000  }
0x142: {  	v3 =	vld [tilespmem:$0xC0];
	_ =	sdelay $0x4  }
0x143: {  	v44 =	vshll.u32 v3, $0x3  }
0x144: {  	v3 =	vand.u32 $0x7, v3;
	v4 =	vand.u32 $0xFFFFFFC0, v44  }
0x145: {  	v3 =	vor.u32 v3, v4  }
0x146: {  	v4 =	vperm.xlane v3, v0;
	_ =	sdelay $0x1  }
0x147: {  	v4 =	vadd.s32 v1, v4;
	_ =	sdelay $0x4  }
0x148: {  	[tilespmem:s9], [sflag:$0x1] =	stream.indirect_vreg.gather [hbm4b:s3+s2], $0x80, v4, vm0, $0xb8;
	[tilespmem:$0x10200] =	vst v63  }
0x149: {  	s20 =	simm.s32 $0xA00;
	v3 =	vperm.xlane v3, v2  }
0x14a: {  	[tilespmem:s20], [sflag:$0x1] =	stream.indirect_vreg.gather [hbm4b:s4+s2], $0x80, v4, vm0, $0xb8;
	[tilespmem:$0x10200] =	vst v63  }
0x14b: {  	v3 =	vadd.s32 v1, v3;
	s20 =	simm.s32 $0x1200  }
0x14c: {  	[tilespmem:s20], [sflag:$0x1] =	stream.indirect_vreg.gather [hbm4b:s5+s2], $0x80, v4, vm0, $0xb8;
	[tilespmem:$0x10200] =	vst v63  }
0x14d: {  	s20 =	simm.s32 $0x1A00  }
0x14e: {  	[tilespmem:s20], [sflag:$0x1] =	stream.indirect_vreg.gather [hbm4b:s6+s2], $0x80, v4, vm0, $0xb8;
	[tilespmem:$0x10200] =	vst v63  }
0x14f: {  	s20 =	simm.s32 $0x2200  }
0x150: {  	[tilespmem:s20], [sflag:$0x1] =	stream.indirect_vreg.gather [hbm4b:s3+s2], $0x80, v3, vm0, $0xb8;
	[tilespmem:$0x10200] =	vst v63  }
0x151: {  	s28 =	simm.s32 $0x2A00  }
0x152: {  	[tilespmem:s28], [sflag:$0x1] =	stream.indirect_vreg.gather [hbm4b:s4+s2], $0x80, v3, vm0, $0xb8;
	[tilespmem:$0x10200] =	vst v63  }
0x153: {  	s21 =	simm.s32 $0x3200  }
0x154: {  	[tilespmem:s21], [sflag:$0x1] =	stream.indirect_vreg.gather [hbm4b:s5+s2], $0x80, v3, vm0, $0xb8;
	[tilespmem:$0x10200] =	vst v63  }
0x155: {  	s22 =	simm.s32 $0x3A00  }
0x156: {  	[tilespmem:s22], [sflag:$0x1] =	stream.indirect_vreg.gather [hbm4b:s6+s2], $0x80, v3, vm0, $0xb8;
	[tilespmem:$0x10200] =	vst v63  }
0x157: {  	v3 =	vld [tilespmem:$0xD0];
	_ =	sdelay $0x4  }
0x158: {  	v45 =	vshll.u32 v3, $0x3  }
0x159: {  	v3 =	vand.u32 $0x7, v3;
	v4 =	vand.u32 $0xFFFFFFC0, v45  }
0x15a: {  	v3 =	vor.u32 v3, v4  }
0x15b: {  	v4 =	vperm.xlane v3, v0;
	_ =	sdelay $0x1  }
0x15c: {  	v4 =	vadd.s32 v1, v4;
	_ =	sdelay $0x3  }
0x15d: {  	s23 =	simm.s32 $0x4200  }
0x15e: {  	[tilespmem:s23], [sflag:$0x1] =	stream.indirect_vreg.gather [hbm4b:s3+s2], $0x80, v4, vm0, $0xb8;
	[tilespmem:$0x10200] =	vst v63  }
0x15f: {  	s24 =	simm.s32 $0x4A00;
	v3 =	vperm.xlane v3, v2  }
0x160: {  	[tilespmem:s24], [sflag:$0x1] =	stream.indirect_vreg.gather [hbm4b:s4+s2], $0x80, v4, vm0, $0xb8;
	[tilespmem:$0x10200] =	vst v63  }
0x161: {  	s20 =	simm.s32 $0x5200;
	v3 =	vadd.s32 v1, v3  }
0x162: {  	[tilespmem:s20], [sflag:$0x1] =	stream.indirect_vreg.gather [hbm4b:s5+s2], $0x80, v4, vm0, $0xb8;
	[tilespmem:$0x10200] =	vst v63  }
0x163: {  	s20 =	simm.s32 $0x5A00  }
0x164: {  	[tilespmem:s20], [sflag:$0x1] =	stream.indirect_vreg.gather [hbm4b:s6+s2], $0x80, v4, vm0, $0xb8;
	[tilespmem:$0x10200] =	vst v63  }
0x165: {  	s10 =	simm.s32 $0x6200  }
0x166: {  	[tilespmem:s10], [sflag:$0x1] =	stream.indirect_vreg.gather [hbm4b:s3+s2], $0x80, v3, vm0, $0xb8;
	[tilespmem:$0x10200] =	vst v63  }
0x167: {  	s7 =	simm.s32 $0x6A00  }
0x168: {  	[tilespmem:s7], [sflag:$0x1] =	stream.indirect_vreg.gather [hbm4b:s4+s2], $0x80, v3, vm0, $0xb8;
	[tilespmem:$0x10200] =	vst v63  }
0x169: {  	s11 =	simm.s32 $0x7200  }
0x16a: {  	[tilespmem:s11], [sflag:$0x1] =	stream.indirect_vreg.gather [hbm4b:s5+s2], $0x80, v3, vm0, $0xb8;
	[tilespmem:$0x10200] =	vst v63  }
0x16b: {  	s12 =	simm.s32 $0x7A00  }
0x16c: {  	[tilespmem:s12], [sflag:$0x1] =	stream.indirect_vreg.gather [hbm4b:s6+s2], $0x80, v3, vm0, $0xb8;
	[tilespmem:$0x10200] =	vst v63  }
0x16d: {  	_ =	swait.ge [sflag:s19], $0x8000  }
0x16e: {  	[sflag:s19] =	ssyncset.done $0x0  }
0x16f: {  	s20 =	rddreg [dreg:$0x9];
	[sflag:s19] =	ssyncadd.s32 $0xFFFF8000  }
0x170: {  	[hbm4b:s20+s2] =	stream.linear.scatter [tilespmem:s25], [sflag:$0x3], $0x8000, $0x38;
	[tilespmem:$0x10200] =	vst v63  }
0x171: {  	_ =	swait.ge [sflag:s8], $0x8000  }
0x172: {  	[sflag:s8] =	ssyncset.done $0x0  }
0x173: {  	[sflag:s8] =	ssyncadd.s32 $0xFFFF8000  }
0x174: {  	v3 =	vld [tilespmem:$0xE0];
	_ =	sdelay $0x4  }
0x175: {  	v46 =	vshll.u32 v3, $0x3  }
0x176: {  	v3 =	vand.u32 $0x7, v3;
	v4 =	vand.u32 $0xFFFFFFC0, v46  }
0x177: {  	v3 =	vor.u32 v3, v4  }
0x178: {  	v4 =	vperm.xlane v3, v0;
	_ =	sdelay $0x1  }
0x179: {  	v4 =	vadd.s32 v1, v4;
	_ =	sdelay $0x4  }
0x17a: {  	[tilespmem:s25], [sflag:$0x2] =	stream.indirect_vreg.gather [hbm4b:s3+s2], $0x80, v4, vm0, $0xb8;
	[tilespmem:$0x10200] =	vst v63  }
0x17b: {  	s20 =	simm.s32 $0x8A00;
	v3 =	vperm.xlane v3, v2  }
0x17c: {  	[tilespmem:s20], [sflag:$0x2] =	stream.indirect_vreg.gather [hbm4b:s4+s2], $0x80, v4, vm0, $0xb8;
	[tilespmem:$0x10200] =	vst v63  }
0x17d: {  	s0 =	simm.s32 $0x9200;
	v3 =	vadd.s32 v1, v3  }
0x17e: {  	[tilespmem:s0], [sflag:$0x2] =	stream.indirect_vreg.gather [hbm4b:s5+s2], $0x80, v4, vm0, $0xb8;
	[tilespmem:$0x10200] =	vst v63  }
0x17f: {  	s1 =	simm.s32 $0x9A00  }
0x180: {  	[tilespmem:s1], [sflag:$0x2] =	stream.indirect_vreg.gather [hbm4b:s6+s2], $0x80, v4, vm0, $0xb8;
	[tilespmem:$0x10200] =	vst v63  }
0x181: {  	s20 =	simm.s32 $0xA200  }
0x182: {  	[tilespmem:s20], [sflag:$0x2] =	stream.indirect_vreg.gather [hbm4b:s3+s2], $0x80, v3, vm0, $0xb8;
	[tilespmem:$0x10200] =	vst v63  }
0x183: {  	s14 =	simm.s32 $0xAA00  }
0x184: {  	[tilespmem:s14], [sflag:$0x2] =	stream.indirect_vreg.gather [hbm4b:s4+s2], $0x80, v3, vm0, $0xb8;
	[tilespmem:$0x10200] =	vst v63  }
0x185: {  	s29 =	simm.s32 $0xB200  }
0x186: {  	[tilespmem:s29], [sflag:$0x2] =	stream.indirect_vreg.gather [hbm4b:s5+s2], $0x80, v3, vm0, $0xb8;
	[tilespmem:$0x10200] =	vst v63  }
0x187: {  	s20 =	simm.s32 $0xBA00  }
0x188: {  	[tilespmem:s20], [sflag:$0x2] =	stream.indirect_vreg.gather [hbm4b:s6+s2], $0x80, v3, vm0, $0xb8;
	[tilespmem:$0x10200] =	vst v63  }
0x189: {  	v3 =	vld [tilespmem:$0xF0];
	_ =	sdelay $0x4  }
0x18a: {  	v47 =	vshll.u32 v3, $0x3  }
0x18b: {  	v3 =	vand.u32 $0x7, v3;
	v4 =	vand.u32 $0xFFFFFFC0, v47  }
0x18c: {  	v3 =	vor.u32 v3, v4  }
0x18d: {  	v4 =	vperm.xlane v3, v0;
	_ =	sdelay $0x1  }
0x18e: {  	v4 =	vadd.s32 v1, v4;
	_ =	sdelay $0x3  }
0x18f: {  	s20 =	simm.s32 $0xC200  }
0x190: {  	[tilespmem:s20], [sflag:$0x2] =	stream.indirect_vreg.gather [hbm4b:s3+s2], $0x80, v4, vm0, $0xb8;
	[tilespmem:$0x10200] =	vst v63  }
0x191: {  	v3 =	vperm.xlane v3, v2;
	s20 =	simm.s32 $0xCA00  }
0x192: {  	[tilespmem:s20], [sflag:$0x2] =	stream.indirect_vreg.gather [hbm4b:s4+s2], $0x80, v4, vm0, $0xb8;
	[tilespmem:$0x10200] =	vst v63  }
0x193: {  	s15 =	simm.s32 $0xD200;
	v3 =	vadd.s32 v1, v3  }
0x194: {  	[tilespmem:s15], [sflag:$0x2] =	stream.indirect_vreg.gather [hbm4b:s5+s2], $0x80, v4, vm0, $0xb8;
	[tilespmem:$0x10200] =	vst v63  }
0x195: {  	s17 =	simm.s32 $0xDA00  }
0x196: {  	[tilespmem:s17], [sflag:$0x2] =	stream.indirect_vreg.gather [hbm4b:s6+s2], $0x80, v4, vm0, $0xb8;
	[tilespmem:$0x10200] =	vst v63  }
0x197: {  	s16 =	simm.s32 $0xE200  }
0x198: {  	[tilespmem:s16], [sflag:$0x2] =	stream.indirect_vreg.gather [hbm4b:s3+s2], $0x80, v3, vm0, $0xb8;
	[tilespmem:$0x10200] =	vst v63  }
0x199: {  	s31 =	simm.s32 $0xEA00  }
0x19a: {  	[tilespmem:s31], [sflag:$0x2] =	stream.indirect_vreg.gather [hbm4b:s4+s2], $0x80, v3, vm0, $0xb8;
	[tilespmem:$0x10200] =	vst v63  }
0x19b: {  	s30 =	simm.s32 $0xF200  }
0x19c: {  	[tilespmem:s30], [sflag:$0x2] =	stream.indirect_vreg.gather [hbm4b:s5+s2], $0x80, v3, vm0, $0xb8;
	[tilespmem:$0x10200] =	vst v63  }
0x19d: {  	s13 =	simm.s32 $0xFA00  }
0x19e: {  	[tilespmem:s13], [sflag:$0x2] =	stream.indirect_vreg.gather [hbm4b:s6+s2], $0x80, v3, vm0, $0xb8;
	[tilespmem:$0x10200] =	vst v63  }
0x19f: {  	_ =	swait.ge [sflag:s18], $0x8000  }
0x1a0: {  	[sflag:s18] =	ssyncset.done $0x0  }
0x1a1: {  	s20 =	rddreg [dreg:$0xa];
	[sflag:s18] =	ssyncadd.s32 $0xFFFF8000  }
0x1a2: {  	[hbm4b:s20+s2] =	stream.linear.scatter [tilespmem:s9], [sflag:$0x3], $0x8000, $0x38;
	[tilespmem:$0x10200] =	vst v63  }
0x1a3: {  	_ =	swait.ge [sflag:s8], $0x8000  }
0x1a4: {  	[sflag:s8] =	ssyncset.done $0x0  }
0x1a5: {  	[sflag:s8] =	ssyncadd.s32 $0xFFFF8000  }
0x1a6: {  	v3 =	vld [tilespmem:$0x100];
	_ =	sdelay $0x4  }
0x1a7: {  	v48 =	vshll.u32 v3, $0x3  }
0x1a8: {  	v3 =	vand.u32 $0x7, v3;
	v4 =	vand.u32 $0xFFFFFFC0, v48  }
0x1a9: {  	v3 =	vor.u32 v3, v4  }
0x1aa: {  	v4 =	vperm.xlane v3, v0;
	_ =	sdelay $0x1  }
0x1ab: {  	v4 =	vadd.s32 v1, v4;
	_ =	sdelay $0x4  }
0x1ac: {  	[tilespmem:s9], [sflag:$0x1] =	stream.indirect_vreg.gather [hbm4b:s3+s2], $0x80, v4, vm0, $0xb8;
	[tilespmem:$0x10200] =	vst v63  }
0x1ad: {  	s20 =	simm.s32 $0xA00;
	v3 =	vperm.xlane v3, v2  }
0x1ae: {  	[tilespmem:s20], [sflag:$0x1] =	stream.indirect_vreg.gather [hbm4b:s4+s2], $0x80, v4, vm0, $0xb8;
	[tilespmem:$0x10200] =	vst v63  }
0x1af: {  	v3 =	vadd.s32 v1, v3;
	s20 =	simm.s32 $0x1200  }
0x1b0: {  	[tilespmem:s20], [sflag:$0x1] =	stream.indirect_vreg.gather [hbm4b:s5+s2], $0x80, v4, vm0, $0xb8;
	[tilespmem:$0x10200] =	vst v63  }
0x1b1: {  	s20 =	simm.s32 $0x1A00  }
0x1b2: {  	[tilespmem:s20], [sflag:$0x1] =	stream.indirect_vreg.gather [hbm4b:s6+s2], $0x80, v4, vm0, $0xb8;
	[tilespmem:$0x10200] =	vst v63  }
0x1b3: {  	s20 =	simm.s32 $0x2200  }
0x1b4: {  	[tilespmem:s20], [sflag:$0x1] =	stream.indirect_vreg.gather [hbm4b:s3+s2], $0x80, v3, vm0, $0xb8;
	[tilespmem:$0x10200] =	vst v63  }
0x1b5: {  	s28 =	simm.s32 $0x2A00  }
0x1b6: {  	[tilespmem:s28], [sflag:$0x1] =	stream.indirect_vreg.gather [hbm4b:s4+s2], $0x80, v3, vm0, $0xb8;
	[tilespmem:$0x10200] =	vst v63  }
0x1b7: {  	s21 =	simm.s32 $0x3200  }
0x1b8: {  	[tilespmem:s21], [sflag:$0x1] =	stream.indirect_vreg.gather [hbm4b:s5+s2], $0x80, v3, vm0, $0xb8;
	[tilespmem:$0x10200] =	vst v63  }
0x1b9: {  	s22 =	simm.s32 $0x3A00  }
0x1ba: {  	[tilespmem:s22], [sflag:$0x1] =	stream.indirect_vreg.gather [hbm4b:s6+s2], $0x80, v3, vm0, $0xb8;
	[tilespmem:$0x10200] =	vst v63  }
0x1bb: {  	v3 =	vld [tilespmem:$0x110];
	_ =	sdelay $0x4  }
0x1bc: {  	v49 =	vshll.u32 v3, $0x3  }
0x1bd: {  	v3 =	vand.u32 $0x7, v3;
	v4 =	vand.u32 $0xFFFFFFC0, v49  }
0x1be: {  	v3 =	vor.u32 v3, v4  }
0x1bf: {  	v4 =	vperm.xlane v3, v0;
	_ =	sdelay $0x1  }
0x1c0: {  	v4 =	vadd.s32 v1, v4;
	_ =	sdelay $0x3  }
0x1c1: {  	s23 =	simm.s32 $0x4200  }
0x1c2: {  	[tilespmem:s23], [sflag:$0x1] =	stream.indirect_vreg.gather [hbm4b:s3+s2], $0x80, v4, vm0, $0xb8;
	[tilespmem:$0x10200] =	vst v63  }
0x1c3: {  	s24 =	simm.s32 $0x4A00;
	v3 =	vperm.xlane v3, v2  }
0x1c4: {  	[tilespmem:s24], [sflag:$0x1] =	stream.indirect_vreg.gather [hbm4b:s4+s2], $0x80, v4, vm0, $0xb8;
	[tilespmem:$0x10200] =	vst v63  }
0x1c5: {  	s20 =	simm.s32 $0x5200;
	v3 =	vadd.s32 v1, v3  }
0x1c6: {  	[tilespmem:s20], [sflag:$0x1] =	stream.indirect_vreg.gather [hbm4b:s5+s2], $0x80, v4, vm0, $0xb8;
	[tilespmem:$0x10200] =	vst v63  }
0x1c7: {  	s20 =	simm.s32 $0x5A00  }
0x1c8: {  	[tilespmem:s20], [sflag:$0x1] =	stream.indirect_vreg.gather [hbm4b:s6+s2], $0x80, v4, vm0, $0xb8;
	[tilespmem:$0x10200] =	vst v63  }
0x1c9: {  	s10 =	simm.s32 $0x6200  }
0x1ca: {  	[tilespmem:s10], [sflag:$0x1] =	stream.indirect_vreg.gather [hbm4b:s3+s2], $0x80, v3, vm0, $0xb8;
	[tilespmem:$0x10200] =	vst v63  }
0x1cb: {  	s7 =	simm.s32 $0x6A00  }
0x1cc: {  	[tilespmem:s7], [sflag:$0x1] =	stream.indirect_vreg.gather [hbm4b:s4+s2], $0x80, v3, vm0, $0xb8;
	[tilespmem:$0x10200] =	vst v63  }
0x1cd: {  	s11 =	simm.s32 $0x7200  }
0x1ce: {  	[tilespmem:s11], [sflag:$0x1] =	stream.indirect_vreg.gather [hbm4b:s5+s2], $0x80, v3, vm0, $0xb8;
	[tilespmem:$0x10200] =	vst v63  }
0x1cf: {  	s12 =	simm.s32 $0x7A00  }
0x1d0: {  	[tilespmem:s12], [sflag:$0x1] =	stream.indirect_vreg.gather [hbm4b:s6+s2], $0x80, v3, vm0, $0xb8;
	[tilespmem:$0x10200] =	vst v63  }
0x1d1: {  	_ =	swait.ge [sflag:s19], $0x8000  }
0x1d2: {  	[sflag:s19] =	ssyncset.done $0x0  }
0x1d3: {  	s20 =	rddreg [dreg:$0xb];
	[sflag:s19] =	ssyncadd.s32 $0xFFFF8000  }
0x1d4: {  	[hbm4b:s20+s2] =	stream.linear.scatter [tilespmem:s25], [sflag:$0x3], $0x8000, $0x38;
	[tilespmem:$0x10200] =	vst v63  }
0x1d5: {  	_ =	swait.ge [sflag:s8], $0x8000  }
0x1d6: {  	[sflag:s8] =	ssyncset.done $0x0  }
0x1d7: {  	[sflag:s8] =	ssyncadd.s32 $0xFFFF8000  }
0x1d8: {  	v3 =	vld [tilespmem:$0x120];
	_ =	sdelay $0x4  }
0x1d9: {  	v50 =	vshll.u32 v3, $0x3  }
0x1da: {  	v3 =	vand.u32 $0x7, v3;
	v4 =	vand.u32 $0xFFFFFFC0, v50  }
0x1db: {  	v3 =	vor.u32 v3, v4  }
0x1dc: {  	v4 =	vperm.xlane v3, v0;
	_ =	sdelay $0x1  }
0x1dd: {  	v4 =	vadd.s32 v1, v4;
	_ =	sdelay $0x4  }
0x1de: {  	[tilespmem:s25], [sflag:$0x2] =	stream.indirect_vreg.gather [hbm4b:s3+s2], $0x80, v4, vm0, $0xb8;
	[tilespmem:$0x10200] =	vst v63  }
0x1df: {  	s20 =	simm.s32 $0x8A00;
	v3 =	vperm.xlane v3, v2  }
0x1e0: {  	[tilespmem:s20], [sflag:$0x2] =	stream.indirect_vreg.gather [hbm4b:s4+s2], $0x80, v4, vm0, $0xb8;
	[tilespmem:$0x10200] =	vst v63  }
0x1e1: {  	s0 =	simm.s32 $0x9200;
	v3 =	vadd.s32 v1, v3  }
0x1e2: {  	[tilespmem:s0], [sflag:$0x2] =	stream.indirect_vreg.gather [hbm4b:s5+s2], $0x80, v4, vm0, $0xb8;
	[tilespmem:$0x10200] =	vst v63  }
0x1e3: {  	s1 =	simm.s32 $0x9A00  }
0x1e4: {  	[tilespmem:s1], [sflag:$0x2] =	stream.indirect_vreg.gather [hbm4b:s6+s2], $0x80, v4, vm0, $0xb8;
	[tilespmem:$0x10200] =	vst v63  }
0x1e5: {  	s20 =	simm.s32 $0xA200  }
0x1e6: {  	[tilespmem:s20], [sflag:$0x2] =	stream.indirect_vreg.gather [hbm4b:s3+s2], $0x80, v3, vm0, $0xb8;
	[tilespmem:$0x10200] =	vst v63  }
0x1e7: {  	s14 =	simm.s32 $0xAA00  }
0x1e8: {  	[tilespmem:s14], [sflag:$0x2] =	stream.indirect_vreg.gather [hbm4b:s4+s2], $0x80, v3, vm0, $0xb8;
	[tilespmem:$0x10200] =	vst v63  }
0x1e9: {  	s29 =	simm.s32 $0xB200  }
0x1ea: {  	[tilespmem:s29], [sflag:$0x2] =	stream.indirect_vreg.gather [hbm4b:s5+s2], $0x80, v3, vm0, $0xb8;
	[tilespmem:$0x10200] =	vst v63  }
0x1eb: {  	s20 =	simm.s32 $0xBA00  }
0x1ec: {  	[tilespmem:s20], [sflag:$0x2] =	stream.indirect_vreg.gather [hbm4b:s6+s2], $0x80, v3, vm0, $0xb8;
	[tilespmem:$0x10200] =	vst v63  }
0x1ed: {  	v3 =	vld [tilespmem:$0x130];
	_ =	sdelay $0x4  }
0x1ee: {  	v51 =	vshll.u32 v3, $0x3  }
0x1ef: {  	v3 =	vand.u32 $0x7, v3;
	v4 =	vand.u32 $0xFFFFFFC0, v51  }
0x1f0: {  	v3 =	vor.u32 v3, v4  }
0x1f1: {  	v4 =	vperm.xlane v3, v0;
	_ =	sdelay $0x1  }
0x1f2: {  	v4 =	vadd.s32 v1, v4;
	_ =	sdelay $0x3  }
0x1f3: {  	s20 =	simm.s32 $0xC200  }
0x1f4: {  	[tilespmem:s20], [sflag:$0x2] =	stream.indirect_vreg.gather [hbm4b:s3+s2], $0x80, v4, vm0, $0xb8;
	[tilespmem:$0x10200] =	vst v63  }
0x1f5: {  	v3 =	vperm.xlane v3, v2;
	s20 =	simm.s32 $0xCA00  }
0x1f6: {  	[tilespmem:s20], [sflag:$0x2] =	stream.indirect_vreg.gather [hbm4b:s4+s2], $0x80, v4, vm0, $0xb8;
	[tilespmem:$0x10200] =	vst v63  }
0x1f7: {  	s15 =	simm.s32 $0xD200;
	v3 =	vadd.s32 v1, v3  }
0x1f8: {  	[tilespmem:s15], [sflag:$0x2] =	stream.indirect_vreg.gather [hbm4b:s5+s2], $0x80, v4, vm0, $0xb8;
	[tilespmem:$0x10200] =	vst v63  }
0x1f9: {  	s17 =	simm.s32 $0xDA00  }
0x1fa: {  	[tilespmem:s17], [sflag:$0x2] =	stream.indirect_vreg.gather [hbm4b:s6+s2], $0x80, v4, vm0, $0xb8;
	[tilespmem:$0x10200] =	vst v63  }
0x1fb: {  	s16 =	simm.s32 $0xE200  }
0x1fc: {  	[tilespmem:s16], [sflag:$0x2] =	stream.indirect_vreg.gather [hbm4b:s3+s2], $0x80, v3, vm0, $0xb8;
	[tilespmem:$0x10200] =	vst v63  }
0x1fd: {  	s31 =	simm.s32 $0xEA00  }
0x1fe: {  	[tilespmem:s31], [sflag:$0x2] =	stream.indirect_vreg.gather [hbm4b:s4+s2], $0x80, v3, vm0, $0xb8;
	[tilespmem:$0x10200] =	vst v63  }
0x1ff: {  	s30 =	simm.s32 $0xF200  }
0x200: {  	[tilespmem:s30], [sflag:$0x2] =	stream.indirect_vreg.gather [hbm4b:s5+s2], $0x80, v3, vm0, $0xb8;
	[tilespmem:$0x10200] =	vst v63  }
0x201: {  	s13 =	simm.s32 $0xFA00  }
0x202: {  	[tilespmem:s13], [sflag:$0x2] =	stream.indirect_vreg.gather [hbm4b:s6+s2], $0x80, v3, vm0, $0xb8;
	[tilespmem:$0x10200] =	vst v63  }
0x203: {  	_ =	swait.ge [sflag:s18], $0x8000  }
0x204: {  	[sflag:s18] =	ssyncset.done $0x0  }
0x205: {  	s20 =	rddreg [dreg:$0xc];
	[sflag:s18] =	ssyncadd.s32 $0xFFFF8000  }
0x206: {  	[hbm4b:s20+s2] =	stream.linear.scatter [tilespmem:s9], [sflag:$0x3], $0x8000, $0x38;
	[tilespmem:$0x10200] =	vst v63  }
0x207: {  	_ =	swait.ge [sflag:s8], $0x8000  }
0x208: {  	[sflag:s8] =	ssyncset.done $0x0  }
0x209: {  	[sflag:s8] =	ssyncadd.s32 $0xFFFF8000  }
0x20a: {  	v3 =	vld [tilespmem:$0x140];
	_ =	sdelay $0x4  }
0x20b: {  	v52 =	vshll.u32 v3, $0x3  }
0x20c: {  	v3 =	vand.u32 $0x7, v3;
	v4 =	vand.u32 $0xFFFFFFC0, v52  }
0x20d: {  	v3 =	vor.u32 v3, v4  }
0x20e: {  	v4 =	vperm.xlane v3, v0;
	_ =	sdelay $0x1  }
0x20f: {  	v4 =	vadd.s32 v1, v4;
	_ =	sdelay $0x4  }
0x210: {  	[tilespmem:s9], [sflag:$0x1] =	stream.indirect_vreg.gather [hbm4b:s3+s2], $0x80, v4, vm0, $0xb8;
	[tilespmem:$0x10200] =	vst v63  }
0x211: {  	s20 =	simm.s32 $0xA00;
	v3 =	vperm.xlane v3, v2  }
0x212: {  	[tilespmem:s20], [sflag:$0x1] =	stream.indirect_vreg.gather [hbm4b:s4+s2], $0x80, v4, vm0, $0xb8;
	[tilespmem:$0x10200] =	vst v63  }
0x213: {  	v3 =	vadd.s32 v1, v3;
	s20 =	simm.s32 $0x1200  }
0x214: {  	[tilespmem:s20], [sflag:$0x1] =	stream.indirect_vreg.gather [hbm4b:s5+s2], $0x80, v4, vm0, $0xb8;
	[tilespmem:$0x10200] =	vst v63  }
0x215: {  	s20 =	simm.s32 $0x1A00  }
0x216: {  	[tilespmem:s20], [sflag:$0x1] =	stream.indirect_vreg.gather [hbm4b:s6+s2], $0x80, v4, vm0, $0xb8;
	[tilespmem:$0x10200] =	vst v63  }
0x217: {  	s20 =	simm.s32 $0x2200  }
0x218: {  	[tilespmem:s20], [sflag:$0x1] =	stream.indirect_vreg.gather [hbm4b:s3+s2], $0x80, v3, vm0, $0xb8;
	[tilespmem:$0x10200] =	vst v63  }
0x219: {  	s28 =	simm.s32 $0x2A00  }
0x21a: {  	[tilespmem:s28], [sflag:$0x1] =	stream.indirect_vreg.gather [hbm4b:s4+s2], $0x80, v3, vm0, $0xb8;
	[tilespmem:$0x10200] =	vst v63  }
0x21b: {  	s21 =	simm.s32 $0x3200  }
0x21c: {  	[tilespmem:s21], [sflag:$0x1] =	stream.indirect_vreg.gather [hbm4b:s5+s2], $0x80, v3, vm0, $0xb8;
	[tilespmem:$0x10200] =	vst v63  }
0x21d: {  	s22 =	simm.s32 $0x3A00  }
0x21e: {  	[tilespmem:s22], [sflag:$0x1] =	stream.indirect_vreg.gather [hbm4b:s6+s2], $0x80, v3, vm0, $0xb8;
	[tilespmem:$0x10200] =	vst v63  }
0x21f: {  	v3 =	vld [tilespmem:$0x150];
	_ =	sdelay $0x4  }
0x220: {  	v53 =	vshll.u32 v3, $0x3  }
0x221: {  	v3 =	vand.u32 $0x7, v3;
	v4 =	vand.u32 $0xFFFFFFC0, v53  }
0x222: {  	v3 =	vor.u32 v3, v4  }
0x223: {  	v4 =	vperm.xlane v3, v0;
	_ =	sdelay $0x1  }
0x224: {  	v4 =	vadd.s32 v1, v4;
	_ =	sdelay $0x3  }
0x225: {  	s23 =	simm.s32 $0x4200  }
0x226: {  	[tilespmem:s23], [sflag:$0x1] =	stream.indirect_vreg.gather [hbm4b:s3+s2], $0x80, v4, vm0, $0xb8;
	[tilespmem:$0x10200] =	vst v63  }
0x227: {  	s24 =	simm.s32 $0x4A00;
	v3 =	vperm.xlane v3, v2  }
0x228: {  	[tilespmem:s24], [sflag:$0x1] =	stream.indirect_vreg.gather [hbm4b:s4+s2], $0x80, v4, vm0, $0xb8;
	[tilespmem:$0x10200] =	vst v63  }
0x229: {  	s20 =	simm.s32 $0x5200;
	v3 =	vadd.s32 v1, v3  }
0x22a: {  	[tilespmem:s20], [sflag:$0x1] =	stream.indirect_vreg.gather [hbm4b:s5+s2], $0x80, v4, vm0, $0xb8;
	[tilespmem:$0x10200] =	vst v63  }
0x22b: {  	s20 =	simm.s32 $0x5A00  }
0x22c: {  	[tilespmem:s20], [sflag:$0x1] =	stream.indirect_vreg.gather [hbm4b:s6+s2], $0x80, v4, vm0, $0xb8;
	[tilespmem:$0x10200] =	vst v63  }
0x22d: {  	s10 =	simm.s32 $0x6200  }
0x22e: {  	[tilespmem:s10], [sflag:$0x1] =	stream.indirect_vreg.gather [hbm4b:s3+s2], $0x80, v3, vm0, $0xb8;
	[tilespmem:$0x10200] =	vst v63  }
0x22f: {  	s7 =	simm.s32 $0x6A00  }
0x230: {  	[tilespmem:s7], [sflag:$0x1] =	stream.indirect_vreg.gather [hbm4b:s4+s2], $0x80, v3, vm0, $0xb8;
	[tilespmem:$0x10200] =	vst v63  }
0x231: {  	s11 =	simm.s32 $0x7200  }
0x232: {  	[tilespmem:s11], [sflag:$0x1] =	stream.indirect_vreg.gather [hbm4b:s5+s2], $0x80, v3, vm0, $0xb8;
	[tilespmem:$0x10200] =	vst v63  }
0x233: {  	s12 =	simm.s32 $0x7A00  }
0x234: {  	[tilespmem:s12], [sflag:$0x1] =	stream.indirect_vreg.gather [hbm4b:s6+s2], $0x80, v3, vm0, $0xb8;
	[tilespmem:$0x10200] =	vst v63  }
0x235: {  	_ =	swait.ge [sflag:s19], $0x8000  }
0x236: {  	[sflag:s19] =	ssyncset.done $0x0  }
0x237: {  	s20 =	rddreg [dreg:$0xd];
	[sflag:s19] =	ssyncadd.s32 $0xFFFF8000  }
0x238: {  	[hbm4b:s20+s2] =	stream.linear.scatter [tilespmem:s25], [sflag:$0x3], $0x8000, $0x38;
	[tilespmem:$0x10200] =	vst v63  }
0x239: {  	_ =	swait.ge [sflag:s8], $0x8000  }
0x23a: {  	[sflag:s8] =	ssyncset.done $0x0  }
0x23b: {  	[sflag:s8] =	ssyncadd.s32 $0xFFFF8000  }
0x23c: {  	v3 =	vld [tilespmem:$0x160];
	_ =	sdelay $0x4  }
0x23d: {  	v54 =	vshll.u32 v3, $0x3  }
0x23e: {  	v3 =	vand.u32 $0x7, v3;
	v4 =	vand.u32 $0xFFFFFFC0, v54  }
0x23f: {  	v3 =	vor.u32 v3, v4  }
0x240: {  	v4 =	vperm.xlane v3, v0;
	_ =	sdelay $0x1  }
0x241: {  	v4 =	vadd.s32 v1, v4;
	_ =	sdelay $0x4  }
0x242: {  	[tilespmem:s25], [sflag:$0x2] =	stream.indirect_vreg.gather [hbm4b:s3+s2], $0x80, v4, vm0, $0xb8;
	[tilespmem:$0x10200] =	vst v63  }
0x243: {  	s20 =	simm.s32 $0x8A00;
	v3 =	vperm.xlane v3, v2  }
0x244: {  	[tilespmem:s20], [sflag:$0x2] =	stream.indirect_vreg.gather [hbm4b:s4+s2], $0x80, v4, vm0, $0xb8;
	[tilespmem:$0x10200] =	vst v63  }
0x245: {  	s0 =	simm.s32 $0x9200;
	v3 =	vadd.s32 v1, v3  }
0x246: {  	[tilespmem:s0], [sflag:$0x2] =	stream.indirect_vreg.gather [hbm4b:s5+s2], $0x80, v4, vm0, $0xb8;
	[tilespmem:$0x10200] =	vst v63  }
0x247: {  	s1 =	simm.s32 $0x9A00  }
0x248: {  	[tilespmem:s1], [sflag:$0x2] =	stream.indirect_vreg.gather [hbm4b:s6+s2], $0x80, v4, vm0, $0xb8;
	[tilespmem:$0x10200] =	vst v63  }
0x249: {  	s20 =	simm.s32 $0xA200  }
0x24a: {  	[tilespmem:s20], [sflag:$0x2] =	stream.indirect_vreg.gather [hbm4b:s3+s2], $0x80, v3, vm0, $0xb8;
	[tilespmem:$0x10200] =	vst v63  }
0x24b: {  	s14 =	simm.s32 $0xAA00  }
0x24c: {  	[tilespmem:s14], [sflag:$0x2] =	stream.indirect_vreg.gather [hbm4b:s4+s2], $0x80, v3, vm0, $0xb8;
	[tilespmem:$0x10200] =	vst v63  }
0x24d: {  	s29 =	simm.s32 $0xB200  }
0x24e: {  	[tilespmem:s29], [sflag:$0x2] =	stream.indirect_vreg.gather [hbm4b:s5+s2], $0x80, v3, vm0, $0xb8;
	[tilespmem:$0x10200] =	vst v63  }
0x24f: {  	s20 =	simm.s32 $0xBA00  }
0x250: {  	[tilespmem:s20], [sflag:$0x2] =	stream.indirect_vreg.gather [hbm4b:s6+s2], $0x80, v3, vm0, $0xb8;
	[tilespmem:$0x10200] =	vst v63  }
0x251: {  	v3 =	vld [tilespmem:$0x170];
	_ =	sdelay $0x4  }
0x252: {  	v55 =	vshll.u32 v3, $0x3  }
0x253: {  	v3 =	vand.u32 $0x7, v3;
	v4 =	vand.u32 $0xFFFFFFC0, v55  }
0x254: {  	v3 =	vor.u32 v3, v4  }
0x255: {  	v4 =	vperm.xlane v3, v0;
	_ =	sdelay $0x1  }
0x256: {  	v4 =	vadd.s32 v1, v4;
	_ =	sdelay $0x3  }
0x257: {  	s20 =	simm.s32 $0xC200  }
0x258: {  	[tilespmem:s20], [sflag:$0x2] =	stream.indirect_vreg.gather [hbm4b:s3+s2], $0x80, v4, vm0, $0xb8;
	[tilespmem:$0x10200] =	vst v63  }
0x259: {  	v3 =	vperm.xlane v3, v2;
	s20 =	simm.s32 $0xCA00  }
0x25a: {  	[tilespmem:s20], [sflag:$0x2] =	stream.indirect_vreg.gather [hbm4b:s4+s2], $0x80, v4, vm0, $0xb8;
	[tilespmem:$0x10200] =	vst v63  }
0x25b: {  	s15 =	simm.s32 $0xD200;
	v3 =	vadd.s32 v1, v3  }
0x25c: {  	[tilespmem:s15], [sflag:$0x2] =	stream.indirect_vreg.gather [hbm4b:s5+s2], $0x80, v4, vm0, $0xb8;
	[tilespmem:$0x10200] =	vst v63  }
0x25d: {  	s17 =	simm.s32 $0xDA00  }
0x25e: {  	[tilespmem:s17], [sflag:$0x2] =	stream.indirect_vreg.gather [hbm4b:s6+s2], $0x80, v4, vm0, $0xb8;
	[tilespmem:$0x10200] =	vst v63  }
0x25f: {  	s16 =	simm.s32 $0xE200  }
0x260: {  	[tilespmem:s16], [sflag:$0x2] =	stream.indirect_vreg.gather [hbm4b:s3+s2], $0x80, v3, vm0, $0xb8;
	[tilespmem:$0x10200] =	vst v63  }
0x261: {  	s31 =	simm.s32 $0xEA00  }
0x262: {  	[tilespmem:s31], [sflag:$0x2] =	stream.indirect_vreg.gather [hbm4b:s4+s2], $0x80, v3, vm0, $0xb8;
	[tilespmem:$0x10200] =	vst v63  }
0x263: {  	s30 =	simm.s32 $0xF200  }
0x264: {  	[tilespmem:s30], [sflag:$0x2] =	stream.indirect_vreg.gather [hbm4b:s5+s2], $0x80, v3, vm0, $0xb8;
	[tilespmem:$0x10200] =	vst v63  }
0x265: {  	s13 =	simm.s32 $0xFA00  }
0x266: {  	[tilespmem:s13], [sflag:$0x2] =	stream.indirect_vreg.gather [hbm4b:s6+s2], $0x80, v3, vm0, $0xb8;
	[tilespmem:$0x10200] =	vst v63  }
0x267: {  	_ =	swait.ge [sflag:s18], $0x8000  }
0x268: {  	[sflag:s18] =	ssyncset.done $0x0  }
0x269: {  	s13 =	rddreg [dreg:$0xe];
	[sflag:s18] =	ssyncadd.s32 $0xFFFF8000  }
0x26a: {  	[hbm4b:s13+s2] =	stream.linear.scatter [tilespmem:s9], [sflag:$0x3], $0x8000, $0x38;
	[tilespmem:$0x10200] =	vst v63  }
0x26b: {  	_ =	swait.ge [sflag:s8], $0x8000  }
0x26c: {  	[sflag:s8] =	ssyncset.done $0x0  }
0x26d: {  	[sflag:s8] =	ssyncadd.s32 $0xFFFF8000  }
0x26e: {  	v3 =	vld [tilespmem:$0x180];
	_ =	sdelay $0x4  }
0x26f: {  	v56 =	vshll.u32 v3, $0x3  }
0x270: {  	v3 =	vand.u32 $0x7, v3;
	v4 =	vand.u32 $0xFFFFFFC0, v56  }
0x271: {  	v3 =	vor.u32 v3, v4  }
0x272: {  	v4 =	vperm.xlane v3, v0;
	_ =	sdelay $0x1  }
0x273: {  	v4 =	vadd.s32 v1, v4;
	_ =	sdelay $0x4  }
0x274: {  	[tilespmem:s9], [sflag:$0x1] =	stream.indirect_vreg.gather [hbm4b:s3+s2], $0x80, v4, vm0, $0xb8;
	[tilespmem:$0x10200] =	vst v63  }
0x275: {  	s20 =	simm.s32 $0xA00;
	v3 =	vperm.xlane v3, v2  }
0x276: {  	[tilespmem:s20], [sflag:$0x1] =	stream.indirect_vreg.gather [hbm4b:s4+s2], $0x80, v4, vm0, $0xb8;
	[tilespmem:$0x10200] =	vst v63  }
0x277: {  	s31 =	simm.s32 $0x1200;
	v3 =	vadd.s32 v1, v3  }
0x278: {  	[tilespmem:s31], [sflag:$0x1] =	stream.indirect_vreg.gather [hbm4b:s5+s2], $0x80, v4, vm0, $0xb8;
	[tilespmem:$0x10200] =	vst v63  }
0x279: {  	s20 =	simm.s32 $0x1A00  }
0x27a: {  	[tilespmem:s20], [sflag:$0x1] =	stream.indirect_vreg.gather [hbm4b:s6+s2], $0x80, v4, vm0, $0xb8;
	[tilespmem:$0x10200] =	vst v63  }
0x27b: {  	s31 =	simm.s32 $0x2200  }
0x27c: {  	[tilespmem:s31], [sflag:$0x1] =	stream.indirect_vreg.gather [hbm4b:s3+s2], $0x80, v3, vm0, $0xb8;
	[tilespmem:$0x10200] =	vst v63  }
0x27d: {  	s28 =	simm.s32 $0x2A00  }
0x27e: {  	[tilespmem:s28], [sflag:$0x1] =	stream.indirect_vreg.gather [hbm4b:s4+s2], $0x80, v3, vm0, $0xb8;
	[tilespmem:$0x10200] =	vst v63  }
0x27f: {  	s21 =	simm.s32 $0x3200  }
0x280: {  	[tilespmem:s21], [sflag:$0x1] =	stream.indirect_vreg.gather [hbm4b:s5+s2], $0x80, v3, vm0, $0xb8;
	[tilespmem:$0x10200] =	vst v63  }
0x281: {  	s22 =	simm.s32 $0x3A00  }
0x282: {  	[tilespmem:s22], [sflag:$0x1] =	stream.indirect_vreg.gather [hbm4b:s6+s2], $0x80, v3, vm0, $0xb8;
	[tilespmem:$0x10200] =	vst v63  }
0x283: {  	v3 =	vld [tilespmem:$0x190];
	_ =	sdelay $0x4  }
0x284: {  	v57 =	vshll.u32 v3, $0x3  }
0x285: {  	v3 =	vand.u32 $0x7, v3;
	v4 =	vand.u32 $0xFFFFFFC0, v57  }
0x286: {  	v3 =	vor.u32 v3, v4  }
0x287: {  	v4 =	vperm.xlane v3, v0;
	_ =	sdelay $0x1  }
0x288: {  	v4 =	vadd.s32 v1, v4;
	_ =	sdelay $0x3  }
0x289: {  	s23 =	simm.s32 $0x4200  }
0x28a: {  	[tilespmem:s23], [sflag:$0x1] =	stream.indirect_vreg.gather [hbm4b:s3+s2], $0x80, v4, vm0, $0xb8;
	[tilespmem:$0x10200] =	vst v63  }
0x28b: {  	s24 =	simm.s32 $0x4A00;
	v3 =	vperm.xlane v3, v2  }
0x28c: {  	[tilespmem:s24], [sflag:$0x1] =	stream.indirect_vreg.gather [hbm4b:s4+s2], $0x80, v4, vm0, $0xb8;
	[tilespmem:$0x10200] =	vst v63  }
0x28d: {  	s20 =	simm.s32 $0x5200;
	v3 =	vadd.s32 v1, v3  }
0x28e: {  	[tilespmem:s20], [sflag:$0x1] =	stream.indirect_vreg.gather [hbm4b:s5+s2], $0x80, v4, vm0, $0xb8;
	[tilespmem:$0x10200] =	vst v63  }
0x28f: {  	s24 =	simm.s32 $0x5A00  }
0x290: {  	[tilespmem:s24], [sflag:$0x1] =	stream.indirect_vreg.gather [hbm4b:s6+s2], $0x80, v4, vm0, $0xb8;
	[tilespmem:$0x10200] =	vst v63  }
0x291: {  	s10 =	simm.s32 $0x6200  }
0x292: {  	[tilespmem:s10], [sflag:$0x1] =	stream.indirect_vreg.gather [hbm4b:s3+s2], $0x80, v3, vm0, $0xb8;
	[tilespmem:$0x10200] =	vst v63  }
0x293: {  	s7 =	simm.s32 $0x6A00  }
0x294: {  	[tilespmem:s7], [sflag:$0x1] =	stream.indirect_vreg.gather [hbm4b:s4+s2], $0x80, v3, vm0, $0xb8;
	[tilespmem:$0x10200] =	vst v63  }
0x295: {  	s11 =	simm.s32 $0x7200  }
0x296: {  	[tilespmem:s11], [sflag:$0x1] =	stream.indirect_vreg.gather [hbm4b:s5+s2], $0x80, v3, vm0, $0xb8;
	[tilespmem:$0x10200] =	vst v63  }
0x297: {  	s12 =	simm.s32 $0x7A00  }
0x298: {  	[tilespmem:s12], [sflag:$0x1] =	stream.indirect_vreg.gather [hbm4b:s6+s2], $0x80, v3, vm0, $0xb8;
	[tilespmem:$0x10200] =	vst v63  }
0x299: {  	_ =	swait.ge [sflag:s19], $0x8000  }
0x29a: {  	[sflag:s19] =	ssyncset.done $0x0  }
0x29b: {  	s12 =	rddreg [dreg:$0xf];
	[sflag:s19] =	ssyncadd.s32 $0xFFFF8000  }
0x29c: {  	[hbm4b:s12+s2] =	stream.linear.scatter [tilespmem:s25], [sflag:$0x3], $0x8000, $0x38;
	[tilespmem:$0x10200] =	vst v63  }
0x29d: {  	_ =	swait.ge [sflag:s8], $0x8000  }
0x29e: {  	[sflag:s8] =	ssyncset.done $0x0  }
0x29f: {  	[sflag:s8] =	ssyncadd.s32 $0xFFFF8000  }
0x2a0: {  	v3 =	vld [tilespmem:$0x1A0];
	_ =	sdelay $0x4  }
0x2a1: {  	v58 =	vshll.u32 v3, $0x3  }
0x2a2: {  	v3 =	vand.u32 $0x7, v3;
	v4 =	vand.u32 $0xFFFFFFC0, v58  }
0x2a3: {  	v3 =	vor.u32 v3, v4  }
0x2a4: {  	v4 =	vperm.xlane v3, v0;
	_ =	sdelay $0x1  }
0x2a5: {  	v4 =	vadd.s32 v1, v4;
	_ =	sdelay $0x4  }
0x2a6: {  	[tilespmem:s25], [sflag:$0x2] =	stream.indirect_vreg.gather [hbm4b:s3+s2], $0x80, v4, vm0, $0xb8;
	[tilespmem:$0x10200] =	vst v63  }
0x2a7: {  	s20 =	simm.s32 $0x8A00;
	v3 =	vperm.xlane v3, v2  }
0x2a8: {  	[tilespmem:s20], [sflag:$0x2] =	stream.indirect_vreg.gather [hbm4b:s4+s2], $0x80, v4, vm0, $0xb8;
	[tilespmem:$0x10200] =	vst v63  }
0x2a9: {  	s0 =	simm.s32 $0x9200;
	v3 =	vadd.s32 v1, v3  }
0x2aa: {  	[tilespmem:s0], [sflag:$0x2] =	stream.indirect_vreg.gather [hbm4b:s5+s2], $0x80, v4, vm0, $0xb8;
	[tilespmem:$0x10200] =	vst v63  }
0x2ab: {  	s1 =	simm.s32 $0x9A00  }
0x2ac: {  	[tilespmem:s1], [sflag:$0x2] =	stream.indirect_vreg.gather [hbm4b:s6+s2], $0x80, v4, vm0, $0xb8;
	[tilespmem:$0x10200] =	vst v63  }
0x2ad: {  	s24 =	simm.s32 $0xA200  }
0x2ae: {  	[tilespmem:s24], [sflag:$0x2] =	stream.indirect_vreg.gather [hbm4b:s3+s2], $0x80, v3, vm0, $0xb8;
	[tilespmem:$0x10200] =	vst v63  }
0x2af: {  	s14 =	simm.s32 $0xAA00  }
0x2b0: {  	[tilespmem:s14], [sflag:$0x2] =	stream.indirect_vreg.gather [hbm4b:s4+s2], $0x80, v3, vm0, $0xb8;
	[tilespmem:$0x10200] =	vst v63  }
0x2b1: {  	s29 =	simm.s32 $0xB200  }
0x2b2: {  	[tilespmem:s29], [sflag:$0x2] =	stream.indirect_vreg.gather [hbm4b:s5+s2], $0x80, v3, vm0, $0xb8;
	[tilespmem:$0x10200] =	vst v63  }
0x2b3: {  	s29 =	simm.s32 $0xBA00  }
0x2b4: {  	[tilespmem:s29], [sflag:$0x2] =	stream.indirect_vreg.gather [hbm4b:s6+s2], $0x80, v3, vm0, $0xb8;
	[tilespmem:$0x10200] =	vst v63  }
0x2b5: {  	v3 =	vld [tilespmem:$0x1B0];
	_ =	sdelay $0x4  }
0x2b6: {  	v59 =	vshll.u32 v3, $0x3  }
0x2b7: {  	v3 =	vand.u32 $0x7, v3;
	v4 =	vand.u32 $0xFFFFFFC0, v59  }
0x2b8: {  	v3 =	vor.u32 v3, v4  }
0x2b9: {  	v4 =	vperm.xlane v3, v0;
	_ =	sdelay $0x1  }
0x2ba: {  	v4 =	vadd.s32 v1, v4;
	_ =	sdelay $0x3  }
0x2bb: {  	s24 =	simm.s32 $0xC200  }
0x2bc: {  	[tilespmem:s24], [sflag:$0x2] =	stream.indirect_vreg.gather [hbm4b:s3+s2], $0x80, v4, vm0, $0xb8;
	[tilespmem:$0x10200] =	vst v63  }
0x2bd: {  	s29 =	simm.s32 $0xCA00;
	v3 =	vperm.xlane v3, v2  }
0x2be: {  	[tilespmem:s29], [sflag:$0x2] =	stream.indirect_vreg.gather [hbm4b:s4+s2], $0x80, v4, vm0, $0xb8;
	[tilespmem:$0x10200] =	vst v63  }
0x2bf: {  	s15 =	simm.s32 $0xD200;
	v3 =	vadd.s32 v1, v3  }
0x2c0: {  	[tilespmem:s15], [sflag:$0x2] =	stream.indirect_vreg.gather [hbm4b:s5+s2], $0x80, v4, vm0, $0xb8;
	[tilespmem:$0x10200] =	vst v63  }
0x2c1: {  	s17 =	simm.s32 $0xDA00  }
0x2c2: {  	[tilespmem:s17], [sflag:$0x2] =	stream.indirect_vreg.gather [hbm4b:s6+s2], $0x80, v4, vm0, $0xb8;
	[tilespmem:$0x10200] =	vst v63  }
0x2c3: {  	s16 =	simm.s32 $0xE200  }
0x2c4: {  	[tilespmem:s16], [sflag:$0x2] =	stream.indirect_vreg.gather [hbm4b:s3+s2], $0x80, v3, vm0, $0xb8;
	[tilespmem:$0x10200] =	vst v63  }
0x2c5: {  	s20 =	simm.s32 $0xEA00  }
0x2c6: {  	[tilespmem:s20], [sflag:$0x2] =	stream.indirect_vreg.gather [hbm4b:s4+s2], $0x80, v3, vm0, $0xb8;
	[tilespmem:$0x10200] =	vst v63  }
0x2c7: {  	s30 =	simm.s32 $0xF200  }
0x2c8: {  	[tilespmem:s30], [sflag:$0x2] =	stream.indirect_vreg.gather [hbm4b:s5+s2], $0x80, v3, vm0, $0xb8;
	[tilespmem:$0x10200] =	vst v63  }
0x2c9: {  	s30 =	simm.s32 $0xFA00  }
0x2ca: {  	[tilespmem:s30], [sflag:$0x2] =	stream.indirect_vreg.gather [hbm4b:s6+s2], $0x80, v3, vm0, $0xb8;
	[tilespmem:$0x10200] =	vst v63  }
0x2cb: {  	_ =	swait.ge [sflag:s18], $0x8000  }
0x2cc: {  	[sflag:s18] =	ssyncset.done $0x0  }
0x2cd: {  	s20 =	rddreg [dreg:$0x10];
	[sflag:s18] =	ssyncadd.s32 $0xFFFF8000  }
0x2ce: {  	[hbm4b:s20+s2] =	stream.linear.scatter [tilespmem:s9], [sflag:$0x3], $0x8000, $0x38;
	[tilespmem:$0x10200] =	vst v63  }
0x2cf: {  	_ =	swait.ge [sflag:s8], $0x8000  }
0x2d0: {  	[sflag:s8] =	ssyncset.done $0x0  }
0x2d1: {  	[sflag:s8] =	ssyncadd.s32 $0xFFFF8000  }
0x2d2: {  	v3 =	vld [tilespmem:$0x1C0];
	_ =	sdelay $0x4  }
0x2d3: {  	v60 =	vshll.u32 v3, $0x3  }
0x2d4: {  	v3 =	vand.u32 $0x7, v3;
	v4 =	vand.u32 $0xFFFFFFC0, v60  }
0x2d5: {  	v3 =	vor.u32 v3, v4  }
0x2d6: {  	v4 =	vperm.xlane v3, v0;
	_ =	sdelay $0x1  }
0x2d7: {  	v4 =	vadd.s32 v1, v4;
	_ =	sdelay $0x4  }
0x2d8: {  	[tilespmem:s9], [sflag:$0x1] =	stream.indirect_vreg.gather [hbm4b:s3+s2], $0x80, v4, vm0, $0xb8;
	[tilespmem:$0x10200] =	vst v63  }
0x2d9: {  	s20 =	simm.s32 $0xA00;
	v3 =	vperm.xlane v3, v2  }
0x2da: {  	[tilespmem:s20], [sflag:$0x1] =	stream.indirect_vreg.gather [hbm4b:s4+s2], $0x80, v4, vm0, $0xb8;
	[tilespmem:$0x10200] =	vst v63  }
0x2db: {  	v3 =	vadd.s32 v1, v3;
	s20 =	simm.s32 $0x1200  }
0x2dc: {  	[tilespmem:s20], [sflag:$0x1] =	stream.indirect_vreg.gather [hbm4b:s5+s2], $0x80, v4, vm0, $0xb8;
	[tilespmem:$0x10200] =	vst v63  }
0x2dd: {  	s20 =	simm.s32 $0x1A00  }
0x2de: {  	[tilespmem:s20], [sflag:$0x1] =	stream.indirect_vreg.gather [hbm4b:s6+s2], $0x80, v4, vm0, $0xb8;
	[tilespmem:$0x10200] =	vst v63  }
0x2df: {  	s20 =	simm.s32 $0x2200  }
0x2e0: {  	[tilespmem:s20], [sflag:$0x1] =	stream.indirect_vreg.gather [hbm4b:s3+s2], $0x80, v3, vm0, $0xb8;
	[tilespmem:$0x10200] =	vst v63  }
0x2e1: {  	s31 =	simm.s32 $0x2A00  }
0x2e2: {  	[tilespmem:s31], [sflag:$0x1] =	stream.indirect_vreg.gather [hbm4b:s4+s2], $0x80, v3, vm0, $0xb8;
	[tilespmem:$0x10200] =	vst v63  }
0x2e3: {  	s28 =	simm.s32 $0x3200  }
0x2e4: {  	[tilespmem:s28], [sflag:$0x1] =	stream.indirect_vreg.gather [hbm4b:s5+s2], $0x80, v3, vm0, $0xb8;
	[tilespmem:$0x10200] =	vst v63  }
0x2e5: {  	s21 =	simm.s32 $0x3A00  }
0x2e6: {  	[tilespmem:s21], [sflag:$0x1] =	stream.indirect_vreg.gather [hbm4b:s6+s2], $0x80, v3, vm0, $0xb8;
	[tilespmem:$0x10200] =	vst v63  }
0x2e7: {  	v3 =	vld [tilespmem:$0x1D0];
	_ =	sdelay $0x4  }
0x2e8: {  	v61 =	vshll.u32 v3, $0x3  }
0x2e9: {  	v3 =	vand.u32 $0x7, v3;
	v4 =	vand.u32 $0xFFFFFFC0, v61  }
0x2ea: {  	v3 =	vor.u32 v3, v4  }
0x2eb: {  	v4 =	vperm.xlane v3, v0;
	_ =	sdelay $0x1  }
0x2ec: {  	v4 =	vadd.s32 v1, v4;
	_ =	sdelay $0x3  }
0x2ed: {  	s22 =	simm.s32 $0x4200  }
0x2ee: {  	[tilespmem:s22], [sflag:$0x1] =	stream.indirect_vreg.gather [hbm4b:s3+s2], $0x80, v4, vm0, $0xb8;
	[tilespmem:$0x10200] =	vst v63  }
0x2ef: {  	s23 =	simm.s32 $0x4A00;
	v3 =	vperm.xlane v3, v2  }
0x2f0: {  	[tilespmem:s23], [sflag:$0x1] =	stream.indirect_vreg.gather [hbm4b:s4+s2], $0x80, v4, vm0, $0xb8;
	[tilespmem:$0x10200] =	vst v63  }
0x2f1: {  	s28 =	simm.s32 $0x5200;
	v3 =	vadd.s32 v1, v3  }
0x2f2: {  	[tilespmem:s28], [sflag:$0x1] =	stream.indirect_vreg.gather [hbm4b:s5+s2], $0x80, v4, vm0, $0xb8;
	[tilespmem:$0x10200] =	vst v63  }
0x2f3: {  	s31 =	simm.s32 $0x5A00  }
0x2f4: {  	[tilespmem:s31], [sflag:$0x1] =	stream.indirect_vreg.gather [hbm4b:s6+s2], $0x80, v4, vm0, $0xb8;
	[tilespmem:$0x10200] =	vst v63  }
0x2f5: {  	s13 =	simm.s32 $0x6200  }
0x2f6: {  	[tilespmem:s13], [sflag:$0x1] =	stream.indirect_vreg.gather [hbm4b:s3+s2], $0x80, v3, vm0, $0xb8;
	[tilespmem:$0x10200] =	vst v63  }
0x2f7: {  	s10 =	simm.s32 $0x6A00  }
0x2f8: {  	[tilespmem:s10], [sflag:$0x1] =	stream.indirect_vreg.gather [hbm4b:s4+s2], $0x80, v3, vm0, $0xb8;
	[tilespmem:$0x10200] =	vst v63  }
0x2f9: {  	s7 =	simm.s32 $0x7200  }
0x2fa: {  	[tilespmem:s7], [sflag:$0x1] =	stream.indirect_vreg.gather [hbm4b:s5+s2], $0x80, v3, vm0, $0xb8;
	[tilespmem:$0x10200] =	vst v63  }
0x2fb: {  	s11 =	simm.s32 $0x7A00  }
0x2fc: {  	[tilespmem:s11], [sflag:$0x1] =	stream.indirect_vreg.gather [hbm4b:s6+s2], $0x80, v3, vm0, $0xb8;
	[tilespmem:$0x10200] =	vst v63  }
0x2fd: {  	_ =	swait.ge [sflag:s19], $0x8000  }
0x2fe: {  	[sflag:s19] =	ssyncset.done $0x0  }
0x2ff: {  	s13 =	rddreg [dreg:$0x11];
	[sflag:s19] =	ssyncadd.s32 $0xFFFF8000  }
0x300: {  	[hbm4b:s13+s2] =	stream.linear.scatter [tilespmem:s25], [sflag:$0x3], $0x8000, $0x38;
	[tilespmem:$0x10200] =	vst v63  }
0x301: {  	_ =	swait.ge [sflag:s8], $0x8000  }
0x302: {  	[sflag:s8] =	ssyncset.done $0x0  }
0x303: {  	[sflag:s8] =	ssyncadd.s32 $0xFFFF8000  }
0x304: {  	v3 =	vld [tilespmem:$0x1E0];
	_ =	sdelay $0x4  }
0x305: {  	v62 =	vshll.u32 v3, $0x3  }
0x306: {  	v3 =	vand.u32 $0x7, v3;
	v4 =	vand.u32 $0xFFFFFFC0, v62  }
0x307: {  	v3 =	vor.u32 v3, v4  }
0x308: {  	v4 =	vperm.xlane v3, v0;
	_ =	sdelay $0x1  }
0x309: {  	v4 =	vadd.s32 v1, v4;
	_ =	sdelay $0x4  }
0x30a: {  	[tilespmem:s25], [sflag:$0x2] =	stream.indirect_vreg.gather [hbm4b:s3+s2], $0x80, v4, vm0, $0xb8;
	[tilespmem:$0x10200] =	vst v63  }
0x30b: {  	s20 =	simm.s32 $0x8A00;
	v3 =	vperm.xlane v3, v2  }
0x30c: {  	[tilespmem:s20], [sflag:$0x2] =	stream.indirect_vreg.gather [hbm4b:s4+s2], $0x80, v4, vm0, $0xb8;
	[tilespmem:$0x10200] =	vst v63  }
0x30d: {  	s12 =	simm.s32 $0x9200;
	v3 =	vadd.s32 v1, v3  }
0x30e: {  	[tilespmem:s12], [sflag:$0x2] =	stream.indirect_vreg.gather [hbm4b:s5+s2], $0x80, v4, vm0, $0xb8;
	[tilespmem:$0x10200] =	vst v63  }
0x30f: {  	s0 =	simm.s32 $0x9A00  }
0x310: {  	[tilespmem:s0], [sflag:$0x2] =	stream.indirect_vreg.gather [hbm4b:s6+s2], $0x80, v4, vm0, $0xb8;
	[tilespmem:$0x10200] =	vst v63  }
0x311: {  	s21 =	simm.s32 $0xA200  }
0x312: {  	[tilespmem:s21], [sflag:$0x2] =	stream.indirect_vreg.gather [hbm4b:s3+s2], $0x80, v3, vm0, $0xb8;
	[tilespmem:$0x10200] =	vst v63  }
0x313: {  	s1 =	simm.s32 $0xAA00  }
0x314: {  	[tilespmem:s1], [sflag:$0x2] =	stream.indirect_vreg.gather [hbm4b:s4+s2], $0x80, v3, vm0, $0xb8;
	[tilespmem:$0x10200] =	vst v63  }
0x315: {  	s14 =	simm.s32 $0xB200  }
0x316: {  	[tilespmem:s14], [sflag:$0x2] =	stream.indirect_vreg.gather [hbm4b:s5+s2], $0x80, v3, vm0, $0xb8;
	[tilespmem:$0x10200] =	vst v63  }
0x317: {  	s22 =	simm.s32 $0xBA00  }
0x318: {  	[tilespmem:s22], [sflag:$0x2] =	stream.indirect_vreg.gather [hbm4b:s6+s2], $0x80, v3, vm0, $0xb8;
	[tilespmem:$0x10200] =	vst v63  }
0x319: {  	v3 =	vld [tilespmem:$0x1F0];
	_ =	sdelay $0x4  }
0x31a: {  	v63 =	vshll.u32 v3, $0x3  }
0x31b: {  	v3 =	vand.u32 $0x7, v3;
	v4 =	vand.u32 $0xFFFFFFC0, v63  }
0x31c: {  	v3 =	vor.u32 v3, v4  }
0x31d: {  	v4 =	vperm.xlane v3, v0;
	_ =	sdelay $0x1  }
0x31e: {  	v4 =	vadd.s32 v1, v4;
	_ =	sdelay $0x3  }
0x31f: {  	s23 =	simm.s32 $0xC200  }
0x320: {  	[tilespmem:s23], [sflag:$0x2] =	stream.indirect_vreg.gather [hbm4b:s3+s2], $0x80, v4, vm0, $0xb8;
	[tilespmem:$0x10200] =	vst v63  }
0x321: {  	s28 =	simm.s32 $0xCA00;
	v3 =	vperm.xlane v3, v2  }
0x322: {  	[tilespmem:s28], [sflag:$0x2] =	stream.indirect_vreg.gather [hbm4b:s4+s2], $0x80, v4, vm0, $0xb8;
	[tilespmem:$0x10200] =	vst v63  }
0x323: {  	s24 =	simm.s32 $0xD200;
	v3 =	vadd.s32 v1, v3  }
0x324: {  	[tilespmem:s24], [sflag:$0x2] =	stream.indirect_vreg.gather [hbm4b:s5+s2], $0x80, v4, vm0, $0xb8;
	[tilespmem:$0x10200] =	vst v63  }
0x325: {  	s29 =	simm.s32 $0xDA00  }
0x326: {  	[tilespmem:s29], [sflag:$0x2] =	stream.indirect_vreg.gather [hbm4b:s6+s2], $0x80, v4, vm0, $0xb8;
	[tilespmem:$0x10200] =	vst v63  }
0x327: {  	s15 =	simm.s32 $0xE200  }
0x328: {  	[tilespmem:s15], [sflag:$0x2] =	stream.indirect_vreg.gather [hbm4b:s3+s2], $0x80, v3, vm0, $0xb8;
	[tilespmem:$0x10200] =	vst v63  }
0x329: {  	s17 =	simm.s32 $0xEA00  }
0x32a: {  	[tilespmem:s17], [sflag:$0x2] =	stream.indirect_vreg.gather [hbm4b:s4+s2], $0x80, v3, vm0, $0xb8;
	[tilespmem:$0x10200] =	vst v63  }
0x32b: {  	s16 =	simm.s32 $0xF200  }
0x32c: {  	[tilespmem:s16], [sflag:$0x2] =	stream.indirect_vreg.gather [hbm4b:s5+s2], $0x80, v3, vm0, $0xb8;
	[tilespmem:$0x10200] =	vst v63  }
0x32d: {  	s30 =	simm.s32 $0xFA00  }
0x32e: {  	[tilespmem:s30], [sflag:$0x2] =	stream.indirect_vreg.gather [hbm4b:s6+s2], $0x80, v3, vm0, $0xb8;
	[tilespmem:$0x10200] =	vst v63  }
0x32f: {  	_ =	swait.ge [sflag:s18], $0x8000  }
0x330: {  	[sflag:s18] =	ssyncset.done $0x0  }
0x331: {  	s30 =	rddreg [dreg:$0x12];
	[sflag:s18] =	ssyncadd.s32 $0xFFFF8000  }
0x332: {  	[hbm4b:s30+s2] =	stream.linear.scatter [tilespmem:s9], [sflag:$0x3], $0x8000, $0x38;
	[tilespmem:$0x10200] =	vst v63  }
0x333: {  	_ =	swait.ge [sflag:s8], $0x8000  }
0x334: {  	[sflag:s8] =	ssyncset.done $0x0  }
0x335: {  	[sflag:s8] =	ssyncadd.s32 $0xFFFF8000  }
0x336: {  	_ =	swait.ge [sflag:s19], $0x8000  }
0x337: {  	p0 =	sne.s32 s26, $0x1;
	[sflag:s19] =	ssyncset.done $0x0  }
.Ltmp0:
0x338: {  	s31 =	rddreg [dreg:$0x13];
	[sflag:s19] =	ssyncadd.s32 $0xFFFF8000;
	(pc) =	sbr.rel @p0 .LBB2_1-.Ltmp0, $4  }
0x339: {  	[hbm4b:s31+s2] =	stream.linear.scatter [tilespmem:s25], [sflag:$0x3], $0x8000, $0x38;
	[tilespmem:$0x10200] =	vst v63  }
0x33a: {  	_ =	swait.ge [sflag:s8], $0x8000  }
0x33b: {  	[sflag:s8] =	ssyncset.done $0x0  }
0x33c: {  	s26 =	sadd.s32 $0xFFFFFFFF, s26;
	[sflag:s8] =	ssyncadd.s32 $0xFFFF8000  }
0x33d: {  	_ =	sfence.sel $0x180000  }
0x33e: {  	[bflag:$0x0] =	sbarrier.arrive $0xFFFF  }
0x33f: {  	_ =	strace $0x9000004A  }
0x340: {  	s0 =	stileid.u32;
	[bflag:$0x2] =	sbarrier.arrive $0xFFFF  }
0x341: {  	p0 =	sne.s32 s0, $0x0;
	s0 =	rddreg [dreg:$0x2]  }
0x342: {  	s0 =	sadd.s32 @!p0 $0x100000, s0  }
0x343: {  	[sflag:s0] =	ssyncadd.tile.s32 @!p0 $0x1;
	_ =	shalt  }
.Lfunc_end2:
_tile_overlayer_lowered:
.L_overlay_start_2:
0x344: {  	(tag) =	ssettag $0x2  }
0x345: {  	s0 =	rddreg [dreg:$0x0];
	s2 =	stileid.u32  }
0x346: {  	s1 =	rddreg [dreg:$0x1];
	p0 =	sne.s32 s2, $0x0  }
0x347: {  	s3 =	rddreg [dreg:$0x2];
	[bflag:$0x3] =	sbarrier.arrive $0xFFFF;
	s2 =	simm.s32 @!p0 $0x1C03  }
0x348: {  	[timem:s3], [sflag:s2] =	dma.local @!p0 [hbm:s0], s1  }
0x349: {  	s0 =	simm.s32 @!p0 $0x3  }
0x34a: {  	_ =	swait.ge @!p0 [sflag:s0], s1  }
0x34b: {  	s1 =	ssub.s32 @!p0 $0x0, s1;
	[sflag:s0] =	ssyncset.done @!p0 $0x0  }
0x34c: {  	[sflag:s0] =	ssyncadd.s32 @!p0 s1  }
0x34d: {  	[bflag:$0x3] =	sbarrier.arrive $0xFFFF  }
0x34e: {  	_ =	shalt  }

// kernel: kernel.8.cloned.1.call-start
scs
__scs_entry_jumppad:
0x0: {  	(pc) =	sbr.rel $0x88, $3  }
0x1: {  	(tag) =	ssettag $0x0;
	lr =	simm.s32 $0x1  }
0x2: {  	[smem:$0x3F99] =	sst lr;
	_ =	strace $0xD0000000  }
0x3: {  	_ = 	snop  }
0x4: {  	_ = 	snop  }
0x5: {  	_ = 	snop  }
0x6: {  	_ = 	snop  }
0x7: {  	_ = 	snop  }
__scs_overlays_trampoline_lowered:
0x8: {  	[smem:$0x3FA8] =	sst s0  }
0x9: {  	[smem:$0x3FA9] =	sst s1  }
0xa: {  	[smem:$0x3FAA] =	sst s2  }
0xb: {  	[smem:$0x3FAB] =	sst s3  }
0xc: {  	[smem:$0x3FAC] =	sst s4  }
0xd: {  	[smem:$0x3FAD] =	sst s5  }
0xe: {  	[smem:$0x3FAE] =	sst s6  }
0xf: {  	[smem:$0x3FAF] =	sst s7  }
0x10: {  	[smem:$0x3FB0] =	sst s8  }
0x11: {  	[smem:$0x3FB1] =	sst s9;
	s0 =	simm.s32 @!p0 $0x0  }
0x12: {  	s1 =	sld [smem:$0x3F97];
	s0 =	simm.s32 @p0 $0x1  }
0x13: {  	[smem:$0x3FB2] =	sst s0;
	s0 =	simm.s32 @!p1 $0x0  }
0x14: {  	s2 =	sld [smem:$0x3F96];
	s0 =	simm.s32 @p1 $0x1  }
0x15: {  	[smem:$0x3FB3] =	sst s0;
	s0 =	simm.s32 @!p2 $0x0  }
0x16: {  	s3 =	sld [smem:$0x3FDB];
	s0 =	simm.s32 @p2 $0x1  }
0x17: {  	s4 =	simm.s32 $0x1BF5;
	[smem:$0x3FB5] =	sst s0  }
0x18: {  	s0 =	sld [smem:$0x3F98];
	_ =	swait.ge [sflag:s4], $0x0  }
0x19: {  	s7 =	sld [smem:$0x3F99]  }
0x1a: {  	s8 =	sadd.s32 $0xFFFFE003, lr  }
0x1b: {  	s9 =	sadd.s32 $0xFFFFFEF7, lr;
	s5 =	simm.s32 $0xFFFFFFFF;
	p2 =	slt.u32 s8, $0xFFFFF086  }
0x1c: {  	p1 =	slt.u32 s9, $0xF7A;
	s5 =	simm.s32 @!p2 $0x0  }
0x1d: {  	s5 =	simm.s32 @p1 $0x1;
	p0 =	seq.s32 s7, s2  }
0x1e: {  	s7 =	smul.u32 @!p0 $0xF7A, s2;
	p2 =	seq.s32 @!p0 s5, $0x0  }
0x1f: {  	s9 =	smul.u32 $0xF7A, s1;
	s8 =	simm.s32 @!p0 $0x1BF5;
	p2 =	por !p2, p0  }
0x20: {  	[sflag:s8] =	ssyncset.s32 @!p0 $0xFFFFF086;
	s6 =	sadd.s32 @!p0 s3, s7;
	s7 =	simm.s32 @!p0 $0x108  }
0x21: {  	s3 =	sadd.s32 s3, s9;
	s6 =	sadd.s32 @!p0 $0x88, s6;
	s7 =	simm.s32 @p2 $0x1082  }
0x22: {  	[simem:s7], [sflag:s8] =	dma.local @!p0 [hbm:s6], $0xF7A  }
0x23: {  	s9 =	sor.u32 $0xD0000000, s2;
	s6 =	simm.s32 $0x108;
	_ =	swait.ge @!p0 [sflag:s8], $0x0  }
0x24: {  	s3 =	sadd.s32 $0x88, s3;
	s6 =	simm.s32 @!p1 $0x1082;
	[sflag:s4] =	ssyncset.s32 $0xFFFFF086  }
0x25: {  	[simem:s6], [sflag:s4] =	dma.local [hbm:s3], $0xF7A  }
0x26: {  	[smem:$0x3F99] =	sst s1;
	(tag) =	ssettag s2;
	_ =	strace s9  }
0x27: {  	s1 =	sld [smem:$0x3FA9]  }
0x28: {  	s2 =	sld [smem:$0x3FAA]  }
0x29: {  	s4 =	sld [smem:$0x3FAC]  }
0x2a: {  	p0 =	seq.s32 s5, $0x0;
	s5 =	sld [smem:$0x3FAD]  }
0x2b: {  	s6 =	sld [smem:$0x3FAE]  }
0x2c: {  	s7 =	sld [smem:$0x3FAF]  }
0x2d: {  	s3 =	simm.s32 $0x108;
	s8 =	sld [smem:$0x3FB0]  }
0x2e: {  	s3 =	simm.s32 @!p0 $0x1082;
	s9 =	sld [smem:$0x3FB1]  }
0x2f: {  	lr =	sadd.s32 s0, s3;
	s0 =	sld [smem:$0x3FA8]  }
0x30: {  	s3 =	sld [smem:$0x3FAB]  }
0x31: {  	[smem:$0x3FB4] =	sst s10  }
0x32: {  	s10 =	sld [smem:$0x3FB2];
	_ =	sdelay $0x3  }
0x33: {  	p0 =	seq.s32 s10, $0x1;
	s10 =	sld [smem:$0x3FB4];
	_ =	sdelay $0x3  }
0x34: {  	[smem:$0x3FB4] =	sst s10  }
0x35: {  	s10 =	sld [smem:$0x3FB3];
	_ =	sdelay $0x3  }
0x36: {  	p1 =	seq.s32 s10, $0x1;
	s10 =	sld [smem:$0x3FB4];
	_ =	sdelay $0x3  }
0x37: {  	[smem:$0x3FB4] =	sst s10  }
0x38: {  	s10 =	sld [smem:$0x3FB5]  }
0x39: {  	_ = 	snop;
	(pc) =	sbr.ind lr, $3  }
0x3a: {  	_ = 	snop  }
0x3b: {  	_ = 	snop  }
0x3c: {  	p2 =	seq.s32 s10, $0x1;
	s10 =	sld [smem:$0x3FB4]  }
0x3d: {  	_ =	shalt  }
0x3e: {  	_ =	shalt  }
0x3f: {  	_ =	shalt  }
0x40: {  	_ =	shalt  }
0x41: {  	_ =	shalt  }
0x42: {  	_ =	shalt  }
0x43: {  	_ =	shalt  }
0x44: {  	_ =	shalt  }
0x45: {  	_ =	shalt  }
0x46: {  	_ =	shalt  }
0x47: {  	_ =	shalt  }
0x48: {  	_ =	shalt  }
0x49: {  	_ =	shalt  }
0x4a: {  	_ =	shalt  }
0x4b: {  	_ =	shalt  }
0x4c: {  	_ =	shalt  }
0x4d: {  	_ =	shalt  }
0x4e: {  	_ =	shalt  }
0x4f: {  	_ =	shalt  }
0x50: {  	_ =	shalt  }
0x51: {  	_ =	shalt  }
0x52: {  	_ =	shalt  }
0x53: {  	_ =	shalt  }
0x54: {  	_ =	shalt  }
0x55: {  	_ =	shalt  }
0x56: {  	_ =	shalt  }
0x57: {  	_ =	shalt  }
0x58: {  	_ =	shalt  }
0x59: {  	_ =	shalt  }
0x5a: {  	_ =	shalt  }
0x5b: {  	_ =	shalt  }
0x5c: {  	_ =	shalt  }
0x5d: {  	_ =	shalt  }
0x5e: {  	_ =	shalt  }
0x5f: {  	_ =	shalt  }
0x60: {  	_ =	shalt  }
0x61: {  	_ =	shalt  }
0x62: {  	_ =	shalt  }
0x63: {  	_ =	shalt  }
0x64: {  	_ =	shalt  }
0x65: {  	_ =	shalt  }
0x66: {  	_ =	shalt  }
0x67: {  	_ =	shalt  }
0x68: {  	_ =	shalt  }
0x69: {  	_ =	shalt  }
0x6a: {  	_ =	shalt  }
0x6b: {  	_ =	shalt  }
0x6c: {  	_ =	shalt  }
0x6d: {  	_ =	shalt  }
0x6e: {  	_ =	shalt  }
0x6f: {  	_ =	shalt  }
0x70: {  	_ =	shalt  }
0x71: {  	_ =	shalt  }
0x72: {  	_ =	shalt  }
0x73: {  	_ =	shalt  }
0x74: {  	_ =	shalt  }
0x75: {  	_ =	shalt  }
0x76: {  	_ =	shalt  }
0x77: {  	_ =	shalt  }
0x78: {  	_ =	shalt  }
0x79: {  	_ =	shalt  }
0x7a: {  	_ =	shalt  }
0x7b: {  	_ =	shalt  }
0x7c: {  	_ =	shalt  }
0x7d: {  	_ =	shalt  }
0x7e: {  	_ =	shalt  }
0x7f: {  	_ =	shalt  }
0x80: {  	_ =	shalt  }
0x81: {  	_ =	shalt  }
0x82: {  	_ =	shalt  }
0x83: {  	_ =	shalt  }
0x84: {  	_ =	shalt  }
0x85: {  	_ =	shalt  }
0x86: {  	_ =	shalt  }
0x87: {  	_ =	shalt  }
.Lfunc_end0:
.L_simem_size_0:
called_computation_lowered:
.L_overlay_start_0:
0x88: {  	s2 =	sld [smem:$0x3FD9]  }
0x89: {  	s3 =	sld [smem:$0x3FFE];
	_ =	sdelay $0x1  }
0x8a: {  	s1 =	srdreg.scid  }
0x8b: {  	s0 =	sand.u32 $0x1, s1  }
0x8c: {  	s14 =	sshll.u32 s0, $0xA;
	s2 =	sadd.s32 s3, s2  }
0x8d: {  	s2 =	sadd.s32 s2, s14  }
0x8e: {  	[smem:$0x3FC0] =	sst s2  }
0x8f: {  	_ = 	snop  }
0x90: {  	s2 =	sld [smem:$0x3FD0];
	_ =	sdelay $0x2  }
0x91: {  	s4 =	simm.s32 $0xA;
	s5 =	simm.s32 $0x10;
	s15 =	sld [smem:$0x3FC9]  }
0x92: {  	[smem:s5], [sflag:s4] =	dma.local [hbm:s2], $0x1  }
0x93: {  	_ =	swait.eq [sflag:s4], $0x1  }
0x94: {  	[sflag:s4] =	ssyncset.done $0x0  }
0x95: {  	s16 =	sld [smem:$0x10];
	[sflag:s4] =	ssyncadd.s32 $0xFFFFFFFF  }
0x96: {  	s17 =	sld [smem:$0x11];
	(tm) =	ssettm $0x1  }
0x97: {  	s18 =	sld [smem:$0x3FFB];
	_ =	sdelay $0x3  }
0x98: {  	_ =	strace s18  }
0x99: {  	s5 =	sld [smem:$0x3FFC];
	_ =	sdelay $0x3  }
0x9a: {  	_ =	strace s5  }
0x9b: {  	s5 =	sld [smem:$0x3FFD];
	_ =	sdelay $0x3  }
0x9c: {  	_ =	strace s5  }
0x9d: {  	_ =	strace $0x8FFFFFFF  }
0x9e: {  	s19 =	sld [smem:$0x3FDB];
	_ =	sdelay $0x1  }
0x9f: {  	s6 =	simm.s32 $_scs_section_size  }
0xa0: {  	s7 =	simm.s32 $_size__tile_overlayer_lowered;
	s8 =	simm.s32 $_tile_overlayer_lowered  }
0xa1: {  	s22 =	simm.s32 $0x1BFF;
	s21 =	sshll.u32 s8, $0x1;
	s5 =	sadd.s32 s6, s19  }
0xa2: {  	s9 =	simm.s32 $0x0;
	s20 =	sshll.u32 s7, $0x1;
	s7 =	sadd.s32 s21, s5  }
0xa3: {  	[timem:s9], [sflag:s22] =	dma.local [hbm:s7], s20  }
0xa4: {  	_ =	swait.ge [sflag:s22], s20  }
0xa5: {  	s6 =	ssub.s32 $0x0, s20;
	[sflag:s22] =	ssyncset.done $0x0  }
0xa6: {  	[sflag:s22] =	ssyncadd.s32 s6;
	_ =	sdelay $0x1  }
0xa7: {  	s23 =	simm.s32 $0x1B8B  }
0xa8: {  	_ =	swait.ge [sflag:s23], $0x1  }
0xa9: {  	[sflag:s23] =	ssyncset.done $0x0  }
0xaa: {  	s25 =	simm.s32 $0x1B8E;
	s24 =	sld [smem:$0x3FFE];
	[sflag:s23] =	ssyncadd.s32 $0xFFFFFFFF  }
0xab: {  	s26 =	simm.s32 $execute0_lowered;
	[smem:$0x3FD2] =	sst s25  }
0xac: {  	s7 =	sshll.u32 s26, $0x1;
	_ =	strace $0x80000046;
	[dreg:$0x1] =	wrdreg $0xFFFFFFFF  }
0xad: {  	s28 =	simm.s32 $_size_execute0_lowered;
	s5 =	sadd.s32 s5, s7;
	[dreg:$0x0] =	wrdreg $0x0  }
0xae: {  	s7 =	sshll.u32 s28, $0x1;
	[dreg:$0x2] =	wrdreg s5  }
0xaf: {  	[dreg:$0x3] =	wrdreg s7  }
0xb0: {  	[dreg:$0x4] =	wrdreg $0xC0  }
0xb1: {  	_ =	task [dreg:s9], $0x5FFFF  }
0xb2: {  	[dreg:$0x1] =	wrdreg $0xFFFFFFFF  }
0xb3: {  	[dreg:$0x0] =	wrdreg $0x60  }
0xb4: {  	[dreg:$0x2] =	wrdreg s16  }
0xb5: {  	[dreg:$0x3] =	wrdreg s17  }
0xb6: {  	[dreg:$0x4] =	wrdreg s24  }
0xb7: {  	[dreg:$0x5] =	wrdreg s15  }
0xb8: {  	[dreg:$0x6] =	wrdreg $0x10E000  }
0xb9: {  	[dreg:$0x7] =	wrdreg $0x112000  }
0xba: {  	[dreg:$0x8] =	wrdreg $0x9  }
0xbb: {  	_ =	task.clear_ibuf [dreg:s9], $0x9FFFF;
	_ =	strace $0x90000046  }
0xbc: {  	s29 =	simm.s32 $0x9;
	_ =	strace $0x80000048  }
0xbd: {  	_ =	swait.ge [sflag:s29], $0x1  }
0xbe: {  	[sflag:s29] =	ssyncadd.s32 $0xFFFFFFFF  }
0xbf: {  	_ =	strace $0x90000048  }
0xc0: {  	_ =	sfence  }
0xc1: {  	s30 =	sld [smem:$0x0];
	_ =	sdelay $0x2  }
0xc2: {  	s31 =	sshll.u32 s1, $0xD;
	s1 =	sshrl.u32 s1, $0x2  }
0xc3: {  	s3 =	sand.u32 $0x4000, s31;
	s1 =	sadd.s32 s1, s30  }
0xc4: {  	s0 =	sor.u32 s3, s0;
	s1 =	sshll.u32 s1, $0x11  }
0xc5: {  	s0 =	sor.u32 s1, s0  }
0xc6: {  	s0 =	sadd.s32 $0x8F2B, s0  }
0xc7: {  	[sflag:s0] =	ssyncadd.remote.s32 $0x1  }
0xc8: {  	_ =	sfence.sel $0xFFFF  }
0xc9: {  	[dreg:$0x0] =	wrdreg $0xFFFFFFFF;
	(pc) =	sbr.abs _section_cstart, $3  }
0xca: {  	[dreg:$0x1] =	wrdreg $0xFFFFFFFF  }
0xcb: {  	_ =	task.clear_ibuf [dreg:s9], $0x2FFFF;
	_ =	strace $0x9FFFFFFF  }
0xcc: {  	(tm) =	ssettm $0x7FFFFFFF  }
0xcd: {  	_ =	shalt  }
tec
execute0_lowered:
.L_overlay_start_1:
0x0: {  	(tag) =	ssettag $0x1  }
0x1: {  	s0 =	rddreg [dreg:$0x0]  }
0x2: {  	s2 =	rddreg [dreg:$0x1]  }
0x3: {  	s3 =	rddreg [dreg:$0x2]  }
0x4: {  	s1 =	rddreg [dreg:$0x3]  }
0x5: {  	s10 =	rddreg [dreg:$0x4]  }
0x6: {  	s11 =	rddreg [dreg:$0x5];
	s5 =	simm.s32 $0x0;
	s4 =	srdreg.scid  }
0x7: {  	s8 =	stileid.u32;
	[smem:$0x7FF] =	sst s5;
	s4 =	sand.u32 $0x1, s4  }
0x8: {  	s6 =	sshll.u32 s8, $0x7;
	s8 =	sshll.u32 s8, $0x9;
	_ =	strace $0x80000047  }
0x9: {  	s7 =	sshll.u32 s4, $0xD;
	s9 =	sadd.s32 s6, s3;
	s0 =	sadd.s32 s0, s6  }
0xa: {  	s28 =	sadd.s32 s2, s6;
	s7 =	sor.u32 s8, s7;
	[dreg:$0x7] =	wrdreg s0  }
0xb: {  	[dreg:$0x8] =	wrdreg s28;
	s31 =	sadd.s32 $0x48A00, s9;
	s29 =	sshrl.u32 s7, $0x3  }
0xc: {  	[dreg:$0x9] =	wrdreg s31;
	s6 =	sadd.s32 s7, s10;
	s25 =	sadd.s32 s7, s11  }
0xd: {  	s2 =	sadd.s32 s29, s3;
	[dreg:$0xa] =	wrdreg s6;
	s29 =	simm.s32 $0xC00  }
0xe: {  	s8 =	sshll.u32 s7, $0x7;
	s31 =	sshrl.u32 s25, $0x3;
	[dreg:$0x1c] =	wrdreg s29  }
0xf: {  	s3 =	sadd.s32 s8, s3;
	s8 =	sadd.s32 $0x49200, s2;
	[dreg:$0x1d] =	wrdreg s31  }
0x10: {  	s9 =	sadd.s32 $0x49A00, s3;
	[dreg:$0xb] =	wrdreg s8  }
0x11: {  	s10 =	sadd.s32 $0x4AA00, s3;
	[dreg:$0xc] =	wrdreg s9  }
0x12: {  	s12 =	sadd.s32 $0x4BA00, s3;
	[dreg:$0xd] =	wrdreg s10  }
0x13: {  	s13 =	sadd.s32 $0x4CA00, s3;
	[dreg:$0xe] =	wrdreg s12  }
0x14: {  	s14 =	sadd.s32 $0x4DA00, s3;
	[dreg:$0xf] =	wrdreg s13  }
0x15: {  	s15 =	sadd.s32 $0x4EA00, s3;
	[dreg:$0x10] =	wrdreg s14  }
0x16: {  	s16 =	sadd.s32 $0x4FA00, s3;
	[dreg:$0x11] =	wrdreg s15  }
0x17: {  	s17 =	sadd.s32 $0x50A00, s3;
	[dreg:$0x12] =	wrdreg s16  }
0x18: {  	s18 =	sadd.s32 $0x51A00, s3;
	[dreg:$0x13] =	wrdreg s17  }
0x19: {  	s30 =	simm.s32 $0x8E00;
	s19 =	sadd.s32 $0x52A00, s3;
	[dreg:$0x14] =	wrdreg s18  }
0x1a: {  	s21 =	ssub.s32 $0x2, s4;
	s20 =	sadd.s32 $0x53A00, s3;
	[dreg:$0x15] =	wrdreg s19  }
0x1b: {  	s4 =	sshrl.u32 s21, $0x1;
	s22 =	sadd.s32 $0x54A00, s3;
	[dreg:$0x16] =	wrdreg s20  }
0x1c: {  	s7 =	sadd.s32 $0x200, s1;
	s23 =	sadd.s32 $0x55A00, s3;
	[dreg:$0x17] =	wrdreg s22  }
0x1d: {  	s6 =	sadd.s32 $0x100, s1;
	s24 =	sadd.s32 $0x56A00, s3;
	[dreg:$0x18] =	wrdreg s23  }
0x1e: {  	s2 =	ssub.s32 s21, s4;
	s26 =	sadd.s32 $0x57A00, s3;
	[dreg:$0x19] =	wrdreg s24  }
0x1f: {  	v2 =	vlaneseq.u32;
	s28 =	sadd.s32 $0x58A00, s3;
	[dreg:$0x1a] =	wrdreg s26;
	s8 =	sadd.s32 $0x300, s1  }
0x20: {  	vm0 =	vmmov $0xffff;
	v1 =	vshrl.u32 v2, $0x3;
	[dreg:$0x1b] =	wrdreg s28;
	s2 =	smax.u32 s2, $0x1;
	s10 =	simm.s32 $0x3  }
0x21: {  	v0 =	vand.u32 $0x7, v2;
	v2 =	vor.u32 $0x8, v2;
	v1 =	vmul.u32 $0x8, v1;
	s13 =	simm.s32 $0xE00;
	s22 =	simm.s32 $0x1;
	s23 =	simm.s32 $0x2  }
.LBB2_1:
0x22: {  	[dreg:$0x1e] =	wrdreg s2  }
0x23: {  	s24 =	rddreg [dreg:$0x7]  }
0x24: {  	[tilespmem:s5], [sflag:$0x3] =	stream.linear.gather [hbm4b:s24+s5], $0x400, $0x38;
	[tilespmem:$0x11600] =	vst v63  }
0x25: {  	_ =	swait.ge [sflag:s10], $0x400  }
0x26: {  	[sflag:s10] =	ssyncset.done $0x0  }
0x27: {  	s25 =	simm.s32 $0x400;
	s26 =	rddreg [dreg:$0x8];
	[sflag:s10] =	ssyncadd.s32 $0xFFFFFC00  }
0x28: {  	[tilespmem:s25], [sflag:$0x3] =	stream.linear.gather [hbm4b:s26+s5], $0x400, $0x38;
	[tilespmem:$0x11600] =	vst v63  }
0x29: {  	_ =	swait.ge [sflag:s10], $0x400  }
0x2a: {  	[sflag:s10] =	ssyncset.done $0x0  }
0x2b: {  	s26 =	simm.s32 $0x800;
	s28 =	rddreg [dreg:$0x9];
	[sflag:s10] =	ssyncadd.s32 $0xFFFFFC00  }
0x2c: {  	[tilespmem:s26], [sflag:$0x3] =	stream.linear.gather [hbm4b:s28+s5], $0x400, $0x38;
	[tilespmem:$0x11600] =	vst v63  }
0x2d: {  	_ =	swait.ge [sflag:s10], $0x400  }
0x2e: {  	[sflag:s10] =	ssyncset.done $0x0  }
0x2f: {  	[sflag:s10] =	ssyncadd.s32 $0xFFFFFC00  }
0x30: {  	s29 =	rddreg [dreg:$0x4]  }
0x31: {  	[spmem:s29] =	stream.indirect.scatter [tilespmem:s25], [sflag:$0x3], $0x1, s5, s25, $0xb8;
	[tilespmem:$0x11600] =	vst v63  }
0x32: {  	_ =	swait.ge [sflag:s10], $0x400  }
0x33: {  	[sflag:s10] =	ssyncset.done $0x0  }
0x34: {  	[sflag:s10] =	ssyncadd.s32 $0xFFFFFC00  }
0x35: {  	s31 =	rddreg [dreg:$0x5]  }
0x36: {  	[spmem:s31] =	stream.indirect.scatter [tilespmem:s26], [sflag:$0x3], $0x1, s5, s25, $0xb8;
	[tilespmem:$0x11600] =	vst v63  }
0x37: {  	_ =	swait.ge [sflag:s10], $0x400  }
0x38: {  	[sflag:s10] =	ssyncset.done $0x0  }
0x39: {  	[sflag:s10] =	ssyncadd.s32 $0xFFFFFC00  }
0x3a: {  	[bflag:$0x0] =	sbarrier.arrive $0xFFFF  }
0x3b: {  	s0 =	rddreg [dreg:$0xa]  }
0x3c: {  	s2 =	rddreg [dreg:$0x1c]  }
0x3d: {  	[tilespmem:s2], [sflag:$0x3] =	stream.linear.gather [spmem:s0], $0x200, $0x38;
	[tilespmem:$0x11600] =	vst v63  }
0x3e: {  	s9 =	stileid.u32;
	_ =	swait.ge [sflag:s10], $0x200  }
0x3f: {  	s26 =	sshll.u32 s9, $0x6;
	s3 =	rddreg [dreg:$0xb];
	[sflag:s10] =	ssyncset.done $0x0  }
0x40: {  	s26 =	sor.u32 $0x1C03, s26;
	s4 =	rddreg [dreg:$0x1d];
	[sflag:s10] =	ssyncadd.s32 $0xFFFFFE00  }
0x41: {  	[hbm:s3], [sflag:s26] =	dma.local [spmem:s4], $0x40  }
0x42: {  	_ =	swait.ge [sflag:s10], $0x40  }
0x43: {  	[sflag:s10] =	ssyncset.done $0x0  }
0x44: {  	[sflag:s10] =	ssyncadd.s32 $0xFFFFFFC0  }
0x45: {  	v3 =	vld [tilespmem:$0xC00];
	_ =	sdelay $0x4  }
0x46: {  	v4 =	vshll.u32 v3, $0x3  }
0x47: {  	v3 =	vand.u32 $0x7, v3;
	v4 =	vand.u32 $0xFFFFFFC0, v4  }
0x48: {  	v3 =	vor.u32 v3, v4  }
0x49: {  	v4 =	vperm.xlane v3, v0;
	_ =	sdelay $0x1  }
0x4a: {  	v4 =	vadd.s32 v1, v4;
	_ =	sdelay $0x4  }
0x4b: {  	[tilespmem:s13], [sflag:$0x1] =	stream.indirect_vreg.gather [hbm4b:s1+s5], $0x80, v4, vm0, $0xb8;
	[tilespmem:$0x11600] =	vst v63  }
0x4c: {  	s0 =	simm.s32 $0x1600;
	v3 =	vperm.xlane v3, v2  }
0x4d: {  	[tilespmem:s0], [sflag:$0x1] =	stream.indirect_vreg.gather [hbm4b:s6+s5], $0x80, v4, vm0, $0xb8;
	[tilespmem:$0x11600] =	vst v63  }
0x4e: {  	s11 =	simm.s32 $0x1E00;
	v3 =	vadd.s32 v1, v3  }
0x4f: {  	[tilespmem:s11], [sflag:$0x1] =	stream.indirect_vreg.gather [hbm4b:s7+s5], $0x80, v4, vm0, $0xb8;
	[tilespmem:$0x11600] =	vst v63  }
0x50: {  	s12 =	simm.s32 $0x2600  }
0x51: {  	[tilespmem:s12], [sflag:$0x1] =	stream.indirect_vreg.gather [hbm4b:s8+s5], $0x80, v4, vm0, $0xb8;
	[tilespmem:$0x11600] =	vst v63  }
0x52: {  	s14 =	simm.s32 $0x2E00  }
0x53: {  	[tilespmem:s14], [sflag:$0x1] =	stream.indirect_vreg.gather [hbm4b:s1+s5], $0x80, v3, vm0, $0xb8;
	[tilespmem:$0x11600] =	vst v63  }
0x54: {  	s15 =	simm.s32 $0x3600  }
0x55: {  	[tilespmem:s15], [sflag:$0x1] =	stream.indirect_vreg.gather [hbm4b:s6+s5], $0x80, v3, vm0, $0xb8;
	[tilespmem:$0x11600] =	vst v63  }
0x56: {  	s16 =	simm.s32 $0x3E00  }
0x57: {  	[tilespmem:s16], [sflag:$0x1] =	stream.indirect_vreg.gather [hbm4b:s7+s5], $0x80, v3, vm0, $0xb8;
	[tilespmem:$0x11600] =	vst v63  }
0x58: {  	s17 =	simm.s32 $0x4600  }
0x59: {  	[tilespmem:s17], [sflag:$0x1] =	stream.indirect_vreg.gather [hbm4b:s8+s5], $0x80, v3, vm0, $0xb8;
	[tilespmem:$0x11600] =	vst v63  }
0x5a: {  	v3 =	vld [tilespmem:$0xC10];
	_ =	sdelay $0x4  }
0x5b: {  	v33 =	vshll.u32 v3, $0x3  }
0x5c: {  	v3 =	vand.u32 $0x7, v3;
	v4 =	vand.u32 $0xFFFFFFC0, v33  }
0x5d: {  	v3 =	vor.u32 v3, v4  }
0x5e: {  	v4 =	vperm.xlane v3, v0;
	_ =	sdelay $0x1  }
0x5f: {  	v4 =	vadd.s32 v1, v4;
	_ =	sdelay $0x3  }
0x60: {  	s18 =	simm.s32 $0x4E00  }
0x61: {  	[tilespmem:s18], [sflag:$0x1] =	stream.indirect_vreg.gather [hbm4b:s1+s5], $0x80, v4, vm0, $0xb8;
	[tilespmem:$0x11600] =	vst v63  }
0x62: {  	s19 =	simm.s32 $0x5600;
	v3 =	vperm.xlane v3, v2  }
0x63: {  	[tilespmem:s19], [sflag:$0x1] =	stream.indirect_vreg.gather [hbm4b:s6+s5], $0x80, v4, vm0, $0xb8;
	[tilespmem:$0x11600] =	vst v63  }
0x64: {  	s20 =	simm.s32 $0x5E00;
	v3 =	vadd.s32 v1, v3  }
0x65: {  	[tilespmem:s20], [sflag:$0x1] =	stream.indirect_vreg.gather [hbm4b:s7+s5], $0x80, v4, vm0, $0xb8;
	[tilespmem:$0x11600] =	vst v63  }
0x66: {  	s24 =	simm.s32 $0x6600  }
0x67: {  	[tilespmem:s24], [sflag:$0x1] =	stream.indirect_vreg.gather [hbm4b:s8+s5], $0x80, v4, vm0, $0xb8;
	[tilespmem:$0x11600] =	vst v63  }
0x68: {  	s25 =	simm.s32 $0x6E00  }
0x69: {  	[tilespmem:s25], [sflag:$0x1] =	stream.indirect_vreg.gather [hbm4b:s1+s5], $0x80, v3, vm0, $0xb8;
	[tilespmem:$0x11600] =	vst v63  }
0x6a: {  	s26 =	simm.s32 $0x7600  }
0x6b: {  	[tilespmem:s26], [sflag:$0x1] =	stream.indirect_vreg.gather [hbm4b:s6+s5], $0x80, v3, vm0, $0xb8;
	[tilespmem:$0x11600] =	vst v63  }
0x6c: {  	s4 =	simm.s32 $0x7E00  }
0x6d: {  	[tilespmem:s4], [sflag:$0x1] =	stream.indirect_vreg.gather [hbm4b:s7+s5], $0x80, v3, vm0, $0xb8;
	[tilespmem:$0x11600] =	vst v63  }
0x6e: {  	s9 =	simm.s32 $0x8600  }
0x6f: {  	[tilespmem:s9], [sflag:$0x1] =	stream.indirect_vreg.gather [hbm4b:s8+s5], $0x80, v3, vm0, $0xb8;
	[tilespmem:$0x11600] =	vst v63  }
0x70: {  	v3 =	vld [tilespmem:$0xC20];
	_ =	sdelay $0x4  }
0x71: {  	v34 =	vshll.u32 v3, $0x3  }
0x72: {  	v3 =	vand.u32 $0x7, v3;
	v4 =	vand.u32 $0xFFFFFFC0, v34  }
0x73: {  	v3 =	vor.u32 v3, v4  }
0x74: {  	v4 =	vperm.xlane v3, v0;
	_ =	sdelay $0x1  }
0x75: {  	v4 =	vadd.s32 v1, v4;
	_ =	sdelay $0x4  }
0x76: {  	[tilespmem:s30], [sflag:$0x2] =	stream.indirect_vreg.gather [hbm4b:s1+s5], $0x80, v4, vm0, $0xb8;
	[tilespmem:$0x11600] =	vst v63  }
0x77: {  	s11 =	simm.s32 $0x9600;
	v3 =	vperm.xlane v3, v2  }
0x78: {  	[tilespmem:s11], [sflag:$0x2] =	stream.indirect_vreg.gather [hbm4b:s6+s5], $0x80, v4, vm0, $0xb8;
	[tilespmem:$0x11600] =	vst v63  }
0x79: {  	s12 =	simm.s32 $0x9E00;
	v3 =	vadd.s32 v1, v3  }
0x7a: {  	[tilespmem:s12], [sflag:$0x2] =	stream.indirect_vreg.gather [hbm4b:s7+s5], $0x80, v4, vm0, $0xb8;
	[tilespmem:$0x11600] =	vst v63  }
0x7b: {  	s16 =	simm.s32 $0xA600  }
0x7c: {  	[tilespmem:s16], [sflag:$0x2] =	stream.indirect_vreg.gather [hbm4b:s8+s5], $0x80, v4, vm0, $0xb8;
	[tilespmem:$0x11600] =	vst v63  }
0x7d: {  	s17 =	simm.s32 $0xAE00  }
0x7e: {  	[tilespmem:s17], [sflag:$0x2] =	stream.indirect_vreg.gather [hbm4b:s1+s5], $0x80, v3, vm0, $0xb8;
	[tilespmem:$0x11600] =	vst v63  }
0x7f: {  	s18 =	simm.s32 $0xB600  }
0x80: {  	[tilespmem:s18], [sflag:$0x2] =	stream.indirect_vreg.gather [hbm4b:s6+s5], $0x80, v3, vm0, $0xb8;
	[tilespmem:$0x11600] =	vst v63  }
0x81: {  	s19 =	simm.s32 $0xBE00  }
0x82: {  	[tilespmem:s19], [sflag:$0x2] =	stream.indirect_vreg.gather [hbm4b:s7+s5], $0x80, v3, vm0, $0xb8;
	[tilespmem:$0x11600] =	vst v63  }
0x83: {  	s20 =	simm.s32 $0xC600  }
0x84: {  	[tilespmem:s20], [sflag:$0x2] =	stream.indirect_vreg.gather [hbm4b:s8+s5], $0x80, v3, vm0, $0xb8;
	[tilespmem:$0x11600] =	vst v63  }
0x85: {  	v3 =	vld [tilespmem:$0xC30];
	_ =	sdelay $0x4  }
0x86: {  	v35 =	vshll.u32 v3, $0x3  }
0x87: {  	v3 =	vand.u32 $0x7, v3;
	v4 =	vand.u32 $0xFFFFFFC0, v35  }
0x88: {  	v3 =	vor.u32 v3, v4  }
0x89: {  	v4 =	vperm.xlane v3, v0;
	_ =	sdelay $0x1  }
0x8a: {  	v4 =	vadd.s32 v1, v4;
	_ =	sdelay $0x3  }
0x8b: {  	s25 =	simm.s32 $0xCE00  }
0x8c: {  	[tilespmem:s25], [sflag:$0x2] =	stream.indirect_vreg.gather [hbm4b:s1+s5], $0x80, v4, vm0, $0xb8;
	[tilespmem:$0x11600] =	vst v63  }
0x8d: {  	s0 =	simm.s32 $0xD600;
	v3 =	vperm.xlane v3, v2  }
0x8e: {  	[tilespmem:s0], [sflag:$0x2] =	stream.indirect_vreg.gather [hbm4b:s6+s5], $0x80, v4, vm0, $0xb8;
	[tilespmem:$0x11600] =	vst v63  }
0x8f: {  	s4 =	simm.s32 $0xDE00;
	v3 =	vadd.s32 v1, v3  }
0x90: {  	[tilespmem:s4], [sflag:$0x2] =	stream.indirect_vreg.gather [hbm4b:s7+s5], $0x80, v4, vm0, $0xb8;
	[tilespmem:$0x11600] =	vst v63  }
0x91: {  	s11 =	simm.s32 $0xE600  }
0x92: {  	[tilespmem:s11], [sflag:$0x2] =	stream.indirect_vreg.gather [hbm4b:s8+s5], $0x80, v4, vm0, $0xb8;
	[tilespmem:$0x11600] =	vst v63  }
0x93: {  	s20 =	simm.s32 $0xEE00  }
0x94: {  	[tilespmem:s20], [sflag:$0x2] =	stream.indirect_vreg.gather [hbm4b:s1+s5], $0x80, v3, vm0, $0xb8;
	[tilespmem:$0x11600] =	vst v63  }
0x95: {  	s25 =	simm.s32 $0xF600  }
0x96: {  	[tilespmem:s25], [sflag:$0x2] =	stream.indirect_vreg.gather [hbm4b:s6+s5], $0x80, v3, vm0, $0xb8;
	[tilespmem:$0x11600] =	vst v63  }
0x97: {  	s0 =	simm.s32 $0xFE00  }
0x98: {  	[tilespmem:s0], [sflag:$0x2] =	stream.indirect_vreg.gather [hbm4b:s7+s5], $0x80, v3, vm0, $0xb8;
	[tilespmem:$0x11600] =	vst v63  }
0x99: {  	s4 =	simm.s32 $0x10600  }
0x9a: {  	[tilespmem:s4], [sflag:$0x2] =	stream.indirect_vreg.gather [hbm4b:s8+s5], $0x80, v3, vm0, $0xb8;
	[tilespmem:$0x11600] =	vst v63  }
0x9b: {  	_ =	swait.ge [sflag:s22], $0x8000  }
0x9c: {  	[sflag:s22] =	ssyncset.done $0x0  }
0x9d: {  	s11 =	rddreg [dreg:$0xc];
	[sflag:s22] =	ssyncadd.s32 $0xFFFF8000  }
0x9e: {  	[hbm4b:s11+s5] =	stream.linear.scatter [tilespmem:s13], [sflag:$0x3], $0x8000, $0x38;
	[tilespmem:$0x11600] =	vst v63  }
0x9f: {  	_ =	swait.ge [sflag:s10], $0x8000  }
0xa0: {  	[sflag:s10] =	ssyncset.done $0x0  }
0xa1: {  	[sflag:s10] =	ssyncadd.s32 $0xFFFF8000  }
0xa2: {  	v3 =	vld [tilespmem:$0xC40];
	_ =	sdelay $0x4  }
0xa3: {  	v36 =	vshll.u32 v3, $0x3  }
0xa4: {  	v3 =	vand.u32 $0x7, v3;
	v4 =	vand.u32 $0xFFFFFFC0, v36  }
0xa5: {  	v3 =	vor.u32 v3, v4  }
0xa6: {  	v4 =	vperm.xlane v3, v0;
	_ =	sdelay $0x1  }
0xa7: {  	v4 =	vadd.s32 v1, v4;
	_ =	sdelay $0x4  }
0xa8: {  	[tilespmem:s13], [sflag:$0x1] =	stream.indirect_vreg.gather [hbm4b:s1+s5], $0x80, v4, vm0, $0xb8;
	[tilespmem:$0x11600] =	vst v63  }
0xa9: {  	s2 =	simm.s32 $0x1600;
	v3 =	vperm.xlane v3, v2  }
0xaa: {  	[tilespmem:s2], [sflag:$0x1] =	stream.indirect_vreg.gather [hbm4b:s6+s5], $0x80, v4, vm0, $0xb8;
	[tilespmem:$0x11600] =	vst v63  }
0xab: {  	v3 =	vadd.s32 v1, v3;
	s2 =	simm.s32 $0x1E00  }
0xac: {  	[tilespmem:s2], [sflag:$0x1] =	stream.indirect_vreg.gather [hbm4b:s7+s5], $0x80, v4, vm0, $0xb8;
	[tilespmem:$0x11600] =	vst v63  }
0xad: {  	s21 =	simm.s32 $0x2600  }
0xae: {  	[tilespmem:s21], [sflag:$0x1] =	stream.indirect_vreg.gather [hbm4b:s8+s5], $0x80, v4, vm0, $0xb8;
	[tilespmem:$0x11600] =	vst v63  }
0xaf: {  	s28 =	simm.s32 $0x2E00  }
0xb0: {  	[tilespmem:s28], [sflag:$0x1] =	stream.indirect_vreg.gather [hbm4b:s1+s5], $0x80, v3, vm0, $0xb8;
	[tilespmem:$0x11600] =	vst v63  }
0xb1: {  	s29 =	simm.s32 $0x3600  }
0xb2: {  	[tilespmem:s29], [sflag:$0x1] =	stream.indirect_vreg.gather [hbm4b:s6+s5], $0x80, v3, vm0, $0xb8;
	[tilespmem:$0x11600] =	vst v63  }
0xb3: {  	s15 =	simm.s32 $0x3E00  }
0xb4: {  	[tilespmem:s15], [sflag:$0x1] =	stream.indirect_vreg.gather [hbm4b:s7+s5], $0x80, v3, vm0, $0xb8;
	[tilespmem:$0x11600] =	vst v63  }
0xb5: {  	s31 =	simm.s32 $0x4600  }
0xb6: {  	[tilespmem:s31], [sflag:$0x1] =	stream.indirect_vreg.gather [hbm4b:s8+s5], $0x80, v3, vm0, $0xb8;
	[tilespmem:$0x11600] =	vst v63  }
0xb7: {  	v3 =	vld [tilespmem:$0xC50];
	_ =	sdelay $0x4  }
0xb8: {  	v37 =	vshll.u32 v3, $0x3  }
0xb9: {  	v3 =	vand.u32 $0x7, v3;
	v4 =	vand.u32 $0xFFFFFFC0, v37  }
0xba: {  	v3 =	vor.u32 v3, v4  }
0xbb: {  	v4 =	vperm.xlane v3, v0;
	_ =	sdelay $0x1  }
0xbc: {  	v4 =	vadd.s32 v1, v4;
	_ =	sdelay $0x3  }
0xbd: {  	s3 =	simm.s32 $0x4E00  }
0xbe: {  	[tilespmem:s3], [sflag:$0x1] =	stream.indirect_vreg.gather [hbm4b:s1+s5], $0x80, v4, vm0, $0xb8;
	[tilespmem:$0x11600] =	vst v63  }
0xbf: {  	v3 =	vperm.xlane v3, v2;
	s3 =	simm.s32 $0x5600  }
0xc0: {  	[tilespmem:s3], [sflag:$0x1] =	stream.indirect_vreg.gather [hbm4b:s6+s5], $0x80, v4, vm0, $0xb8;
	[tilespmem:$0x11600] =	vst v63  }
0xc1: {  	s21 =	simm.s32 $0x5E00;
	v3 =	vadd.s32 v1, v3  }
0xc2: {  	[tilespmem:s21], [sflag:$0x1] =	stream.indirect_vreg.gather [hbm4b:s7+s5], $0x80, v4, vm0, $0xb8;
	[tilespmem:$0x11600] =	vst v63  }
0xc3: {  	s28 =	simm.s32 $0x6600  }
0xc4: {  	[tilespmem:s28], [sflag:$0x1] =	stream.indirect_vreg.gather [hbm4b:s8+s5], $0x80, v4, vm0, $0xb8;
	[tilespmem:$0x11600] =	vst v63  }
0xc5: {  	s29 =	simm.s32 $0x6E00  }
0xc6: {  	[tilespmem:s29], [sflag:$0x1] =	stream.indirect_vreg.gather [hbm4b:s1+s5], $0x80, v3, vm0, $0xb8;
	[tilespmem:$0x11600] =	vst v63  }
0xc7: {  	s31 =	simm.s32 $0x7600  }
0xc8: {  	[tilespmem:s31], [sflag:$0x1] =	stream.indirect_vreg.gather [hbm4b:s6+s5], $0x80, v3, vm0, $0xb8;
	[tilespmem:$0x11600] =	vst v63  }
0xc9: {  	s0 =	simm.s32 $0x7E00  }
0xca: {  	[tilespmem:s0], [sflag:$0x1] =	stream.indirect_vreg.gather [hbm4b:s7+s5], $0x80, v3, vm0, $0xb8;
	[tilespmem:$0x11600] =	vst v63  }
0xcb: {  	s4 =	simm.s32 $0x8600  }
0xcc: {  	[tilespmem:s4], [sflag:$0x1] =	stream.indirect_vreg.gather [hbm4b:s8+s5], $0x80, v3, vm0, $0xb8;
	[tilespmem:$0x11600] =	vst v63  }
0xcd: {  	_ =	swait.ge [sflag:s23], $0x8000  }
0xce: {  	[sflag:s23] =	ssyncset.done $0x0  }
0xcf: {  	s15 =	rddreg [dreg:$0xd];
	[sflag:s23] =	ssyncadd.s32 $0xFFFF8000  }
0xd0: {  	[hbm4b:s15+s5] =	stream.linear.scatter [tilespmem:s30], [sflag:$0x3], $0x8000, $0x38;
	[tilespmem:$0x11600] =	vst v63  }
0xd1: {  	_ =	swait.ge [sflag:s10], $0x8000  }
0xd2: {  	[sflag:s10] =	ssyncset.done $0x0  }
0xd3: {  	[sflag:s10] =	ssyncadd.s32 $0xFFFF8000  }
0xd4: {  	v3 =	vld [tilespmem:$0xC60];
	_ =	sdelay $0x4  }
0xd5: {  	v38 =	vshll.u32 v3, $0x3  }
0xd6: {  	v3 =	vand.u32 $0x7, v3;
	v4 =	vand.u32 $0xFFFFFFC0, v38  }
0xd7: {  	v3 =	vor.u32 v3, v4  }
0xd8: {  	v4 =	vperm.xlane v3, v0;
	_ =	sdelay $0x1  }
0xd9: {  	v4 =	vadd.s32 v1, v4;
	_ =	sdelay $0x4  }
0xda: {  	[tilespmem:s30], [sflag:$0x2] =	stream.indirect_vreg.gather [hbm4b:s1+s5], $0x80, v4, vm0, $0xb8;
	[tilespmem:$0x11600] =	vst v63  }
0xdb: {  	s14 =	simm.s32 $0x9600;
	v3 =	vperm.xlane v3, v2  }
0xdc: {  	[tilespmem:s14], [sflag:$0x2] =	stream.indirect_vreg.gather [hbm4b:s6+s5], $0x80, v4, vm0, $0xb8;
	[tilespmem:$0x11600] =	vst v63  }
0xdd: {  	v3 =	vadd.s32 v1, v3;
	s14 =	simm.s32 $0x9E00  }
0xde: {  	[tilespmem:s14], [sflag:$0x2] =	stream.indirect_vreg.gather [hbm4b:s7+s5], $0x80, v4, vm0, $0xb8;
	[tilespmem:$0x11600] =	vst v63  }
0xdf: {  	s15 =	simm.s32 $0xA600  }
0xe0: {  	[tilespmem:s15], [sflag:$0x2] =	stream.indirect_vreg.gather [hbm4b:s8+s5], $0x80, v4, vm0, $0xb8;
	[tilespmem:$0x11600] =	vst v63  }
0xe1: {  	s16 =	simm.s32 $0xAE00  }
0xe2: {  	[tilespmem:s16], [sflag:$0x2] =	stream.indirect_vreg.gather [hbm4b:s1+s5], $0x80, v3, vm0, $0xb8;
	[tilespmem:$0x11600] =	vst v63  }
0xe3: {  	s9 =	simm.s32 $0xB600  }
0xe4: {  	[tilespmem:s9], [sflag:$0x2] =	stream.indirect_vreg.gather [hbm4b:s6+s5], $0x80, v3, vm0, $0xb8;
	[tilespmem:$0x11600] =	vst v63  }
0xe5: {  	s26 =	simm.s32 $0xBE00  }
0xe6: {  	[tilespmem:s26], [sflag:$0x2] =	stream.indirect_vreg.gather [hbm4b:s7+s5], $0x80, v3, vm0, $0xb8;
	[tilespmem:$0x11600] =	vst v63  }
0xe7: {  	s17 =	simm.s32 $0xC600  }
0xe8: {  	[tilespmem:s17], [sflag:$0x2] =	stream.indirect_vreg.gather [hbm4b:s8+s5], $0x80, v3, vm0, $0xb8;
	[tilespmem:$0x11600] =	vst v63  }
0xe9: {  	v3 =	vld [tilespmem:$0xC70];
	_ =	sdelay $0x4  }
0xea: {  	v39 =	vshll.u32 v3, $0x3  }
0xeb: {  	v3 =	vand.u32 $0x7, v3;
	v4 =	vand.u32 $0xFFFFFFC0, v39  }
0xec: {  	v3 =	vor.u32 v3, v4  }
0xed: {  	v4 =	vperm.xlane v3, v0;
	_ =	sdelay $0x1  }
0xee: {  	v4 =	vadd.s32 v1, v4;
	_ =	sdelay $0x3  }
0xef: {  	s18 =	simm.s32 $0xCE00  }
0xf0: {  	[tilespmem:s18], [sflag:$0x2] =	stream.indirect_vreg.gather [hbm4b:s1+s5], $0x80, v4, vm0, $0xb8;
	[tilespmem:$0x11600] =	vst v63  }
0xf1: {  	s19 =	simm.s32 $0xD600;
	v3 =	vperm.xlane v3, v2  }
0xf2: {  	[tilespmem:s19], [sflag:$0x2] =	stream.indirect_vreg.gather [hbm4b:s6+s5], $0x80, v4, vm0, $0xb8;
	[tilespmem:$0x11600] =	vst v63  }
0xf3: {  	s12 =	simm.s32 $0xDE00;
	v3 =	vadd.s32 v1, v3  }
0xf4: {  	[tilespmem:s12], [sflag:$0x2] =	stream.indirect_vreg.gather [hbm4b:s7+s5], $0x80, v4, vm0, $0xb8;
	[tilespmem:$0x11600] =	vst v63  }
0xf5: {  	s16 =	simm.s32 $0xE600  }
0xf6: {  	[tilespmem:s16], [sflag:$0x2] =	stream.indirect_vreg.gather [hbm4b:s8+s5], $0x80, v4, vm0, $0xb8;
	[tilespmem:$0x11600] =	vst v63  }
0xf7: {  	s17 =	simm.s32 $0xEE00  }
0xf8: {  	[tilespmem:s17], [sflag:$0x2] =	stream.indirect_vreg.gather [hbm4b:s1+s5], $0x80, v3, vm0, $0xb8;
	[tilespmem:$0x11600] =	vst v63  }
0xf9: {  	s18 =	simm.s32 $0xF600  }
0xfa: {  	[tilespmem:s18], [sflag:$0x2] =	stream.indirect_vreg.gather [hbm4b:s6+s5], $0x80, v3, vm0, $0xb8;
	[tilespmem:$0x11600] =	vst v63  }
0xfb: {  	s24 =	simm.s32 $0xFE00  }
0xfc: {  	[tilespmem:s24], [sflag:$0x2] =	stream.indirect_vreg.gather [hbm4b:s7+s5], $0x80, v3, vm0, $0xb8;
	[tilespmem:$0x11600] =	vst v63  }
0xfd: {  	s20 =	simm.s32 $0x10600  }
0xfe: {  	[tilespmem:s20], [sflag:$0x2] =	stream.indirect_vreg.gather [hbm4b:s8+s5], $0x80, v3, vm0, $0xb8;
	[tilespmem:$0x11600] =	vst v63  }
0xff: {  	_ =	swait.ge [sflag:s22], $0x8000  }
0x100: {  	[sflag:s22] =	ssyncset.done $0x0  }
0x101: {  	s24 =	rddreg [dreg:$0xe];
	[sflag:s22] =	ssyncadd.s32 $0xFFFF8000  }
0x102: {  	[hbm4b:s24+s5] =	stream.linear.scatter [tilespmem:s13], [sflag:$0x3], $0x8000, $0x38;
	[tilespmem:$0x11600] =	vst v63  }
0x103: {  	_ =	swait.ge [sflag:s10], $0x8000  }
0x104: {  	[sflag:s10] =	ssyncset.done $0x0  }
0x105: {  	[sflag:s10] =	ssyncadd.s32 $0xFFFF8000  }
0x106: {  	v3 =	vld [tilespmem:$0xC80];
	_ =	sdelay $0x4  }
0x107: {  	v40 =	vshll.u32 v3, $0x3  }
0x108: {  	v3 =	vand.u32 $0x7, v3;
	v4 =	vand.u32 $0xFFFFFFC0, v40  }
0x109: {  	v3 =	vor.u32 v3, v4  }
0x10a: {  	v4 =	vperm.xlane v3, v0;
	_ =	sdelay $0x1  }
0x10b: {  	v4 =	vadd.s32 v1, v4;
	_ =	sdelay $0x4  }
0x10c: {  	[tilespmem:s13], [sflag:$0x1] =	stream.indirect_vreg.gather [hbm4b:s1+s5], $0x80, v4, vm0, $0xb8;
	[tilespmem:$0x11600] =	vst v63  }
0x10d: {  	s24 =	simm.s32 $0x1600;
	v3 =	vperm.xlane v3, v2  }
0x10e: {  	[tilespmem:s24], [sflag:$0x1] =	stream.indirect_vreg.gather [hbm4b:s6+s5], $0x80, v4, vm0, $0xb8;
	[tilespmem:$0x11600] =	vst v63  }
0x10f: {  	v3 =	vadd.s32 v1, v3  }
0x110: {  	[tilespmem:s2], [sflag:$0x1] =	stream.indirect_vreg.gather [hbm4b:s7+s5], $0x80, v4, vm0, $0xb8;
	[tilespmem:$0x11600] =	vst v63  }
0x111: {  	s24 =	simm.s32 $0x2600  }
0x112: {  	[tilespmem:s24], [sflag:$0x1] =	stream.indirect_vreg.gather [hbm4b:s8+s5], $0x80, v4, vm0, $0xb8;
	[tilespmem:$0x11600] =	vst v63  }
0x113: {  	s24 =	simm.s32 $0x2E00  }
0x114: {  	[tilespmem:s24], [sflag:$0x1] =	stream.indirect_vreg.gather [hbm4b:s1+s5], $0x80, v3, vm0, $0xb8;
	[tilespmem:$0x11600] =	vst v63  }
0x115: {  	s24 =	simm.s32 $0x3600  }
0x116: {  	[tilespmem:s24], [sflag:$0x1] =	stream.indirect_vreg.gather [hbm4b:s6+s5], $0x80, v3, vm0, $0xb8;
	[tilespmem:$0x11600] =	vst v63  }
0x117: {  	s24 =	simm.s32 $0x3E00  }
0x118: {  	[tilespmem:s24], [sflag:$0x1] =	stream.indirect_vreg.gather [hbm4b:s7+s5], $0x80, v3, vm0, $0xb8;
	[tilespmem:$0x11600] =	vst v63  }
0x119: {  	s24 =	simm.s32 $0x4600  }
0x11a: {  	[tilespmem:s24], [sflag:$0x1] =	stream.indirect_vreg.gather [hbm4b:s8+s5], $0x80, v3, vm0, $0xb8;
	[tilespmem:$0x11600] =	vst v63  }
0x11b: {  	v3 =	vld [tilespmem:$0xC90];
	_ =	sdelay $0x4  }
0x11c: {  	v41 =	vshll.u32 v3, $0x3  }
0x11d: {  	v3 =	vand.u32 $0x7, v3;
	v4 =	vand.u32 $0xFFFFFFC0, v41  }
0x11e: {  	v3 =	vor.u32 v3, v4  }
0x11f: {  	v4 =	vperm.xlane v3, v0;
	_ =	sdelay $0x1  }
0x120: {  	v4 =	vadd.s32 v1, v4;
	_ =	sdelay $0x3  }
0x121: {  	s24 =	simm.s32 $0x4E00  }
0x122: {  	[tilespmem:s24], [sflag:$0x1] =	stream.indirect_vreg.gather [hbm4b:s1+s5], $0x80, v4, vm0, $0xb8;
	[tilespmem:$0x11600] =	vst v63  }
0x123: {  	v3 =	vperm.xlane v3, v2  }
0x124: {  	[tilespmem:s3], [sflag:$0x1] =	stream.indirect_vreg.gather [hbm4b:s6+s5], $0x80, v4, vm0, $0xb8;
	[tilespmem:$0x11600] =	vst v63  }
0x125: {  	v3 =	vadd.s32 v1, v3  }
0x126: {  	[tilespmem:s21], [sflag:$0x1] =	stream.indirect_vreg.gather [hbm4b:s7+s5], $0x80, v4, vm0, $0xb8;
	[tilespmem:$0x11600] =	vst v63  }
0x127: {  	_ = 	snop  }
0x128: {  	[tilespmem:s28], [sflag:$0x1] =	stream.indirect_vreg.gather [hbm4b:s8+s5], $0x80, v4, vm0, $0xb8;
	[tilespmem:$0x11600] =	vst v63  }
0x129: {  	_ = 	snop  }
0x12a: {  	[tilespmem:s29], [sflag:$0x1] =	stream.indirect_vreg.gather [hbm4b:s1+s5], $0x80, v3, vm0, $0xb8;
	[tilespmem:$0x11600] =	vst v63  }
0x12b: {  	_ = 	snop  }
0x12c: {  	[tilespmem:s31], [sflag:$0x1] =	stream.indirect_vreg.gather [hbm4b:s6+s5], $0x80, v3, vm0, $0xb8;
	[tilespmem:$0x11600] =	vst v63  }
0x12d: {  	_ = 	snop  }
0x12e: {  	[tilespmem:s0], [sflag:$0x1] =	stream.indirect_vreg.gather [hbm4b:s7+s5], $0x80, v3, vm0, $0xb8;
	[tilespmem:$0x11600] =	vst v63  }
0x12f: {  	_ = 	snop  }
0x130: {  	[tilespmem:s4], [sflag:$0x1] =	stream.indirect_vreg.gather [hbm4b:s8+s5], $0x80, v3, vm0, $0xb8;
	[tilespmem:$0x11600] =	vst v63  }
0x131: {  	_ =	swait.ge [sflag:s23], $0x8000  }
0x132: {  	[sflag:s23] =	ssyncset.done $0x0  }
0x133: {  	s0 =	rddreg [dreg:$0xf];
	[sflag:s23] =	ssyncadd.s32 $0xFFFF8000  }
0x134: {  	[hbm4b:s0+s5] =	stream.linear.scatter [tilespmem:s30], [sflag:$0x3], $0x8000, $0x38;
	[tilespmem:$0x11600] =	vst v63  }
0x135: {  	_ =	swait.ge [sflag:s10], $0x8000  }
0x136: {  	[sflag:s10] =	ssyncset.done $0x0  }
0x137: {  	[sflag:s10] =	ssyncadd.s32 $0xFFFF8000  }
0x138: {  	v3 =	vld [tilespmem:$0xCA0];
	_ =	sdelay $0x4  }
0x139: {  	v42 =	vshll.u32 v3, $0x3  }
0x13a: {  	v3 =	vand.u32 $0x7, v3;
	v4 =	vand.u32 $0xFFFFFFC0, v42  }
0x13b: {  	v3 =	vor.u32 v3, v4  }
0x13c: {  	v4 =	vperm.xlane v3, v0;
	_ =	sdelay $0x1  }
0x13d: {  	v4 =	vadd.s32 v1, v4;
	_ =	sdelay $0x4  }
0x13e: {  	[tilespmem:s30], [sflag:$0x2] =	stream.indirect_vreg.gather [hbm4b:s1+s5], $0x80, v4, vm0, $0xb8;
	[tilespmem:$0x11600] =	vst v63  }
0x13f: {  	s24 =	simm.s32 $0x9600;
	v3 =	vperm.xlane v3, v2  }
0x140: {  	[tilespmem:s24], [sflag:$0x2] =	stream.indirect_vreg.gather [hbm4b:s6+s5], $0x80, v4, vm0, $0xb8;
	[tilespmem:$0x11600] =	vst v63  }
0x141: {  	v3 =	vadd.s32 v1, v3  }
0x142: {  	[tilespmem:s14], [sflag:$0x2] =	stream.indirect_vreg.gather [hbm4b:s7+s5], $0x80, v4, vm0, $0xb8;
	[tilespmem:$0x11600] =	vst v63  }
0x143: {  	_ = 	snop  }
0x144: {  	[tilespmem:s15], [sflag:$0x2] =	stream.indirect_vreg.gather [hbm4b:s8+s5], $0x80, v4, vm0, $0xb8;
	[tilespmem:$0x11600] =	vst v63  }
0x145: {  	s25 =	simm.s32 $0xAE00  }
0x146: {  	[tilespmem:s25], [sflag:$0x2] =	stream.indirect_vreg.gather [hbm4b:s1+s5], $0x80, v3, vm0, $0xb8;
	[tilespmem:$0x11600] =	vst v63  }
0x147: {  	s9 =	simm.s32 $0xB600  }
0x148: {  	[tilespmem:s9], [sflag:$0x2] =	stream.indirect_vreg.gather [hbm4b:s6+s5], $0x80, v3, vm0, $0xb8;
	[tilespmem:$0x11600] =	vst v63  }
0x149: {  	s11 =	simm.s32 $0xBE00  }
0x14a: {  	[tilespmem:s11], [sflag:$0x2] =	stream.indirect_vreg.gather [hbm4b:s7+s5], $0x80, v3, vm0, $0xb8;
	[tilespmem:$0x11600] =	vst v63  }
0x14b: {  	s26 =	simm.s32 $0xC600  }
0x14c: {  	[tilespmem:s26], [sflag:$0x2] =	stream.indirect_vreg.gather [hbm4b:s8+s5], $0x80, v3, vm0, $0xb8;
	[tilespmem:$0x11600] =	vst v63  }
0x14d: {  	v3 =	vld [tilespmem:$0xCB0];
	_ =	sdelay $0x4  }
0x14e: {  	v43 =	vshll.u32 v3, $0x3  }
0x14f: {  	v3 =	vand.u32 $0x7, v3;
	v4 =	vand.u32 $0xFFFFFFC0, v43  }
0x150: {  	v3 =	vor.u32 v3, v4  }
0x151: {  	v4 =	vperm.xlane v3, v0;
	_ =	sdelay $0x1  }
0x152: {  	v4 =	vadd.s32 v1, v4;
	_ =	sdelay $0x3  }
0x153: {  	s24 =	simm.s32 $0xCE00  }
0x154: {  	[tilespmem:s24], [sflag:$0x2] =	stream.indirect_vreg.gather [hbm4b:s1+s5], $0x80, v4, vm0, $0xb8;
	[tilespmem:$0x11600] =	vst v63  }
0x155: {  	v3 =	vperm.xlane v3, v2;
	s24 =	simm.s32 $0xD600  }
0x156: {  	[tilespmem:s24], [sflag:$0x2] =	stream.indirect_vreg.gather [hbm4b:s6+s5], $0x80, v4, vm0, $0xb8;
	[tilespmem:$0x11600] =	vst v63  }
0x157: {  	s19 =	simm.s32 $0xDE00;
	v3 =	vadd.s32 v1, v3  }
0x158: {  	[tilespmem:s19], [sflag:$0x2] =	stream.indirect_vreg.gather [hbm4b:s7+s5], $0x80, v4, vm0, $0xb8;
	[tilespmem:$0x11600] =	vst v63  }
0x159: {  	s12 =	simm.s32 $0xE600  }
0x15a: {  	[tilespmem:s12], [sflag:$0x2] =	stream.indirect_vreg.gather [hbm4b:s8+s5], $0x80, v4, vm0, $0xb8;
	[tilespmem:$0x11600] =	vst v63  }
0x15b: {  	s16 =	simm.s32 $0xEE00  }
0x15c: {  	[tilespmem:s16], [sflag:$0x2] =	stream.indirect_vreg.gather [hbm4b:s1+s5], $0x80, v3, vm0, $0xb8;
	[tilespmem:$0x11600] =	vst v63  }
0x15d: {  	s17 =	simm.s32 $0xF600  }
0x15e: {  	[tilespmem:s17], [sflag:$0x2] =	stream.indirect_vreg.gather [hbm4b:s6+s5], $0x80, v3, vm0, $0xb8;
	[tilespmem:$0x11600] =	vst v63  }
0x15f: {  	s18 =	simm.s32 $0xFE00  }
0x160: {  	[tilespmem:s18], [sflag:$0x2] =	stream.indirect_vreg.gather [hbm4b:s7+s5], $0x80, v3, vm0, $0xb8;
	[tilespmem:$0x11600] =	vst v63  }
0x161: {  	s20 =	simm.s32 $0x10600  }
0x162: {  	[tilespmem:s20], [sflag:$0x2] =	stream.indirect_vreg.gather [hbm4b:s8+s5], $0x80, v3, vm0, $0xb8;
	[tilespmem:$0x11600] =	vst v63  }
0x163: {  	_ =	swait.ge [sflag:s22], $0x8000  }
0x164: {  	[sflag:s22] =	ssyncset.done $0x0  }
0x165: {  	s20 =	rddreg [dreg:$0x10];
	[sflag:s22] =	ssyncadd.s32 $0xFFFF8000  }
0x166: {  	[hbm4b:s20+s5] =	stream.linear.scatter [tilespmem:s13], [sflag:$0x3], $0x8000, $0x38;
	[tilespmem:$0x11600] =	vst v63  }
0x167: {  	_ =	swait.ge [sflag:s10], $0x8000  }
0x168: {  	[sflag:s10] =	ssyncset.done $0x0  }
0x169: {  	[sflag:s10] =	ssyncadd.s32 $0xFFFF8000  }
0x16a: {  	v3 =	vld [tilespmem:$0xCC0];
	_ =	sdelay $0x4  }
0x16b: {  	v44 =	vshll.u32 v3, $0x3  }
0x16c: {  	v3 =	vand.u32 $0x7, v3;
	v4 =	vand.u32 $0xFFFFFFC0, v44  }
0x16d: {  	v3 =	vor.u32 v3, v4  }
0x16e: {  	v4 =	vperm.xlane v3, v0;
	_ =	sdelay $0x1  }
0x16f: {  	v4 =	vadd.s32 v1, v4;
	_ =	sdelay $0x4  }
0x170: {  	[tilespmem:s13], [sflag:$0x1] =	stream.indirect_vreg.gather [hbm4b:s1+s5], $0x80, v4, vm0, $0xb8;
	[tilespmem:$0x11600] =	vst v63  }
0x171: {  	s24 =	simm.s32 $0x1600;
	v3 =	vperm.xlane v3, v2  }
0x172: {  	[tilespmem:s24], [sflag:$0x1] =	stream.indirect_vreg.gather [hbm4b:s6+s5], $0x80, v4, vm0, $0xb8;
	[tilespmem:$0x11600] =	vst v63  }
0x173: {  	v3 =	vadd.s32 v1, v3;
	s24 =	simm.s32 $0x1E00  }
0x174: {  	[tilespmem:s24], [sflag:$0x1] =	stream.indirect_vreg.gather [hbm4b:s7+s5], $0x80, v4, vm0, $0xb8;
	[tilespmem:$0x11600] =	vst v63  }
0x175: {  	s24 =	simm.s32 $0x2600  }
0x176: {  	[tilespmem:s24], [sflag:$0x1] =	stream.indirect_vreg.gather [hbm4b:s8+s5], $0x80, v4, vm0, $0xb8;
	[tilespmem:$0x11600] =	vst v63  }
0x177: {  	s24 =	simm.s32 $0x2E00  }
0x178: {  	[tilespmem:s24], [sflag:$0x1] =	stream.indirect_vreg.gather [hbm4b:s1+s5], $0x80, v3, vm0, $0xb8;
	[tilespmem:$0x11600] =	vst v63  }
0x179: {  	s24 =	simm.s32 $0x3600  }
0x17a: {  	[tilespmem:s24], [sflag:$0x1] =	stream.indirect_vreg.gather [hbm4b:s6+s5], $0x80, v3, vm0, $0xb8;
	[tilespmem:$0x11600] =	vst v63  }
0x17b: {  	s24 =	simm.s32 $0x3E00  }
0x17c: {  	[tilespmem:s24], [sflag:$0x1] =	stream.indirect_vreg.gather [hbm4b:s7+s5], $0x80, v3, vm0, $0xb8;
	[tilespmem:$0x11600] =	vst v63  }
0x17d: {  	s24 =	simm.s32 $0x4600  }
0x17e: {  	[tilespmem:s24], [sflag:$0x1] =	stream.indirect_vreg.gather [hbm4b:s8+s5], $0x80, v3, vm0, $0xb8;
	[tilespmem:$0x11600] =	vst v63  }
0x17f: {  	v3 =	vld [tilespmem:$0xCD0];
	_ =	sdelay $0x4  }
0x180: {  	v45 =	vshll.u32 v3, $0x3  }
0x181: {  	v3 =	vand.u32 $0x7, v3;
	v4 =	vand.u32 $0xFFFFFFC0, v45  }
0x182: {  	v3 =	vor.u32 v3, v4  }
0x183: {  	v4 =	vperm.xlane v3, v0;
	_ =	sdelay $0x1  }
0x184: {  	v4 =	vadd.s32 v1, v4;
	_ =	sdelay $0x3  }
0x185: {  	s24 =	simm.s32 $0x4E00  }
0x186: {  	[tilespmem:s24], [sflag:$0x1] =	stream.indirect_vreg.gather [hbm4b:s1+s5], $0x80, v4, vm0, $0xb8;
	[tilespmem:$0x11600] =	vst v63  }
0x187: {  	s3 =	simm.s32 $0x5600;
	v3 =	vperm.xlane v3, v2  }
0x188: {  	[tilespmem:s3], [sflag:$0x1] =	stream.indirect_vreg.gather [hbm4b:s6+s5], $0x80, v4, vm0, $0xb8;
	[tilespmem:$0x11600] =	vst v63  }
0x189: {  	s2 =	simm.s32 $0x5E00;
	v3 =	vadd.s32 v1, v3  }
0x18a: {  	[tilespmem:s2], [sflag:$0x1] =	stream.indirect_vreg.gather [hbm4b:s7+s5], $0x80, v4, vm0, $0xb8;
	[tilespmem:$0x11600] =	vst v63  }
0x18b: {  	s21 =	simm.s32 $0x6600  }
0x18c: {  	[tilespmem:s21], [sflag:$0x1] =	stream.indirect_vreg.gather [hbm4b:s8+s5], $0x80, v4, vm0, $0xb8;
	[tilespmem:$0x11600] =	vst v63  }
0x18d: {  	s29 =	simm.s32 $0x6E00  }
0x18e: {  	[tilespmem:s29], [sflag:$0x1] =	stream.indirect_vreg.gather [hbm4b:s1+s5], $0x80, v3, vm0, $0xb8;
	[tilespmem:$0x11600] =	vst v63  }
0x18f: {  	s31 =	simm.s32 $0x7600  }
0x190: {  	[tilespmem:s31], [sflag:$0x1] =	stream.indirect_vreg.gather [hbm4b:s6+s5], $0x80, v3, vm0, $0xb8;
	[tilespmem:$0x11600] =	vst v63  }
0x191: {  	s28 =	simm.s32 $0x7E00  }
0x192: {  	[tilespmem:s28], [sflag:$0x1] =	stream.indirect_vreg.gather [hbm4b:s7+s5], $0x80, v3, vm0, $0xb8;
	[tilespmem:$0x11600] =	vst v63  }
0x193: {  	s4 =	simm.s32 $0x8600  }
0x194: {  	[tilespmem:s4], [sflag:$0x1] =	stream.indirect_vreg.gather [hbm4b:s8+s5], $0x80, v3, vm0, $0xb8;
	[tilespmem:$0x11600] =	vst v63  }
0x195: {  	_ =	swait.ge [sflag:s23], $0x8000  }
0x196: {  	[sflag:s23] =	ssyncset.done $0x0  }
0x197: {  	s28 =	rddreg [dreg:$0x11];
	[sflag:s23] =	ssyncadd.s32 $0xFFFF8000  }
0x198: {  	[hbm4b:s28+s5] =	stream.linear.scatter [tilespmem:s30], [sflag:$0x3], $0x8000, $0x38;
	[tilespmem:$0x11600] =	vst v63  }
0x199: {  	_ =	swait.ge [sflag:s10], $0x8000  }
0x19a: {  	[sflag:s10] =	ssyncset.done $0x0  }
0x19b: {  	[sflag:s10] =	ssyncadd.s32 $0xFFFF8000  }
0x19c: {  	v3 =	vld [tilespmem:$0xCE0];
	_ =	sdelay $0x4  }
0x19d: {  	v46 =	vshll.u32 v3, $0x3  }
0x19e: {  	v3 =	vand.u32 $0x7, v3;
	v4 =	vand.u32 $0xFFFFFFC0, v46  }
0x19f: {  	v3 =	vor.u32 v3, v4  }
0x1a0: {  	v4 =	vperm.xlane v3, v0;
	_ =	sdelay $0x1  }
0x1a1: {  	v4 =	vadd.s32 v1, v4;
	_ =	sdelay $0x4  }
0x1a2: {  	[tilespmem:s30], [sflag:$0x2] =	stream.indirect_vreg.gather [hbm4b:s1+s5], $0x80, v4, vm0, $0xb8;
	[tilespmem:$0x11600] =	vst v63  }
0x1a3: {  	s29 =	simm.s32 $0x9600;
	v3 =	vperm.xlane v3, v2  }
0x1a4: {  	[tilespmem:s29], [sflag:$0x2] =	stream.indirect_vreg.gather [hbm4b:s6+s5], $0x80, v4, vm0, $0xb8;
	[tilespmem:$0x11600] =	vst v63  }
0x1a5: {  	s0 =	simm.s32 $0x9E00;
	v3 =	vadd.s32 v1, v3  }
0x1a6: {  	[tilespmem:s0], [sflag:$0x2] =	stream.indirect_vreg.gather [hbm4b:s7+s5], $0x80, v4, vm0, $0xb8;
	[tilespmem:$0x11600] =	vst v63  }
0x1a7: {  	s15 =	simm.s32 $0xA600  }
0x1a8: {  	[tilespmem:s15], [sflag:$0x2] =	stream.indirect_vreg.gather [hbm4b:s8+s5], $0x80, v4, vm0, $0xb8;
	[tilespmem:$0x11600] =	vst v63  }
0x1a9: {  	s25 =	simm.s32 $0xAE00  }
0x1aa: {  	[tilespmem:s25], [sflag:$0x2] =	stream.indirect_vreg.gather [hbm4b:s1+s5], $0x80, v3, vm0, $0xb8;
	[tilespmem:$0x11600] =	vst v63  }
0x1ab: {  	s9 =	simm.s32 $0xB600  }
0x1ac: {  	[tilespmem:s9], [sflag:$0x2] =	stream.indirect_vreg.gather [hbm4b:s6+s5], $0x80, v3, vm0, $0xb8;
	[tilespmem:$0x11600] =	vst v63  }
0x1ad: {  	s11 =	simm.s32 $0xBE00  }
0x1ae: {  	[tilespmem:s11], [sflag:$0x2] =	stream.indirect_vreg.gather [hbm4b:s7+s5], $0x80, v3, vm0, $0xb8;
	[tilespmem:$0x11600] =	vst v63  }
0x1af: {  	s26 =	simm.s32 $0xC600  }
0x1b0: {  	[tilespmem:s26], [sflag:$0x2] =	stream.indirect_vreg.gather [hbm4b:s8+s5], $0x80, v3, vm0, $0xb8;
	[tilespmem:$0x11600] =	vst v63  }
0x1b1: {  	v3 =	vld [tilespmem:$0xCF0];
	_ =	sdelay $0x4  }
0x1b2: {  	v47 =	vshll.u32 v3, $0x3  }
0x1b3: {  	v3 =	vand.u32 $0x7, v3;
	v4 =	vand.u32 $0xFFFFFFC0, v47  }
0x1b4: {  	v3 =	vor.u32 v3, v4  }
0x1b5: {  	v4 =	vperm.xlane v3, v0;
	_ =	sdelay $0x1  }
0x1b6: {  	v4 =	vadd.s32 v1, v4;
	_ =	sdelay $0x3  }
0x1b7: {  	s24 =	simm.s32 $0xCE00  }
0x1b8: {  	[tilespmem:s24], [sflag:$0x2] =	stream.indirect_vreg.gather [hbm4b:s1+s5], $0x80, v4, vm0, $0xb8;
	[tilespmem:$0x11600] =	vst v63  }
0x1b9: {  	s25 =	simm.s32 $0xD600;
	v3 =	vperm.xlane v3, v2  }
0x1ba: {  	[tilespmem:s25], [sflag:$0x2] =	stream.indirect_vreg.gather [hbm4b:s6+s5], $0x80, v4, vm0, $0xb8;
	[tilespmem:$0x11600] =	vst v63  }
0x1bb: {  	s19 =	simm.s32 $0xDE00;
	v3 =	vadd.s32 v1, v3  }
0x1bc: {  	[tilespmem:s19], [sflag:$0x2] =	stream.indirect_vreg.gather [hbm4b:s7+s5], $0x80, v4, vm0, $0xb8;
	[tilespmem:$0x11600] =	vst v63  }
0x1bd: {  	s12 =	simm.s32 $0xE600  }
0x1be: {  	[tilespmem:s12], [sflag:$0x2] =	stream.indirect_vreg.gather [hbm4b:s8+s5], $0x80, v4, vm0, $0xb8;
	[tilespmem:$0x11600] =	vst v63  }
0x1bf: {  	s14 =	simm.s32 $0xEE00  }
0x1c0: {  	[tilespmem:s14], [sflag:$0x2] =	stream.indirect_vreg.gather [hbm4b:s1+s5], $0x80, v3, vm0, $0xb8;
	[tilespmem:$0x11600] =	vst v63  }
0x1c1: {  	s16 =	simm.s32 $0xF600  }
0x1c2: {  	[tilespmem:s16], [sflag:$0x2] =	stream.indirect_vreg.gather [hbm4b:s6+s5], $0x80, v3, vm0, $0xb8;
	[tilespmem:$0x11600] =	vst v63  }
0x1c3: {  	s17 =	simm.s32 $0xFE00  }
0x1c4: {  	[tilespmem:s17], [sflag:$0x2] =	stream.indirect_vreg.gather [hbm4b:s7+s5], $0x80, v3, vm0, $0xb8;
	[tilespmem:$0x11600] =	vst v63  }
0x1c5: {  	s18 =	simm.s32 $0x10600  }
0x1c6: {  	[tilespmem:s18], [sflag:$0x2] =	stream.indirect_vreg.gather [hbm4b:s8+s5], $0x80, v3, vm0, $0xb8;
	[tilespmem:$0x11600] =	vst v63  }
0x1c7: {  	_ =	swait.ge [sflag:s22], $0x8000  }
0x1c8: {  	[sflag:s22] =	ssyncset.done $0x0  }
0x1c9: {  	s17 =	rddreg [dreg:$0x12];
	[sflag:s22] =	ssyncadd.s32 $0xFFFF8000  }
0x1ca: {  	[hbm4b:s17+s5] =	stream.linear.scatter [tilespmem:s13], [sflag:$0x3], $0x8000, $0x38;
	[tilespmem:$0x11600] =	vst v63  }
0x1cb: {  	_ =	swait.ge [sflag:s10], $0x8000  }
0x1cc: {  	[sflag:s10] =	ssyncset.done $0x0  }
0x1cd: {  	[sflag:s10] =	ssyncadd.s32 $0xFFFF8000  }
0x1ce: {  	v3 =	vld [tilespmem:$0xD00];
	_ =	sdelay $0x4  }
0x1cf: {  	v48 =	vshll.u32 v3, $0x3  }
0x1d0: {  	v3 =	vand.u32 $0x7, v3;
	v4 =	vand.u32 $0xFFFFFFC0, v48  }
0x1d1: {  	v3 =	vor.u32 v3, v4  }
0x1d2: {  	v4 =	vperm.xlane v3, v0;
	_ =	sdelay $0x1  }
0x1d3: {  	v4 =	vadd.s32 v1, v4;
	_ =	sdelay $0x4  }
0x1d4: {  	[tilespmem:s13], [sflag:$0x1] =	stream.indirect_vreg.gather [hbm4b:s1+s5], $0x80, v4, vm0, $0xb8;
	[tilespmem:$0x11600] =	vst v63  }
0x1d5: {  	s18 =	simm.s32 $0x1600;
	v3 =	vperm.xlane v3, v2  }
0x1d6: {  	[tilespmem:s18], [sflag:$0x1] =	stream.indirect_vreg.gather [hbm4b:s6+s5], $0x80, v4, vm0, $0xb8;
	[tilespmem:$0x11600] =	vst v63  }
0x1d7: {  	s20 =	simm.s32 $0x1E00;
	v3 =	vadd.s32 v1, v3  }
0x1d8: {  	[tilespmem:s20], [sflag:$0x1] =	stream.indirect_vreg.gather [hbm4b:s7+s5], $0x80, v4, vm0, $0xb8;
	[tilespmem:$0x11600] =	vst v63  }
0x1d9: {  	s20 =	simm.s32 $0x2600  }
0x1da: {  	[tilespmem:s20], [sflag:$0x1] =	stream.indirect_vreg.gather [hbm4b:s8+s5], $0x80, v4, vm0, $0xb8;
	[tilespmem:$0x11600] =	vst v63  }
0x1db: {  	s24 =	simm.s32 $0x2E00  }
0x1dc: {  	[tilespmem:s24], [sflag:$0x1] =	stream.indirect_vreg.gather [hbm4b:s1+s5], $0x80, v3, vm0, $0xb8;
	[tilespmem:$0x11600] =	vst v63  }
0x1dd: {  	s20 =	simm.s32 $0x3600  }
0x1de: {  	[tilespmem:s20], [sflag:$0x1] =	stream.indirect_vreg.gather [hbm4b:s6+s5], $0x80, v3, vm0, $0xb8;
	[tilespmem:$0x11600] =	vst v63  }
0x1df: {  	s24 =	simm.s32 $0x3E00  }
0x1e0: {  	[tilespmem:s24], [sflag:$0x1] =	stream.indirect_vreg.gather [hbm4b:s7+s5], $0x80, v3, vm0, $0xb8;
	[tilespmem:$0x11600] =	vst v63  }
0x1e1: {  	s20 =	simm.s32 $0x4600  }
0x1e2: {  	[tilespmem:s20], [sflag:$0x1] =	stream.indirect_vreg.gather [hbm4b:s8+s5], $0x80, v3, vm0, $0xb8;
	[tilespmem:$0x11600] =	vst v63  }
0x1e3: {  	v3 =	vld [tilespmem:$0xD10];
	_ =	sdelay $0x4  }
0x1e4: {  	v49 =	vshll.u32 v3, $0x3  }
0x1e5: {  	v3 =	vand.u32 $0x7, v3;
	v4 =	vand.u32 $0xFFFFFFC0, v49  }
0x1e6: {  	v3 =	vor.u32 v3, v4  }
0x1e7: {  	v4 =	vperm.xlane v3, v0;
	_ =	sdelay $0x1  }
0x1e8: {  	v4 =	vadd.s32 v1, v4;
	_ =	sdelay $0x3  }
0x1e9: {  	s24 =	simm.s32 $0x4E00  }
0x1ea: {  	[tilespmem:s24], [sflag:$0x1] =	stream.indirect_vreg.gather [hbm4b:s1+s5], $0x80, v4, vm0, $0xb8;
	[tilespmem:$0x11600] =	vst v63  }
0x1eb: {  	s3 =	simm.s32 $0x5600;
	v3 =	vperm.xlane v3, v2  }
0x1ec: {  	[tilespmem:s3], [sflag:$0x1] =	stream.indirect_vreg.gather [hbm4b:s6+s5], $0x80, v4, vm0, $0xb8;
	[tilespmem:$0x11600] =	vst v63  }
0x1ed: {  	s2 =	simm.s32 $0x5E00;
	v3 =	vadd.s32 v1, v3  }
0x1ee: {  	[tilespmem:s2], [sflag:$0x1] =	stream.indirect_vreg.gather [hbm4b:s7+s5], $0x80, v4, vm0, $0xb8;
	[tilespmem:$0x11600] =	vst v63  }
0x1ef: {  	s21 =	simm.s32 $0x6600  }
0x1f0: {  	[tilespmem:s21], [sflag:$0x1] =	stream.indirect_vreg.gather [hbm4b:s8+s5], $0x80, v4, vm0, $0xb8;
	[tilespmem:$0x11600] =	vst v63  }
0x1f1: {  	s17 =	simm.s32 $0x6E00  }
0x1f2: {  	[tilespmem:s17], [sflag:$0x1] =	stream.indirect_vreg.gather [hbm4b:s1+s5], $0x80, v3, vm0, $0xb8;
	[tilespmem:$0x11600] =	vst v63  }
0x1f3: {  	s24 =	simm.s32 $0x7600  }
0x1f4: {  	[tilespmem:s24], [sflag:$0x1] =	stream.indirect_vreg.gather [hbm4b:s6+s5], $0x80, v3, vm0, $0xb8;
	[tilespmem:$0x11600] =	vst v63  }
0x1f5: {  	s31 =	simm.s32 $0x7E00  }
0x1f6: {  	[tilespmem:s31], [sflag:$0x1] =	stream.indirect_vreg.gather [hbm4b:s7+s5], $0x80, v3, vm0, $0xb8;
	[tilespmem:$0x11600] =	vst v63  }
0x1f7: {  	s4 =	simm.s32 $0x8600  }
0x1f8: {  	[tilespmem:s4], [sflag:$0x1] =	stream.indirect_vreg.gather [hbm4b:s8+s5], $0x80, v3, vm0, $0xb8;
	[tilespmem:$0x11600] =	vst v63  }
0x1f9: {  	_ =	swait.ge [sflag:s23], $0x8000  }
0x1fa: {  	[sflag:s23] =	ssyncset.done $0x0  }
0x1fb: {  	s4 =	rddreg [dreg:$0x13];
	[sflag:s23] =	ssyncadd.s32 $0xFFFF8000  }
0x1fc: {  	[hbm4b:s4+s5] =	stream.linear.scatter [tilespmem:s30], [sflag:$0x3], $0x8000, $0x38;
	[tilespmem:$0x11600] =	vst v63  }
0x1fd: {  	_ =	swait.ge [sflag:s10], $0x8000  }
0x1fe: {  	[sflag:s10] =	ssyncset.done $0x0  }
0x1ff: {  	[sflag:s10] =	ssyncadd.s32 $0xFFFF8000  }
0x200: {  	v3 =	vld [tilespmem:$0xD20];
	_ =	sdelay $0x4  }
0x201: {  	v50 =	vshll.u32 v3, $0x3  }
0x202: {  	v3 =	vand.u32 $0x7, v3;
	v4 =	vand.u32 $0xFFFFFFC0, v50  }
0x203: {  	v3 =	vor.u32 v3, v4  }
0x204: {  	v4 =	vperm.xlane v3, v0;
	_ =	sdelay $0x1  }
0x205: {  	v4 =	vadd.s32 v1, v4;
	_ =	sdelay $0x4  }
0x206: {  	[tilespmem:s30], [sflag:$0x2] =	stream.indirect_vreg.gather [hbm4b:s1+s5], $0x80, v4, vm0, $0xb8;
	[tilespmem:$0x11600] =	vst v63  }
0x207: {  	s24 =	simm.s32 $0x9600;
	v3 =	vperm.xlane v3, v2  }
0x208: {  	[tilespmem:s24], [sflag:$0x2] =	stream.indirect_vreg.gather [hbm4b:s6+s5], $0x80, v4, vm0, $0xb8;
	[tilespmem:$0x11600] =	vst v63  }
0x209: {  	s28 =	simm.s32 $0x9E00;
	v3 =	vadd.s32 v1, v3  }
0x20a: {  	[tilespmem:s28], [sflag:$0x2] =	stream.indirect_vreg.gather [hbm4b:s7+s5], $0x80, v4, vm0, $0xb8;
	[tilespmem:$0x11600] =	vst v63  }
0x20b: {  	s29 =	simm.s32 $0xA600  }
0x20c: {  	[tilespmem:s29], [sflag:$0x2] =	stream.indirect_vreg.gather [hbm4b:s8+s5], $0x80, v4, vm0, $0xb8;
	[tilespmem:$0x11600] =	vst v63  }
0x20d: {  	s15 =	simm.s32 $0xAE00  }
0x20e: {  	[tilespmem:s15], [sflag:$0x2] =	stream.indirect_vreg.gather [hbm4b:s1+s5], $0x80, v3, vm0, $0xb8;
	[tilespmem:$0x11600] =	vst v63  }
0x20f: {  	s9 =	simm.s32 $0xB600  }
0x210: {  	[tilespmem:s9], [sflag:$0x2] =	stream.indirect_vreg.gather [hbm4b:s6+s5], $0x80, v3, vm0, $0xb8;
	[tilespmem:$0x11600] =	vst v63  }
0x211: {  	s0 =	simm.s32 $0xBE00  }
0x212: {  	[tilespmem:s0], [sflag:$0x2] =	stream.indirect_vreg.gather [hbm4b:s7+s5], $0x80, v3, vm0, $0xb8;
	[tilespmem:$0x11600] =	vst v63  }
0x213: {  	s26 =	simm.s32 $0xC600  }
0x214: {  	[tilespmem:s26], [sflag:$0x2] =	stream.indirect_vreg.gather [hbm4b:s8+s5], $0x80, v3, vm0, $0xb8;
	[tilespmem:$0x11600] =	vst v63  }
0x215: {  	v3 =	vld [tilespmem:$0xD30];
	_ =	sdelay $0x4  }
0x216: {  	v51 =	vshll.u32 v3, $0x3  }
0x217: {  	v3 =	vand.u32 $0x7, v3;
	v4 =	vand.u32 $0xFFFFFFC0, v51  }
0x218: {  	v3 =	vor.u32 v3, v4  }
0x219: {  	v4 =	vperm.xlane v3, v0;
	_ =	sdelay $0x1  }
0x21a: {  	v4 =	vadd.s32 v1, v4;
	_ =	sdelay $0x3  }
0x21b: {  	s24 =	simm.s32 $0xCE00  }
0x21c: {  	[tilespmem:s24], [sflag:$0x2] =	stream.indirect_vreg.gather [hbm4b:s1+s5], $0x80, v4, vm0, $0xb8;
	[tilespmem:$0x11600] =	vst v63  }
0x21d: {  	s28 =	simm.s32 $0xD600;
	v3 =	vperm.xlane v3, v2  }
0x21e: {  	[tilespmem:s28], [sflag:$0x2] =	stream.indirect_vreg.gather [hbm4b:s6+s5], $0x80, v4, vm0, $0xb8;
	[tilespmem:$0x11600] =	vst v63  }
0x21f: {  	s25 =	simm.s32 $0xDE00;
	v3 =	vadd.s32 v1, v3  }
0x220: {  	[tilespmem:s25], [sflag:$0x2] =	stream.indirect_vreg.gather [hbm4b:s7+s5], $0x80, v4, vm0, $0xb8;
	[tilespmem:$0x11600] =	vst v63  }
0x221: {  	s19 =	simm.s32 $0xE600  }
0x222: {  	[tilespmem:s19], [sflag:$0x2] =	stream.indirect_vreg.gather [hbm4b:s8+s5], $0x80, v4, vm0, $0xb8;
	[tilespmem:$0x11600] =	vst v63  }
0x223: {  	s11 =	simm.s32 $0xEE00  }
0x224: {  	[tilespmem:s11], [sflag:$0x2] =	stream.indirect_vreg.gather [hbm4b:s1+s5], $0x80, v3, vm0, $0xb8;
	[tilespmem:$0x11600] =	vst v63  }
0x225: {  	s12 =	simm.s32 $0xF600  }
0x226: {  	[tilespmem:s12], [sflag:$0x2] =	stream.indirect_vreg.gather [hbm4b:s6+s5], $0x80, v3, vm0, $0xb8;
	[tilespmem:$0x11600] =	vst v63  }
0x227: {  	s14 =	simm.s32 $0xFE00  }
0x228: {  	[tilespmem:s14], [sflag:$0x2] =	stream.indirect_vreg.gather [hbm4b:s7+s5], $0x80, v3, vm0, $0xb8;
	[tilespmem:$0x11600] =	vst v63  }
0x229: {  	s16 =	simm.s32 $0x10600  }
0x22a: {  	[tilespmem:s16], [sflag:$0x2] =	stream.indirect_vreg.gather [hbm4b:s8+s5], $0x80, v3, vm0, $0xb8;
	[tilespmem:$0x11600] =	vst v63  }
0x22b: {  	_ =	swait.ge [sflag:s22], $0x8000  }
0x22c: {  	[sflag:s22] =	ssyncset.done $0x0  }
0x22d: {  	s16 =	rddreg [dreg:$0x14];
	[sflag:s22] =	ssyncadd.s32 $0xFFFF8000  }
0x22e: {  	[hbm4b:s16+s5] =	stream.linear.scatter [tilespmem:s13], [sflag:$0x3], $0x8000, $0x38;
	[tilespmem:$0x11600] =	vst v63  }
0x22f: {  	_ =	swait.ge [sflag:s10], $0x8000  }
0x230: {  	[sflag:s10] =	ssyncset.done $0x0  }
0x231: {  	[sflag:s10] =	ssyncadd.s32 $0xFFFF8000  }
0x232: {  	v3 =	vld [tilespmem:$0xD40];
	_ =	sdelay $0x4  }
0x233: {  	v52 =	vshll.u32 v3, $0x3  }
0x234: {  	v3 =	vand.u32 $0x7, v3;
	v4 =	vand.u32 $0xFFFFFFC0, v52  }
0x235: {  	v3 =	vor.u32 v3, v4  }
0x236: {  	v4 =	vperm.xlane v3, v0;
	_ =	sdelay $0x1  }
0x237: {  	v4 =	vadd.s32 v1, v4;
	_ =	sdelay $0x4  }
0x238: {  	[tilespmem:s13], [sflag:$0x1] =	stream.indirect_vreg.gather [hbm4b:s1+s5], $0x80, v4, vm0, $0xb8;
	[tilespmem:$0x11600] =	vst v63  }
0x239: {  	s24 =	simm.s32 $0x1600;
	v3 =	vperm.xlane v3, v2  }
0x23a: {  	[tilespmem:s24], [sflag:$0x1] =	stream.indirect_vreg.gather [hbm4b:s6+s5], $0x80, v4, vm0, $0xb8;
	[tilespmem:$0x11600] =	vst v63  }
0x23b: {  	s18 =	simm.s32 $0x1E00;
	v3 =	vadd.s32 v1, v3  }
0x23c: {  	[tilespmem:s18], [sflag:$0x1] =	stream.indirect_vreg.gather [hbm4b:s7+s5], $0x80, v4, vm0, $0xb8;
	[tilespmem:$0x11600] =	vst v63  }
0x23d: {  	s25 =	simm.s32 $0x2600  }
0x23e: {  	[tilespmem:s25], [sflag:$0x1] =	stream.indirect_vreg.gather [hbm4b:s8+s5], $0x80, v4, vm0, $0xb8;
	[tilespmem:$0x11600] =	vst v63  }
0x23f: {  	s18 =	simm.s32 $0x2E00  }
0x240: {  	[tilespmem:s18], [sflag:$0x1] =	stream.indirect_vreg.gather [hbm4b:s1+s5], $0x80, v3, vm0, $0xb8;
	[tilespmem:$0x11600] =	vst v63  }
0x241: {  	s24 =	simm.s32 $0x3600  }
0x242: {  	[tilespmem:s24], [sflag:$0x1] =	stream.indirect_vreg.gather [hbm4b:s6+s5], $0x80, v3, vm0, $0xb8;
	[tilespmem:$0x11600] =	vst v63  }
0x243: {  	s25 =	simm.s32 $0x3E00  }
0x244: {  	[tilespmem:s25], [sflag:$0x1] =	stream.indirect_vreg.gather [hbm4b:s7+s5], $0x80, v3, vm0, $0xb8;
	[tilespmem:$0x11600] =	vst v63  }
0x245: {  	s18 =	simm.s32 $0x4600  }
0x246: {  	[tilespmem:s18], [sflag:$0x1] =	stream.indirect_vreg.gather [hbm4b:s8+s5], $0x80, v3, vm0, $0xb8;
	[tilespmem:$0x11600] =	vst v63  }
0x247: {  	v3 =	vld [tilespmem:$0xD50];
	_ =	sdelay $0x4  }
0x248: {  	v53 =	vshll.u32 v3, $0x3  }
0x249: {  	v3 =	vand.u32 $0x7, v3;
	v4 =	vand.u32 $0xFFFFFFC0, v53  }
0x24a: {  	v3 =	vor.u32 v3, v4  }
0x24b: {  	v4 =	vperm.xlane v3, v0;
	_ =	sdelay $0x1  }
0x24c: {  	v4 =	vadd.s32 v1, v4;
	_ =	sdelay $0x3  }
0x24d: {  	s24 =	simm.s32 $0x4E00  }
0x24e: {  	[tilespmem:s24], [sflag:$0x1] =	stream.indirect_vreg.gather [hbm4b:s1+s5], $0x80, v4, vm0, $0xb8;
	[tilespmem:$0x11600] =	vst v63  }
0x24f: {  	s20 =	simm.s32 $0x5600;
	v3 =	vperm.xlane v3, v2  }
0x250: {  	[tilespmem:s20], [sflag:$0x1] =	stream.indirect_vreg.gather [hbm4b:s6+s5], $0x80, v4, vm0, $0xb8;
	[tilespmem:$0x11600] =	vst v63  }
0x251: {  	s2 =	simm.s32 $0x5E00;
	v3 =	vadd.s32 v1, v3  }
0x252: {  	[tilespmem:s2], [sflag:$0x1] =	stream.indirect_vreg.gather [hbm4b:s7+s5], $0x80, v4, vm0, $0xb8;
	[tilespmem:$0x11600] =	vst v63  }
0x253: {  	s21 =	simm.s32 $0x6600  }
0x254: {  	[tilespmem:s21], [sflag:$0x1] =	stream.indirect_vreg.gather [hbm4b:s8+s5], $0x80, v4, vm0, $0xb8;
	[tilespmem:$0x11600] =	vst v63  }
0x255: {  	s17 =	simm.s32 $0x6E00  }
0x256: {  	[tilespmem:s17], [sflag:$0x1] =	stream.indirect_vreg.gather [hbm4b:s1+s5], $0x80, v3, vm0, $0xb8;
	[tilespmem:$0x11600] =	vst v63  }
0x257: {  	s25 =	simm.s32 $0x7600  }
0x258: {  	[tilespmem:s25], [sflag:$0x1] =	stream.indirect_vreg.gather [hbm4b:s6+s5], $0x80, v3, vm0, $0xb8;
	[tilespmem:$0x11600] =	vst v63  }
0x259: {  	s31 =	simm.s32 $0x7E00  }
0x25a: {  	[tilespmem:s31], [sflag:$0x1] =	stream.indirect_vreg.gather [hbm4b:s7+s5], $0x80, v3, vm0, $0xb8;
	[tilespmem:$0x11600] =	vst v63  }
0x25b: {  	s3 =	simm.s32 $0x8600  }
0x25c: {  	[tilespmem:s3], [sflag:$0x1] =	stream.indirect_vreg.gather [hbm4b:s8+s5], $0x80, v3, vm0, $0xb8;
	[tilespmem:$0x11600] =	vst v63  }
0x25d: {  	_ =	swait.ge [sflag:s23], $0x8000  }
0x25e: {  	[sflag:s23] =	ssyncset.done $0x0  }
0x25f: {  	s18 =	rddreg [dreg:$0x15];
	[sflag:s23] =	ssyncadd.s32 $0xFFFF8000  }
0x260: {  	[hbm4b:s18+s5] =	stream.linear.scatter [tilespmem:s30], [sflag:$0x3], $0x8000, $0x38;
	[tilespmem:$0x11600] =	vst v63  }
0x261: {  	_ =	swait.ge [sflag:s10], $0x8000  }
0x262: {  	[sflag:s10] =	ssyncset.done $0x0  }
0x263: {  	[sflag:s10] =	ssyncadd.s32 $0xFFFF8000  }
0x264: {  	v3 =	vld [tilespmem:$0xD60];
	_ =	sdelay $0x4  }
0x265: {  	v54 =	vshll.u32 v3, $0x3  }
0x266: {  	v3 =	vand.u32 $0x7, v3;
	v4 =	vand.u32 $0xFFFFFFC0, v54  }
0x267: {  	v3 =	vor.u32 v3, v4  }
0x268: {  	v4 =	vperm.xlane v3, v0;
	_ =	sdelay $0x1  }
0x269: {  	v4 =	vadd.s32 v1, v4;
	_ =	sdelay $0x4  }
0x26a: {  	[tilespmem:s30], [sflag:$0x2] =	stream.indirect_vreg.gather [hbm4b:s1+s5], $0x80, v4, vm0, $0xb8;
	[tilespmem:$0x11600] =	vst v63  }
0x26b: {  	s24 =	simm.s32 $0x9600;
	v3 =	vperm.xlane v3, v2  }
0x26c: {  	[tilespmem:s24], [sflag:$0x2] =	stream.indirect_vreg.gather [hbm4b:s6+s5], $0x80, v4, vm0, $0xb8;
	[tilespmem:$0x11600] =	vst v63  }
0x26d: {  	s4 =	simm.s32 $0x9E00;
	v3 =	vadd.s32 v1, v3  }
0x26e: {  	[tilespmem:s4], [sflag:$0x2] =	stream.indirect_vreg.gather [hbm4b:s7+s5], $0x80, v4, vm0, $0xb8;
	[tilespmem:$0x11600] =	vst v63  }
0x26f: {  	s25 =	simm.s32 $0xA600  }
0x270: {  	[tilespmem:s25], [sflag:$0x2] =	stream.indirect_vreg.gather [hbm4b:s8+s5], $0x80, v4, vm0, $0xb8;
	[tilespmem:$0x11600] =	vst v63  }
0x271: {  	s29 =	simm.s32 $0xAE00  }
0x272: {  	[tilespmem:s29], [sflag:$0x2] =	stream.indirect_vreg.gather [hbm4b:s1+s5], $0x80, v3, vm0, $0xb8;
	[tilespmem:$0x11600] =	vst v63  }
0x273: {  	s9 =	simm.s32 $0xB600  }
0x274: {  	[tilespmem:s9], [sflag:$0x2] =	stream.indirect_vreg.gather [hbm4b:s6+s5], $0x80, v3, vm0, $0xb8;
	[tilespmem:$0x11600] =	vst v63  }
0x275: {  	s0 =	simm.s32 $0xBE00  }
0x276: {  	[tilespmem:s0], [sflag:$0x2] =	stream.indirect_vreg.gather [hbm4b:s7+s5], $0x80, v3, vm0, $0xb8;
	[tilespmem:$0x11600] =	vst v63  }
0x277: {  	s26 =	simm.s32 $0xC600  }
0x278: {  	[tilespmem:s26], [sflag:$0x2] =	stream.indirect_vreg.gather [hbm4b:s8+s5], $0x80, v3, vm0, $0xb8;
	[tilespmem:$0x11600] =	vst v63  }
0x279: {  	v3 =	vld [tilespmem:$0xD70];
	_ =	sdelay $0x4  }
0x27a: {  	v55 =	vshll.u32 v3, $0x3  }
0x27b: {  	v3 =	vand.u32 $0x7, v3;
	v4 =	vand.u32 $0xFFFFFFC0, v55  }
0x27c: {  	v3 =	vor.u32 v3, v4  }
0x27d: {  	v4 =	vperm.xlane v3, v0;
	_ =	sdelay $0x1  }
0x27e: {  	v4 =	vadd.s32 v1, v4;
	_ =	sdelay $0x3  }
0x27f: {  	s26 =	simm.s32 $0xCE00  }
0x280: {  	[tilespmem:s26], [sflag:$0x2] =	stream.indirect_vreg.gather [hbm4b:s1+s5], $0x80, v4, vm0, $0xb8;
	[tilespmem:$0x11600] =	vst v63  }
0x281: {  	s29 =	simm.s32 $0xD600;
	v3 =	vperm.xlane v3, v2  }
0x282: {  	[tilespmem:s29], [sflag:$0x2] =	stream.indirect_vreg.gather [hbm4b:s6+s5], $0x80, v4, vm0, $0xb8;
	[tilespmem:$0x11600] =	vst v63  }
0x283: {  	s28 =	simm.s32 $0xDE00;
	v3 =	vadd.s32 v1, v3  }
0x284: {  	[tilespmem:s28], [sflag:$0x2] =	stream.indirect_vreg.gather [hbm4b:s7+s5], $0x80, v4, vm0, $0xb8;
	[tilespmem:$0x11600] =	vst v63  }
0x285: {  	s15 =	simm.s32 $0xE600  }
0x286: {  	[tilespmem:s15], [sflag:$0x2] =	stream.indirect_vreg.gather [hbm4b:s8+s5], $0x80, v4, vm0, $0xb8;
	[tilespmem:$0x11600] =	vst v63  }
0x287: {  	s19 =	simm.s32 $0xEE00  }
0x288: {  	[tilespmem:s19], [sflag:$0x2] =	stream.indirect_vreg.gather [hbm4b:s1+s5], $0x80, v3, vm0, $0xb8;
	[tilespmem:$0x11600] =	vst v63  }
0x289: {  	s11 =	simm.s32 $0xF600  }
0x28a: {  	[tilespmem:s11], [sflag:$0x2] =	stream.indirect_vreg.gather [hbm4b:s6+s5], $0x80, v3, vm0, $0xb8;
	[tilespmem:$0x11600] =	vst v63  }
0x28b: {  	s12 =	simm.s32 $0xFE00  }
0x28c: {  	[tilespmem:s12], [sflag:$0x2] =	stream.indirect_vreg.gather [hbm4b:s7+s5], $0x80, v3, vm0, $0xb8;
	[tilespmem:$0x11600] =	vst v63  }
0x28d: {  	s14 =	simm.s32 $0x10600  }
0x28e: {  	[tilespmem:s14], [sflag:$0x2] =	stream.indirect_vreg.gather [hbm4b:s8+s5], $0x80, v3, vm0, $0xb8;
	[tilespmem:$0x11600] =	vst v63  }
0x28f: {  	_ =	swait.ge [sflag:s22], $0x8000  }
0x290: {  	[sflag:s22] =	ssyncset.done $0x0  }
0x291: {  	s4 =	rddreg [dreg:$0x16];
	[sflag:s22] =	ssyncadd.s32 $0xFFFF8000  }
0x292: {  	[hbm4b:s4+s5] =	stream.linear.scatter [tilespmem:s13], [sflag:$0x3], $0x8000, $0x38;
	[tilespmem:$0x11600] =	vst v63  }
0x293: {  	_ =	swait.ge [sflag:s10], $0x8000  }
0x294: {  	[sflag:s10] =	ssyncset.done $0x0  }
0x295: {  	[sflag:s10] =	ssyncadd.s32 $0xFFFF8000  }
0x296: {  	v3 =	vld [tilespmem:$0xD80];
	_ =	sdelay $0x4  }
0x297: {  	v56 =	vshll.u32 v3, $0x3  }
0x298: {  	v3 =	vand.u32 $0x7, v3;
	v4 =	vand.u32 $0xFFFFFFC0, v56  }
0x299: {  	v3 =	vor.u32 v3, v4  }
0x29a: {  	v4 =	vperm.xlane v3, v0;
	_ =	sdelay $0x1  }
0x29b: {  	v4 =	vadd.s32 v1, v4;
	_ =	sdelay $0x4  }
0x29c: {  	[tilespmem:s13], [sflag:$0x1] =	stream.indirect_vreg.gather [hbm4b:s1+s5], $0x80, v4, vm0, $0xb8;
	[tilespmem:$0x11600] =	vst v63  }
0x29d: {  	s9 =	simm.s32 $0x1600;
	v3 =	vperm.xlane v3, v2  }
0x29e: {  	[tilespmem:s9], [sflag:$0x1] =	stream.indirect_vreg.gather [hbm4b:s6+s5], $0x80, v4, vm0, $0xb8;
	[tilespmem:$0x11600] =	vst v63  }
0x29f: {  	s11 =	simm.s32 $0x1E00;
	v3 =	vadd.s32 v1, v3  }
0x2a0: {  	[tilespmem:s11], [sflag:$0x1] =	stream.indirect_vreg.gather [hbm4b:s7+s5], $0x80, v4, vm0, $0xb8;
	[tilespmem:$0x11600] =	vst v63  }
0x2a1: {  	s12 =	simm.s32 $0x2600  }
0x2a2: {  	[tilespmem:s12], [sflag:$0x1] =	stream.indirect_vreg.gather [hbm4b:s8+s5], $0x80, v4, vm0, $0xb8;
	[tilespmem:$0x11600] =	vst v63  }
0x2a3: {  	s14 =	simm.s32 $0x2E00  }
0x2a4: {  	[tilespmem:s14], [sflag:$0x1] =	stream.indirect_vreg.gather [hbm4b:s1+s5], $0x80, v3, vm0, $0xb8;
	[tilespmem:$0x11600] =	vst v63  }
0x2a5: {  	s24 =	simm.s32 $0x3600  }
0x2a6: {  	[tilespmem:s24], [sflag:$0x1] =	stream.indirect_vreg.gather [hbm4b:s6+s5], $0x80, v3, vm0, $0xb8;
	[tilespmem:$0x11600] =	vst v63  }
0x2a7: {  	s9 =	simm.s32 $0x3E00  }
0x2a8: {  	[tilespmem:s9], [sflag:$0x1] =	stream.indirect_vreg.gather [hbm4b:s7+s5], $0x80, v3, vm0, $0xb8;
	[tilespmem:$0x11600] =	vst v63  }
0x2a9: {  	s12 =	simm.s32 $0x4600  }
0x2aa: {  	[tilespmem:s12], [sflag:$0x1] =	stream.indirect_vreg.gather [hbm4b:s8+s5], $0x80, v3, vm0, $0xb8;
	[tilespmem:$0x11600] =	vst v63  }
0x2ab: {  	v3 =	vld [tilespmem:$0xD90];
	_ =	sdelay $0x4  }
0x2ac: {  	v57 =	vshll.u32 v3, $0x3  }
0x2ad: {  	v3 =	vand.u32 $0x7, v3;
	v4 =	vand.u32 $0xFFFFFFC0, v57  }
0x2ae: {  	v3 =	vor.u32 v3, v4  }
0x2af: {  	v4 =	vperm.xlane v3, v0;
	_ =	sdelay $0x1  }
0x2b0: {  	v4 =	vadd.s32 v1, v4;
	_ =	sdelay $0x3  }
0x2b1: {  	s14 =	simm.s32 $0x4E00  }
0x2b2: {  	[tilespmem:s14], [sflag:$0x1] =	stream.indirect_vreg.gather [hbm4b:s1+s5], $0x80, v4, vm0, $0xb8;
	[tilespmem:$0x11600] =	vst v63  }
0x2b3: {  	s20 =	simm.s32 $0x5600;
	v3 =	vperm.xlane v3, v2  }
0x2b4: {  	[tilespmem:s20], [sflag:$0x1] =	stream.indirect_vreg.gather [hbm4b:s6+s5], $0x80, v4, vm0, $0xb8;
	[tilespmem:$0x11600] =	vst v63  }
0x2b5: {  	s2 =	simm.s32 $0x5E00;
	v3 =	vadd.s32 v1, v3  }
0x2b6: {  	[tilespmem:s2], [sflag:$0x1] =	stream.indirect_vreg.gather [hbm4b:s7+s5], $0x80, v4, vm0, $0xb8;
	[tilespmem:$0x11600] =	vst v63  }
0x2b7: {  	s21 =	simm.s32 $0x6600  }
0x2b8: {  	[tilespmem:s21], [sflag:$0x1] =	stream.indirect_vreg.gather [hbm4b:s8+s5], $0x80, v4, vm0, $0xb8;
	[tilespmem:$0x11600] =	vst v63  }
0x2b9: {  	s17 =	simm.s32 $0x6E00  }
0x2ba: {  	[tilespmem:s17], [sflag:$0x1] =	stream.indirect_vreg.gather [hbm4b:s1+s5], $0x80, v3, vm0, $0xb8;
	[tilespmem:$0x11600] =	vst v63  }
0x2bb: {  	s16 =	simm.s32 $0x7600  }
0x2bc: {  	[tilespmem:s16], [sflag:$0x1] =	stream.indirect_vreg.gather [hbm4b:s6+s5], $0x80, v3, vm0, $0xb8;
	[tilespmem:$0x11600] =	vst v63  }
0x2bd: {  	s31 =	simm.s32 $0x7E00  }
0x2be: {  	[tilespmem:s31], [sflag:$0x1] =	stream.indirect_vreg.gather [hbm4b:s7+s5], $0x80, v3, vm0, $0xb8;
	[tilespmem:$0x11600] =	vst v63  }
0x2bf: {  	s3 =	simm.s32 $0x8600  }
0x2c0: {  	[tilespmem:s3], [sflag:$0x1] =	stream.indirect_vreg.gather [hbm4b:s8+s5], $0x80, v3, vm0, $0xb8;
	[tilespmem:$0x11600] =	vst v63  }
0x2c1: {  	_ =	swait.ge [sflag:s23], $0x8000  }
0x2c2: {  	[sflag:s23] =	ssyncset.done $0x0  }
0x2c3: {  	s17 =	rddreg [dreg:$0x17];
	[sflag:s23] =	ssyncadd.s32 $0xFFFF8000  }
0x2c4: {  	[hbm4b:s17+s5] =	stream.linear.scatter [tilespmem:s30], [sflag:$0x3], $0x8000, $0x38;
	[tilespmem:$0x11600] =	vst v63  }
0x2c5: {  	_ =	swait.ge [sflag:s10], $0x8000  }
0x2c6: {  	[sflag:s10] =	ssyncset.done $0x0  }
0x2c7: {  	[sflag:s10] =	ssyncadd.s32 $0xFFFF8000  }
0x2c8: {  	v3 =	vld [tilespmem:$0xDA0];
	_ =	sdelay $0x4  }
0x2c9: {  	v58 =	vshll.u32 v3, $0x3  }
0x2ca: {  	v3 =	vand.u32 $0x7, v3;
	v4 =	vand.u32 $0xFFFFFFC0, v58  }
0x2cb: {  	v3 =	vor.u32 v3, v4  }
0x2cc: {  	v4 =	vperm.xlane v3, v0;
	_ =	sdelay $0x1  }
0x2cd: {  	v4 =	vadd.s32 v1, v4;
	_ =	sdelay $0x4  }
0x2ce: {  	[tilespmem:s30], [sflag:$0x2] =	stream.indirect_vreg.gather [hbm4b:s1+s5], $0x80, v4, vm0, $0xb8;
	[tilespmem:$0x11600] =	vst v63  }
0x2cf: {  	s24 =	simm.s32 $0x9600;
	v3 =	vperm.xlane v3, v2  }
0x2d0: {  	[tilespmem:s24], [sflag:$0x2] =	stream.indirect_vreg.gather [hbm4b:s6+s5], $0x80, v4, vm0, $0xb8;
	[tilespmem:$0x11600] =	vst v63  }
0x2d1: {  	s18 =	simm.s32 $0x9E00;
	v3 =	vadd.s32 v1, v3  }
0x2d2: {  	[tilespmem:s18], [sflag:$0x2] =	stream.indirect_vreg.gather [hbm4b:s7+s5], $0x80, v4, vm0, $0xb8;
	[tilespmem:$0x11600] =	vst v63  }
0x2d3: {  	s31 =	simm.s32 $0xA600  }
0x2d4: {  	[tilespmem:s31], [sflag:$0x2] =	stream.indirect_vreg.gather [hbm4b:s8+s5], $0x80, v4, vm0, $0xb8;
	[tilespmem:$0x11600] =	vst v63  }
0x2d5: {  	s17 =	simm.s32 $0xAE00  }
0x2d6: {  	[tilespmem:s17], [sflag:$0x2] =	stream.indirect_vreg.gather [hbm4b:s1+s5], $0x80, v3, vm0, $0xb8;
	[tilespmem:$0x11600] =	vst v63  }
0x2d7: {  	s25 =	simm.s32 $0xB600  }
0x2d8: {  	[tilespmem:s25], [sflag:$0x2] =	stream.indirect_vreg.gather [hbm4b:s6+s5], $0x80, v3, vm0, $0xb8;
	[tilespmem:$0x11600] =	vst v63  }
0x2d9: {  	s0 =	simm.s32 $0xBE00  }
0x2da: {  	[tilespmem:s0], [sflag:$0x2] =	stream.indirect_vreg.gather [hbm4b:s7+s5], $0x80, v3, vm0, $0xb8;
	[tilespmem:$0x11600] =	vst v63  }
0x2db: {  	s18 =	simm.s32 $0xC600  }
0x2dc: {  	[tilespmem:s18], [sflag:$0x2] =	stream.indirect_vreg.gather [hbm4b:s8+s5], $0x80, v3, vm0, $0xb8;
	[tilespmem:$0x11600] =	vst v63  }
0x2dd: {  	v3 =	vld [tilespmem:$0xDB0];
	_ =	sdelay $0x4  }
0x2de: {  	v59 =	vshll.u32 v3, $0x3  }
0x2df: {  	v3 =	vand.u32 $0x7, v3;
	v4 =	vand.u32 $0xFFFFFFC0, v59  }
0x2e0: {  	v3 =	vor.u32 v3, v4  }
0x2e1: {  	v4 =	vperm.xlane v3, v0;
	_ =	sdelay $0x1  }
0x2e2: {  	v4 =	vadd.s32 v1, v4;
	_ =	sdelay $0x3  }
0x2e3: {  	s24 =	simm.s32 $0xCE00  }
0x2e4: {  	[tilespmem:s24], [sflag:$0x2] =	stream.indirect_vreg.gather [hbm4b:s1+s5], $0x80, v4, vm0, $0xb8;
	[tilespmem:$0x11600] =	vst v63  }
0x2e5: {  	s25 =	simm.s32 $0xD600;
	v3 =	vperm.xlane v3, v2  }
0x2e6: {  	[tilespmem:s25], [sflag:$0x2] =	stream.indirect_vreg.gather [hbm4b:s6+s5], $0x80, v4, vm0, $0xb8;
	[tilespmem:$0x11600] =	vst v63  }
0x2e7: {  	s29 =	simm.s32 $0xDE00;
	v3 =	vadd.s32 v1, v3  }
0x2e8: {  	[tilespmem:s29], [sflag:$0x2] =	stream.indirect_vreg.gather [hbm4b:s7+s5], $0x80, v4, vm0, $0xb8;
	[tilespmem:$0x11600] =	vst v63  }
0x2e9: {  	s26 =	simm.s32 $0xE600  }
0x2ea: {  	[tilespmem:s26], [sflag:$0x2] =	stream.indirect_vreg.gather [hbm4b:s8+s5], $0x80, v4, vm0, $0xb8;
	[tilespmem:$0x11600] =	vst v63  }
0x2eb: {  	s19 =	simm.s32 $0xEE00  }
0x2ec: {  	[tilespmem:s19], [sflag:$0x2] =	stream.indirect_vreg.gather [hbm4b:s1+s5], $0x80, v3, vm0, $0xb8;
	[tilespmem:$0x11600] =	vst v63  }
0x2ed: {  	s28 =	simm.s32 $0xF600  }
0x2ee: {  	[tilespmem:s28], [sflag:$0x2] =	stream.indirect_vreg.gather [hbm4b:s6+s5], $0x80, v3, vm0, $0xb8;
	[tilespmem:$0x11600] =	vst v63  }
0x2ef: {  	s15 =	simm.s32 $0xFE00  }
0x2f0: {  	[tilespmem:s15], [sflag:$0x2] =	stream.indirect_vreg.gather [hbm4b:s7+s5], $0x80, v3, vm0, $0xb8;
	[tilespmem:$0x11600] =	vst v63  }
0x2f1: {  	s28 =	simm.s32 $0x10600  }
0x2f2: {  	[tilespmem:s28], [sflag:$0x2] =	stream.indirect_vreg.gather [hbm4b:s8+s5], $0x80, v3, vm0, $0xb8;
	[tilespmem:$0x11600] =	vst v63  }
0x2f3: {  	_ =	swait.ge [sflag:s22], $0x8000  }
0x2f4: {  	[sflag:s22] =	ssyncset.done $0x0  }
0x2f5: {  	s29 =	rddreg [dreg:$0x18];
	[sflag:s22] =	ssyncadd.s32 $0xFFFF8000  }
0x2f6: {  	[hbm4b:s29+s5] =	stream.linear.scatter [tilespmem:s13], [sflag:$0x3], $0x8000, $0x38;
	[tilespmem:$0x11600] =	vst v63  }
0x2f7: {  	_ =	swait.ge [sflag:s10], $0x8000  }
0x2f8: {  	[sflag:s10] =	ssyncset.done $0x0  }
0x2f9: {  	[sflag:s10] =	ssyncadd.s32 $0xFFFF8000  }
0x2fa: {  	v3 =	vld [tilespmem:$0xDC0];
	_ =	sdelay $0x4  }
0x2fb: {  	v60 =	vshll.u32 v3, $0x3  }
0x2fc: {  	v3 =	vand.u32 $0x7, v3;
	v4 =	vand.u32 $0xFFFFFFC0, v60  }
0x2fd: {  	v3 =	vor.u32 v3, v4  }
0x2fe: {  	v4 =	vperm.xlane v3, v0;
	_ =	sdelay $0x1  }
0x2ff: {  	v4 =	vadd.s32 v1, v4;
	_ =	sdelay $0x4  }
0x300: {  	[tilespmem:s13], [sflag:$0x1] =	stream.indirect_vreg.gather [hbm4b:s1+s5], $0x80, v4, vm0, $0xb8;
	[tilespmem:$0x11600] =	vst v63  }
0x301: {  	s26 =	simm.s32 $0x1600;
	v3 =	vperm.xlane v3, v2  }
0x302: {  	[tilespmem:s26], [sflag:$0x1] =	stream.indirect_vreg.gather [hbm4b:s6+s5], $0x80, v4, vm0, $0xb8;
	[tilespmem:$0x11600] =	vst v63  }
0x303: {  	s11 =	simm.s32 $0x1E00;
	v3 =	vadd.s32 v1, v3  }
0x304: {  	[tilespmem:s11], [sflag:$0x1] =	stream.indirect_vreg.gather [hbm4b:s7+s5], $0x80, v4, vm0, $0xb8;
	[tilespmem:$0x11600] =	vst v63  }
0x305: {  	s28 =	simm.s32 $0x2600  }
0x306: {  	[tilespmem:s28], [sflag:$0x1] =	stream.indirect_vreg.gather [hbm4b:s8+s5], $0x80, v4, vm0, $0xb8;
	[tilespmem:$0x11600] =	vst v63  }
0x307: {  	s29 =	simm.s32 $0x2E00  }
0x308: {  	[tilespmem:s29], [sflag:$0x1] =	stream.indirect_vreg.gather [hbm4b:s1+s5], $0x80, v3, vm0, $0xb8;
	[tilespmem:$0x11600] =	vst v63  }
0x309: {  	s24 =	simm.s32 $0x3600  }
0x30a: {  	[tilespmem:s24], [sflag:$0x1] =	stream.indirect_vreg.gather [hbm4b:s6+s5], $0x80, v3, vm0, $0xb8;
	[tilespmem:$0x11600] =	vst v63  }
0x30b: {  	s26 =	simm.s32 $0x3E00  }
0x30c: {  	[tilespmem:s26], [sflag:$0x1] =	stream.indirect_vreg.gather [hbm4b:s7+s5], $0x80, v3, vm0, $0xb8;
	[tilespmem:$0x11600] =	vst v63  }
0x30d: {  	s28 =	simm.s32 $0x4600  }
0x30e: {  	[tilespmem:s28], [sflag:$0x1] =	stream.indirect_vreg.gather [hbm4b:s8+s5], $0x80, v3, vm0, $0xb8;
	[tilespmem:$0x11600] =	vst v63  }
0x30f: {  	v3 =	vld [tilespmem:$0xDD0];
	_ =	sdelay $0x4  }
0x310: {  	v61 =	vshll.u32 v3, $0x3  }
0x311: {  	v3 =	vand.u32 $0x7, v3;
	v4 =	vand.u32 $0xFFFFFFC0, v61  }
0x312: {  	v3 =	vor.u32 v3, v4  }
0x313: {  	v4 =	vperm.xlane v3, v0;
	_ =	sdelay $0x1  }
0x314: {  	v4 =	vadd.s32 v1, v4;
	_ =	sdelay $0x3  }
0x315: {  	s29 =	simm.s32 $0x4E00  }
0x316: {  	[tilespmem:s29], [sflag:$0x1] =	stream.indirect_vreg.gather [hbm4b:s1+s5], $0x80, v4, vm0, $0xb8;
	[tilespmem:$0x11600] =	vst v63  }
0x317: {  	s9 =	simm.s32 $0x5600;
	v3 =	vperm.xlane v3, v2  }
0x318: {  	[tilespmem:s9], [sflag:$0x1] =	stream.indirect_vreg.gather [hbm4b:s6+s5], $0x80, v4, vm0, $0xb8;
	[tilespmem:$0x11600] =	vst v63  }
0x319: {  	s12 =	simm.s32 $0x5E00;
	v3 =	vadd.s32 v1, v3  }
0x31a: {  	[tilespmem:s12], [sflag:$0x1] =	stream.indirect_vreg.gather [hbm4b:s7+s5], $0x80, v4, vm0, $0xb8;
	[tilespmem:$0x11600] =	vst v63  }
0x31b: {  	s20 =	simm.s32 $0x6600  }
0x31c: {  	[tilespmem:s20], [sflag:$0x1] =	stream.indirect_vreg.gather [hbm4b:s8+s5], $0x80, v4, vm0, $0xb8;
	[tilespmem:$0x11600] =	vst v63  }
0x31d: {  	s4 =	simm.s32 $0x6E00  }
0x31e: {  	[tilespmem:s4], [sflag:$0x1] =	stream.indirect_vreg.gather [hbm4b:s1+s5], $0x80, v3, vm0, $0xb8;
	[tilespmem:$0x11600] =	vst v63  }
0x31f: {  	s14 =	simm.s32 $0x7600  }
0x320: {  	[tilespmem:s14], [sflag:$0x1] =	stream.indirect_vreg.gather [hbm4b:s6+s5], $0x80, v3, vm0, $0xb8;
	[tilespmem:$0x11600] =	vst v63  }
0x321: {  	s21 =	simm.s32 $0x7E00  }
0x322: {  	[tilespmem:s21], [sflag:$0x1] =	stream.indirect_vreg.gather [hbm4b:s7+s5], $0x80, v3, vm0, $0xb8;
	[tilespmem:$0x11600] =	vst v63  }
0x323: {  	s2 =	simm.s32 $0x8600  }
0x324: {  	[tilespmem:s2], [sflag:$0x1] =	stream.indirect_vreg.gather [hbm4b:s8+s5], $0x80, v3, vm0, $0xb8;
	[tilespmem:$0x11600] =	vst v63  }
0x325: {  	_ =	swait.ge [sflag:s23], $0x8000  }
0x326: {  	[sflag:s23] =	ssyncset.done $0x0  }
0x327: {  	s12 =	rddreg [dreg:$0x19];
	[sflag:s23] =	ssyncadd.s32 $0xFFFF8000  }
0x328: {  	[hbm4b:s12+s5] =	stream.linear.scatter [tilespmem:s30], [sflag:$0x3], $0x8000, $0x38;
	[tilespmem:$0x11600] =	vst v63  }
0x329: {  	_ =	swait.ge [sflag:s10], $0x8000  }
0x32a: {  	[sflag:s10] =	ssyncset.done $0x0  }
0x32b: {  	[sflag:s10] =	ssyncadd.s32 $0xFFFF8000  }
0x32c: {  	v3 =	vld [tilespmem:$0xDE0];
	_ =	sdelay $0x4  }
0x32d: {  	v62 =	vshll.u32 v3, $0x3  }
0x32e: {  	v3 =	vand.u32 $0x7, v3;
	v4 =	vand.u32 $0xFFFFFFC0, v62  }
0x32f: {  	v3 =	vor.u32 v3, v4  }
0x330: {  	v4 =	vperm.xlane v3, v0;
	_ =	sdelay $0x1  }
0x331: {  	v4 =	vadd.s32 v1, v4;
	_ =	sdelay $0x4  }
0x332: {  	[tilespmem:s30], [sflag:$0x2] =	stream.indirect_vreg.gather [hbm4b:s1+s5], $0x80, v4, vm0, $0xb8;
	[tilespmem:$0x11600] =	vst v63  }
0x333: {  	s14 =	simm.s32 $0x9600;
	v3 =	vperm.xlane v3, v2  }
0x334: {  	[tilespmem:s14], [sflag:$0x2] =	stream.indirect_vreg.gather [hbm4b:s6+s5], $0x80, v4, vm0, $0xb8;
	[tilespmem:$0x11600] =	vst v63  }
0x335: {  	s16 =	simm.s32 $0x9E00;
	v3 =	vadd.s32 v1, v3  }
0x336: {  	[tilespmem:s16], [sflag:$0x2] =	stream.indirect_vreg.gather [hbm4b:s7+s5], $0x80, v4, vm0, $0xb8;
	[tilespmem:$0x11600] =	vst v63  }
0x337: {  	s16 =	simm.s32 $0xA600  }
0x338: {  	[tilespmem:s16], [sflag:$0x2] =	stream.indirect_vreg.gather [hbm4b:s8+s5], $0x80, v4, vm0, $0xb8;
	[tilespmem:$0x11600] =	vst v63  }
0x339: {  	s20 =	simm.s32 $0xAE00  }
0x33a: {  	[tilespmem:s20], [sflag:$0x2] =	stream.indirect_vreg.gather [hbm4b:s1+s5], $0x80, v3, vm0, $0xb8;
	[tilespmem:$0x11600] =	vst v63  }
0x33b: {  	s17 =	simm.s32 $0xB600  }
0x33c: {  	[tilespmem:s17], [sflag:$0x2] =	stream.indirect_vreg.gather [hbm4b:s6+s5], $0x80, v3, vm0, $0xb8;
	[tilespmem:$0x11600] =	vst v63  }
0x33d: {  	s3 =	simm.s32 $0xBE00  }
0x33e: {  	[tilespmem:s3], [sflag:$0x2] =	stream.indirect_vreg.gather [hbm4b:s7+s5], $0x80, v3, vm0, $0xb8;
	[tilespmem:$0x11600] =	vst v63  }
0x33f: {  	s21 =	simm.s32 $0xC600  }
0x340: {  	[tilespmem:s21], [sflag:$0x2] =	stream.indirect_vreg.gather [hbm4b:s8+s5], $0x80, v3, vm0, $0xb8;
	[tilespmem:$0x11600] =	vst v63  }
0x341: {  	v3 =	vld [tilespmem:$0xDF0];
	_ =	sdelay $0x4  }
0x342: {  	v63 =	vshll.u32 v3, $0x3  }
0x343: {  	v3 =	vand.u32 $0x7, v3;
	v4 =	vand.u32 $0xFFFFFFC0, v63  }
0x344: {  	v3 =	vor.u32 v3, v4  }
0x345: {  	v4 =	vperm.xlane v3, v0;
	_ =	sdelay $0x1  }
0x346: {  	v4 =	vadd.s32 v1, v4;
	_ =	sdelay $0x3  }
0x347: {  	s24 =	simm.s32 $0xCE00  }
0x348: {  	[tilespmem:s24], [sflag:$0x2] =	stream.indirect_vreg.gather [hbm4b:s1+s5], $0x80, v4, vm0, $0xb8;
	[tilespmem:$0x11600] =	vst v63  }
0x349: {  	s26 =	simm.s32 $0xD600;
	v3 =	vperm.xlane v3, v2  }
0x34a: {  	[tilespmem:s26], [sflag:$0x2] =	stream.indirect_vreg.gather [hbm4b:s6+s5], $0x80, v4, vm0, $0xb8;
	[tilespmem:$0x11600] =	vst v63  }
0x34b: {  	s31 =	simm.s32 $0xDE00;
	v3 =	vadd.s32 v1, v3  }
0x34c: {  	[tilespmem:s31], [sflag:$0x2] =	stream.indirect_vreg.gather [hbm4b:s7+s5], $0x80, v4, vm0, $0xb8;
	[tilespmem:$0x11600] =	vst v63  }
0x34d: {  	s18 =	simm.s32 $0xE600  }
0x34e: {  	[tilespmem:s18], [sflag:$0x2] =	stream.indirect_vreg.gather [hbm4b:s8+s5], $0x80, v4, vm0, $0xb8;
	[tilespmem:$0x11600] =	vst v63  }
0x34f: {  	s25 =	simm.s32 $0xEE00  }
0x350: {  	[tilespmem:s25], [sflag:$0x2] =	stream.indirect_vreg.gather [hbm4b:s1+s5], $0x80, v3, vm0, $0xb8;
	[tilespmem:$0x11600] =	vst v63  }
0x351: {  	s19 =	simm.s32 $0xF600  }
0x352: {  	[tilespmem:s19], [sflag:$0x2] =	stream.indirect_vreg.gather [hbm4b:s6+s5], $0x80, v3, vm0, $0xb8;
	[tilespmem:$0x11600] =	vst v63  }
0x353: {  	s0 =	simm.s32 $0xFE00  }
0x354: {  	[tilespmem:s0], [sflag:$0x2] =	stream.indirect_vreg.gather [hbm4b:s7+s5], $0x80, v3, vm0, $0xb8;
	[tilespmem:$0x11600] =	vst v63  }
0x355: {  	s15 =	simm.s32 $0x10600  }
0x356: {  	[tilespmem:s15], [sflag:$0x2] =	stream.indirect_vreg.gather [hbm4b:s8+s5], $0x80, v3, vm0, $0xb8;
	[tilespmem:$0x11600] =	vst v63  }
0x357: {  	s28 =	rddreg [dreg:$0x1e];
	_ =	swait.ge [sflag:s22], $0x8000  }
0x358: {  	[sflag:s22] =	ssyncset.done $0x0  }
0x359: {  	s29 =	rddreg [dreg:$0x1a];
	[sflag:s22] =	ssyncadd.s32 $0xFFFF8000  }
0x35a: {  	[hbm4b:s29+s5] =	stream.linear.scatter [tilespmem:s13], [sflag:$0x3], $0x8000, $0x38;
	[tilespmem:$0x11600] =	vst v63  }
0x35b: {  	_ =	swait.ge [sflag:s10], $0x8000  }
0x35c: {  	[sflag:s10] =	ssyncset.done $0x0  }
0x35d: {  	[sflag:s10] =	ssyncadd.s32 $0xFFFF8000  }
0x35e: {  	_ =	swait.ge [sflag:s23], $0x8000  }
0x35f: {  	p0 =	sne.s32 s28, $0x1;
	[sflag:s23] =	ssyncset.done $0x0  }
.Ltmp0:
0x360: {  	s31 =	rddreg [dreg:$0x1b];
	[sflag:s23] =	ssyncadd.s32 $0xFFFF8000;
	(pc) =	sbr.rel @p0 .LBB2_1-.Ltmp0, $4  }
0x361: {  	[hbm4b:s31+s5] =	stream.linear.scatter [tilespmem:s30], [sflag:$0x3], $0x8000, $0x38;
	[tilespmem:$0x11600] =	vst v63  }
0x362: {  	_ =	swait.ge [sflag:s10], $0x8000  }
0x363: {  	[sflag:s10] =	ssyncset.done $0x0  }
0x364: {  	s2 =	sadd.s32 $0xFFFFFFFF, s28;
	[sflag:s10] =	ssyncadd.s32 $0xFFFF8000  }
0x365: {  	_ =	sfence.sel $0x180000  }
0x366: {  	[bflag:$0x0] =	sbarrier.arrive $0xFFFF  }
0x367: {  	_ =	strace $0x90000047  }
0x368: {  	s0 =	stileid.u32;
	[bflag:$0x2] =	sbarrier.arrive $0xFFFF  }
0x369: {  	p0 =	sne.s32 s0, $0x0;
	s0 =	rddreg [dreg:$0x6]  }
0x36a: {  	s0 =	sadd.s32 @!p0 $0x100000, s0  }
0x36b: {  	[sflag:s0] =	ssyncadd.tile.s32 @!p0 $0x1;
	_ =	shalt  }
.Lfunc_end2:
_tile_overlayer_lowered:
.L_overlay_start_2:
0x36c: {  	(tag) =	ssettag $0x2  }
0x36d: {  	s0 =	rddreg [dreg:$0x0];
	s2 =	stileid.u32  }
0x36e: {  	s1 =	rddreg [dreg:$0x1];
	p0 =	sne.s32 s2, $0x0  }
0x36f: {  	s3 =	rddreg [dreg:$0x2];
	[bflag:$0x3] =	sbarrier.arrive $0xFFFF;
	s2 =	simm.s32 @!p0 $0x1C03  }
0x370: {  	[timem:s3], [sflag:s2] =	dma.local @!p0 [hbm:s0], s1  }
0x371: {  	s0 =	simm.s32 @!p0 $0x3  }
0x372: {  	_ =	swait.ge @!p0 [sflag:s0], s1  }
0x373: {  	s1 =	ssub.s32 @!p0 $0x0, s1;
	[sflag:s0] =	ssyncset.done @!p0 $0x0  }
0x374: {  	[sflag:s0] =	ssyncadd.s32 @!p0 s1  }
0x375: {  	[bflag:$0x3] =	sbarrier.arrive $0xFFFF  }
0x376: {  	_ =	shalt  }

</sc_bundles>
